<compile_context>
chip_gen: v7x
topology: tpu7x:2x2x1
jax: 0.10.2.dev20260603
libtpu: 0.0.44.dev20260713+nightly
codegen_flags: <defaults>
</compile_context>

<pallas_src>
import jax
import jax.numpy as jnp
from jax import lax
from jax.experimental import pallas as pl
from jax.experimental.pallas import tpu as pltpu
from jax.experimental.pallas import tpu_sc as plsc

D_MODEL = 64
SCALE = 8.0
GRP = 128
K = 2
NBUF = 4
NC = 2
NS = 16
NW = NC * NS


def _emb_body(x_hbm, t_hbm, out_hbm, idx_v, bufs, gsem, osem):
    c = lax.axis_index("c")
    s = lax.axis_index("s")
    wid = s * NC + c
    gpw = x_hbm.shape[0] // NW
    nchunks = gpw // K
    grp_base = wid * gpw

    pltpu.sync_copy(x_hbm.at[pl.ds(grp_base, gpw)], idx_v)

    def fire(ch, b):
        for j in range(K):
            pltpu.async_copy(
                t_hbm.at[idx_v.at[ch * K + j]],
                bufs.at[b, j],
                gsem.at[b],
            )

    def wait_gather(b):
        pltpu.make_async_copy(
            out_hbm.at[pl.ds(0, K)], bufs.at[b], gsem.at[b]
        ).wait()

    def fire_out(ch, b):
        pltpu.async_copy(
            bufs.at[b], out_hbm.at[pl.ds(grp_base + ch * K, K)],
            osem.at[b],
        )

    def wait_out(b):
        pltpu.make_async_copy(
            bufs.at[b], out_hbm.at[pl.ds(0, K)], osem.at[b]
        ).wait()

    def scale(b):
        def scale_row(r, _):
            for j in range(K):
                for cix in range(D_MODEL // 16):
                    sl = pl.ds(cix * 16, 16)
                    bufs[b, j, r, sl] = bufs[b, j, r, sl] * SCALE
            return 0

        lax.fori_loop(0, GRP, scale_row, 0, unroll=4)

    for b in range(NBUF - 1):
        fire(b, b)

    def outer(i, carry):
        for b in range(NBUF):
            ch = i * NBUF + b
            nb = (b + NBUF - 1) % NBUF
            nch = ch + NBUF - 1

            @pl.when(jnp.logical_and(nch < nchunks, nch >= NBUF))
            def _():
                wait_out(nb)
                fire(nch, nb)

            @pl.when(jnp.logical_and(nch < nchunks, nch < NBUF))
            def _():
                fire(nch, nb)

            wait_gather(b)
            scale(b)
            fire_out(ch, b)
        return carry

    lax.fori_loop(0, nchunks // NBUF, outer, 0)

    for b in range(NBUF):
        wait_out(b)


@jax.jit
def kernel(x, table):
    orig_shape = x.shape
    b = x.size
    assert b % (NW * GRP * K * NBUF) == 0
    ngroups = b // GRP
    xi = x.reshape(ngroups, GRP).astype(jnp.int32)

    out = pl.kernel(
        _emb_body,
        out_type=jax.ShapeDtypeStruct((ngroups, GRP, D_MODEL), jnp.float32),
        mesh=plsc.VectorSubcoreMesh(core_axis_name="c", subcore_axis_name="s"),
        scratch_types=[
            pltpu.VMEM((ngroups // NW, GRP), jnp.int32),
            pltpu.VMEM((NBUF, K, GRP, D_MODEL), jnp.float32),
            pltpu.SemaphoreType.DMA((NBUF,)),
            pltpu.SemaphoreType.DMA((NBUF,)),
        ],
        compiler_params=pltpu.CompilerParams(use_tc_tiling_on_sc=False),
    )(xi, table)
    return out.reshape(*orig_shape, D_MODEL)

# --- scband reference (transcript-rebuilt; emitter-appended) ---
"""Pipeline reference for scband-embeddings-16260746182852 (READ-ONLY COPY).

The authoritative reference and input builder live on the scoring server;
editing this copy changes nothing except your own understanding.
"""

import jax, jax.numpy as jnp
import numpy as np

SRC_VOCAB = 1000000
D_MODEL = 64

def setup_inputs(seed: int = 0) -> dict:
    key = jax.random.key(seed)
    k1, k2 = jax.random.split(key)
    x = jax.random.randint(k1, (16384, 50), 0, SRC_VOCAB, dtype=jnp.int64)
    table = jax.random.normal(k2, (SRC_VOCAB, D_MODEL), dtype=jnp.float32)
    return {"x": x, "table": table}

def reference(x, table):
    out = jnp.take(table, x, axis=0) * np.sqrt(D_MODEL)
    return out

if __name__ == "__main__":
    import jax
    _d = setup_inputs()
    print(jax.jit(kernel)(*tuple(_d.values())))

</pallas_src>

<mosaic_0001>
#map = affine_map<(d0, d1) -> (0, 0)>
#map1 = affine_map<(d0, d1) -> (0, 0, 0)>
module attributes {stable_mosaic.version = 14 : i64} {
  func.func @_emb_body(%arg0: i32, %arg1: i32, %arg2: memref<6400x128xi32, #tpu.memory_space<hbm>>, %arg3: memref<1000000x64xf32, #tpu.memory_space<hbm>>, %arg4: memref<6400x128x64xf32, #tpu.memory_space<hbm>>, %arg5: memref<200x128xi32, #tpu.memory_space<vmem>>, %arg6: memref<4x2x128x64xf32, #tpu.memory_space<vmem>>, %arg7: memref<4x!tpu.dma_semaphore, #tpu.memory_space<semaphore_mem>>, %arg8: memref<4x!tpu.dma_semaphore, #tpu.memory_space<semaphore_mem>>) attributes {dimension_semantics = [#tpu.dimension_semantics<core_parallel>, #tpu.dimension_semantics<subcore_parallel>], iteration_bounds = array<i64: 2, 16>, scalar_prefetch = 0 : i64, scratch_operands = 4 : i64, tpu.core_type = #tpu.core_type<sc_vector_subcore>, window_params = [{transform_indices = #map}, {transform_indices = #map}, {transform_indices = #map1}]} {
    %mul3A = arith.constant 2 : i32
    %mul3A_0 = arith.muli %arg1, %mul3A : i32
    %add3A = arith.addi %mul3A_0, %arg0 : i32
    %mul3A_1 = arith.constant 200 : i32
    %mul3A_2 = arith.muli %add3A, %mul3A_1 : i32
    "tpu.region"() ({
      %run_scoped3A = tpu.sem_alloc : memref<!tpu.dma_semaphore, #tpu.memory_space<semaphore_mem>>
      %dma_start3A_190 = arith.constant 0 : i32
      %dma_start3A_191 = tpu.memref_slice %arg2[%mul3A_2, %dma_start3A_190] : memref<6400x128xi32, #tpu.memory_space<hbm>> -> memref<200x128xi32, #tpu.memory_space<hbm>>
      %dma_start3A_192 = arith.constant 0 : i32
      %dma_start3A_193 = tpu.memref_slice %arg2[%mul3A_2, %dma_start3A_192] : memref<6400x128xi32, #tpu.memory_space<hbm>> -> memref<200x128xi32, #tpu.memory_space<hbm>>
      tpu.enqueue_dma source(%dma_start3A_193 : memref<200x128xi32, #tpu.memory_space<hbm>>) target(%arg5 : memref<200x128xi32, #tpu.memory_space<vmem>>) target_semaphore(%run_scoped3A : memref<!tpu.dma_semaphore, #tpu.memory_space<semaphore_mem>>)
      %dma_wait3A_194 = arith.constant 0 : i32
      %dma_wait3A_195 = tpu.memref_slice %arg2[%mul3A_2, %dma_wait3A_194] : memref<6400x128xi32, #tpu.memory_space<hbm>> -> memref<200x128xi32, #tpu.memory_space<hbm>>
      %dma_wait3A_196 = arith.constant 0 : i32
      %dma_wait3A_197 = tpu.memref_slice %arg2[%mul3A_2, %dma_wait3A_196] : memref<6400x128xi32, #tpu.memory_space<hbm>> -> memref<200x128xi32, #tpu.memory_space<hbm>>
      tpu.wait_dma2 semaphore(%run_scoped3A : memref<!tpu.dma_semaphore, #tpu.memory_space<semaphore_mem>>) src(%dma_wait3A_197 : memref<200x128xi32, #tpu.memory_space<hbm>>) dst(%arg5 : memref<200x128xi32, #tpu.memory_space<vmem>>)
      tpu.yield
    }) : () -> ()
    %dma_start3A = arith.constant 0 : i32
    %dma_start3A_3 = arith.constant 0 : i32
    %dma_start3A_4 = arith.constant 0 : i32
    %dma_start3A_5 = arith.constant 0 : i32
    %dma_start3A_6 = arith.constant 0 : i32
    %dma_start3A_7 = arith.constant 0 : i32
    %dma_start3A_8 = tpu.memref_slice %arg6[%dma_start3A_3, %dma_start3A_4, %dma_start3A_6, %dma_start3A_7] : memref<4x2x128x64xf32, #tpu.memory_space<vmem>> -> memref<1x1x128x64xf32, #tpu.memory_space<vmem>>
    %dma_start3A_9 = tpu.memref_squeeze %dma_start3A_8 : memref<1x1x128x64xf32, #tpu.memory_space<vmem>> -> memref<128x64xf32, #tpu.memory_space<vmem>>
    %dma_start3A_10 = arith.constant 0 : i32
    %dma_start3A_11 = tpu.memref_slice %arg5[%dma_start3A, %dma_start3A_10] : memref<200x128xi32, #tpu.memory_space<vmem>> -> memref<1x128xi32, #tpu.memory_space<vmem>>
    %dma_start3A_12 = tpu.memref_squeeze %dma_start3A_11 : memref<1x128xi32, #tpu.memory_space<vmem>> -> memref<128xi32, #tpu.memory_space<vmem>>
    %dma_start3A_13 = arith.constant 0 : i32
    %dma_start3A_14 = arith.constant 0 : i32
    %dma_start3A_15 = tpu.memref_slice %arg3[%dma_start3A_13, %dma_start3A_14] : memref<1000000x64xf32, #tpu.memory_space<hbm>> -> memref<1000000x64xf32, #tpu.memory_space<hbm>>
    %dma_start3A_16 = tpu.memref_slice %arg7[%dma_start3A_5] : memref<4x!tpu.dma_semaphore, #tpu.memory_space<semaphore_mem>> -> memref<1x!tpu.dma_semaphore, #tpu.memory_space<semaphore_mem>>
    %dma_start3A_17 = tpu.memref_squeeze %dma_start3A_16 : memref<1x!tpu.dma_semaphore, #tpu.memory_space<semaphore_mem>> -> memref<!tpu.dma_semaphore, #tpu.memory_space<semaphore_mem>>
    tpu.enqueue_indirect_dma source(%dma_start3A_15 : memref<1000000x64xf32, #tpu.memory_space<hbm>>) target(%dma_start3A_9 : memref<128x64xf32, #tpu.memory_space<vmem>>) offsets(%dma_start3A_12 : memref<128xi32, #tpu.memory_space<vmem>>) semaphore(%dma_start3A_17 : memref<!tpu.dma_semaphore, #tpu.memory_space<semaphore_mem>>)
    %dma_start3A_18 = arith.constant 1 : i32
    %dma_start3A_19 = arith.constant 0 : i32
    %dma_start3A_20 = arith.constant 1 : i32
    %dma_start3A_21 = arith.constant 0 : i32
    %dma_start3A_22 = arith.constant 0 : i32
    %dma_start3A_23 = arith.constant 0 : i32
    %dma_start3A_24 = tpu.memref_slice %arg6[%dma_start3A_19, %dma_start3A_20, %dma_start3A_22, %dma_start3A_23] : memref<4x2x128x64xf32, #tpu.memory_space<vmem>> -> memref<1x1x128x64xf32, #tpu.memory_space<vmem>>
    %dma_start3A_25 = tpu.memref_squeeze %dma_start3A_24 : memref<1x1x128x64xf32, #tpu.memory_space<vmem>> -> memref<128x64xf32, #tpu.memory_space<vmem>>
    %dma_start3A_26 = arith.constant 0 : i32
    %dma_start3A_27 = tpu.memref_slice %arg5[%dma_start3A_18, %dma_start3A_26] : memref<200x128xi32, #tpu.memory_space<vmem>> -> memref<1x128xi32, #tpu.memory_space<vmem>>
    %dma_start3A_28 = tpu.memref_squeeze %dma_start3A_27 : memref<1x128xi32, #tpu.memory_space<vmem>> -> memref<128xi32, #tpu.memory_space<vmem>>
    %dma_start3A_29 = arith.constant 0 : i32
    %dma_start3A_30 = arith.constant 0 : i32
    %dma_start3A_31 = tpu.memref_slice %arg3[%dma_start3A_29, %dma_start3A_30] : memref<1000000x64xf32, #tpu.memory_space<hbm>> -> memref<1000000x64xf32, #tpu.memory_space<hbm>>
    %dma_start3A_32 = tpu.memref_slice %arg7[%dma_start3A_21] : memref<4x!tpu.dma_semaphore, #tpu.memory_space<semaphore_mem>> -> memref<1x!tpu.dma_semaphore, #tpu.memory_space<semaphore_mem>>
    %dma_start3A_33 = tpu.memref_squeeze %dma_start3A_32 : memref<1x!tpu.dma_semaphore, #tpu.memory_space<semaphore_mem>> -> memref<!tpu.dma_semaphore, #tpu.memory_space<semaphore_mem>>
    tpu.enqueue_indirect_dma source(%dma_start3A_31 : memref<1000000x64xf32, #tpu.memory_space<hbm>>) target(%dma_start3A_25 : memref<128x64xf32, #tpu.memory_space<vmem>>) offsets(%dma_start3A_28 : memref<128xi32, #tpu.memory_space<vmem>>) semaphore(%dma_start3A_33 : memref<!tpu.dma_semaphore, #tpu.memory_space<semaphore_mem>>)
    %dma_start3A_34 = arith.constant 2 : i32
    %dma_start3A_35 = arith.constant 1 : i32
    %dma_start3A_36 = arith.constant 0 : i32
    %dma_start3A_37 = arith.constant 1 : i32
    %dma_start3A_38 = arith.constant 0 : i32
    %dma_start3A_39 = arith.constant 0 : i32
    %dma_start3A_40 = tpu.memref_slice %arg6[%dma_start3A_35, %dma_start3A_36, %dma_start3A_38, %dma_start3A_39] : memref<4x2x128x64xf32, #tpu.memory_space<vmem>> -> memref<1x1x128x64xf32, #tpu.memory_space<vmem>>
    %dma_start3A_41 = tpu.memref_squeeze %dma_start3A_40 : memref<1x1x128x64xf32, #tpu.memory_space<vmem>> -> memref<128x64xf32, #tpu.memory_space<vmem>>
    %dma_start3A_42 = arith.constant 0 : i32
    %dma_start3A_43 = tpu.memref_slice %arg5[%dma_start3A_34, %dma_start3A_42] : memref<200x128xi32, #tpu.memory_space<vmem>> -> memref<1x128xi32, #tpu.memory_space<vmem>>
    %dma_start3A_44 = tpu.memref_squeeze %dma_start3A_43 : memref<1x128xi32, #tpu.memory_space<vmem>> -> memref<128xi32, #tpu.memory_space<vmem>>
    %dma_start3A_45 = arith.constant 0 : i32
    %dma_start3A_46 = arith.constant 0 : i32
    %dma_start3A_47 = tpu.memref_slice %arg3[%dma_start3A_45, %dma_start3A_46] : memref<1000000x64xf32, #tpu.memory_space<hbm>> -> memref<1000000x64xf32, #tpu.memory_space<hbm>>
    %dma_start3A_48 = tpu.memref_slice %arg7[%dma_start3A_37] : memref<4x!tpu.dma_semaphore, #tpu.memory_space<semaphore_mem>> -> memref<1x!tpu.dma_semaphore, #tpu.memory_space<semaphore_mem>>
    %dma_start3A_49 = tpu.memref_squeeze %dma_start3A_48 : memref<1x!tpu.dma_semaphore, #tpu.memory_space<semaphore_mem>> -> memref<!tpu.dma_semaphore, #tpu.memory_space<semaphore_mem>>
    tpu.enqueue_indirect_dma source(%dma_start3A_47 : memref<1000000x64xf32, #tpu.memory_space<hbm>>) target(%dma_start3A_41 : memref<128x64xf32, #tpu.memory_space<vmem>>) offsets(%dma_start3A_44 : memref<128xi32, #tpu.memory_space<vmem>>) semaphore(%dma_start3A_49 : memref<!tpu.dma_semaphore, #tpu.memory_space<semaphore_mem>>)
    %dma_start3A_50 = arith.constant 3 : i32
    %dma_start3A_51 = arith.constant 1 : i32
    %dma_start3A_52 = arith.constant 1 : i32
    %dma_start3A_53 = arith.constant 1 : i32
    %dma_start3A_54 = arith.constant 0 : i32
    %dma_start3A_55 = arith.constant 0 : i32
    %dma_start3A_56 = tpu.memref_slice %arg6[%dma_start3A_51, %dma_start3A_52, %dma_start3A_54, %dma_start3A_55] : memref<4x2x128x64xf32, #tpu.memory_space<vmem>> -> memref<1x1x128x64xf32, #tpu.memory_space<vmem>>
    %dma_start3A_57 = tpu.memref_squeeze %dma_start3A_56 : memref<1x1x128x64xf32, #tpu.memory_space<vmem>> -> memref<128x64xf32, #tpu.memory_space<vmem>>
    %dma_start3A_58 = arith.constant 0 : i32
    %dma_start3A_59 = tpu.memref_slice %arg5[%dma_start3A_50, %dma_start3A_58] : memref<200x128xi32, #tpu.memory_space<vmem>> -> memref<1x128xi32, #tpu.memory_space<vmem>>
    %dma_start3A_60 = tpu.memref_squeeze %dma_start3A_59 : memref<1x128xi32, #tpu.memory_space<vmem>> -> memref<128xi32, #tpu.memory_space<vmem>>
    %dma_start3A_61 = arith.constant 0 : i32
    %dma_start3A_62 = arith.constant 0 : i32
    %dma_start3A_63 = tpu.memref_slice %arg3[%dma_start3A_61, %dma_start3A_62] : memref<1000000x64xf32, #tpu.memory_space<hbm>> -> memref<1000000x64xf32, #tpu.memory_space<hbm>>
    %dma_start3A_64 = tpu.memref_slice %arg7[%dma_start3A_53] : memref<4x!tpu.dma_semaphore, #tpu.memory_space<semaphore_mem>> -> memref<1x!tpu.dma_semaphore, #tpu.memory_space<semaphore_mem>>
    %dma_start3A_65 = tpu.memref_squeeze %dma_start3A_64 : memref<1x!tpu.dma_semaphore, #tpu.memory_space<semaphore_mem>> -> memref<!tpu.dma_semaphore, #tpu.memory_space<semaphore_mem>>
    tpu.enqueue_indirect_dma source(%dma_start3A_63 : memref<1000000x64xf32, #tpu.memory_space<hbm>>) target(%dma_start3A_57 : memref<128x64xf32, #tpu.memory_space<vmem>>) offsets(%dma_start3A_60 : memref<128xi32, #tpu.memory_space<vmem>>) semaphore(%dma_start3A_65 : memref<!tpu.dma_semaphore, #tpu.memory_space<semaphore_mem>>)
    %dma_start3A_66 = arith.constant 4 : i32
    %dma_start3A_67 = arith.constant 2 : i32
    %dma_start3A_68 = arith.constant 0 : i32
    %dma_start3A_69 = arith.constant 2 : i32
    %dma_start3A_70 = arith.constant 0 : i32
    %dma_start3A_71 = arith.constant 0 : i32
    %dma_start3A_72 = tpu.memref_slice %arg6[%dma_start3A_67, %dma_start3A_68, %dma_start3A_70, %dma_start3A_71] : memref<4x2x128x64xf32, #tpu.memory_space<vmem>> -> memref<1x1x128x64xf32, #tpu.memory_space<vmem>>
    %dma_start3A_73 = tpu.memref_squeeze %dma_start3A_72 : memref<1x1x128x64xf32, #tpu.memory_space<vmem>> -> memref<128x64xf32, #tpu.memory_space<vmem>>
    %dma_start3A_74 = arith.constant 0 : i32
    %dma_start3A_75 = tpu.memref_slice %arg5[%dma_start3A_66, %dma_start3A_74] : memref<200x128xi32, #tpu.memory_space<vmem>> -> memref<1x128xi32, #tpu.memory_space<vmem>>
    %dma_start3A_76 = tpu.memref_squeeze %dma_start3A_75 : memref<1x128xi32, #tpu.memory_space<vmem>> -> memref<128xi32, #tpu.memory_space<vmem>>
    %dma_start3A_77 = arith.constant 0 : i32
    %dma_start3A_78 = arith.constant 0 : i32
    %dma_start3A_79 = tpu.memref_slice %arg3[%dma_start3A_77, %dma_start3A_78] : memref<1000000x64xf32, #tpu.memory_space<hbm>> -> memref<1000000x64xf32, #tpu.memory_space<hbm>>
    %dma_start3A_80 = tpu.memref_slice %arg7[%dma_start3A_69] : memref<4x!tpu.dma_semaphore, #tpu.memory_space<semaphore_mem>> -> memref<1x!tpu.dma_semaphore, #tpu.memory_space<semaphore_mem>>
    %dma_start3A_81 = tpu.memref_squeeze %dma_start3A_80 : memref<1x!tpu.dma_semaphore, #tpu.memory_space<semaphore_mem>> -> memref<!tpu.dma_semaphore, #tpu.memory_space<semaphore_mem>>
    tpu.enqueue_indirect_dma source(%dma_start3A_79 : memref<1000000x64xf32, #tpu.memory_space<hbm>>) target(%dma_start3A_73 : memref<128x64xf32, #tpu.memory_space<vmem>>) offsets(%dma_start3A_76 : memref<128xi32, #tpu.memory_space<vmem>>) semaphore(%dma_start3A_81 : memref<!tpu.dma_semaphore, #tpu.memory_space<semaphore_mem>>)
    %dma_start3A_82 = arith.constant 5 : i32
    %dma_start3A_83 = arith.constant 2 : i32
    %dma_start3A_84 = arith.constant 1 : i32
    %dma_start3A_85 = arith.constant 2 : i32
    %dma_start3A_86 = arith.constant 0 : i32
    %dma_start3A_87 = arith.constant 0 : i32
    %dma_start3A_88 = tpu.memref_slice %arg6[%dma_start3A_83, %dma_start3A_84, %dma_start3A_86, %dma_start3A_87] : memref<4x2x128x64xf32, #tpu.memory_space<vmem>> -> memref<1x1x128x64xf32, #tpu.memory_space<vmem>>
    %dma_start3A_89 = tpu.memref_squeeze %dma_start3A_88 : memref<1x1x128x64xf32, #tpu.memory_space<vmem>> -> memref<128x64xf32, #tpu.memory_space<vmem>>
    %dma_start3A_90 = arith.constant 0 : i32
    %dma_start3A_91 = tpu.memref_slice %arg5[%dma_start3A_82, %dma_start3A_90] : memref<200x128xi32, #tpu.memory_space<vmem>> -> memref<1x128xi32, #tpu.memory_space<vmem>>
    %dma_start3A_92 = tpu.memref_squeeze %dma_start3A_91 : memref<1x128xi32, #tpu.memory_space<vmem>> -> memref<128xi32, #tpu.memory_space<vmem>>
    %dma_start3A_93 = arith.constant 0 : i32
    %dma_start3A_94 = arith.constant 0 : i32
    %dma_start3A_95 = tpu.memref_slice %arg3[%dma_start3A_93, %dma_start3A_94] : memref<1000000x64xf32, #tpu.memory_space<hbm>> -> memref<1000000x64xf32, #tpu.memory_space<hbm>>
    %dma_start3A_96 = tpu.memref_slice %arg7[%dma_start3A_85] : memref<4x!tpu.dma_semaphore, #tpu.memory_space<semaphore_mem>> -> memref<1x!tpu.dma_semaphore, #tpu.memory_space<semaphore_mem>>
    %dma_start3A_97 = tpu.memref_squeeze %dma_start3A_96 : memref<1x!tpu.dma_semaphore, #tpu.memory_space<semaphore_mem>> -> memref<!tpu.dma_semaphore, #tpu.memory_space<semaphore_mem>>
    tpu.enqueue_indirect_dma source(%dma_start3A_95 : memref<1000000x64xf32, #tpu.memory_space<hbm>>) target(%dma_start3A_89 : memref<128x64xf32, #tpu.memory_space<vmem>>) offsets(%dma_start3A_92 : memref<128xi32, #tpu.memory_space<vmem>>) semaphore(%dma_start3A_97 : memref<!tpu.dma_semaphore, #tpu.memory_space<semaphore_mem>>)
    %scan3A = arith.constant 0 : i32
    %scan3A_98 = arith.constant 0 : i32
    %scan3A_99 = arith.constant 25 : i32
    %scan3A_100 = arith.addi %scan3A_98, %scan3A_99 : i32
    %scan3A_101 = arith.constant 1 : i32
    scf.for %scan3A_190 = %scan3A_98 to %scan3A_100 step %scan3A_101  : i32 {
      %mul3A_191 = arith.constant 4 : i32
      %mul3A_192 = arith.muli %scan3A_190, %mul3A_191 : i32
      %add3A_193 = arith.constant 0 : i32
      %add3A_194 = arith.addi %mul3A_192, %add3A_193 : i32
      %add3A_195 = arith.constant 4 : i32
      %add3A_196 = arith.addi %add3A_194, %add3A_195 : i32
      %sub3A = arith.constant 1 : i32
      %sub3A_197 = arith.subi %add3A_196, %sub3A : i32
      %lt3A = arith.constant 100 : i32
      %lt3A_198 = arith.cmpi slt, %sub3A_197, %lt3A : i32
      %ge3A = arith.constant 4 : i32
      %ge3A_199 = arith.cmpi sge, %sub3A_197, %ge3A : i32
      %and3A = arith.andi %lt3A_198, %ge3A_199 : i1
      %convert_element_type3A = arith.extui %and3A : i1 to i32
      %cond3A = arith.constant 0 : i32
      %cond3A_200 = arith.cmpi ne, %convert_element_type3A, %cond3A : i32
      scf.if %cond3A_200 {
        %dma_wait3A_489 = arith.constant 3 : i32
        %dma_wait3A_490 = arith.constant 3 : i32
        %dma_wait3A_491 = arith.constant 0 : i32
        %dma_wait3A_492 = arith.constant 0 : i32
        %dma_wait3A_493 = arith.constant 0 : i32
        %dma_wait3A_494 = tpu.memref_slice %arg6[%dma_wait3A_489, %dma_wait3A_491, %dma_wait3A_492, %dma_wait3A_493] : memref<4x2x128x64xf32, #tpu.memory_space<vmem>> -> memref<1x2x128x64xf32, #tpu.memory_space<vmem>>
        %dma_wait3A_495 = tpu.memref_squeeze %dma_wait3A_494 : memref<1x2x128x64xf32, #tpu.memory_space<vmem>> -> memref<2x128x64xf32, #tpu.memory_space<vmem>>
        %dma_wait3A_496 = arith.constant 0 : i32
        %dma_wait3A_497 = arith.constant 0 : i32
        %dma_wait3A_498 = arith.constant 0 : i32
        %dma_wait3A_499 = tpu.memref_slice %arg4[%dma_wait3A_496, %dma_wait3A_497, %dma_wait3A_498] : memref<6400x128x64xf32, #tpu.memory_space<hbm>> -> memref<2x128x64xf32, #tpu.memory_space<hbm>>
        %dma_wait3A_500 = tpu.memref_slice %arg8[%dma_wait3A_490] : memref<4x!tpu.dma_semaphore, #tpu.memory_space<semaphore_mem>> -> memref<1x!tpu.dma_semaphore, #tpu.memory_space<semaphore_mem>>
        %dma_wait3A_501 = tpu.memref_squeeze %dma_wait3A_500 : memref<1x!tpu.dma_semaphore, #tpu.memory_space<semaphore_mem>> -> memref<!tpu.dma_semaphore, #tpu.memory_space<semaphore_mem>>
        %dma_wait3A_502 = arith.constant 0 : i32
        %dma_wait3A_503 = arith.constant 0 : i32
        %dma_wait3A_504 = arith.constant 0 : i32
        %dma_wait3A_505 = tpu.memref_slice %arg4[%dma_wait3A_502, %dma_wait3A_503, %dma_wait3A_504] : memref<6400x128x64xf32, #tpu.memory_space<hbm>> -> memref<2x128x64xf32, #tpu.memory_space<hbm>>
        %dma_wait3A_506 = arith.constant 0 : i32
        %dma_wait3A_507 = arith.constant 0 : i32
        %dma_wait3A_508 = arith.constant 0 : i32
        %dma_wait3A_509 = tpu.memref_slice %arg6[%dma_wait3A_489, %dma_wait3A_506, %dma_wait3A_507, %dma_wait3A_508] : memref<4x2x128x64xf32, #tpu.memory_space<vmem>> -> memref<1x2x128x64xf32, #tpu.memory_space<vmem>>
        %dma_wait3A_510 = tpu.memref_squeeze %dma_wait3A_509 : memref<1x2x128x64xf32, #tpu.memory_space<vmem>> -> memref<2x128x64xf32, #tpu.memory_space<vmem>>
        tpu.wait_dma2 semaphore(%dma_wait3A_501 : memref<!tpu.dma_semaphore, #tpu.memory_space<semaphore_mem>>) src(%dma_wait3A_510 : memref<2x128x64xf32, #tpu.memory_space<vmem>>) dst(%dma_wait3A_505 : memref<2x128x64xf32, #tpu.memory_space<hbm>>)
        %mul3A_511 = arith.constant 2 : i32
        %mul3A_512 = arith.muli %sub3A_197, %mul3A_511 : i32
        %add3A_513 = arith.constant 0 : i32
        %add3A_514 = arith.addi %mul3A_512, %add3A_513 : i32
        %dma_start3A_515 = arith.constant 3 : i32
        %dma_start3A_516 = arith.constant 0 : i32
        %dma_start3A_517 = arith.constant 3 : i32
        %dma_start3A_518 = arith.constant 0 : i32
        %dma_start3A_519 = arith.constant 0 : i32
        %dma_start3A_520 = tpu.memref_slice %arg6[%dma_start3A_515, %dma_start3A_516, %dma_start3A_518, %dma_start3A_519] : memref<4x2x128x64xf32, #tpu.memory_space<vmem>> -> memref<1x1x128x64xf32, #tpu.memory_space<vmem>>
        %dma_start3A_521 = tpu.memref_squeeze %dma_start3A_520 : memref<1x1x128x64xf32, #tpu.memory_space<vmem>> -> memref<128x64xf32, #tpu.memory_space<vmem>>
        %dma_start3A_522 = arith.constant 0 : i32
        %dma_start3A_523 = tpu.memref_slice %arg5[%add3A_514, %dma_start3A_522] : memref<200x128xi32, #tpu.memory_space<vmem>> -> memref<1x128xi32, #tpu.memory_space<vmem>>
        %dma_start3A_524 = tpu.memref_squeeze %dma_start3A_523 : memref<1x128xi32, #tpu.memory_space<vmem>> -> memref<128xi32, #tpu.memory_space<vmem>>
        %dma_start3A_525 = arith.constant 0 : i32
        %dma_start3A_526 = arith.constant 0 : i32
        %dma_start3A_527 = tpu.memref_slice %arg3[%dma_start3A_525, %dma_start3A_526] : memref<1000000x64xf32, #tpu.memory_space<hbm>> -> memref<1000000x64xf32, #tpu.memory_space<hbm>>
        %dma_start3A_528 = tpu.memref_slice %arg7[%dma_start3A_517] : memref<4x!tpu.dma_semaphore, #tpu.memory_space<semaphore_mem>> -> memref<1x!tpu.dma_semaphore, #tpu.memory_space<semaphore_mem>>
        %dma_start3A_529 = tpu.memref_squeeze %dma_start3A_528 : memref<1x!tpu.dma_semaphore, #tpu.memory_space<semaphore_mem>> -> memref<!tpu.dma_semaphore, #tpu.memory_space<semaphore_mem>>
        tpu.enqueue_indirect_dma source(%dma_start3A_527 : memref<1000000x64xf32, #tpu.memory_space<hbm>>) target(%dma_start3A_521 : memref<128x64xf32, #tpu.memory_space<vmem>>) offsets(%dma_start3A_524 : memref<128xi32, #tpu.memory_space<vmem>>) semaphore(%dma_start3A_529 : memref<!tpu.dma_semaphore, #tpu.memory_space<semaphore_mem>>)
        %mul3A_530 = arith.constant 2 : i32
        %mul3A_531 = arith.muli %sub3A_197, %mul3A_530 : i32
        %add3A_532 = arith.constant 1 : i32
        %add3A_533 = arith.addi %mul3A_531, %add3A_532 : i32
        %dma_start3A_534 = arith.constant 3 : i32
        %dma_start3A_535 = arith.constant 1 : i32
        %dma_start3A_536 = arith.constant 3 : i32
        %dma_start3A_537 = arith.constant 0 : i32
        %dma_start3A_538 = arith.constant 0 : i32
        %dma_start3A_539 = tpu.memref_slice %arg6[%dma_start3A_534, %dma_start3A_535, %dma_start3A_537, %dma_start3A_538] : memref<4x2x128x64xf32, #tpu.memory_space<vmem>> -> memref<1x1x128x64xf32, #tpu.memory_space<vmem>>
        %dma_start3A_540 = tpu.memref_squeeze %dma_start3A_539 : memref<1x1x128x64xf32, #tpu.memory_space<vmem>> -> memref<128x64xf32, #tpu.memory_space<vmem>>
        %dma_start3A_541 = arith.constant 0 : i32
        %dma_start3A_542 = tpu.memref_slice %arg5[%add3A_533, %dma_start3A_541] : memref<200x128xi32, #tpu.memory_space<vmem>> -> memref<1x128xi32, #tpu.memory_space<vmem>>
        %dma_start3A_543 = tpu.memref_squeeze %dma_start3A_542 : memref<1x128xi32, #tpu.memory_space<vmem>> -> memref<128xi32, #tpu.memory_space<vmem>>
        %dma_start3A_544 = arith.constant 0 : i32
        %dma_start3A_545 = arith.constant 0 : i32
        %dma_start3A_546 = tpu.memref_slice %arg3[%dma_start3A_544, %dma_start3A_545] : memref<1000000x64xf32, #tpu.memory_space<hbm>> -> memref<1000000x64xf32, #tpu.memory_space<hbm>>
        %dma_start3A_547 = tpu.memref_slice %arg7[%dma_start3A_536] : memref<4x!tpu.dma_semaphore, #tpu.memory_space<semaphore_mem>> -> memref<1x!tpu.dma_semaphore, #tpu.memory_space<semaphore_mem>>
        %dma_start3A_548 = tpu.memref_squeeze %dma_start3A_547 : memref<1x!tpu.dma_semaphore, #tpu.memory_space<semaphore_mem>> -> memref<!tpu.dma_semaphore, #tpu.memory_space<semaphore_mem>>
        tpu.enqueue_indirect_dma source(%dma_start3A_546 : memref<1000000x64xf32, #tpu.memory_space<hbm>>) target(%dma_start3A_540 : memref<128x64xf32, #tpu.memory_space<vmem>>) offsets(%dma_start3A_543 : memref<128xi32, #tpu.memory_space<vmem>>) semaphore(%dma_start3A_548 : memref<!tpu.dma_semaphore, #tpu.memory_space<semaphore_mem>>)
      } else {
      }
      %lt3A_201 = arith.constant 100 : i32
      %lt3A_202 = arith.cmpi slt, %sub3A_197, %lt3A_201 : i32
      %lt3A_203 = arith.constant 4 : i32
      %lt3A_204 = arith.cmpi slt, %sub3A_197, %lt3A_203 : i32
      %and3A_205 = arith.andi %lt3A_202, %lt3A_204 : i1
      %convert_element_type3A_206 = arith.extui %and3A_205 : i1 to i32
      %cond3A_207 = arith.constant 0 : i32
      %cond3A_208 = arith.cmpi ne, %convert_element_type3A_206, %cond3A_207 : i32
      scf.if %cond3A_208 {
        %mul3A_489 = arith.constant 2 : i32
        %mul3A_490 = arith.muli %sub3A_197, %mul3A_489 : i32
        %add3A_491 = arith.constant 0 : i32
        %add3A_492 = arith.addi %mul3A_490, %add3A_491 : i32
        %dma_start3A_493 = arith.constant 3 : i32
        %dma_start3A_494 = arith.constant 0 : i32
        %dma_start3A_495 = arith.constant 3 : i32
        %dma_start3A_496 = arith.constant 0 : i32
        %dma_start3A_497 = arith.constant 0 : i32
        %dma_start3A_498 = tpu.memref_slice %arg6[%dma_start3A_493, %dma_start3A_494, %dma_start3A_496, %dma_start3A_497] : memref<4x2x128x64xf32, #tpu.memory_space<vmem>> -> memref<1x1x128x64xf32, #tpu.memory_space<vmem>>
        %dma_start3A_499 = tpu.memref_squeeze %dma_start3A_498 : memref<1x1x128x64xf32, #tpu.memory_space<vmem>> -> memref<128x64xf32, #tpu.memory_space<vmem>>
        %dma_start3A_500 = arith.constant 0 : i32
        %dma_start3A_501 = tpu.memref_slice %arg5[%add3A_492, %dma_start3A_500] : memref<200x128xi32, #tpu.memory_space<vmem>> -> memref<1x128xi32, #tpu.memory_space<vmem>>
        %dma_start3A_502 = tpu.memref_squeeze %dma_start3A_501 : memref<1x128xi32, #tpu.memory_space<vmem>> -> memref<128xi32, #tpu.memory_space<vmem>>
        %dma_start3A_503 = arith.constant 0 : i32
        %dma_start3A_504 = arith.constant 0 : i32
        %dma_start3A_505 = tpu.memref_slice %arg3[%dma_start3A_503, %dma_start3A_504] : memref<1000000x64xf32, #tpu.memory_space<hbm>> -> memref<1000000x64xf32, #tpu.memory_space<hbm>>
        %dma_start3A_506 = tpu.memref_slice %arg7[%dma_start3A_495] : memref<4x!tpu.dma_semaphore, #tpu.memory_space<semaphore_mem>> -> memref<1x!tpu.dma_semaphore, #tpu.memory_space<semaphore_mem>>
        %dma_start3A_507 = tpu.memref_squeeze %dma_start3A_506 : memref<1x!tpu.dma_semaphore, #tpu.memory_space<semaphore_mem>> -> memref<!tpu.dma_semaphore, #tpu.memory_space<semaphore_mem>>
        tpu.enqueue_indirect_dma source(%dma_start3A_505 : memref<1000000x64xf32, #tpu.memory_space<hbm>>) target(%dma_start3A_499 : memref<128x64xf32, #tpu.memory_space<vmem>>) offsets(%dma_start3A_502 : memref<128xi32, #tpu.memory_space<vmem>>) semaphore(%dma_start3A_507 : memref<!tpu.dma_semaphore, #tpu.memory_space<semaphore_mem>>)
        %mul3A_508 = arith.constant 2 : i32
        %mul3A_509 = arith.muli %sub3A_197, %mul3A_508 : i32
        %add3A_510 = arith.constant 1 : i32
        %add3A_511 = arith.addi %mul3A_509, %add3A_510 : i32
        %dma_start3A_512 = arith.constant 3 : i32
        %dma_start3A_513 = arith.constant 1 : i32
        %dma_start3A_514 = arith.constant 3 : i32
        %dma_start3A_515 = arith.constant 0 : i32
        %dma_start3A_516 = arith.constant 0 : i32
        %dma_start3A_517 = tpu.memref_slice %arg6[%dma_start3A_512, %dma_start3A_513, %dma_start3A_515, %dma_start3A_516] : memref<4x2x128x64xf32, #tpu.memory_space<vmem>> -> memref<1x1x128x64xf32, #tpu.memory_space<vmem>>
        %dma_start3A_518 = tpu.memref_squeeze %dma_start3A_517 : memref<1x1x128x64xf32, #tpu.memory_space<vmem>> -> memref<128x64xf32, #tpu.memory_space<vmem>>
        %dma_start3A_519 = arith.constant 0 : i32
        %dma_start3A_520 = tpu.memref_slice %arg5[%add3A_511, %dma_start3A_519] : memref<200x128xi32, #tpu.memory_space<vmem>> -> memref<1x128xi32, #tpu.memory_space<vmem>>
        %dma_start3A_521 = tpu.memref_squeeze %dma_start3A_520 : memref<1x128xi32, #tpu.memory_space<vmem>> -> memref<128xi32, #tpu.memory_space<vmem>>
        %dma_start3A_522 = arith.constant 0 : i32
        %dma_start3A_523 = arith.constant 0 : i32
        %dma_start3A_524 = tpu.memref_slice %arg3[%dma_start3A_522, %dma_start3A_523] : memref<1000000x64xf32, #tpu.memory_space<hbm>> -> memref<1000000x64xf32, #tpu.memory_space<hbm>>
        %dma_start3A_525 = tpu.memref_slice %arg7[%dma_start3A_514] : memref<4x!tpu.dma_semaphore, #tpu.memory_space<semaphore_mem>> -> memref<1x!tpu.dma_semaphore, #tpu.memory_space<semaphore_mem>>
        %dma_start3A_526 = tpu.memref_squeeze %dma_start3A_525 : memref<1x!tpu.dma_semaphore, #tpu.memory_space<semaphore_mem>> -> memref<!tpu.dma_semaphore, #tpu.memory_space<semaphore_mem>>
        tpu.enqueue_indirect_dma source(%dma_start3A_524 : memref<1000000x64xf32, #tpu.memory_space<hbm>>) target(%dma_start3A_518 : memref<128x64xf32, #tpu.memory_space<vmem>>) offsets(%dma_start3A_521 : memref<128xi32, #tpu.memory_space<vmem>>) semaphore(%dma_start3A_526 : memref<!tpu.dma_semaphore, #tpu.memory_space<semaphore_mem>>)
      } else {
      }
      %dma_wait3A_209 = arith.constant 0 : i32
      %dma_wait3A_210 = arith.constant 0 : i32
      %dma_wait3A_211 = arith.constant 0 : i32
      %dma_wait3A_212 = arith.constant 0 : i32
      %dma_wait3A_213 = arith.constant 0 : i32
      %dma_wait3A_214 = tpu.memref_slice %arg6[%dma_wait3A_209, %dma_wait3A_211, %dma_wait3A_212, %dma_wait3A_213] : memref<4x2x128x64xf32, #tpu.memory_space<vmem>> -> memref<1x2x128x64xf32, #tpu.memory_space<vmem>>
      %dma_wait3A_215 = tpu.memref_squeeze %dma_wait3A_214 : memref<1x2x128x64xf32, #tpu.memory_space<vmem>> -> memref<2x128x64xf32, #tpu.memory_space<vmem>>
      %dma_wait3A_216 = arith.constant 0 : i32
      %dma_wait3A_217 = arith.constant 0 : i32
      %dma_wait3A_218 = arith.constant 0 : i32
      %dma_wait3A_219 = tpu.memref_slice %arg4[%dma_wait3A_216, %dma_wait3A_217, %dma_wait3A_218] : memref<6400x128x64xf32, #tpu.memory_space<hbm>> -> memref<2x128x64xf32, #tpu.memory_space<hbm>>
      %dma_wait3A_220 = tpu.memref_slice %arg7[%dma_wait3A_210] : memref<4x!tpu.dma_semaphore, #tpu.memory_space<semaphore_mem>> -> memref<1x!tpu.dma_semaphore, #tpu.memory_space<semaphore_mem>>
      %dma_wait3A_221 = tpu.memref_squeeze %dma_wait3A_220 : memref<1x!tpu.dma_semaphore, #tpu.memory_space<semaphore_mem>> -> memref<!tpu.dma_semaphore, #tpu.memory_space<semaphore_mem>>
      %dma_wait3A_222 = arith.constant 0 : i32
      %dma_wait3A_223 = arith.constant 0 : i32
      %dma_wait3A_224 = arith.constant 0 : i32
      %dma_wait3A_225 = tpu.memref_slice %arg6[%dma_wait3A_209, %dma_wait3A_222, %dma_wait3A_223, %dma_wait3A_224] : memref<4x2x128x64xf32, #tpu.memory_space<vmem>> -> memref<1x2x128x64xf32, #tpu.memory_space<vmem>>
      %dma_wait3A_226 = tpu.memref_squeeze %dma_wait3A_225 : memref<1x2x128x64xf32, #tpu.memory_space<vmem>> -> memref<2x128x64xf32, #tpu.memory_space<vmem>>
      %dma_wait3A_227 = arith.constant 0 : i32
      %dma_wait3A_228 = arith.constant 0 : i32
      %dma_wait3A_229 = arith.constant 0 : i32
      %dma_wait3A_230 = tpu.memref_slice %arg4[%dma_wait3A_227, %dma_wait3A_228, %dma_wait3A_229] : memref<6400x128x64xf32, #tpu.memory_space<hbm>> -> memref<2x128x64xf32, #tpu.memory_space<hbm>>
      tpu.wait_dma2 semaphore(%dma_wait3A_221 : memref<!tpu.dma_semaphore, #tpu.memory_space<semaphore_mem>>) src(%dma_wait3A_230 : memref<2x128x64xf32, #tpu.memory_space<hbm>>) dst(%dma_wait3A_226 : memref<2x128x64xf32, #tpu.memory_space<vmem>>)
      %scan3A_231 = arith.constant 0 : i32
      %scan3A_232 = arith.constant 0 : i32
      %scan3A_233 = arith.constant 128 : i32
      %scan3A_234 = arith.addi %scan3A_232, %scan3A_233 : i32
      %scan3A_235 = arith.constant 4 : i32
      %scan3A_236 = scf.for %scan3A_489 = %scan3A_232 to %scan3A_234 step %scan3A_235 iter_args(%scan3A_490 = %scan3A_231) -> (i32)  : i32 {
        %get3A = arith.constant 0 : i32
        %get3A_491 = arith.constant 0 : i32
        %get3A_492 = arith.index_cast %get3A : i32 to index
        %get3A_493 = arith.index_cast %get3A_491 : i32 to index
        %get3A_494 = arith.index_cast %scan3A_489 : i32 to index
        %get3A_495 = arith.constant 0 : index
        %get3A_496 = tpu.vector_load %arg6[%get3A_492, %get3A_493, %get3A_494, %get3A_495] {strides = array<i32>} : memref<4x2x128x64xf32, #tpu.memory_space<vmem>>, vector<1x1x1x16xf32>,
        %get3A_497 = vector.shape_cast %get3A_496 : vector<1x1x1x16xf32> to vector<16xf32>
        %mul3A_498 = arith.constant 8.000000e+00 : f32
        %mul3A_499 = vector.broadcast %mul3A_498 : f32 to vector<16xf32>
        %mul3A_500 = arith.mulf %get3A_497, %mul3A_499 : vector<16xf32>
        %swap3A = arith.constant 0 : i32
        %swap3A_501 = arith.constant 0 : i32
        %swap3A_502 = arith.index_cast %swap3A : i32 to index
        %swap3A_503 = arith.index_cast %swap3A_501 : i32 to index
        %swap3A_504 = arith.index_cast %scan3A_489 : i32 to index
        %swap3A_505 = arith.constant 0 : index
        %swap3A_506 = tpu.vector_load %arg6[%swap3A_502, %swap3A_503, %swap3A_504, %swap3A_505] {strides = array<i32>} : memref<4x2x128x64xf32, #tpu.memory_space<vmem>>, vector<1x1x1x16xf32>,
        %swap3A_507 = vector.shape_cast %swap3A_506 : vector<1x1x1x16xf32> to vector<16xf32>
        %swap3A_508 = vector.shape_cast %mul3A_500 : vector<16xf32> to vector<1x1x1x16xf32>
        tpu.vector_store %arg6[%swap3A_502, %swap3A_503, %swap3A_504, %swap3A_505], %swap3A_508 {strides = array<i32>} : memref<4x2x128x64xf32, #tpu.memory_space<vmem>>, vector<1x1x1x16xf32>,
        %get3A_509 = arith.constant 0 : i32
        %get3A_510 = arith.constant 0 : i32
        %get3A_511 = arith.index_cast %get3A_509 : i32 to index
        %get3A_512 = arith.index_cast %get3A_510 : i32 to index
        %get3A_513 = arith.index_cast %scan3A_489 : i32 to index
        %get3A_514 = arith.constant 16 : index
        %get3A_515 = tpu.vector_load %arg6[%get3A_511, %get3A_512, %get3A_513, %get3A_514] {strides = array<i32>} : memref<4x2x128x64xf32, #tpu.memory_space<vmem>>, vector<1x1x1x16xf32>,
        %get3A_516 = vector.shape_cast %get3A_515 : vector<1x1x1x16xf32> to vector<16xf32>
        %mul3A_517 = arith.constant 8.000000e+00 : f32
        %mul3A_518 = vector.broadcast %mul3A_517 : f32 to vector<16xf32>
        %mul3A_519 = arith.mulf %get3A_516, %mul3A_518 : vector<16xf32>
        %swap3A_520 = arith.constant 0 : i32
        %swap3A_521 = arith.constant 0 : i32
        %swap3A_522 = arith.index_cast %swap3A_520 : i32 to index
        %swap3A_523 = arith.index_cast %swap3A_521 : i32 to index
        %swap3A_524 = arith.index_cast %scan3A_489 : i32 to index
        %swap3A_525 = arith.constant 16 : index
        %swap3A_526 = tpu.vector_load %arg6[%swap3A_522, %swap3A_523, %swap3A_524, %swap3A_525] {strides = array<i32>} : memref<4x2x128x64xf32, #tpu.memory_space<vmem>>, vector<1x1x1x16xf32>,
        %swap3A_527 = vector.shape_cast %swap3A_526 : vector<1x1x1x16xf32> to vector<16xf32>
        %swap3A_528 = vector.shape_cast %mul3A_519 : vector<16xf32> to vector<1x1x1x16xf32>
        tpu.vector_store %arg6[%swap3A_522, %swap3A_523, %swap3A_524, %swap3A_525], %swap3A_528 {strides = array<i32>} : memref<4x2x128x64xf32, #tpu.memory_space<vmem>>, vector<1x1x1x16xf32>,
        %get3A_529 = arith.constant 0 : i32
        %get3A_530 = arith.constant 0 : i32
        %get3A_531 = arith.index_cast %get3A_529 : i32 to index
        %get3A_532 = arith.index_cast %get3A_530 : i32 to index
        %get3A_533 = arith.index_cast %scan3A_489 : i32 to index
        %get3A_534 = arith.constant 32 : index
        %get3A_535 = tpu.vector_load %arg6[%get3A_531, %get3A_532, %get3A_533, %get3A_534] {strides = array<i32>} : memref<4x2x128x64xf32, #tpu.memory_space<vmem>>, vector<1x1x1x16xf32>,
        %get3A_536 = vector.shape_cast %get3A_535 : vector<1x1x1x16xf32> to vector<16xf32>
        %mul3A_537 = arith.constant 8.000000e+00 : f32
        %mul3A_538 = vector.broadcast %mul3A_537 : f32 to vector<16xf32>
        %mul3A_539 = arith.mulf %get3A_536, %mul3A_538 : vector<16xf32>
        %swap3A_540 = arith.constant 0 : i32
        %swap3A_541 = arith.constant 0 : i32
        %swap3A_542 = arith.index_cast %swap3A_540 : i32 to index
        %swap3A_543 = arith.index_cast %swap3A_541 : i32 to index
        %swap3A_544 = arith.index_cast %scan3A_489 : i32 to index
        %swap3A_545 = arith.constant 32 : index
        %swap3A_546 = tpu.vector_load %arg6[%swap3A_542, %swap3A_543, %swap3A_544, %swap3A_545] {strides = array<i32>} : memref<4x2x128x64xf32, #tpu.memory_space<vmem>>, vector<1x1x1x16xf32>,
        %swap3A_547 = vector.shape_cast %swap3A_546 : vector<1x1x1x16xf32> to vector<16xf32>
        %swap3A_548 = vector.shape_cast %mul3A_539 : vector<16xf32> to vector<1x1x1x16xf32>
        tpu.vector_store %arg6[%swap3A_542, %swap3A_543, %swap3A_544, %swap3A_545], %swap3A_548 {strides = array<i32>} : memref<4x2x128x64xf32, #tpu.memory_space<vmem>>, vector<1x1x1x16xf32>,
        %get3A_549 = arith.constant 0 : i32
        %get3A_550 = arith.constant 0 : i32
        %get3A_551 = arith.index_cast %get3A_549 : i32 to index
        %get3A_552 = arith.index_cast %get3A_550 : i32 to index
        %get3A_553 = arith.index_cast %scan3A_489 : i32 to index
        %get3A_554 = arith.constant 48 : index
        %get3A_555 = tpu.vector_load %arg6[%get3A_551, %get3A_552, %get3A_553, %get3A_554] {strides = array<i32>} : memref<4x2x128x64xf32, #tpu.memory_space<vmem>>, vector<1x1x1x16xf32>,
        %get3A_556 = vector.shape_cast %get3A_555 : vector<1x1x1x16xf32> to vector<16xf32>
        %mul3A_557 = arith.constant 8.000000e+00 : f32
        %mul3A_558 = vector.broadcast %mul3A_557 : f32 to vector<16xf32>
        %mul3A_559 = arith.mulf %get3A_556, %mul3A_558 : vector<16xf32>
        %swap3A_560 = arith.constant 0 : i32
        %swap3A_561 = arith.constant 0 : i32
        %swap3A_562 = arith.index_cast %swap3A_560 : i32 to index
        %swap3A_563 = arith.index_cast %swap3A_561 : i32 to index
        %swap3A_564 = arith.index_cast %scan3A_489 : i32 to index
        %swap3A_565 = arith.constant 48 : index
        %swap3A_566 = tpu.vector_load %arg6[%swap3A_562, %swap3A_563, %swap3A_564, %swap3A_565] {strides = array<i32>} : memref<4x2x128x64xf32, #tpu.memory_space<vmem>>, vector<1x1x1x16xf32>,
        %swap3A_567 = vector.shape_cast %swap3A_566 : vector<1x1x1x16xf32> to vector<16xf32>
        %swap3A_568 = vector.shape_cast %mul3A_559 : vector<16xf32> to vector<1x1x1x16xf32>
        tpu.vector_store %arg6[%swap3A_562, %swap3A_563, %swap3A_564, %swap3A_565], %swap3A_568 {strides = array<i32>} : memref<4x2x128x64xf32, #tpu.memory_space<vmem>>, vector<1x1x1x16xf32>,
        %get3A_569 = arith.constant 0 : i32
        %get3A_570 = arith.constant 1 : i32
        %get3A_571 = arith.index_cast %get3A_569 : i32 to index
        %get3A_572 = arith.index_cast %get3A_570 : i32 to index
        %get3A_573 = arith.index_cast %scan3A_489 : i32 to index
        %get3A_574 = arith.constant 0 : index
        %get3A_575 = tpu.vector_load %arg6[%get3A_571, %get3A_572, %get3A_573, %get3A_574] {strides = array<i32>} : memref<4x2x128x64xf32, #tpu.memory_space<vmem>>, vector<1x1x1x16xf32>,
        %get3A_576 = vector.shape_cast %get3A_575 : vector<1x1x1x16xf32> to vector<16xf32>
        %mul3A_577 = arith.constant 8.000000e+00 : f32
        %mul3A_578 = vector.broadcast %mul3A_577 : f32 to vector<16xf32>
        %mul3A_579 = arith.mulf %get3A_576, %mul3A_578 : vector<16xf32>
        %swap3A_580 = arith.constant 0 : i32
        %swap3A_581 = arith.constant 1 : i32
        %swap3A_582 = arith.index_cast %swap3A_580 : i32 to index
        %swap3A_583 = arith.index_cast %swap3A_581 : i32 to index
        %swap3A_584 = arith.index_cast %scan3A_489 : i32 to index
        %swap3A_585 = arith.constant 0 : index
        %swap3A_586 = tpu.vector_load %arg6[%swap3A_582, %swap3A_583, %swap3A_584, %swap3A_585] {strides = array<i32>} : memref<4x2x128x64xf32, #tpu.memory_space<vmem>>, vector<1x1x1x16xf32>,
        %swap3A_587 = vector.shape_cast %swap3A_586 : vector<1x1x1x16xf32> to vector<16xf32>
        %swap3A_588 = vector.shape_cast %mul3A_579 : vector<16xf32> to vector<1x1x1x16xf32>
        tpu.vector_store %arg6[%swap3A_582, %swap3A_583, %swap3A_584, %swap3A_585], %swap3A_588 {strides = array<i32>} : memref<4x2x128x64xf32, #tpu.memory_space<vmem>>, vector<1x1x1x16xf32>,
        %get3A_589 = arith.constant 0 : i32
        %get3A_590 = arith.constant 1 : i32
        %get3A_591 = arith.index_cast %get3A_589 : i32 to index
        %get3A_592 = arith.index_cast %get3A_590 : i32 to index
        %get3A_593 = arith.index_cast %scan3A_489 : i32 to index
        %get3A_594 = arith.constant 16 : index
        %get3A_595 = tpu.vector_load %arg6[%get3A_591, %get3A_592, %get3A_593, %get3A_594] {strides = array<i32>} : memref<4x2x128x64xf32, #tpu.memory_space<vmem>>, vector<1x1x1x16xf32>,
        %get3A_596 = vector.shape_cast %get3A_595 : vector<1x1x1x16xf32> to vector<16xf32>
        %mul3A_597 = arith.constant 8.000000e+00 : f32
        %mul3A_598 = vector.broadcast %mul3A_597 : f32 to vector<16xf32>
        %mul3A_599 = arith.mulf %get3A_596, %mul3A_598 : vector<16xf32>
        %swap3A_600 = arith.constant 0 : i32
        %swap3A_601 = arith.constant 1 : i32
        %swap3A_602 = arith.index_cast %swap3A_600 : i32 to index
        %swap3A_603 = arith.index_cast %swap3A_601 : i32 to index
        %swap3A_604 = arith.index_cast %scan3A_489 : i32 to index
        %swap3A_605 = arith.constant 16 : index
        %swap3A_606 = tpu.vector_load %arg6[%swap3A_602, %swap3A_603, %swap3A_604, %swap3A_605] {strides = array<i32>} : memref<4x2x128x64xf32, #tpu.memory_space<vmem>>, vector<1x1x1x16xf32>,
        %swap3A_607 = vector.shape_cast %swap3A_606 : vector<1x1x1x16xf32> to vector<16xf32>
        %swap3A_608 = vector.shape_cast %mul3A_599 : vector<16xf32> to vector<1x1x1x16xf32>
        tpu.vector_store %arg6[%swap3A_602, %swap3A_603, %swap3A_604, %swap3A_605], %swap3A_608 {strides = array<i32>} : memref<4x2x128x64xf32, #tpu.memory_space<vmem>>, vector<1x1x1x16xf32>,
        %get3A_609 = arith.constant 0 : i32
        %get3A_610 = arith.constant 1 : i32
        %get3A_611 = arith.index_cast %get3A_609 : i32 to index
        %get3A_612 = arith.index_cast %get3A_610 : i32 to index
        %get3A_613 = arith.index_cast %scan3A_489 : i32 to index
        %get3A_614 = arith.constant 32 : index
        %get3A_615 = tpu.vector_load %arg6[%get3A_611, %get3A_612, %get3A_613, %get3A_614] {strides = array<i32>} : memref<4x2x128x64xf32, #tpu.memory_space<vmem>>, vector<1x1x1x16xf32>,
        %get3A_616 = vector.shape_cast %get3A_615 : vector<1x1x1x16xf32> to vector<16xf32>
        %mul3A_617 = arith.constant 8.000000e+00 : f32
        %mul3A_618 = vector.broadcast %mul3A_617 : f32 to vector<16xf32>
        %mul3A_619 = arith.mulf %get3A_616, %mul3A_618 : vector<16xf32>
        %swap3A_620 = arith.constant 0 : i32
        %swap3A_621 = arith.constant 1 : i32
        %swap3A_622 = arith.index_cast %swap3A_620 : i32 to index
        %swap3A_623 = arith.index_cast %swap3A_621 : i32 to index
        %swap3A_624 = arith.index_cast %scan3A_489 : i32 to index
        %swap3A_625 = arith.constant 32 : index
        %swap3A_626 = tpu.vector_load %arg6[%swap3A_622, %swap3A_623, %swap3A_624, %swap3A_625] {strides = array<i32>} : memref<4x2x128x64xf32, #tpu.memory_space<vmem>>, vector<1x1x1x16xf32>,
        %swap3A_627 = vector.shape_cast %swap3A_626 : vector<1x1x1x16xf32> to vector<16xf32>
        %swap3A_628 = vector.shape_cast %mul3A_619 : vector<16xf32> to vector<1x1x1x16xf32>
        tpu.vector_store %arg6[%swap3A_622, %swap3A_623, %swap3A_624, %swap3A_625], %swap3A_628 {strides = array<i32>} : memref<4x2x128x64xf32, #tpu.memory_space<vmem>>, vector<1x1x1x16xf32>,
        %get3A_629 = arith.constant 0 : i32
        %get3A_630 = arith.constant 1 : i32
        %get3A_631 = arith.index_cast %get3A_629 : i32 to index
        %get3A_632 = arith.index_cast %get3A_630 : i32 to index
        %get3A_633 = arith.index_cast %scan3A_489 : i32 to index
        %get3A_634 = arith.constant 48 : index
        %get3A_635 = tpu.vector_load %arg6[%get3A_631, %get3A_632, %get3A_633, %get3A_634] {strides = array<i32>} : memref<4x2x128x64xf32, #tpu.memory_space<vmem>>, vector<1x1x1x16xf32>,
        %get3A_636 = vector.shape_cast %get3A_635 : vector<1x1x1x16xf32> to vector<16xf32>
        %mul3A_637 = arith.constant 8.000000e+00 : f32
        %mul3A_638 = vector.broadcast %mul3A_637 : f32 to vector<16xf32>
        %mul3A_639 = arith.mulf %get3A_636, %mul3A_638 : vector<16xf32>
        %swap3A_640 = arith.constant 0 : i32
        %swap3A_641 = arith.constant 1 : i32
        %swap3A_642 = arith.index_cast %swap3A_640 : i32 to index
        %swap3A_643 = arith.index_cast %swap3A_641 : i32 to index
        %swap3A_644 = arith.index_cast %scan3A_489 : i32 to index
        %swap3A_645 = arith.constant 48 : index
        %swap3A_646 = tpu.vector_load %arg6[%swap3A_642, %swap3A_643, %swap3A_644, %swap3A_645] {strides = array<i32>} : memref<4x2x128x64xf32, #tpu.memory_space<vmem>>, vector<1x1x1x16xf32>,
        %swap3A_647 = vector.shape_cast %swap3A_646 : vector<1x1x1x16xf32> to vector<16xf32>
        %swap3A_648 = vector.shape_cast %mul3A_639 : vector<16xf32> to vector<1x1x1x16xf32>
        tpu.vector_store %arg6[%swap3A_642, %swap3A_643, %swap3A_644, %swap3A_645], %swap3A_648 {strides = array<i32>} : memref<4x2x128x64xf32, #tpu.memory_space<vmem>>, vector<1x1x1x16xf32>,
        %scan3A_649 = arith.constant 0 : i32
        %scan3A_650 = arith.constant 1 : i32
        %scan3A_651 = arith.addi %scan3A_489, %scan3A_650 : i32
        %get3A_652 = arith.constant 0 : i32
        %get3A_653 = arith.constant 0 : i32
        %get3A_654 = arith.index_cast %get3A_652 : i32 to index
        %get3A_655 = arith.index_cast %get3A_653 : i32 to index
        %get3A_656 = arith.index_cast %scan3A_651 : i32 to index
        %get3A_657 = arith.constant 0 : index
        %get3A_658 = tpu.vector_load %arg6[%get3A_654, %get3A_655, %get3A_656, %get3A_657] {strides = array<i32>} : memref<4x2x128x64xf32, #tpu.memory_space<vmem>>, vector<1x1x1x16xf32>,
        %get3A_659 = vector.shape_cast %get3A_658 : vector<1x1x1x16xf32> to vector<16xf32>
        %mul3A_660 = arith.constant 8.000000e+00 : f32
        %mul3A_661 = vector.broadcast %mul3A_660 : f32 to vector<16xf32>
        %mul3A_662 = arith.mulf %get3A_659, %mul3A_661 : vector<16xf32>
        %swap3A_663 = arith.constant 0 : i32
        %swap3A_664 = arith.constant 0 : i32
        %swap3A_665 = arith.index_cast %swap3A_663 : i32 to index
        %swap3A_666 = arith.index_cast %swap3A_664 : i32 to index
        %swap3A_667 = arith.index_cast %scan3A_651 : i32 to index
        %swap3A_668 = arith.constant 0 : index
        %swap3A_669 = tpu.vector_load %arg6[%swap3A_665, %swap3A_666, %swap3A_667, %swap3A_668] {strides = array<i32>} : memref<4x2x128x64xf32, #tpu.memory_space<vmem>>, vector<1x1x1x16xf32>,
        %swap3A_670 = vector.shape_cast %swap3A_669 : vector<1x1x1x16xf32> to vector<16xf32>
        %swap3A_671 = vector.shape_cast %mul3A_662 : vector<16xf32> to vector<1x1x1x16xf32>
        tpu.vector_store %arg6[%swap3A_665, %swap3A_666, %swap3A_667, %swap3A_668], %swap3A_671 {strides = array<i32>} : memref<4x2x128x64xf32, #tpu.memory_space<vmem>>, vector<1x1x1x16xf32>,
        %get3A_672 = arith.constant 0 : i32
        %get3A_673 = arith.constant 0 : i32
        %get3A_674 = arith.index_cast %get3A_672 : i32 to index
        %get3A_675 = arith.index_cast %get3A_673 : i32 to index
        %get3A_676 = arith.index_cast %scan3A_651 : i32 to index
        %get3A_677 = arith.constant 16 : index
        %get3A_678 = tpu.vector_load %arg6[%get3A_674, %get3A_675, %get3A_676, %get3A_677] {strides = array<i32>} : memref<4x2x128x64xf32, #tpu.memory_space<vmem>>, vector<1x1x1x16xf32>,
        %get3A_679 = vector.shape_cast %get3A_678 : vector<1x1x1x16xf32> to vector<16xf32>
        %mul3A_680 = arith.constant 8.000000e+00 : f32
        %mul3A_681 = vector.broadcast %mul3A_680 : f32 to vector<16xf32>
        %mul3A_682 = arith.mulf %get3A_679, %mul3A_681 : vector<16xf32>
        %swap3A_683 = arith.constant 0 : i32
        %swap3A_684 = arith.constant 0 : i32
        %swap3A_685 = arith.index_cast %swap3A_683 : i32 to index
        %swap3A_686 = arith.index_cast %swap3A_684 : i32 to index
        %swap3A_687 = arith.index_cast %scan3A_651 : i32 to index
        %swap3A_688 = arith.constant 16 : index
        %swap3A_689 = tpu.vector_load %arg6[%swap3A_685, %swap3A_686, %swap3A_687, %swap3A_688] {strides = array<i32>} : memref<4x2x128x64xf32, #tpu.memory_space<vmem>>, vector<1x1x1x16xf32>,
        %swap3A_690 = vector.shape_cast %swap3A_689 : vector<1x1x1x16xf32> to vector<16xf32>
        %swap3A_691 = vector.shape_cast %mul3A_682 : vector<16xf32> to vector<1x1x1x16xf32>
        tpu.vector_store %arg6[%swap3A_685, %swap3A_686, %swap3A_687, %swap3A_688], %swap3A_691 {strides = array<i32>} : memref<4x2x128x64xf32, #tpu.memory_space<vmem>>, vector<1x1x1x16xf32>,
        %get3A_692 = arith.constant 0 : i32
        %get3A_693 = arith.constant 0 : i32
        %get3A_694 = arith.index_cast %get3A_692 : i32 to index
        %get3A_695 = arith.index_cast %get3A_693 : i32 to index
        %get3A_696 = arith.index_cast %scan3A_651 : i32 to index
        %get3A_697 = arith.constant 32 : index
        %get3A_698 = tpu.vector_load %arg6[%get3A_694, %get3A_695, %get3A_696, %get3A_697] {strides = array<i32>} : memref<4x2x128x64xf32, #tpu.memory_space<vmem>>, vector<1x1x1x16xf32>,
        %get3A_699 = vector.shape_cast %get3A_698 : vector<1x1x1x16xf32> to vector<16xf32>
        %mul3A_700 = arith.constant 8.000000e+00 : f32
        %mul3A_701 = vector.broadcast %mul3A_700 : f32 to vector<16xf32>
        %mul3A_702 = arith.mulf %get3A_699, %mul3A_701 : vector<16xf32>
        %swap3A_703 = arith.constant 0 : i32
        %swap3A_704 = arith.constant 0 : i32
        %swap3A_705 = arith.index_cast %swap3A_703 : i32 to index
        %swap3A_706 = arith.index_cast %swap3A_704 : i32 to index
        %swap3A_707 = arith.index_cast %scan3A_651 : i32 to index
        %swap3A_708 = arith.constant 32 : index
        %swap3A_709 = tpu.vector_load %arg6[%swap3A_705, %swap3A_706, %swap3A_707, %swap3A_708] {strides = array<i32>} : memref<4x2x128x64xf32, #tpu.memory_space<vmem>>, vector<1x1x1x16xf32>,
        %swap3A_710 = vector.shape_cast %swap3A_709 : vector<1x1x1x16xf32> to vector<16xf32>
        %swap3A_711 = vector.shape_cast %mul3A_702 : vector<16xf32> to vector<1x1x1x16xf32>
        tpu.vector_store %arg6[%swap3A_705, %swap3A_706, %swap3A_707, %swap3A_708], %swap3A_711 {strides = array<i32>} : memref<4x2x128x64xf32, #tpu.memory_space<vmem>>, vector<1x1x1x16xf32>,
        %get3A_712 = arith.constant 0 : i32
        %get3A_713 = arith.constant 0 : i32
        %get3A_714 = arith.index_cast %get3A_712 : i32 to index
        %get3A_715 = arith.index_cast %get3A_713 : i32 to index
        %get3A_716 = arith.index_cast %scan3A_651 : i32 to index
        %get3A_717 = arith.constant 48 : index
        %get3A_718 = tpu.vector_load %arg6[%get3A_714, %get3A_715, %get3A_716, %get3A_717] {strides = array<i32>} : memref<4x2x128x64xf32, #tpu.memory_space<vmem>>, vector<1x1x1x16xf32>,
        %get3A_719 = vector.shape_cast %get3A_718 : vector<1x1x1x16xf32> to vector<16xf32>
        %mul3A_720 = arith.constant 8.000000e+00 : f32
        %mul3A_721 = vector.broadcast %mul3A_720 : f32 to vector<16xf32>
        %mul3A_722 = arith.mulf %get3A_719, %mul3A_721 : vector<16xf32>
        %swap3A_723 = arith.constant 0 : i32
        %swap3A_724 = arith.constant 0 : i32
        %swap3A_725 = arith.index_cast %swap3A_723 : i32 to index
        %swap3A_726 = arith.index_cast %swap3A_724 : i32 to index
        %swap3A_727 = arith.index_cast %scan3A_651 : i32 to index
        %swap3A_728 = arith.constant 48 : index
        %swap3A_729 = tpu.vector_load %arg6[%swap3A_725, %swap3A_726, %swap3A_727, %swap3A_728] {strides = array<i32>} : memref<4x2x128x64xf32, #tpu.memory_space<vmem>>, vector<1x1x1x16xf32>,
        %swap3A_730 = vector.shape_cast %swap3A_729 : vector<1x1x1x16xf32> to vector<16xf32>
        %swap3A_731 = vector.shape_cast %mul3A_722 : vector<16xf32> to vector<1x1x1x16xf32>
        tpu.vector_store %arg6[%swap3A_725, %swap3A_726, %swap3A_727, %swap3A_728], %swap3A_731 {strides = array<i32>} : memref<4x2x128x64xf32, #tpu.memory_space<vmem>>, vector<1x1x1x16xf32>,
        %get3A_732 = arith.constant 0 : i32
        %get3A_733 = arith.constant 1 : i32
        %get3A_734 = arith.index_cast %get3A_732 : i32 to index
        %get3A_735 = arith.index_cast %get3A_733 : i32 to index
        %get3A_736 = arith.index_cast %scan3A_651 : i32 to index
        %get3A_737 = arith.constant 0 : index
        %get3A_738 = tpu.vector_load %arg6[%get3A_734, %get3A_735, %get3A_736, %get3A_737] {strides = array<i32>} : memref<4x2x128x64xf32, #tpu.memory_space<vmem>>, vector<1x1x1x16xf32>,
        %get3A_739 = vector.shape_cast %get3A_738 : vector<1x1x1x16xf32> to vector<16xf32>
        %mul3A_740 = arith.constant 8.000000e+00 : f32
        %mul3A_741 = vector.broadcast %mul3A_740 : f32 to vector<16xf32>
        %mul3A_742 = arith.mulf %get3A_739, %mul3A_741 : vector<16xf32>
        %swap3A_743 = arith.constant 0 : i32
        %swap3A_744 = arith.constant 1 : i32
        %swap3A_745 = arith.index_cast %swap3A_743 : i32 to index
        %swap3A_746 = arith.index_cast %swap3A_744 : i32 to index
        %swap3A_747 = arith.index_cast %scan3A_651 : i32 to index
        %swap3A_748 = arith.constant 0 : index
        %swap3A_749 = tpu.vector_load %arg6[%swap3A_745, %swap3A_746, %swap3A_747, %swap3A_748] {strides = array<i32>} : memref<4x2x128x64xf32, #tpu.memory_space<vmem>>, vector<1x1x1x16xf32>,
        %swap3A_750 = vector.shape_cast %swap3A_749 : vector<1x1x1x16xf32> to vector<16xf32>
        %swap3A_751 = vector.shape_cast %mul3A_742 : vector<16xf32> to vector<1x1x1x16xf32>
        tpu.vector_store %arg6[%swap3A_745, %swap3A_746, %swap3A_747, %swap3A_748], %swap3A_751 {strides = array<i32>} : memref<4x2x128x64xf32, #tpu.memory_space<vmem>>, vector<1x1x1x16xf32>,
        %get3A_752 = arith.constant 0 : i32
        %get3A_753 = arith.constant 1 : i32
        %get3A_754 = arith.index_cast %get3A_752 : i32 to index
        %get3A_755 = arith.index_cast %get3A_753 : i32 to index
        %get3A_756 = arith.index_cast %scan3A_651 : i32 to index
        %get3A_757 = arith.constant 16 : index
        %get3A_758 = tpu.vector_load %arg6[%get3A_754, %get3A_755, %get3A_756, %get3A_757] {strides = array<i32>} : memref<4x2x128x64xf32, #tpu.memory_space<vmem>>, vector<1x1x1x16xf32>,
        %get3A_759 = vector.shape_cast %get3A_758 : vector<1x1x1x16xf32> to vector<16xf32>
        %mul3A_760 = arith.constant 8.000000e+00 : f32
        %mul3A_761 = vector.broadcast %mul3A_760 : f32 to vector<16xf32>
        %mul3A_762 = arith.mulf %get3A_759, %mul3A_761 : vector<16xf32>
        %swap3A_763 = arith.constant 0 : i32
        %swap3A_764 = arith.constant 1 : i32
        %swap3A_765 = arith.index_cast %swap3A_763 : i32 to index
        %swap3A_766 = arith.index_cast %swap3A_764 : i32 to index
        %swap3A_767 = arith.index_cast %scan3A_651 : i32 to index
        %swap3A_768 = arith.constant 16 : index
        %swap3A_769 = tpu.vector_load %arg6[%swap3A_765, %swap3A_766, %swap3A_767, %swap3A_768] {strides = array<i32>} : memref<4x2x128x64xf32, #tpu.memory_space<vmem>>, vector<1x1x1x16xf32>,
        %swap3A_770 = vector.shape_cast %swap3A_769 : vector<1x1x1x16xf32> to vector<16xf32>
        %swap3A_771 = vector.shape_cast %mul3A_762 : vector<16xf32> to vector<1x1x1x16xf32>
        tpu.vector_store %arg6[%swap3A_765, %swap3A_766, %swap3A_767, %swap3A_768], %swap3A_771 {strides = array<i32>} : memref<4x2x128x64xf32, #tpu.memory_space<vmem>>, vector<1x1x1x16xf32>,
        %get3A_772 = arith.constant 0 : i32
        %get3A_773 = arith.constant 1 : i32
        %get3A_774 = arith.index_cast %get3A_772 : i32 to index
        %get3A_775 = arith.index_cast %get3A_773 : i32 to index
        %get3A_776 = arith.index_cast %scan3A_651 : i32 to index
        %get3A_777 = arith.constant 32 : index
        %get3A_778 = tpu.vector_load %arg6[%get3A_774, %get3A_775, %get3A_776, %get3A_777] {strides = array<i32>} : memref<4x2x128x64xf32, #tpu.memory_space<vmem>>, vector<1x1x1x16xf32>,
        %get3A_779 = vector.shape_cast %get3A_778 : vector<1x1x1x16xf32> to vector<16xf32>
        %mul3A_780 = arith.constant 8.000000e+00 : f32
        %mul3A_781 = vector.broadcast %mul3A_780 : f32 to vector<16xf32>
        %mul3A_782 = arith.mulf %get3A_779, %mul3A_781 : vector<16xf32>
        %swap3A_783 = arith.constant 0 : i32
        %swap3A_784 = arith.constant 1 : i32
        %swap3A_785 = arith.index_cast %swap3A_783 : i32 to index
        %swap3A_786 = arith.index_cast %swap3A_784 : i32 to index
        %swap3A_787 = arith.index_cast %scan3A_651 : i32 to index
        %swap3A_788 = arith.constant 32 : index
        %swap3A_789 = tpu.vector_load %arg6[%swap3A_785, %swap3A_786, %swap3A_787, %swap3A_788] {strides = array<i32>} : memref<4x2x128x64xf32, #tpu.memory_space<vmem>>, vector<1x1x1x16xf32>,
        %swap3A_790 = vector.shape_cast %swap3A_789 : vector<1x1x1x16xf32> to vector<16xf32>
        %swap3A_791 = vector.shape_cast %mul3A_782 : vector<16xf32> to vector<1x1x1x16xf32>
        tpu.vector_store %arg6[%swap3A_785, %swap3A_786, %swap3A_787, %swap3A_788], %swap3A_791 {strides = array<i32>} : memref<4x2x128x64xf32, #tpu.memory_space<vmem>>, vector<1x1x1x16xf32>,
        %get3A_792 = arith.constant 0 : i32
        %get3A_793 = arith.constant 1 : i32
        %get3A_794 = arith.index_cast %get3A_792 : i32 to index
        %get3A_795 = arith.index_cast %get3A_793 : i32 to index
        %get3A_796 = arith.index_cast %scan3A_651 : i32 to index
        %get3A_797 = arith.constant 48 : index
        %get3A_798 = tpu.vector_load %arg6[%get3A_794, %get3A_795, %get3A_796, %get3A_797] {strides = array<i32>} : memref<4x2x128x64xf32, #tpu.memory_space<vmem>>, vector<1x1x1x16xf32>,
        %get3A_799 = vector.shape_cast %get3A_798 : vector<1x1x1x16xf32> to vector<16xf32>
        %mul3A_800 = arith.constant 8.000000e+00 : f32
        %mul3A_801 = vector.broadcast %mul3A_800 : f32 to vector<16xf32>
        %mul3A_802 = arith.mulf %get3A_799, %mul3A_801 : vector<16xf32>
        %swap3A_803 = arith.constant 0 : i32
        %swap3A_804 = arith.constant 1 : i32
        %swap3A_805 = arith.index_cast %swap3A_803 : i32 to index
        %swap3A_806 = arith.index_cast %swap3A_804 : i32 to index
        %swap3A_807 = arith.index_cast %scan3A_651 : i32 to index
        %swap3A_808 = arith.constant 48 : index
        %swap3A_809 = tpu.vector_load %arg6[%swap3A_805, %swap3A_806, %swap3A_807, %swap3A_808] {strides = array<i32>} : memref<4x2x128x64xf32, #tpu.memory_space<vmem>>, vector<1x1x1x16xf32>,
        %swap3A_810 = vector.shape_cast %swap3A_809 : vector<1x1x1x16xf32> to vector<16xf32>
        %swap3A_811 = vector.shape_cast %mul3A_802 : vector<16xf32> to vector<1x1x1x16xf32>
        tpu.vector_store %arg6[%swap3A_805, %swap3A_806, %swap3A_807, %swap3A_808], %swap3A_811 {strides = array<i32>} : memref<4x2x128x64xf32, #tpu.memory_space<vmem>>, vector<1x1x1x16xf32>,
        %scan3A_812 = arith.constant 0 : i32
        %scan3A_813 = arith.constant 2 : i32
        %scan3A_814 = arith.addi %scan3A_489, %scan3A_813 : i32
        %get3A_815 = arith.constant 0 : i32
        %get3A_816 = arith.constant 0 : i32
        %get3A_817 = arith.index_cast %get3A_815 : i32 to index
        %get3A_818 = arith.index_cast %get3A_816 : i32 to index
        %get3A_819 = arith.index_cast %scan3A_814 : i32 to index
        %get3A_820 = arith.constant 0 : index
        %get3A_821 = tpu.vector_load %arg6[%get3A_817, %get3A_818, %get3A_819, %get3A_820] {strides = array<i32>} : memref<4x2x128x64xf32, #tpu.memory_space<vmem>>, vector<1x1x1x16xf32>,
        %get3A_822 = vector.shape_cast %get3A_821 : vector<1x1x1x16xf32> to vector<16xf32>
        %mul3A_823 = arith.constant 8.000000e+00 : f32
        %mul3A_824 = vector.broadcast %mul3A_823 : f32 to vector<16xf32>
        %mul3A_825 = arith.mulf %get3A_822, %mul3A_824 : vector<16xf32>
        %swap3A_826 = arith.constant 0 : i32
        %swap3A_827 = arith.constant 0 : i32
        %swap3A_828 = arith.index_cast %swap3A_826 : i32 to index
        %swap3A_829 = arith.index_cast %swap3A_827 : i32 to index
        %swap3A_830 = arith.index_cast %scan3A_814 : i32 to index
        %swap3A_831 = arith.constant 0 : index
        %swap3A_832 = tpu.vector_load %arg6[%swap3A_828, %swap3A_829, %swap3A_830, %swap3A_831] {strides = array<i32>} : memref<4x2x128x64xf32, #tpu.memory_space<vmem>>, vector<1x1x1x16xf32>,
        %swap3A_833 = vector.shape_cast %swap3A_832 : vector<1x1x1x16xf32> to vector<16xf32>
        %swap3A_834 = vector.shape_cast %mul3A_825 : vector<16xf32> to vector<1x1x1x16xf32>
        tpu.vector_store %arg6[%swap3A_828, %swap3A_829, %swap3A_830, %swap3A_831], %swap3A_834 {strides = array<i32>} : memref<4x2x128x64xf32, #tpu.memory_space<vmem>>, vector<1x1x1x16xf32>,
        %get3A_835 = arith.constant 0 : i32
        %get3A_836 = arith.constant 0 : i32
        %get3A_837 = arith.index_cast %get3A_835 : i32 to index
        %get3A_838 = arith.index_cast %get3A_836 : i32 to index
        %get3A_839 = arith.index_cast %scan3A_814 : i32 to index
        %get3A_840 = arith.constant 16 : index
        %get3A_841 = tpu.vector_load %arg6[%get3A_837, %get3A_838, %get3A_839, %get3A_840] {strides = array<i32>} : memref<4x2x128x64xf32, #tpu.memory_space<vmem>>, vector<1x1x1x16xf32>,
        %get3A_842 = vector.shape_cast %get3A_841 : vector<1x1x1x16xf32> to vector<16xf32>
        %mul3A_843 = arith.constant 8.000000e+00 : f32
        %mul3A_844 = vector.broadcast %mul3A_843 : f32 to vector<16xf32>
        %mul3A_845 = arith.mulf %get3A_842, %mul3A_844 : vector<16xf32>
        %swap3A_846 = arith.constant 0 : i32
        %swap3A_847 = arith.constant 0 : i32
        %swap3A_848 = arith.index_cast %swap3A_846 : i32 to index
        %swap3A_849 = arith.index_cast %swap3A_847 : i32 to index
        %swap3A_850 = arith.index_cast %scan3A_814 : i32 to index
        %swap3A_851 = arith.constant 16 : index
        %swap3A_852 = tpu.vector_load %arg6[%swap3A_848, %swap3A_849, %swap3A_850, %swap3A_851] {strides = array<i32>} : memref<4x2x128x64xf32, #tpu.memory_space<vmem>>, vector<1x1x1x16xf32>,
        %swap3A_853 = vector.shape_cast %swap3A_852 : vector<1x1x1x16xf32> to vector<16xf32>
        %swap3A_854 = vector.shape_cast %mul3A_845 : vector<16xf32> to vector<1x1x1x16xf32>
        tpu.vector_store %arg6[%swap3A_848, %swap3A_849, %swap3A_850, %swap3A_851], %swap3A_854 {strides = array<i32>} : memref<4x2x128x64xf32, #tpu.memory_space<vmem>>, vector<1x1x1x16xf32>,
        %get3A_855 = arith.constant 0 : i32
        %get3A_856 = arith.constant 0 : i32
        %get3A_857 = arith.index_cast %get3A_855 : i32 to index
        %get3A_858 = arith.index_cast %get3A_856 : i32 to index
        %get3A_859 = arith.index_cast %scan3A_814 : i32 to index
        %get3A_860 = arith.constant 32 : index
        %get3A_861 = tpu.vector_load %arg6[%get3A_857, %get3A_858, %get3A_859, %get3A_860] {strides = array<i32>} : memref<4x2x128x64xf32, #tpu.memory_space<vmem>>, vector<1x1x1x16xf32>,
        %get3A_862 = vector.shape_cast %get3A_861 : vector<1x1x1x16xf32> to vector<16xf32>
        %mul3A_863 = arith.constant 8.000000e+00 : f32
        %mul3A_864 = vector.broadcast %mul3A_863 : f32 to vector<16xf32>
        %mul3A_865 = arith.mulf %get3A_862, %mul3A_864 : vector<16xf32>
        %swap3A_866 = arith.constant 0 : i32
        %swap3A_867 = arith.constant 0 : i32
        %swap3A_868 = arith.index_cast %swap3A_866 : i32 to index
        %swap3A_869 = arith.index_cast %swap3A_867 : i32 to index
        %swap3A_870 = arith.index_cast %scan3A_814 : i32 to index
        %swap3A_871 = arith.constant 32 : index
        %swap3A_872 = tpu.vector_load %arg6[%swap3A_868, %swap3A_869, %swap3A_870, %swap3A_871] {strides = array<i32>} : memref<4x2x128x64xf32, #tpu.memory_space<vmem>>, vector<1x1x1x16xf32>,
        %swap3A_873 = vector.shape_cast %swap3A_872 : vector<1x1x1x16xf32> to vector<16xf32>
        %swap3A_874 = vector.shape_cast %mul3A_865 : vector<16xf32> to vector<1x1x1x16xf32>
        tpu.vector_store %arg6[%swap3A_868, %swap3A_869, %swap3A_870, %swap3A_871], %swap3A_874 {strides = array<i32>} : memref<4x2x128x64xf32, #tpu.memory_space<vmem>>, vector<1x1x1x16xf32>,
        %get3A_875 = arith.constant 0 : i32
        %get3A_876 = arith.constant 0 : i32
        %get3A_877 = arith.index_cast %get3A_875 : i32 to index
        %get3A_878 = arith.index_cast %get3A_876 : i32 to index
        %get3A_879 = arith.index_cast %scan3A_814 : i32 to index
        %get3A_880 = arith.constant 48 : index
        %get3A_881 = tpu.vector_load %arg6[%get3A_877, %get3A_878, %get3A_879, %get3A_880] {strides = array<i32>} : memref<4x2x128x64xf32, #tpu.memory_space<vmem>>, vector<1x1x1x16xf32>,
        %get3A_882 = vector.shape_cast %get3A_881 : vector<1x1x1x16xf32> to vector<16xf32>
        %mul3A_883 = arith.constant 8.000000e+00 : f32
        %mul3A_884 = vector.broadcast %mul3A_883 : f32 to vector<16xf32>
        %mul3A_885 = arith.mulf %get3A_882, %mul3A_884 : vector<16xf32>
        %swap3A_886 = arith.constant 0 : i32
        %swap3A_887 = arith.constant 0 : i32
        %swap3A_888 = arith.index_cast %swap3A_886 : i32 to index
        %swap3A_889 = arith.index_cast %swap3A_887 : i32 to index
        %swap3A_890 = arith.index_cast %scan3A_814 : i32 to index
        %swap3A_891 = arith.constant 48 : index
        %swap3A_892 = tpu.vector_load %arg6[%swap3A_888, %swap3A_889, %swap3A_890, %swap3A_891] {strides = array<i32>} : memref<4x2x128x64xf32, #tpu.memory_space<vmem>>, vector<1x1x1x16xf32>,
        %swap3A_893 = vector.shape_cast %swap3A_892 : vector<1x1x1x16xf32> to vector<16xf32>
        %swap3A_894 = vector.shape_cast %mul3A_885 : vector<16xf32> to vector<1x1x1x16xf32>
        tpu.vector_store %arg6[%swap3A_888, %swap3A_889, %swap3A_890, %swap3A_891], %swap3A_894 {strides = array<i32>} : memref<4x2x128x64xf32, #tpu.memory_space<vmem>>, vector<1x1x1x16xf32>,
        %get3A_895 = arith.constant 0 : i32
        %get3A_896 = arith.constant 1 : i32
        %get3A_897 = arith.index_cast %get3A_895 : i32 to index
        %get3A_898 = arith.index_cast %get3A_896 : i32 to index
        %get3A_899 = arith.index_cast %scan3A_814 : i32 to index
        %get3A_900 = arith.constant 0 : index
        %get3A_901 = tpu.vector_load %arg6[%get3A_897, %get3A_898, %get3A_899, %get3A_900] {strides = array<i32>} : memref<4x2x128x64xf32, #tpu.memory_space<vmem>>, vector<1x1x1x16xf32>,
        %get3A_902 = vector.shape_cast %get3A_901 : vector<1x1x1x16xf32> to vector<16xf32>
        %mul3A_903 = arith.constant 8.000000e+00 : f32
        %mul3A_904 = vector.broadcast %mul3A_903 : f32 to vector<16xf32>
        %mul3A_905 = arith.mulf %get3A_902, %mul3A_904 : vector<16xf32>
        %swap3A_906 = arith.constant 0 : i32
        %swap3A_907 = arith.constant 1 : i32
        %swap3A_908 = arith.index_cast %swap3A_906 : i32 to index
        %swap3A_909 = arith.index_cast %swap3A_907 : i32 to index
        %swap3A_910 = arith.index_cast %scan3A_814 : i32 to index
        %swap3A_911 = arith.constant 0 : index
        %swap3A_912 = tpu.vector_load %arg6[%swap3A_908, %swap3A_909, %swap3A_910, %swap3A_911] {strides = array<i32>} : memref<4x2x128x64xf32, #tpu.memory_space<vmem>>, vector<1x1x1x16xf32>,
        %swap3A_913 = vector.shape_cast %swap3A_912 : vector<1x1x1x16xf32> to vector<16xf32>
        %swap3A_914 = vector.shape_cast %mul3A_905 : vector<16xf32> to vector<1x1x1x16xf32>
        tpu.vector_store %arg6[%swap3A_908, %swap3A_909, %swap3A_910, %swap3A_911], %swap3A_914 {strides = array<i32>} : memref<4x2x128x64xf32, #tpu.memory_space<vmem>>, vector<1x1x1x16xf32>,
        %get3A_915 = arith.constant 0 : i32
        %get3A_916 = arith.constant 1 : i32
        %get3A_917 = arith.index_cast %get3A_915 : i32 to index
        %get3A_918 = arith.index_cast %get3A_916 : i32 to index
        %get3A_919 = arith.index_cast %scan3A_814 : i32 to index
        %get3A_920 = arith.constant 16 : index
        %get3A_921 = tpu.vector_load %arg6[%get3A_917, %get3A_918, %get3A_919, %get3A_920] {strides = array<i32>} : memref<4x2x128x64xf32, #tpu.memory_space<vmem>>, vector<1x1x1x16xf32>,
        %get3A_922 = vector.shape_cast %get3A_921 : vector<1x1x1x16xf32> to vector<16xf32>
        %mul3A_923 = arith.constant 8.000000e+00 : f32
        %mul3A_924 = vector.broadcast %mul3A_923 : f32 to vector<16xf32>
        %mul3A_925 = arith.mulf %get3A_922, %mul3A_924 : vector<16xf32>
        %swap3A_926 = arith.constant 0 : i32
        %swap3A_927 = arith.constant 1 : i32
        %swap3A_928 = arith.index_cast %swap3A_926 : i32 to index
        %swap3A_929 = arith.index_cast %swap3A_927 : i32 to index
        %swap3A_930 = arith.index_cast %scan3A_814 : i32 to index
        %swap3A_931 = arith.constant 16 : index
        %swap3A_932 = tpu.vector_load %arg6[%swap3A_928, %swap3A_929, %swap3A_930, %swap3A_931] {strides = array<i32>} : memref<4x2x128x64xf32, #tpu.memory_space<vmem>>, vector<1x1x1x16xf32>,
        %swap3A_933 = vector.shape_cast %swap3A_932 : vector<1x1x1x16xf32> to vector<16xf32>
        %swap3A_934 = vector.shape_cast %mul3A_925 : vector<16xf32> to vector<1x1x1x16xf32>
        tpu.vector_store %arg6[%swap3A_928, %swap3A_929, %swap3A_930, %swap3A_931], %swap3A_934 {strides = array<i32>} : memref<4x2x128x64xf32, #tpu.memory_space<vmem>>, vector<1x1x1x16xf32>,
        %get3A_935 = arith.constant 0 : i32
        %get3A_936 = arith.constant 1 : i32
        %get3A_937 = arith.index_cast %get3A_935 : i32 to index
        %get3A_938 = arith.index_cast %get3A_936 : i32 to index
        %get3A_939 = arith.index_cast %scan3A_814 : i32 to index
        %get3A_940 = arith.constant 32 : index
        %get3A_941 = tpu.vector_load %arg6[%get3A_937, %get3A_938, %get3A_939, %get3A_940] {strides = array<i32>} : memref<4x2x128x64xf32, #tpu.memory_space<vmem>>, vector<1x1x1x16xf32>,
        %get3A_942 = vector.shape_cast %get3A_941 : vector<1x1x1x16xf32> to vector<16xf32>
        %mul3A_943 = arith.constant 8.000000e+00 : f32
        %mul3A_944 = vector.broadcast %mul3A_943 : f32 to vector<16xf32>
        %mul3A_945 = arith.mulf %get3A_942, %mul3A_944 : vector<16xf32>
        %swap3A_946 = arith.constant 0 : i32
        %swap3A_947 = arith.constant 1 : i32
        %swap3A_948 = arith.index_cast %swap3A_946 : i32 to index
        %swap3A_949 = arith.index_cast %swap3A_947 : i32 to index
        %swap3A_950 = arith.index_cast %scan3A_814 : i32 to index
        %swap3A_951 = arith.constant 32 : index
        %swap3A_952 = tpu.vector_load %arg6[%swap3A_948, %swap3A_949, %swap3A_950, %swap3A_951] {strides = array<i32>} : memref<4x2x128x64xf32, #tpu.memory_space<vmem>>, vector<1x1x1x16xf32>,
        %swap3A_953 = vector.shape_cast %swap3A_952 : vector<1x1x1x16xf32> to vector<16xf32>
        %swap3A_954 = vector.shape_cast %mul3A_945 : vector<16xf32> to vector<1x1x1x16xf32>
        tpu.vector_store %arg6[%swap3A_948, %swap3A_949, %swap3A_950, %swap3A_951], %swap3A_954 {strides = array<i32>} : memref<4x2x128x64xf32, #tpu.memory_space<vmem>>, vector<1x1x1x16xf32>,
        %get3A_955 = arith.constant 0 : i32
        %get3A_956 = arith.constant 1 : i32
        %get3A_957 = arith.index_cast %get3A_955 : i32 to index
        %get3A_958 = arith.index_cast %get3A_956 : i32 to index
        %get3A_959 = arith.index_cast %scan3A_814 : i32 to index
        %get3A_960 = arith.constant 48 : index
        %get3A_961 = tpu.vector_load %arg6[%get3A_957, %get3A_958, %get3A_959, %get3A_960] {strides = array<i32>} : memref<4x2x128x64xf32, #tpu.memory_space<vmem>>, vector<1x1x1x16xf32>,
        %get3A_962 = vector.shape_cast %get3A_961 : vector<1x1x1x16xf32> to vector<16xf32>
        %mul3A_963 = arith.constant 8.000000e+00 : f32
        %mul3A_964 = vector.broadcast %mul3A_963 : f32 to vector<16xf32>
        %mul3A_965 = arith.mulf %get3A_962, %mul3A_964 : vector<16xf32>
        %swap3A_966 = arith.constant 0 : i32
        %swap3A_967 = arith.constant 1 : i32
        %swap3A_968 = arith.index_cast %swap3A_966 : i32 to index
        %swap3A_969 = arith.index_cast %swap3A_967 : i32 to index
        %swap3A_970 = arith.index_cast %scan3A_814 : i32 to index
        %swap3A_971 = arith.constant 48 : index
        %swap3A_972 = tpu.vector_load %arg6[%swap3A_968, %swap3A_969, %swap3A_970, %swap3A_971] {strides = array<i32>} : memref<4x2x128x64xf32, #tpu.memory_space<vmem>>, vector<1x1x1x16xf32>,
        %swap3A_973 = vector.shape_cast %swap3A_972 : vector<1x1x1x16xf32> to vector<16xf32>
        %swap3A_974 = vector.shape_cast %mul3A_965 : vector<16xf32> to vector<1x1x1x16xf32>
        tpu.vector_store %arg6[%swap3A_968, %swap3A_969, %swap3A_970, %swap3A_971], %swap3A_974 {strides = array<i32>} : memref<4x2x128x64xf32, #tpu.memory_space<vmem>>, vector<1x1x1x16xf32>,
        %scan3A_975 = arith.constant 0 : i32
        %scan3A_976 = arith.constant 3 : i32
        %scan3A_977 = arith.addi %scan3A_489, %scan3A_976 : i32
        %get3A_978 = arith.constant 0 : i32
        %get3A_979 = arith.constant 0 : i32
        %get3A_980 = arith.index_cast %get3A_978 : i32 to index
        %get3A_981 = arith.index_cast %get3A_979 : i32 to index
        %get3A_982 = arith.index_cast %scan3A_977 : i32 to index
        %get3A_983 = arith.constant 0 : index
        %get3A_984 = tpu.vector_load %arg6[%get3A_980, %get3A_981, %get3A_982, %get3A_983] {strides = array<i32>} : memref<4x2x128x64xf32, #tpu.memory_space<vmem>>, vector<1x1x1x16xf32>,
        %get3A_985 = vector.shape_cast %get3A_984 : vector<1x1x1x16xf32> to vector<16xf32>
        %mul3A_986 = arith.constant 8.000000e+00 : f32
        %mul3A_987 = vector.broadcast %mul3A_986 : f32 to vector<16xf32>
        %mul3A_988 = arith.mulf %get3A_985, %mul3A_987 : vector<16xf32>
        %swap3A_989 = arith.constant 0 : i32
        %swap3A_990 = arith.constant 0 : i32
        %swap3A_991 = arith.index_cast %swap3A_989 : i32 to index
        %swap3A_992 = arith.index_cast %swap3A_990 : i32 to index
        %swap3A_993 = arith.index_cast %scan3A_977 : i32 to index
        %swap3A_994 = arith.constant 0 : index
        %swap3A_995 = tpu.vector_load %arg6[%swap3A_991, %swap3A_992, %swap3A_993, %swap3A_994] {strides = array<i32>} : memref<4x2x128x64xf32, #tpu.memory_space<vmem>>, vector<1x1x1x16xf32>,
        %swap3A_996 = vector.shape_cast %swap3A_995 : vector<1x1x1x16xf32> to vector<16xf32>
        %swap3A_997 = vector.shape_cast %mul3A_988 : vector<16xf32> to vector<1x1x1x16xf32>
        tpu.vector_store %arg6[%swap3A_991, %swap3A_992, %swap3A_993, %swap3A_994], %swap3A_997 {strides = array<i32>} : memref<4x2x128x64xf32, #tpu.memory_space<vmem>>, vector<1x1x1x16xf32>,
        %get3A_998 = arith.constant 0 : i32
        %get3A_999 = arith.constant 0 : i32
        %get3A_1000 = arith.index_cast %get3A_998 : i32 to index
        %get3A_1001 = arith.index_cast %get3A_999 : i32 to index
        %get3A_1002 = arith.index_cast %scan3A_977 : i32 to index
        %get3A_1003 = arith.constant 16 : index
        %get3A_1004 = tpu.vector_load %arg6[%get3A_1000, %get3A_1001, %get3A_1002, %get3A_1003] {strides = array<i32>} : memref<4x2x128x64xf32, #tpu.memory_space<vmem>>, vector<1x1x1x16xf32>,
        %get3A_1005 = vector.shape_cast %get3A_1004 : vector<1x1x1x16xf32> to vector<16xf32>
        %mul3A_1006 = arith.constant 8.000000e+00 : f32
        %mul3A_1007 = vector.broadcast %mul3A_1006 : f32 to vector<16xf32>
        %mul3A_1008 = arith.mulf %get3A_1005, %mul3A_1007 : vector<16xf32>
        %swap3A_1009 = arith.constant 0 : i32
        %swap3A_1010 = arith.constant 0 : i32
        %swap3A_1011 = arith.index_cast %swap3A_1009 : i32 to index
        %swap3A_1012 = arith.index_cast %swap3A_1010 : i32 to index
        %swap3A_1013 = arith.index_cast %scan3A_977 : i32 to index
        %swap3A_1014 = arith.constant 16 : index
        %swap3A_1015 = tpu.vector_load %arg6[%swap3A_1011, %swap3A_1012, %swap3A_1013, %swap3A_1014] {strides = array<i32>} : memref<4x2x128x64xf32, #tpu.memory_space<vmem>>, vector<1x1x1x16xf32>,
        %swap3A_1016 = vector.shape_cast %swap3A_1015 : vector<1x1x1x16xf32> to vector<16xf32>
        %swap3A_1017 = vector.shape_cast %mul3A_1008 : vector<16xf32> to vector<1x1x1x16xf32>
        tpu.vector_store %arg6[%swap3A_1011, %swap3A_1012, %swap3A_1013, %swap3A_1014], %swap3A_1017 {strides = array<i32>} : memref<4x2x128x64xf32, #tpu.memory_space<vmem>>, vector<1x1x1x16xf32>,
        %get3A_1018 = arith.constant 0 : i32
        %get3A_1019 = arith.constant 0 : i32
        %get3A_1020 = arith.index_cast %get3A_1018 : i32 to index
        %get3A_1021 = arith.index_cast %get3A_1019 : i32 to index
        %get3A_1022 = arith.index_cast %scan3A_977 : i32 to index
        %get3A_1023 = arith.constant 32 : index
        %get3A_1024 = tpu.vector_load %arg6[%get3A_1020, %get3A_1021, %get3A_1022, %get3A_1023] {strides = array<i32>} : memref<4x2x128x64xf32, #tpu.memory_space<vmem>>, vector<1x1x1x16xf32>,
        %get3A_1025 = vector.shape_cast %get3A_1024 : vector<1x1x1x16xf32> to vector<16xf32>
        %mul3A_1026 = arith.constant 8.000000e+00 : f32
        %mul3A_1027 = vector.broadcast %mul3A_1026 : f32 to vector<16xf32>
        %mul3A_1028 = arith.mulf %get3A_1025, %mul3A_1027 : vector<16xf32>
        %swap3A_1029 = arith.constant 0 : i32
        %swap3A_1030 = arith.constant 0 : i32
        %swap3A_1031 = arith.index_cast %swap3A_1029 : i32 to index
        %swap3A_1032 = arith.index_cast %swap3A_1030 : i32 to index
        %swap3A_1033 = arith.index_cast %scan3A_977 : i32 to index
        %swap3A_1034 = arith.constant 32 : index
        %swap3A_1035 = tpu.vector_load %arg6[%swap3A_1031, %swap3A_1032, %swap3A_1033, %swap3A_1034] {strides = array<i32>} : memref<4x2x128x64xf32, #tpu.memory_space<vmem>>, vector<1x1x1x16xf32>,
        %swap3A_1036 = vector.shape_cast %swap3A_1035 : vector<1x1x1x16xf32> to vector<16xf32>
        %swap3A_1037 = vector.shape_cast %mul3A_1028 : vector<16xf32> to vector<1x1x1x16xf32>
        tpu.vector_store %arg6[%swap3A_1031, %swap3A_1032, %swap3A_1033, %swap3A_1034], %swap3A_1037 {strides = array<i32>} : memref<4x2x128x64xf32, #tpu.memory_space<vmem>>, vector<1x1x1x16xf32>,
        %get3A_1038 = arith.constant 0 : i32
        %get3A_1039 = arith.constant 0 : i32
        %get3A_1040 = arith.index_cast %get3A_1038 : i32 to index
        %get3A_1041 = arith.index_cast %get3A_1039 : i32 to index
        %get3A_1042 = arith.index_cast %scan3A_977 : i32 to index
        %get3A_1043 = arith.constant 48 : index
        %get3A_1044 = tpu.vector_load %arg6[%get3A_1040, %get3A_1041, %get3A_1042, %get3A_1043] {strides = array<i32>} : memref<4x2x128x64xf32, #tpu.memory_space<vmem>>, vector<1x1x1x16xf32>,
        %get3A_1045 = vector.shape_cast %get3A_1044 : vector<1x1x1x16xf32> to vector<16xf32>
        %mul3A_1046 = arith.constant 8.000000e+00 : f32
        %mul3A_1047 = vector.broadcast %mul3A_1046 : f32 to vector<16xf32>
        %mul3A_1048 = arith.mulf %get3A_1045, %mul3A_1047 : vector<16xf32>
        %swap3A_1049 = arith.constant 0 : i32
        %swap3A_1050 = arith.constant 0 : i32
        %swap3A_1051 = arith.index_cast %swap3A_1049 : i32 to index
        %swap3A_1052 = arith.index_cast %swap3A_1050 : i32 to index
        %swap3A_1053 = arith.index_cast %scan3A_977 : i32 to index
        %swap3A_1054 = arith.constant 48 : index
        %swap3A_1055 = tpu.vector_load %arg6[%swap3A_1051, %swap3A_1052, %swap3A_1053, %swap3A_1054] {strides = array<i32>} : memref<4x2x128x64xf32, #tpu.memory_space<vmem>>, vector<1x1x1x16xf32>,
        %swap3A_1056 = vector.shape_cast %swap3A_1055 : vector<1x1x1x16xf32> to vector<16xf32>
        %swap3A_1057 = vector.shape_cast %mul3A_1048 : vector<16xf32> to vector<1x1x1x16xf32>
        tpu.vector_store %arg6[%swap3A_1051, %swap3A_1052, %swap3A_1053, %swap3A_1054], %swap3A_1057 {strides = array<i32>} : memref<4x2x128x64xf32, #tpu.memory_space<vmem>>, vector<1x1x1x16xf32>,
        %get3A_1058 = arith.constant 0 : i32
        %get3A_1059 = arith.constant 1 : i32
        %get3A_1060 = arith.index_cast %get3A_1058 : i32 to index
        %get3A_1061 = arith.index_cast %get3A_1059 : i32 to index
        %get3A_1062 = arith.index_cast %scan3A_977 : i32 to index
        %get3A_1063 = arith.constant 0 : index
        %get3A_1064 = tpu.vector_load %arg6[%get3A_1060, %get3A_1061, %get3A_1062, %get3A_1063] {strides = array<i32>} : memref<4x2x128x64xf32, #tpu.memory_space<vmem>>, vector<1x1x1x16xf32>,
        %get3A_1065 = vector.shape_cast %get3A_1064 : vector<1x1x1x16xf32> to vector<16xf32>
        %mul3A_1066 = arith.constant 8.000000e+00 : f32
        %mul3A_1067 = vector.broadcast %mul3A_1066 : f32 to vector<16xf32>
        %mul3A_1068 = arith.mulf %get3A_1065, %mul3A_1067 : vector<16xf32>
        %swap3A_1069 = arith.constant 0 : i32
        %swap3A_1070 = arith.constant 1 : i32
        %swap3A_1071 = arith.index_cast %swap3A_1069 : i32 to index
        %swap3A_1072 = arith.index_cast %swap3A_1070 : i32 to index
        %swap3A_1073 = arith.index_cast %scan3A_977 : i32 to index
        %swap3A_1074 = arith.constant 0 : index
        %swap3A_1075 = tpu.vector_load %arg6[%swap3A_1071, %swap3A_1072, %swap3A_1073, %swap3A_1074] {strides = array<i32>} : memref<4x2x128x64xf32, #tpu.memory_space<vmem>>, vector<1x1x1x16xf32>,
        %swap3A_1076 = vector.shape_cast %swap3A_1075 : vector<1x1x1x16xf32> to vector<16xf32>
        %swap3A_1077 = vector.shape_cast %mul3A_1068 : vector<16xf32> to vector<1x1x1x16xf32>
        tpu.vector_store %arg6[%swap3A_1071, %swap3A_1072, %swap3A_1073, %swap3A_1074], %swap3A_1077 {strides = array<i32>} : memref<4x2x128x64xf32, #tpu.memory_space<vmem>>, vector<1x1x1x16xf32>,
        %get3A_1078 = arith.constant 0 : i32
        %get3A_1079 = arith.constant 1 : i32
        %get3A_1080 = arith.index_cast %get3A_1078 : i32 to index
        %get3A_1081 = arith.index_cast %get3A_1079 : i32 to index
        %get3A_1082 = arith.index_cast %scan3A_977 : i32 to index
        %get3A_1083 = arith.constant 16 : index
        %get3A_1084 = tpu.vector_load %arg6[%get3A_1080, %get3A_1081, %get3A_1082, %get3A_1083] {strides = array<i32>} : memref<4x2x128x64xf32, #tpu.memory_space<vmem>>, vector<1x1x1x16xf32>,
        %get3A_1085 = vector.shape_cast %get3A_1084 : vector<1x1x1x16xf32> to vector<16xf32>
        %mul3A_1086 = arith.constant 8.000000e+00 : f32
        %mul3A_1087 = vector.broadcast %mul3A_1086 : f32 to vector<16xf32>
        %mul3A_1088 = arith.mulf %get3A_1085, %mul3A_1087 : vector<16xf32>
        %swap3A_1089 = arith.constant 0 : i32
        %swap3A_1090 = arith.constant 1 : i32
        %swap3A_1091 = arith.index_cast %swap3A_1089 : i32 to index
        %swap3A_1092 = arith.index_cast %swap3A_1090 : i32 to index
        %swap3A_1093 = arith.index_cast %scan3A_977 : i32 to index
        %swap3A_1094 = arith.constant 16 : index
        %swap3A_1095 = tpu.vector_load %arg6[%swap3A_1091, %swap3A_1092, %swap3A_1093, %swap3A_1094] {strides = array<i32>} : memref<4x2x128x64xf32, #tpu.memory_space<vmem>>, vector<1x1x1x16xf32>,
        %swap3A_1096 = vector.shape_cast %swap3A_1095 : vector<1x1x1x16xf32> to vector<16xf32>
        %swap3A_1097 = vector.shape_cast %mul3A_1088 : vector<16xf32> to vector<1x1x1x16xf32>
        tpu.vector_store %arg6[%swap3A_1091, %swap3A_1092, %swap3A_1093, %swap3A_1094], %swap3A_1097 {strides = array<i32>} : memref<4x2x128x64xf32, #tpu.memory_space<vmem>>, vector<1x1x1x16xf32>,
        %get3A_1098 = arith.constant 0 : i32
        %get3A_1099 = arith.constant 1 : i32
        %get3A_1100 = arith.index_cast %get3A_1098 : i32 to index
        %get3A_1101 = arith.index_cast %get3A_1099 : i32 to index
        %get3A_1102 = arith.index_cast %scan3A_977 : i32 to index
        %get3A_1103 = arith.constant 32 : index
        %get3A_1104 = tpu.vector_load %arg6[%get3A_1100, %get3A_1101, %get3A_1102, %get3A_1103] {strides = array<i32>} : memref<4x2x128x64xf32, #tpu.memory_space<vmem>>, vector<1x1x1x16xf32>,
        %get3A_1105 = vector.shape_cast %get3A_1104 : vector<1x1x1x16xf32> to vector<16xf32>
        %mul3A_1106 = arith.constant 8.000000e+00 : f32
        %mul3A_1107 = vector.broadcast %mul3A_1106 : f32 to vector<16xf32>
        %mul3A_1108 = arith.mulf %get3A_1105, %mul3A_1107 : vector<16xf32>
        %swap3A_1109 = arith.constant 0 : i32
        %swap3A_1110 = arith.constant 1 : i32
        %swap3A_1111 = arith.index_cast %swap3A_1109 : i32 to index
        %swap3A_1112 = arith.index_cast %swap3A_1110 : i32 to index
        %swap3A_1113 = arith.index_cast %scan3A_977 : i32 to index
        %swap3A_1114 = arith.constant 32 : index
        %swap3A_1115 = tpu.vector_load %arg6[%swap3A_1111, %swap3A_1112, %swap3A_1113, %swap3A_1114] {strides = array<i32>} : memref<4x2x128x64xf32, #tpu.memory_space<vmem>>, vector<1x1x1x16xf32>,
        %swap3A_1116 = vector.shape_cast %swap3A_1115 : vector<1x1x1x16xf32> to vector<16xf32>
        %swap3A_1117 = vector.shape_cast %mul3A_1108 : vector<16xf32> to vector<1x1x1x16xf32>
        tpu.vector_store %arg6[%swap3A_1111, %swap3A_1112, %swap3A_1113, %swap3A_1114], %swap3A_1117 {strides = array<i32>} : memref<4x2x128x64xf32, #tpu.memory_space<vmem>>, vector<1x1x1x16xf32>,
        %get3A_1118 = arith.constant 0 : i32
        %get3A_1119 = arith.constant 1 : i32
        %get3A_1120 = arith.index_cast %get3A_1118 : i32 to index
        %get3A_1121 = arith.index_cast %get3A_1119 : i32 to index
        %get3A_1122 = arith.index_cast %scan3A_977 : i32 to index
        %get3A_1123 = arith.constant 48 : index
        %get3A_1124 = tpu.vector_load %arg6[%get3A_1120, %get3A_1121, %get3A_1122, %get3A_1123] {strides = array<i32>} : memref<4x2x128x64xf32, #tpu.memory_space<vmem>>, vector<1x1x1x16xf32>,
        %get3A_1125 = vector.shape_cast %get3A_1124 : vector<1x1x1x16xf32> to vector<16xf32>
        %mul3A_1126 = arith.constant 8.000000e+00 : f32
        %mul3A_1127 = vector.broadcast %mul3A_1126 : f32 to vector<16xf32>
        %mul3A_1128 = arith.mulf %get3A_1125, %mul3A_1127 : vector<16xf32>
        %swap3A_1129 = arith.constant 0 : i32
        %swap3A_1130 = arith.constant 1 : i32
        %swap3A_1131 = arith.index_cast %swap3A_1129 : i32 to index
        %swap3A_1132 = arith.index_cast %swap3A_1130 : i32 to index
        %swap3A_1133 = arith.index_cast %scan3A_977 : i32 to index
        %swap3A_1134 = arith.constant 48 : index
        %swap3A_1135 = tpu.vector_load %arg6[%swap3A_1131, %swap3A_1132, %swap3A_1133, %swap3A_1134] {strides = array<i32>} : memref<4x2x128x64xf32, #tpu.memory_space<vmem>>, vector<1x1x1x16xf32>,
        %swap3A_1136 = vector.shape_cast %swap3A_1135 : vector<1x1x1x16xf32> to vector<16xf32>
        %swap3A_1137 = vector.shape_cast %mul3A_1128 : vector<16xf32> to vector<1x1x1x16xf32>
        tpu.vector_store %arg6[%swap3A_1131, %swap3A_1132, %swap3A_1133, %swap3A_1134], %swap3A_1137 {strides = array<i32>} : memref<4x2x128x64xf32, #tpu.memory_space<vmem>>, vector<1x1x1x16xf32>,
        %scan3A_1138 = arith.constant 0 : i32
        scf.yield %scan3A_1138 : i32
      }
      %scan3A_237 = arith.constant 128 : i32
      %mul3A_238 = arith.constant 2 : i32
      %mul3A_239 = arith.muli %add3A_194, %mul3A_238 : i32
      %add3A_240 = arith.addi %mul3A_2, %mul3A_239 : i32
      %dma_start3A_241 = arith.constant 0 : i32
      %dma_start3A_242 = arith.constant 0 : i32
      %dma_start3A_243 = arith.constant 0 : i32
      %dma_start3A_244 = arith.constant 0 : i32
      %dma_start3A_245 = arith.constant 0 : i32
      %dma_start3A_246 = tpu.memref_slice %arg6[%dma_start3A_241, %dma_start3A_243, %dma_start3A_244, %dma_start3A_245] : memref<4x2x128x64xf32, #tpu.memory_space<vmem>> -> memref<1x2x128x64xf32, #tpu.memory_space<vmem>>
      %dma_start3A_247 = tpu.memref_squeeze %dma_start3A_246 : memref<1x2x128x64xf32, #tpu.memory_space<vmem>> -> memref<2x128x64xf32, #tpu.memory_space<vmem>>
      %dma_start3A_248 = arith.constant 0 : i32
      %dma_start3A_249 = arith.constant 0 : i32
      %dma_start3A_250 = tpu.memref_slice %arg4[%add3A_240, %dma_start3A_248, %dma_start3A_249] : memref<6400x128x64xf32, #tpu.memory_space<hbm>> -> memref<2x128x64xf32, #tpu.memory_space<hbm>>
      %dma_start3A_251 = tpu.memref_slice %arg8[%dma_start3A_242] : memref<4x!tpu.dma_semaphore, #tpu.memory_space<semaphore_mem>> -> memref<1x!tpu.dma_semaphore, #tpu.memory_space<semaphore_mem>>
      %dma_start3A_252 = tpu.memref_squeeze %dma_start3A_251 : memref<1x!tpu.dma_semaphore, #tpu.memory_space<semaphore_mem>> -> memref<!tpu.dma_semaphore, #tpu.memory_space<semaphore_mem>>
      %dma_start3A_253 = arith.constant 0 : i32
      %dma_start3A_254 = arith.constant 0 : i32
      %dma_start3A_255 = tpu.memref_slice %arg4[%add3A_240, %dma_start3A_253, %dma_start3A_254] : memref<6400x128x64xf32, #tpu.memory_space<hbm>> -> memref<2x128x64xf32, #tpu.memory_space<hbm>>
      %dma_start3A_256 = arith.constant 0 : i32
      %dma_start3A_257 = arith.constant 0 : i32
      %dma_start3A_258 = arith.constant 0 : i32
      %dma_start3A_259 = tpu.memref_slice %arg6[%dma_start3A_241, %dma_start3A_256, %dma_start3A_257, %dma_start3A_258] : memref<4x2x128x64xf32, #tpu.memory_space<vmem>> -> memref<1x2x128x64xf32, #tpu.memory_space<vmem>>
      %dma_start3A_260 = tpu.memref_squeeze %dma_start3A_259 : memref<1x2x128x64xf32, #tpu.memory_space<vmem>> -> memref<2x128x64xf32, #tpu.memory_space<vmem>>
      tpu.enqueue_dma source(%dma_start3A_260 : memref<2x128x64xf32, #tpu.memory_space<vmem>>) target(%dma_start3A_255 : memref<2x128x64xf32, #tpu.memory_space<hbm>>) target_semaphore(%dma_start3A_252 : memref<!tpu.dma_semaphore, #tpu.memory_space<semaphore_mem>>)
      %mul3A_261 = arith.constant 4 : i32
      %mul3A_262 = arith.muli %scan3A_190, %mul3A_261 : i32
      %add3A_263 = arith.constant 1 : i32
      %add3A_264 = arith.addi %mul3A_262, %add3A_263 : i32
      %add3A_265 = arith.constant 4 : i32
      %add3A_266 = arith.addi %add3A_264, %add3A_265 : i32
      %sub3A_267 = arith.constant 1 : i32
      %sub3A_268 = arith.subi %add3A_266, %sub3A_267 : i32
      %lt3A_269 = arith.constant 100 : i32
      %lt3A_270 = arith.cmpi slt, %sub3A_268, %lt3A_269 : i32
      %ge3A_271 = arith.constant 4 : i32
      %ge3A_272 = arith.cmpi sge, %sub3A_268, %ge3A_271 : i32
      %and3A_273 = arith.andi %lt3A_270, %ge3A_272 : i1
      %convert_element_type3A_274 = arith.extui %and3A_273 : i1 to i32
      %cond3A_275 = arith.constant 0 : i32
      %cond3A_276 = arith.cmpi ne, %convert_element_type3A_274, %cond3A_275 : i32
      scf.if %cond3A_276 {
        %dma_wait3A_489 = arith.constant 0 : i32
        %dma_wait3A_490 = arith.constant 0 : i32
        %dma_wait3A_491 = arith.constant 0 : i32
        %dma_wait3A_492 = arith.constant 0 : i32
        %dma_wait3A_493 = arith.constant 0 : i32
        %dma_wait3A_494 = tpu.memref_slice %arg6[%dma_wait3A_489, %dma_wait3A_491, %dma_wait3A_492, %dma_wait3A_493] : memref<4x2x128x64xf32, #tpu.memory_space<vmem>> -> memref<1x2x128x64xf32, #tpu.memory_space<vmem>>
        %dma_wait3A_495 = tpu.memref_squeeze %dma_wait3A_494 : memref<1x2x128x64xf32, #tpu.memory_space<vmem>> -> memref<2x128x64xf32, #tpu.memory_space<vmem>>
        %dma_wait3A_496 = arith.constant 0 : i32
        %dma_wait3A_497 = arith.constant 0 : i32
        %dma_wait3A_498 = arith.constant 0 : i32
        %dma_wait3A_499 = tpu.memref_slice %arg4[%dma_wait3A_496, %dma_wait3A_497, %dma_wait3A_498] : memref<6400x128x64xf32, #tpu.memory_space<hbm>> -> memref<2x128x64xf32, #tpu.memory_space<hbm>>
        %dma_wait3A_500 = tpu.memref_slice %arg8[%dma_wait3A_490] : memref<4x!tpu.dma_semaphore, #tpu.memory_space<semaphore_mem>> -> memref<1x!tpu.dma_semaphore, #tpu.memory_space<semaphore_mem>>
        %dma_wait3A_501 = tpu.memref_squeeze %dma_wait3A_500 : memref<1x!tpu.dma_semaphore, #tpu.memory_space<semaphore_mem>> -> memref<!tpu.dma_semaphore, #tpu.memory_space<semaphore_mem>>
        %dma_wait3A_502 = arith.constant 0 : i32
        %dma_wait3A_503 = arith.constant 0 : i32
        %dma_wait3A_504 = arith.constant 0 : i32
        %dma_wait3A_505 = tpu.memref_slice %arg4[%dma_wait3A_502, %dma_wait3A_503, %dma_wait3A_504] : memref<6400x128x64xf32, #tpu.memory_space<hbm>> -> memref<2x128x64xf32, #tpu.memory_space<hbm>>
        %dma_wait3A_506 = arith.constant 0 : i32
        %dma_wait3A_507 = arith.constant 0 : i32
        %dma_wait3A_508 = arith.constant 0 : i32
        %dma_wait3A_509 = tpu.memref_slice %arg6[%dma_wait3A_489, %dma_wait3A_506, %dma_wait3A_507, %dma_wait3A_508] : memref<4x2x128x64xf32, #tpu.memory_space<vmem>> -> memref<1x2x128x64xf32, #tpu.memory_space<vmem>>
        %dma_wait3A_510 = tpu.memref_squeeze %dma_wait3A_509 : memref<1x2x128x64xf32, #tpu.memory_space<vmem>> -> memref<2x128x64xf32, #tpu.memory_space<vmem>>
        tpu.wait_dma2 semaphore(%dma_wait3A_501 : memref<!tpu.dma_semaphore, #tpu.memory_space<semaphore_mem>>) src(%dma_wait3A_510 : memref<2x128x64xf32, #tpu.memory_space<vmem>>) dst(%dma_wait3A_505 : memref<2x128x64xf32, #tpu.memory_space<hbm>>)
        %mul3A_511 = arith.constant 2 : i32
        %mul3A_512 = arith.muli %sub3A_268, %mul3A_511 : i32
        %add3A_513 = arith.constant 0 : i32
        %add3A_514 = arith.addi %mul3A_512, %add3A_513 : i32
        %dma_start3A_515 = arith.constant 0 : i32
        %dma_start3A_516 = arith.constant 0 : i32
        %dma_start3A_517 = arith.constant 0 : i32
        %dma_start3A_518 = arith.constant 0 : i32
        %dma_start3A_519 = arith.constant 0 : i32
        %dma_start3A_520 = tpu.memref_slice %arg6[%dma_start3A_515, %dma_start3A_516, %dma_start3A_518, %dma_start3A_519] : memref<4x2x128x64xf32, #tpu.memory_space<vmem>> -> memref<1x1x128x64xf32, #tpu.memory_space<vmem>>
        %dma_start3A_521 = tpu.memref_squeeze %dma_start3A_520 : memref<1x1x128x64xf32, #tpu.memory_space<vmem>> -> memref<128x64xf32, #tpu.memory_space<vmem>>
        %dma_start3A_522 = arith.constant 0 : i32
        %dma_start3A_523 = tpu.memref_slice %arg5[%add3A_514, %dma_start3A_522] : memref<200x128xi32, #tpu.memory_space<vmem>> -> memref<1x128xi32, #tpu.memory_space<vmem>>
        %dma_start3A_524 = tpu.memref_squeeze %dma_start3A_523 : memref<1x128xi32, #tpu.memory_space<vmem>> -> memref<128xi32, #tpu.memory_space<vmem>>
        %dma_start3A_525 = arith.constant 0 : i32
        %dma_start3A_526 = arith.constant 0 : i32
        %dma_start3A_527 = tpu.memref_slice %arg3[%dma_start3A_525, %dma_start3A_526] : memref<1000000x64xf32, #tpu.memory_space<hbm>> -> memref<1000000x64xf32, #tpu.memory_space<hbm>>
        %dma_start3A_528 = tpu.memref_slice %arg7[%dma_start3A_517] : memref<4x!tpu.dma_semaphore, #tpu.memory_space<semaphore_mem>> -> memref<1x!tpu.dma_semaphore, #tpu.memory_space<semaphore_mem>>
        %dma_start3A_529 = tpu.memref_squeeze %dma_start3A_528 : memref<1x!tpu.dma_semaphore, #tpu.memory_space<semaphore_mem>> -> memref<!tpu.dma_semaphore, #tpu.memory_space<semaphore_mem>>
        tpu.enqueue_indirect_dma source(%dma_start3A_527 : memref<1000000x64xf32, #tpu.memory_space<hbm>>) target(%dma_start3A_521 : memref<128x64xf32, #tpu.memory_space<vmem>>) offsets(%dma_start3A_524 : memref<128xi32, #tpu.memory_space<vmem>>) semaphore(%dma_start3A_529 : memref<!tpu.dma_semaphore, #tpu.memory_space<semaphore_mem>>)
        %mul3A_530 = arith.constant 2 : i32
        %mul3A_531 = arith.muli %sub3A_268, %mul3A_530 : i32
        %add3A_532 = arith.constant 1 : i32
        %add3A_533 = arith.addi %mul3A_531, %add3A_532 : i32
        %dma_start3A_534 = arith.constant 0 : i32
        %dma_start3A_535 = arith.constant 1 : i32
        %dma_start3A_536 = arith.constant 0 : i32
        %dma_start3A_537 = arith.constant 0 : i32
        %dma_start3A_538 = arith.constant 0 : i32
        %dma_start3A_539 = tpu.memref_slice %arg6[%dma_start3A_534, %dma_start3A_535, %dma_start3A_537, %dma_start3A_538] : memref<4x2x128x64xf32, #tpu.memory_space<vmem>> -> memref<1x1x128x64xf32, #tpu.memory_space<vmem>>
        %dma_start3A_540 = tpu.memref_squeeze %dma_start3A_539 : memref<1x1x128x64xf32, #tpu.memory_space<vmem>> -> memref<128x64xf32, #tpu.memory_space<vmem>>
        %dma_start3A_541 = arith.constant 0 : i32
        %dma_start3A_542 = tpu.memref_slice %arg5[%add3A_533, %dma_start3A_541] : memref<200x128xi32, #tpu.memory_space<vmem>> -> memref<1x128xi32, #tpu.memory_space<vmem>>
        %dma_start3A_543 = tpu.memref_squeeze %dma_start3A_542 : memref<1x128xi32, #tpu.memory_space<vmem>> -> memref<128xi32, #tpu.memory_space<vmem>>
        %dma_start3A_544 = arith.constant 0 : i32
        %dma_start3A_545 = arith.constant 0 : i32
        %dma_start3A_546 = tpu.memref_slice %arg3[%dma_start3A_544, %dma_start3A_545] : memref<1000000x64xf32, #tpu.memory_space<hbm>> -> memref<1000000x64xf32, #tpu.memory_space<hbm>>
        %dma_start3A_547 = tpu.memref_slice %arg7[%dma_start3A_536] : memref<4x!tpu.dma_semaphore, #tpu.memory_space<semaphore_mem>> -> memref<1x!tpu.dma_semaphore, #tpu.memory_space<semaphore_mem>>
        %dma_start3A_548 = tpu.memref_squeeze %dma_start3A_547 : memref<1x!tpu.dma_semaphore, #tpu.memory_space<semaphore_mem>> -> memref<!tpu.dma_semaphore, #tpu.memory_space<semaphore_mem>>
        tpu.enqueue_indirect_dma source(%dma_start3A_546 : memref<1000000x64xf32, #tpu.memory_space<hbm>>) target(%dma_start3A_540 : memref<128x64xf32, #tpu.memory_space<vmem>>) offsets(%dma_start3A_543 : memref<128xi32, #tpu.memory_space<vmem>>) semaphore(%dma_start3A_548 : memref<!tpu.dma_semaphore, #tpu.memory_space<semaphore_mem>>)
      } else {
      }
      %lt3A_277 = arith.constant 100 : i32
      %lt3A_278 = arith.cmpi slt, %sub3A_268, %lt3A_277 : i32
      %lt3A_279 = arith.constant 4 : i32
      %lt3A_280 = arith.cmpi slt, %sub3A_268, %lt3A_279 : i32
      %and3A_281 = arith.andi %lt3A_278, %lt3A_280 : i1
      %convert_element_type3A_282 = arith.extui %and3A_281 : i1 to i32
      %cond3A_283 = arith.constant 0 : i32
      %cond3A_284 = arith.cmpi ne, %convert_element_type3A_282, %cond3A_283 : i32
      scf.if %cond3A_284 {
        %mul3A_489 = arith.constant 2 : i32
        %mul3A_490 = arith.muli %sub3A_268, %mul3A_489 : i32
        %add3A_491 = arith.constant 0 : i32
        %add3A_492 = arith.addi %mul3A_490, %add3A_491 : i32
        %dma_start3A_493 = arith.constant 0 : i32
        %dma_start3A_494 = arith.constant 0 : i32
        %dma_start3A_495 = arith.constant 0 : i32
        %dma_start3A_496 = arith.constant 0 : i32
        %dma_start3A_497 = arith.constant 0 : i32
        %dma_start3A_498 = tpu.memref_slice %arg6[%dma_start3A_493, %dma_start3A_494, %dma_start3A_496, %dma_start3A_497] : memref<4x2x128x64xf32, #tpu.memory_space<vmem>> -> memref<1x1x128x64xf32, #tpu.memory_space<vmem>>
        %dma_start3A_499 = tpu.memref_squeeze %dma_start3A_498 : memref<1x1x128x64xf32, #tpu.memory_space<vmem>> -> memref<128x64xf32, #tpu.memory_space<vmem>>
        %dma_start3A_500 = arith.constant 0 : i32
        %dma_start3A_501 = tpu.memref_slice %arg5[%add3A_492, %dma_start3A_500] : memref<200x128xi32, #tpu.memory_space<vmem>> -> memref<1x128xi32, #tpu.memory_space<vmem>>
        %dma_start3A_502 = tpu.memref_squeeze %dma_start3A_501 : memref<1x128xi32, #tpu.memory_space<vmem>> -> memref<128xi32, #tpu.memory_space<vmem>>
        %dma_start3A_503 = arith.constant 0 : i32
        %dma_start3A_504 = arith.constant 0 : i32
        %dma_start3A_505 = tpu.memref_slice %arg3[%dma_start3A_503, %dma_start3A_504] : memref<1000000x64xf32, #tpu.memory_space<hbm>> -> memref<1000000x64xf32, #tpu.memory_space<hbm>>
        %dma_start3A_506 = tpu.memref_slice %arg7[%dma_start3A_495] : memref<4x!tpu.dma_semaphore, #tpu.memory_space<semaphore_mem>> -> memref<1x!tpu.dma_semaphore, #tpu.memory_space<semaphore_mem>>
        %dma_start3A_507 = tpu.memref_squeeze %dma_start3A_506 : memref<1x!tpu.dma_semaphore, #tpu.memory_space<semaphore_mem>> -> memref<!tpu.dma_semaphore, #tpu.memory_space<semaphore_mem>>
        tpu.enqueue_indirect_dma source(%dma_start3A_505 : memref<1000000x64xf32, #tpu.memory_space<hbm>>) target(%dma_start3A_499 : memref<128x64xf32, #tpu.memory_space<vmem>>) offsets(%dma_start3A_502 : memref<128xi32, #tpu.memory_space<vmem>>) semaphore(%dma_start3A_507 : memref<!tpu.dma_semaphore, #tpu.memory_space<semaphore_mem>>)
        %mul3A_508 = arith.constant 2 : i32
        %mul3A_509 = arith.muli %sub3A_268, %mul3A_508 : i32
        %add3A_510 = arith.constant 1 : i32
        %add3A_511 = arith.addi %mul3A_509, %add3A_510 : i32
        %dma_start3A_512 = arith.constant 0 : i32
        %dma_start3A_513 = arith.constant 1 : i32
        %dma_start3A_514 = arith.constant 0 : i32
        %dma_start3A_515 = arith.constant 0 : i32
        %dma_start3A_516 = arith.constant 0 : i32
        %dma_start3A_517 = tpu.memref_slice %arg6[%dma_start3A_512, %dma_start3A_513, %dma_start3A_515, %dma_start3A_516] : memref<4x2x128x64xf32, #tpu.memory_space<vmem>> -> memref<1x1x128x64xf32, #tpu.memory_space<vmem>>
        %dma_start3A_518 = tpu.memref_squeeze %dma_start3A_517 : memref<1x1x128x64xf32, #tpu.memory_space<vmem>> -> memref<128x64xf32, #tpu.memory_space<vmem>>
        %dma_start3A_519 = arith.constant 0 : i32
        %dma_start3A_520 = tpu.memref_slice %arg5[%add3A_511, %dma_start3A_519] : memref<200x128xi32, #tpu.memory_space<vmem>> -> memref<1x128xi32, #tpu.memory_space<vmem>>
        %dma_start3A_521 = tpu.memref_squeeze %dma_start3A_520 : memref<1x128xi32, #tpu.memory_space<vmem>> -> memref<128xi32, #tpu.memory_space<vmem>>
        %dma_start3A_522 = arith.constant 0 : i32
        %dma_start3A_523 = arith.constant 0 : i32
        %dma_start3A_524 = tpu.memref_slice %arg3[%dma_start3A_522, %dma_start3A_523] : memref<1000000x64xf32, #tpu.memory_space<hbm>> -> memref<1000000x64xf32, #tpu.memory_space<hbm>>
        %dma_start3A_525 = tpu.memref_slice %arg7[%dma_start3A_514] : memref<4x!tpu.dma_semaphore, #tpu.memory_space<semaphore_mem>> -> memref<1x!tpu.dma_semaphore, #tpu.memory_space<semaphore_mem>>
        %dma_start3A_526 = tpu.memref_squeeze %dma_start3A_525 : memref<1x!tpu.dma_semaphore, #tpu.memory_space<semaphore_mem>> -> memref<!tpu.dma_semaphore, #tpu.memory_space<semaphore_mem>>
        tpu.enqueue_indirect_dma source(%dma_start3A_524 : memref<1000000x64xf32, #tpu.memory_space<hbm>>) target(%dma_start3A_518 : memref<128x64xf32, #tpu.memory_space<vmem>>) offsets(%dma_start3A_521 : memref<128xi32, #tpu.memory_space<vmem>>) semaphore(%dma_start3A_526 : memref<!tpu.dma_semaphore, #tpu.memory_space<semaphore_mem>>)
      } else {
      }
      %dma_wait3A_285 = arith.constant 1 : i32
      %dma_wait3A_286 = arith.constant 1 : i32
      %dma_wait3A_287 = arith.constant 0 : i32
      %dma_wait3A_288 = arith.constant 0 : i32
      %dma_wait3A_289 = arith.constant 0 : i32
      %dma_wait3A_290 = tpu.memref_slice %arg6[%dma_wait3A_285, %dma_wait3A_287, %dma_wait3A_288, %dma_wait3A_289] : memref<4x2x128x64xf32, #tpu.memory_space<vmem>> -> memref<1x2x128x64xf32, #tpu.memory_space<vmem>>
      %dma_wait3A_291 = tpu.memref_squeeze %dma_wait3A_290 : memref<1x2x128x64xf32, #tpu.memory_space<vmem>> -> memref<2x128x64xf32, #tpu.memory_space<vmem>>
      %dma_wait3A_292 = arith.constant 0 : i32
      %dma_wait3A_293 = arith.constant 0 : i32
      %dma_wait3A_294 = arith.constant 0 : i32
      %dma_wait3A_295 = tpu.memref_slice %arg4[%dma_wait3A_292, %dma_wait3A_293, %dma_wait3A_294] : memref<6400x128x64xf32, #tpu.memory_space<hbm>> -> memref<2x128x64xf32, #tpu.memory_space<hbm>>
      %dma_wait3A_296 = tpu.memref_slice %arg7[%dma_wait3A_286] : memref<4x!tpu.dma_semaphore, #tpu.memory_space<semaphore_mem>> -> memref<1x!tpu.dma_semaphore, #tpu.memory_space<semaphore_mem>>
      %dma_wait3A_297 = tpu.memref_squeeze %dma_wait3A_296 : memref<1x!tpu.dma_semaphore, #tpu.memory_space<semaphore_mem>> -> memref<!tpu.dma_semaphore, #tpu.memory_space<semaphore_mem>>
      %dma_wait3A_298 = arith.constant 0 : i32
      %dma_wait3A_299 = arith.constant 0 : i32
      %dma_wait3A_300 = arith.constant 0 : i32
      %dma_wait3A_301 = tpu.memref_slice %arg6[%dma_wait3A_285, %dma_wait3A_298, %dma_wait3A_299, %dma_wait3A_300] : memref<4x2x128x64xf32, #tpu.memory_space<vmem>> -> memref<1x2x128x64xf32, #tpu.memory_space<vmem>>
      %dma_wait3A_302 = tpu.memref_squeeze %dma_wait3A_301 : memref<1x2x128x64xf32, #tpu.memory_space<vmem>> -> memref<2x128x64xf32, #tpu.memory_space<vmem>>
      %dma_wait3A_303 = arith.constant 0 : i32
      %dma_wait3A_304 = arith.constant 0 : i32
      %dma_wait3A_305 = arith.constant 0 : i32
      %dma_wait3A_306 = tpu.memref_slice %arg4[%dma_wait3A_303, %dma_wait3A_304, %dma_wait3A_305] : memref<6400x128x64xf32, #tpu.memory_space<hbm>> -> memref<2x128x64xf32, #tpu.memory_space<hbm>>
      tpu.wait_dma2 semaphore(%dma_wait3A_297 : memref<!tpu.dma_semaphore, #tpu.memory_space<semaphore_mem>>) src(%dma_wait3A_306 : memref<2x128x64xf32, #tpu.memory_space<hbm>>) dst(%dma_wait3A_302 : memref<2x128x64xf32, #tpu.memory_space<vmem>>)
      %scan3A_307 = arith.constant 0 : i32
      %scan3A_308 = arith.constant 0 : i32
      %scan3A_309 = arith.constant 128 : i32
      %scan3A_310 = arith.addi %scan3A_308, %scan3A_309 : i32
      %scan3A_311 = arith.constant 4 : i32
      %scan3A_312 = scf.for %scan3A_489 = %scan3A_308 to %scan3A_310 step %scan3A_311 iter_args(%scan3A_490 = %scan3A_307) -> (i32)  : i32 {
        %get3A = arith.constant 1 : i32
        %get3A_491 = arith.constant 0 : i32
        %get3A_492 = arith.index_cast %get3A : i32 to index
        %get3A_493 = arith.index_cast %get3A_491 : i32 to index
        %get3A_494 = arith.index_cast %scan3A_489 : i32 to index
        %get3A_495 = arith.constant 0 : index
        %get3A_496 = tpu.vector_load %arg6[%get3A_492, %get3A_493, %get3A_494, %get3A_495] {strides = array<i32>} : memref<4x2x128x64xf32, #tpu.memory_space<vmem>>, vector<1x1x1x16xf32>,
        %get3A_497 = vector.shape_cast %get3A_496 : vector<1x1x1x16xf32> to vector<16xf32>
        %mul3A_498 = arith.constant 8.000000e+00 : f32
        %mul3A_499 = vector.broadcast %mul3A_498 : f32 to vector<16xf32>
        %mul3A_500 = arith.mulf %get3A_497, %mul3A_499 : vector<16xf32>
        %swap3A = arith.constant 1 : i32
        %swap3A_501 = arith.constant 0 : i32
        %swap3A_502 = arith.index_cast %swap3A : i32 to index
        %swap3A_503 = arith.index_cast %swap3A_501 : i32 to index
        %swap3A_504 = arith.index_cast %scan3A_489 : i32 to index
        %swap3A_505 = arith.constant 0 : index
        %swap3A_506 = tpu.vector_load %arg6[%swap3A_502, %swap3A_503, %swap3A_504, %swap3A_505] {strides = array<i32>} : memref<4x2x128x64xf32, #tpu.memory_space<vmem>>, vector<1x1x1x16xf32>,
        %swap3A_507 = vector.shape_cast %swap3A_506 : vector<1x1x1x16xf32> to vector<16xf32>
        %swap3A_508 = vector.shape_cast %mul3A_500 : vector<16xf32> to vector<1x1x1x16xf32>
        tpu.vector_store %arg6[%swap3A_502, %swap3A_503, %swap3A_504, %swap3A_505], %swap3A_508 {strides = array<i32>} : memref<4x2x128x64xf32, #tpu.memory_space<vmem>>, vector<1x1x1x16xf32>,
        %get3A_509 = arith.constant 1 : i32
        %get3A_510 = arith.constant 0 : i32
        %get3A_511 = arith.index_cast %get3A_509 : i32 to index
        %get3A_512 = arith.index_cast %get3A_510 : i32 to index
        %get3A_513 = arith.index_cast %scan3A_489 : i32 to index
        %get3A_514 = arith.constant 16 : index
        %get3A_515 = tpu.vector_load %arg6[%get3A_511, %get3A_512, %get3A_513, %get3A_514] {strides = array<i32>} : memref<4x2x128x64xf32, #tpu.memory_space<vmem>>, vector<1x1x1x16xf32>,
        %get3A_516 = vector.shape_cast %get3A_515 : vector<1x1x1x16xf32> to vector<16xf32>
        %mul3A_517 = arith.constant 8.000000e+00 : f32
        %mul3A_518 = vector.broadcast %mul3A_517 : f32 to vector<16xf32>
        %mul3A_519 = arith.mulf %get3A_516, %mul3A_518 : vector<16xf32>
        %swap3A_520 = arith.constant 1 : i32
        %swap3A_521 = arith.constant 0 : i32
        %swap3A_522 = arith.index_cast %swap3A_520 : i32 to index
        %swap3A_523 = arith.index_cast %swap3A_521 : i32 to index
        %swap3A_524 = arith.index_cast %scan3A_489 : i32 to index
        %swap3A_525 = arith.constant 16 : index
        %swap3A_526 = tpu.vector_load %arg6[%swap3A_522, %swap3A_523, %swap3A_524, %swap3A_525] {strides = array<i32>} : memref<4x2x128x64xf32, #tpu.memory_space<vmem>>, vector<1x1x1x16xf32>,
        %swap3A_527 = vector.shape_cast %swap3A_526 : vector<1x1x1x16xf32> to vector<16xf32>
        %swap3A_528 = vector.shape_cast %mul3A_519 : vector<16xf32> to vector<1x1x1x16xf32>
        tpu.vector_store %arg6[%swap3A_522, %swap3A_523, %swap3A_524, %swap3A_525], %swap3A_528 {strides = array<i32>} : memref<4x2x128x64xf32, #tpu.memory_space<vmem>>, vector<1x1x1x16xf32>,
        %get3A_529 = arith.constant 1 : i32
        %get3A_530 = arith.constant 0 : i32
        %get3A_531 = arith.index_cast %get3A_529 : i32 to index
        %get3A_532 = arith.index_cast %get3A_530 : i32 to index
        %get3A_533 = arith.index_cast %scan3A_489 : i32 to index
        %get3A_534 = arith.constant 32 : index
        %get3A_535 = tpu.vector_load %arg6[%get3A_531, %get3A_532, %get3A_533, %get3A_534] {strides = array<i32>} : memref<4x2x128x64xf32, #tpu.memory_space<vmem>>, vector<1x1x1x16xf32>,
        %get3A_536 = vector.shape_cast %get3A_535 : vector<1x1x1x16xf32> to vector<16xf32>
        %mul3A_537 = arith.constant 8.000000e+00 : f32
        %mul3A_538 = vector.broadcast %mul3A_537 : f32 to vector<16xf32>
        %mul3A_539 = arith.mulf %get3A_536, %mul3A_538 : vector<16xf32>
        %swap3A_540 = arith.constant 1 : i32
        %swap3A_541 = arith.constant 0 : i32
        %swap3A_542 = arith.index_cast %swap3A_540 : i32 to index
        %swap3A_543 = arith.index_cast %swap3A_541 : i32 to index
        %swap3A_544 = arith.index_cast %scan3A_489 : i32 to index
        %swap3A_545 = arith.constant 32 : index
        %swap3A_546 = tpu.vector_load %arg6[%swap3A_542, %swap3A_543, %swap3A_544, %swap3A_545] {strides = array<i32>} : memref<4x2x128x64xf32, #tpu.memory_space<vmem>>, vector<1x1x1x16xf32>,
        %swap3A_547 = vector.shape_cast %swap3A_546 : vector<1x1x1x16xf32> to vector<16xf32>
        %swap3A_548 = vector.shape_cast %mul3A_539 : vector<16xf32> to vector<1x1x1x16xf32>
        tpu.vector_store %arg6[%swap3A_542, %swap3A_543, %swap3A_544, %swap3A_545], %swap3A_548 {strides = array<i32>} : memref<4x2x128x64xf32, #tpu.memory_space<vmem>>, vector<1x1x1x16xf32>,
        %get3A_549 = arith.constant 1 : i32
        %get3A_550 = arith.constant 0 : i32
        %get3A_551 = arith.index_cast %get3A_549 : i32 to index
        %get3A_552 = arith.index_cast %get3A_550 : i32 to index
        %get3A_553 = arith.index_cast %scan3A_489 : i32 to index
        %get3A_554 = arith.constant 48 : index
        %get3A_555 = tpu.vector_load %arg6[%get3A_551, %get3A_552, %get3A_553, %get3A_554] {strides = array<i32>} : memref<4x2x128x64xf32, #tpu.memory_space<vmem>>, vector<1x1x1x16xf32>,
        %get3A_556 = vector.shape_cast %get3A_555 : vector<1x1x1x16xf32> to vector<16xf32>
        %mul3A_557 = arith.constant 8.000000e+00 : f32
        %mul3A_558 = vector.broadcast %mul3A_557 : f32 to vector<16xf32>
        %mul3A_559 = arith.mulf %get3A_556, %mul3A_558 : vector<16xf32>
        %swap3A_560 = arith.constant 1 : i32
        %swap3A_561 = arith.constant 0 : i32
        %swap3A_562 = arith.index_cast %swap3A_560 : i32 to index
        %swap3A_563 = arith.index_cast %swap3A_561 : i32 to index
        %swap3A_564 = arith.index_cast %scan3A_489 : i32 to index
        %swap3A_565 = arith.constant 48 : index
        %swap3A_566 = tpu.vector_load %arg6[%swap3A_562, %swap3A_563, %swap3A_564, %swap3A_565] {strides = array<i32>} : memref<4x2x128x64xf32, #tpu.memory_space<vmem>>, vector<1x1x1x16xf32>,
        %swap3A_567 = vector.shape_cast %swap3A_566 : vector<1x1x1x16xf32> to vector<16xf32>
        %swap3A_568 = vector.shape_cast %mul3A_559 : vector<16xf32> to vector<1x1x1x16xf32>
        tpu.vector_store %arg6[%swap3A_562, %swap3A_563, %swap3A_564, %swap3A_565], %swap3A_568 {strides = array<i32>} : memref<4x2x128x64xf32, #tpu.memory_space<vmem>>, vector<1x1x1x16xf32>,
        %get3A_569 = arith.constant 1 : i32
        %get3A_570 = arith.constant 1 : i32
        %get3A_571 = arith.index_cast %get3A_569 : i32 to index
        %get3A_572 = arith.index_cast %get3A_570 : i32 to index
        %get3A_573 = arith.index_cast %scan3A_489 : i32 to index
        %get3A_574 = arith.constant 0 : index
        %get3A_575 = tpu.vector_load %arg6[%get3A_571, %get3A_572, %get3A_573, %get3A_574] {strides = array<i32>} : memref<4x2x128x64xf32, #tpu.memory_space<vmem>>, vector<1x1x1x16xf32>,
        %get3A_576 = vector.shape_cast %get3A_575 : vector<1x1x1x16xf32> to vector<16xf32>
        %mul3A_577 = arith.constant 8.000000e+00 : f32
        %mul3A_578 = vector.broadcast %mul3A_577 : f32 to vector<16xf32>
        %mul3A_579 = arith.mulf %get3A_576, %mul3A_578 : vector<16xf32>
        %swap3A_580 = arith.constant 1 : i32
        %swap3A_581 = arith.constant 1 : i32
        %swap3A_582 = arith.index_cast %swap3A_580 : i32 to index
        %swap3A_583 = arith.index_cast %swap3A_581 : i32 to index
        %swap3A_584 = arith.index_cast %scan3A_489 : i32 to index
        %swap3A_585 = arith.constant 0 : index
        %swap3A_586 = tpu.vector_load %arg6[%swap3A_582, %swap3A_583, %swap3A_584, %swap3A_585] {strides = array<i32>} : memref<4x2x128x64xf32, #tpu.memory_space<vmem>>, vector<1x1x1x16xf32>,
        %swap3A_587 = vector.shape_cast %swap3A_586 : vector<1x1x1x16xf32> to vector<16xf32>
        %swap3A_588 = vector.shape_cast %mul3A_579 : vector<16xf32> to vector<1x1x1x16xf32>
        tpu.vector_store %arg6[%swap3A_582, %swap3A_583, %swap3A_584, %swap3A_585], %swap3A_588 {strides = array<i32>} : memref<4x2x128x64xf32, #tpu.memory_space<vmem>>, vector<1x1x1x16xf32>,
        %get3A_589 = arith.constant 1 : i32
        %get3A_590 = arith.constant 1 : i32
        %get3A_591 = arith.index_cast %get3A_589 : i32 to index
        %get3A_592 = arith.index_cast %get3A_590 : i32 to index
        %get3A_593 = arith.index_cast %scan3A_489 : i32 to index
        %get3A_594 = arith.constant 16 : index
        %get3A_595 = tpu.vector_load %arg6[%get3A_591, %get3A_592, %get3A_593, %get3A_594] {strides = array<i32>} : memref<4x2x128x64xf32, #tpu.memory_space<vmem>>, vector<1x1x1x16xf32>,
        %get3A_596 = vector.shape_cast %get3A_595 : vector<1x1x1x16xf32> to vector<16xf32>
        %mul3A_597 = arith.constant 8.000000e+00 : f32
        %mul3A_598 = vector.broadcast %mul3A_597 : f32 to vector<16xf32>
        %mul3A_599 = arith.mulf %get3A_596, %mul3A_598 : vector<16xf32>
        %swap3A_600 = arith.constant 1 : i32
        %swap3A_601 = arith.constant 1 : i32
        %swap3A_602 = arith.index_cast %swap3A_600 : i32 to index
        %swap3A_603 = arith.index_cast %swap3A_601 : i32 to index
        %swap3A_604 = arith.index_cast %scan3A_489 : i32 to index
        %swap3A_605 = arith.constant 16 : index
        %swap3A_606 = tpu.vector_load %arg6[%swap3A_602, %swap3A_603, %swap3A_604, %swap3A_605] {strides = array<i32>} : memref<4x2x128x64xf32, #tpu.memory_space<vmem>>, vector<1x1x1x16xf32>,
        %swap3A_607 = vector.shape_cast %swap3A_606 : vector<1x1x1x16xf32> to vector<16xf32>
        %swap3A_608 = vector.shape_cast %mul3A_599 : vector<16xf32> to vector<1x1x1x16xf32>
        tpu.vector_store %arg6[%swap3A_602, %swap3A_603, %swap3A_604, %swap3A_605], %swap3A_608 {strides = array<i32>} : memref<4x2x128x64xf32, #tpu.memory_space<vmem>>, vector<1x1x1x16xf32>,
        %get3A_609 = arith.constant 1 : i32
        %get3A_610 = arith.constant 1 : i32
        %get3A_611 = arith.index_cast %get3A_609 : i32 to index
        %get3A_612 = arith.index_cast %get3A_610 : i32 to index
        %get3A_613 = arith.index_cast %scan3A_489 : i32 to index
        %get3A_614 = arith.constant 32 : index
        %get3A_615 = tpu.vector_load %arg6[%get3A_611, %get3A_612, %get3A_613, %get3A_614] {strides = array<i32>} : memref<4x2x128x64xf32, #tpu.memory_space<vmem>>, vector<1x1x1x16xf32>,
        %get3A_616 = vector.shape_cast %get3A_615 : vector<1x1x1x16xf32> to vector<16xf32>
        %mul3A_617 = arith.constant 8.000000e+00 : f32
        %mul3A_618 = vector.broadcast %mul3A_617 : f32 to vector<16xf32>
        %mul3A_619 = arith.mulf %get3A_616, %mul3A_618 : vector<16xf32>
        %swap3A_620 = arith.constant 1 : i32
        %swap3A_621 = arith.constant 1 : i32
        %swap3A_622 = arith.index_cast %swap3A_620 : i32 to index
        %swap3A_623 = arith.index_cast %swap3A_621 : i32 to index
        %swap3A_624 = arith.index_cast %scan3A_489 : i32 to index
        %swap3A_625 = arith.constant 32 : index
        %swap3A_626 = tpu.vector_load %arg6[%swap3A_622, %swap3A_623, %swap3A_624, %swap3A_625] {strides = array<i32>} : memref<4x2x128x64xf32, #tpu.memory_space<vmem>>, vector<1x1x1x16xf32>,
        %swap3A_627 = vector.shape_cast %swap3A_626 : vector<1x1x1x16xf32> to vector<16xf32>
        %swap3A_628 = vector.shape_cast %mul3A_619 : vector<16xf32> to vector<1x1x1x16xf32>
        tpu.vector_store %arg6[%swap3A_622, %swap3A_623, %swap3A_624, %swap3A_625], %swap3A_628 {strides = array<i32>} : memref<4x2x128x64xf32, #tpu.memory_space<vmem>>, vector<1x1x1x16xf32>,
        %get3A_629 = arith.constant 1 : i32
        %get3A_630 = arith.constant 1 : i32
        %get3A_631 = arith.index_cast %get3A_629 : i32 to index
        %get3A_632 = arith.index_cast %get3A_630 : i32 to index
        %get3A_633 = arith.index_cast %scan3A_489 : i32 to index
        %get3A_634 = arith.constant 48 : index
        %get3A_635 = tpu.vector_load %arg6[%get3A_631, %get3A_632, %get3A_633, %get3A_634] {strides = array<i32>} : memref<4x2x128x64xf32, #tpu.memory_space<vmem>>, vector<1x1x1x16xf32>,
        %get3A_636 = vector.shape_cast %get3A_635 : vector<1x1x1x16xf32> to vector<16xf32>
        %mul3A_637 = arith.constant 8.000000e+00 : f32
        %mul3A_638 = vector.broadcast %mul3A_637 : f32 to vector<16xf32>
        %mul3A_639 = arith.mulf %get3A_636, %mul3A_638 : vector<16xf32>
        %swap3A_640 = arith.constant 1 : i32
        %swap3A_641 = arith.constant 1 : i32
        %swap3A_642 = arith.index_cast %swap3A_640 : i32 to index
        %swap3A_643 = arith.index_cast %swap3A_641 : i32 to index
        %swap3A_644 = arith.index_cast %scan3A_489 : i32 to index
        %swap3A_645 = arith.constant 48 : index
        %swap3A_646 = tpu.vector_load %arg6[%swap3A_642, %swap3A_643, %swap3A_644, %swap3A_645] {strides = array<i32>} : memref<4x2x128x64xf32, #tpu.memory_space<vmem>>, vector<1x1x1x16xf32>,
        %swap3A_647 = vector.shape_cast %swap3A_646 : vector<1x1x1x16xf32> to vector<16xf32>
        %swap3A_648 = vector.shape_cast %mul3A_639 : vector<16xf32> to vector<1x1x1x16xf32>
        tpu.vector_store %arg6[%swap3A_642, %swap3A_643, %swap3A_644, %swap3A_645], %swap3A_648 {strides = array<i32>} : memref<4x2x128x64xf32, #tpu.memory_space<vmem>>, vector<1x1x1x16xf32>,
        %scan3A_649 = arith.constant 0 : i32
        %scan3A_650 = arith.constant 1 : i32
        %scan3A_651 = arith.addi %scan3A_489, %scan3A_650 : i32
        %get3A_652 = arith.constant 1 : i32
        %get3A_653 = arith.constant 0 : i32
        %get3A_654 = arith.index_cast %get3A_652 : i32 to index
        %get3A_655 = arith.index_cast %get3A_653 : i32 to index
        %get3A_656 = arith.index_cast %scan3A_651 : i32 to index
        %get3A_657 = arith.constant 0 : index
        %get3A_658 = tpu.vector_load %arg6[%get3A_654, %get3A_655, %get3A_656, %get3A_657] {strides = array<i32>} : memref<4x2x128x64xf32, #tpu.memory_space<vmem>>, vector<1x1x1x16xf32>,
        %get3A_659 = vector.shape_cast %get3A_658 : vector<1x1x1x16xf32> to vector<16xf32>
        %mul3A_660 = arith.constant 8.000000e+00 : f32
        %mul3A_661 = vector.broadcast %mul3A_660 : f32 to vector<16xf32>
        %mul3A_662 = arith.mulf %get3A_659, %mul3A_661 : vector<16xf32>
        %swap3A_663 = arith.constant 1 : i32
        %swap3A_664 = arith.constant 0 : i32
        %swap3A_665 = arith.index_cast %swap3A_663 : i32 to index
        %swap3A_666 = arith.index_cast %swap3A_664 : i32 to index
        %swap3A_667 = arith.index_cast %scan3A_651 : i32 to index
        %swap3A_668 = arith.constant 0 : index
        %swap3A_669 = tpu.vector_load %arg6[%swap3A_665, %swap3A_666, %swap3A_667, %swap3A_668] {strides = array<i32>} : memref<4x2x128x64xf32, #tpu.memory_space<vmem>>, vector<1x1x1x16xf32>,
        %swap3A_670 = vector.shape_cast %swap3A_669 : vector<1x1x1x16xf32> to vector<16xf32>
        %swap3A_671 = vector.shape_cast %mul3A_662 : vector<16xf32> to vector<1x1x1x16xf32>
        tpu.vector_store %arg6[%swap3A_665, %swap3A_666, %swap3A_667, %swap3A_668], %swap3A_671 {strides = array<i32>} : memref<4x2x128x64xf32, #tpu.memory_space<vmem>>, vector<1x1x1x16xf32>,
        %get3A_672 = arith.constant 1 : i32
        %get3A_673 = arith.constant 0 : i32
        %get3A_674 = arith.index_cast %get3A_672 : i32 to index
        %get3A_675 = arith.index_cast %get3A_673 : i32 to index
        %get3A_676 = arith.index_cast %scan3A_651 : i32 to index
        %get3A_677 = arith.constant 16 : index
        %get3A_678 = tpu.vector_load %arg6[%get3A_674, %get3A_675, %get3A_676, %get3A_677] {strides = array<i32>} : memref<4x2x128x64xf32, #tpu.memory_space<vmem>>, vector<1x1x1x16xf32>,
        %get3A_679 = vector.shape_cast %get3A_678 : vector<1x1x1x16xf32> to vector<16xf32>
        %mul3A_680 = arith.constant 8.000000e+00 : f32
        %mul3A_681 = vector.broadcast %mul3A_680 : f32 to vector<16xf32>
        %mul3A_682 = arith.mulf %get3A_679, %mul3A_681 : vector<16xf32>
        %swap3A_683 = arith.constant 1 : i32
        %swap3A_684 = arith.constant 0 : i32
        %swap3A_685 = arith.index_cast %swap3A_683 : i32 to index
        %swap3A_686 = arith.index_cast %swap3A_684 : i32 to index
        %swap3A_687 = arith.index_cast %scan3A_651 : i32 to index
        %swap3A_688 = arith.constant 16 : index
        %swap3A_689 = tpu.vector_load %arg6[%swap3A_685, %swap3A_686, %swap3A_687, %swap3A_688] {strides = array<i32>} : memref<4x2x128x64xf32, #tpu.memory_space<vmem>>, vector<1x1x1x16xf32>,
        %swap3A_690 = vector.shape_cast %swap3A_689 : vector<1x1x1x16xf32> to vector<16xf32>
        %swap3A_691 = vector.shape_cast %mul3A_682 : vector<16xf32> to vector<1x1x1x16xf32>
        tpu.vector_store %arg6[%swap3A_685, %swap3A_686, %swap3A_687, %swap3A_688], %swap3A_691 {strides = array<i32>} : memref<4x2x128x64xf32, #tpu.memory_space<vmem>>, vector<1x1x1x16xf32>,
        %get3A_692 = arith.constant 1 : i32
        %get3A_693 = arith.constant 0 : i32
        %get3A_694 = arith.index_cast %get3A_692 : i32 to index
        %get3A_695 = arith.index_cast %get3A_693 : i32 to index
        %get3A_696 = arith.index_cast %scan3A_651 : i32 to index
        %get3A_697 = arith.constant 32 : index
        %get3A_698 = tpu.vector_load %arg6[%get3A_694, %get3A_695, %get3A_696, %get3A_697] {strides = array<i32>} : memref<4x2x128x64xf32, #tpu.memory_space<vmem>>, vector<1x1x1x16xf32>,
        %get3A_699 = vector.shape_cast %get3A_698 : vector<1x1x1x16xf32> to vector<16xf32>
        %mul3A_700 = arith.constant 8.000000e+00 : f32
        %mul3A_701 = vector.broadcast %mul3A_700 : f32 to vector<16xf32>
        %mul3A_702 = arith.mulf %get3A_699, %mul3A_701 : vector<16xf32>
        %swap3A_703 = arith.constant 1 : i32
        %swap3A_704 = arith.constant 0 : i32
        %swap3A_705 = arith.index_cast %swap3A_703 : i32 to index
        %swap3A_706 = arith.index_cast %swap3A_704 : i32 to index
        %swap3A_707 = arith.index_cast %scan3A_651 : i32 to index
        %swap3A_708 = arith.constant 32 : index
        %swap3A_709 = tpu.vector_load %arg6[%swap3A_705, %swap3A_706, %swap3A_707, %swap3A_708] {strides = array<i32>} : memref<4x2x128x64xf32, #tpu.memory_space<vmem>>, vector<1x1x1x16xf32>,
        %swap3A_710 = vector.shape_cast %swap3A_709 : vector<1x1x1x16xf32> to vector<16xf32>
        %swap3A_711 = vector.shape_cast %mul3A_702 : vector<16xf32> to vector<1x1x1x16xf32>
        tpu.vector_store %arg6[%swap3A_705, %swap3A_706, %swap3A_707, %swap3A_708], %swap3A_711 {strides = array<i32>} : memref<4x2x128x64xf32, #tpu.memory_space<vmem>>, vector<1x1x1x16xf32>,
        %get3A_712 = arith.constant 1 : i32
        %get3A_713 = arith.constant 0 : i32
        %get3A_714 = arith.index_cast %get3A_712 : i32 to index
        %get3A_715 = arith.index_cast %get3A_713 : i32 to index
        %get3A_716 = arith.index_cast %scan3A_651 : i32 to index
        %get3A_717 = arith.constant 48 : index
        %get3A_718 = tpu.vector_load %arg6[%get3A_714, %get3A_715, %get3A_716, %get3A_717] {strides = array<i32>} : memref<4x2x128x64xf32, #tpu.memory_space<vmem>>, vector<1x1x1x16xf32>,
        %get3A_719 = vector.shape_cast %get3A_718 : vector<1x1x1x16xf32> to vector<16xf32>
        %mul3A_720 = arith.constant 8.000000e+00 : f32
        %mul3A_721 = vector.broadcast %mul3A_720 : f32 to vector<16xf32>
        %mul3A_722 = arith.mulf %get3A_719, %mul3A_721 : vector<16xf32>
        %swap3A_723 = arith.constant 1 : i32
        %swap3A_724 = arith.constant 0 : i32
        %swap3A_725 = arith.index_cast %swap3A_723 : i32 to index
        %swap3A_726 = arith.index_cast %swap3A_724 : i32 to index
        %swap3A_727 = arith.index_cast %scan3A_651 : i32 to index
        %swap3A_728 = arith.constant 48 : index
        %swap3A_729 = tpu.vector_load %arg6[%swap3A_725, %swap3A_726, %swap3A_727, %swap3A_728] {strides = array<i32>} : memref<4x2x128x64xf32, #tpu.memory_space<vmem>>, vector<1x1x1x16xf32>,
        %swap3A_730 = vector.shape_cast %swap3A_729 : vector<1x1x1x16xf32> to vector<16xf32>
        %swap3A_731 = vector.shape_cast %mul3A_722 : vector<16xf32> to vector<1x1x1x16xf32>
        tpu.vector_store %arg6[%swap3A_725, %swap3A_726, %swap3A_727, %swap3A_728], %swap3A_731 {strides = array<i32>} : memref<4x2x128x64xf32, #tpu.memory_space<vmem>>, vector<1x1x1x16xf32>,
        %get3A_732 = arith.constant 1 : i32
        %get3A_733 = arith.constant 1 : i32
        %get3A_734 = arith.index_cast %get3A_732 : i32 to index
        %get3A_735 = arith.index_cast %get3A_733 : i32 to index
        %get3A_736 = arith.index_cast %scan3A_651 : i32 to index
        %get3A_737 = arith.constant 0 : index
        %get3A_738 = tpu.vector_load %arg6[%get3A_734, %get3A_735, %get3A_736, %get3A_737] {strides = array<i32>} : memref<4x2x128x64xf32, #tpu.memory_space<vmem>>, vector<1x1x1x16xf32>,
        %get3A_739 = vector.shape_cast %get3A_738 : vector<1x1x1x16xf32> to vector<16xf32>
        %mul3A_740 = arith.constant 8.000000e+00 : f32
        %mul3A_741 = vector.broadcast %mul3A_740 : f32 to vector<16xf32>
        %mul3A_742 = arith.mulf %get3A_739, %mul3A_741 : vector<16xf32>
        %swap3A_743 = arith.constant 1 : i32
        %swap3A_744 = arith.constant 1 : i32
        %swap3A_745 = arith.index_cast %swap3A_743 : i32 to index
        %swap3A_746 = arith.index_cast %swap3A_744 : i32 to index
        %swap3A_747 = arith.index_cast %scan3A_651 : i32 to index
        %swap3A_748 = arith.constant 0 : index
        %swap3A_749 = tpu.vector_load %arg6[%swap3A_745, %swap3A_746, %swap3A_747, %swap3A_748] {strides = array<i32>} : memref<4x2x128x64xf32, #tpu.memory_space<vmem>>, vector<1x1x1x16xf32>,
        %swap3A_750 = vector.shape_cast %swap3A_749 : vector<1x1x1x16xf32> to vector<16xf32>
        %swap3A_751 = vector.shape_cast %mul3A_742 : vector<16xf32> to vector<1x1x1x16xf32>
        tpu.vector_store %arg6[%swap3A_745, %swap3A_746, %swap3A_747, %swap3A_748], %swap3A_751 {strides = array<i32>} : memref<4x2x128x64xf32, #tpu.memory_space<vmem>>, vector<1x1x1x16xf32>,
        %get3A_752 = arith.constant 1 : i32
        %get3A_753 = arith.constant 1 : i32
        %get3A_754 = arith.index_cast %get3A_752 : i32 to index
        %get3A_755 = arith.index_cast %get3A_753 : i32 to index
        %get3A_756 = arith.index_cast %scan3A_651 : i32 to index
        %get3A_757 = arith.constant 16 : index
        %get3A_758 = tpu.vector_load %arg6[%get3A_754, %get3A_755, %get3A_756, %get3A_757] {strides = array<i32>} : memref<4x2x128x64xf32, #tpu.memory_space<vmem>>, vector<1x1x1x16xf32>,
        %get3A_759 = vector.shape_cast %get3A_758 : vector<1x1x1x16xf32> to vector<16xf32>
        %mul3A_760 = arith.constant 8.000000e+00 : f32
        %mul3A_761 = vector.broadcast %mul3A_760 : f32 to vector<16xf32>
        %mul3A_762 = arith.mulf %get3A_759, %mul3A_761 : vector<16xf32>
        %swap3A_763 = arith.constant 1 : i32
        %swap3A_764 = arith.constant 1 : i32
        %swap3A_765 = arith.index_cast %swap3A_763 : i32 to index
        %swap3A_766 = arith.index_cast %swap3A_764 : i32 to index
        %swap3A_767 = arith.index_cast %scan3A_651 : i32 to index
        %swap3A_768 = arith.constant 16 : index
        %swap3A_769 = tpu.vector_load %arg6[%swap3A_765, %swap3A_766, %swap3A_767, %swap3A_768] {strides = array<i32>} : memref<4x2x128x64xf32, #tpu.memory_space<vmem>>, vector<1x1x1x16xf32>,
        %swap3A_770 = vector.shape_cast %swap3A_769 : vector<1x1x1x16xf32> to vector<16xf32>
        %swap3A_771 = vector.shape_cast %mul3A_762 : vector<16xf32> to vector<1x1x1x16xf32>
        tpu.vector_store %arg6[%swap3A_765, %swap3A_766, %swap3A_767, %swap3A_768], %swap3A_771 {strides = array<i32>} : memref<4x2x128x64xf32, #tpu.memory_space<vmem>>, vector<1x1x1x16xf32>,
        %get3A_772 = arith.constant 1 : i32
        %get3A_773 = arith.constant 1 : i32
        %get3A_774 = arith.index_cast %get3A_772 : i32 to index
        %get3A_775 = arith.index_cast %get3A_773 : i32 to index
        %get3A_776 = arith.index_cast %scan3A_651 : i32 to index
        %get3A_777 = arith.constant 32 : index
        %get3A_778 = tpu.vector_load %arg6[%get3A_774, %get3A_775, %get3A_776, %get3A_777] {strides = array<i32>} : memref<4x2x128x64xf32, #tpu.memory_space<vmem>>, vector<1x1x1x16xf32>,
        %get3A_779 = vector.shape_cast %get3A_778 : vector<1x1x1x16xf32> to vector<16xf32>
        %mul3A_780 = arith.constant 8.000000e+00 : f32
        %mul3A_781 = vector.broadcast %mul3A_780 : f32 to vector<16xf32>
        %mul3A_782 = arith.mulf %get3A_779, %mul3A_781 : vector<16xf32>
        %swap3A_783 = arith.constant 1 : i32
        %swap3A_784 = arith.constant 1 : i32
        %swap3A_785 = arith.index_cast %swap3A_783 : i32 to index
        %swap3A_786 = arith.index_cast %swap3A_784 : i32 to index
        %swap3A_787 = arith.index_cast %scan3A_651 : i32 to index
        %swap3A_788 = arith.constant 32 : index
        %swap3A_789 = tpu.vector_load %arg6[%swap3A_785, %swap3A_786, %swap3A_787, %swap3A_788] {strides = array<i32>} : memref<4x2x128x64xf32, #tpu.memory_space<vmem>>, vector<1x1x1x16xf32>,
        %swap3A_790 = vector.shape_cast %swap3A_789 : vector<1x1x1x16xf32> to vector<16xf32>
        %swap3A_791 = vector.shape_cast %mul3A_782 : vector<16xf32> to vector<1x1x1x16xf32>
        tpu.vector_store %arg6[%swap3A_785, %swap3A_786, %swap3A_787, %swap3A_788], %swap3A_791 {strides = array<i32>} : memref<4x2x128x64xf32, #tpu.memory_space<vmem>>, vector<1x1x1x16xf32>,
        %get3A_792 = arith.constant 1 : i32
        %get3A_793 = arith.constant 1 : i32
        %get3A_794 = arith.index_cast %get3A_792 : i32 to index
        %get3A_795 = arith.index_cast %get3A_793 : i32 to index
        %get3A_796 = arith.index_cast %scan3A_651 : i32 to index
        %get3A_797 = arith.constant 48 : index
        %get3A_798 = tpu.vector_load %arg6[%get3A_794, %get3A_795, %get3A_796, %get3A_797] {strides = array<i32>} : memref<4x2x128x64xf32, #tpu.memory_space<vmem>>, vector<1x1x1x16xf32>,
        %get3A_799 = vector.shape_cast %get3A_798 : vector<1x1x1x16xf32> to vector<16xf32>
        %mul3A_800 = arith.constant 8.000000e+00 : f32
        %mul3A_801 = vector.broadcast %mul3A_800 : f32 to vector<16xf32>
        %mul3A_802 = arith.mulf %get3A_799, %mul3A_801 : vector<16xf32>
        %swap3A_803 = arith.constant 1 : i32
        %swap3A_804 = arith.constant 1 : i32
        %swap3A_805 = arith.index_cast %swap3A_803 : i32 to index
        %swap3A_806 = arith.index_cast %swap3A_804 : i32 to index
        %swap3A_807 = arith.index_cast %scan3A_651 : i32 to index
        %swap3A_808 = arith.constant 48 : index
        %swap3A_809 = tpu.vector_load %arg6[%swap3A_805, %swap3A_806, %swap3A_807, %swap3A_808] {strides = array<i32>} : memref<4x2x128x64xf32, #tpu.memory_space<vmem>>, vector<1x1x1x16xf32>,
        %swap3A_810 = vector.shape_cast %swap3A_809 : vector<1x1x1x16xf32> to vector<16xf32>
        %swap3A_811 = vector.shape_cast %mul3A_802 : vector<16xf32> to vector<1x1x1x16xf32>
        tpu.vector_store %arg6[%swap3A_805, %swap3A_806, %swap3A_807, %swap3A_808], %swap3A_811 {strides = array<i32>} : memref<4x2x128x64xf32, #tpu.memory_space<vmem>>, vector<1x1x1x16xf32>,
        %scan3A_812 = arith.constant 0 : i32
        %scan3A_813 = arith.constant 2 : i32
        %scan3A_814 = arith.addi %scan3A_489, %scan3A_813 : i32
        %get3A_815 = arith.constant 1 : i32
        %get3A_816 = arith.constant 0 : i32
        %get3A_817 = arith.index_cast %get3A_815 : i32 to index
        %get3A_818 = arith.index_cast %get3A_816 : i32 to index
        %get3A_819 = arith.index_cast %scan3A_814 : i32 to index
        %get3A_820 = arith.constant 0 : index
        %get3A_821 = tpu.vector_load %arg6[%get3A_817, %get3A_818, %get3A_819, %get3A_820] {strides = array<i32>} : memref<4x2x128x64xf32, #tpu.memory_space<vmem>>, vector<1x1x1x16xf32>,
        %get3A_822 = vector.shape_cast %get3A_821 : vector<1x1x1x16xf32> to vector<16xf32>
        %mul3A_823 = arith.constant 8.000000e+00 : f32
        %mul3A_824 = vector.broadcast %mul3A_823 : f32 to vector<16xf32>
        %mul3A_825 = arith.mulf %get3A_822, %mul3A_824 : vector<16xf32>
        %swap3A_826 = arith.constant 1 : i32
        %swap3A_827 = arith.constant 0 : i32
        %swap3A_828 = arith.index_cast %swap3A_826 : i32 to index
        %swap3A_829 = arith.index_cast %swap3A_827 : i32 to index
        %swap3A_830 = arith.index_cast %scan3A_814 : i32 to index
        %swap3A_831 = arith.constant 0 : index
        %swap3A_832 = tpu.vector_load %arg6[%swap3A_828, %swap3A_829, %swap3A_830, %swap3A_831] {strides = array<i32>} : memref<4x2x128x64xf32, #tpu.memory_space<vmem>>, vector<1x1x1x16xf32>,
        %swap3A_833 = vector.shape_cast %swap3A_832 : vector<1x1x1x16xf32> to vector<16xf32>
        %swap3A_834 = vector.shape_cast %mul3A_825 : vector<16xf32> to vector<1x1x1x16xf32>
        tpu.vector_store %arg6[%swap3A_828, %swap3A_829, %swap3A_830, %swap3A_831], %swap3A_834 {strides = array<i32>} : memref<4x2x128x64xf32, #tpu.memory_space<vmem>>, vector<1x1x1x16xf32>,
        %get3A_835 = arith.constant 1 : i32
        %get3A_836 = arith.constant 0 : i32
        %get3A_837 = arith.index_cast %get3A_835 : i32 to index
        %get3A_838 = arith.index_cast %get3A_836 : i32 to index
        %get3A_839 = arith.index_cast %scan3A_814 : i32 to index
        %get3A_840 = arith.constant 16 : index
        %get3A_841 = tpu.vector_load %arg6[%get3A_837, %get3A_838, %get3A_839, %get3A_840] {strides = array<i32>} : memref<4x2x128x64xf32, #tpu.memory_space<vmem>>, vector<1x1x1x16xf32>,
        %get3A_842 = vector.shape_cast %get3A_841 : vector<1x1x1x16xf32> to vector<16xf32>
        %mul3A_843 = arith.constant 8.000000e+00 : f32
        %mul3A_844 = vector.broadcast %mul3A_843 : f32 to vector<16xf32>
        %mul3A_845 = arith.mulf %get3A_842, %mul3A_844 : vector<16xf32>
        %swap3A_846 = arith.constant 1 : i32
        %swap3A_847 = arith.constant 0 : i32
        %swap3A_848 = arith.index_cast %swap3A_846 : i32 to index
        %swap3A_849 = arith.index_cast %swap3A_847 : i32 to index
        %swap3A_850 = arith.index_cast %scan3A_814 : i32 to index
        %swap3A_851 = arith.constant 16 : index
        %swap3A_852 = tpu.vector_load %arg6[%swap3A_848, %swap3A_849, %swap3A_850, %swap3A_851] {strides = array<i32>} : memref<4x2x128x64xf32, #tpu.memory_space<vmem>>, vector<1x1x1x16xf32>,
        %swap3A_853 = vector.shape_cast %swap3A_852 : vector<1x1x1x16xf32> to vector<16xf32>
        %swap3A_854 = vector.shape_cast %mul3A_845 : vector<16xf32> to vector<1x1x1x16xf32>
        tpu.vector_store %arg6[%swap3A_848, %swap3A_849, %swap3A_850, %swap3A_851], %swap3A_854 {strides = array<i32>} : memref<4x2x128x64xf32, #tpu.memory_space<vmem>>, vector<1x1x1x16xf32>,
        %get3A_855 = arith.constant 1 : i32
        %get3A_856 = arith.constant 0 : i32
        %get3A_857 = arith.index_cast %get3A_855 : i32 to index
        %get3A_858 = arith.index_cast %get3A_856 : i32 to index
        %get3A_859 = arith.index_cast %scan3A_814 : i32 to index
        %get3A_860 = arith.constant 32 : index
        %get3A_861 = tpu.vector_load %arg6[%get3A_857, %get3A_858, %get3A_859, %get3A_860] {strides = array<i32>} : memref<4x2x128x64xf32, #tpu.memory_space<vmem>>, vector<1x1x1x16xf32>,
        %get3A_862 = vector.shape_cast %get3A_861 : vector<1x1x1x16xf32> to vector<16xf32>
        %mul3A_863 = arith.constant 8.000000e+00 : f32
        %mul3A_864 = vector.broadcast %mul3A_863 : f32 to vector<16xf32>
        %mul3A_865 = arith.mulf %get3A_862, %mul3A_864 : vector<16xf32>
        %swap3A_866 = arith.constant 1 : i32
        %swap3A_867 = arith.constant 0 : i32
        %swap3A_868 = arith.index_cast %swap3A_866 : i32 to index
        %swap3A_869 = arith.index_cast %swap3A_867 : i32 to index
        %swap3A_870 = arith.index_cast %scan3A_814 : i32 to index
        %swap3A_871 = arith.constant 32 : index
        %swap3A_872 = tpu.vector_load %arg6[%swap3A_868, %swap3A_869, %swap3A_870, %swap3A_871] {strides = array<i32>} : memref<4x2x128x64xf32, #tpu.memory_space<vmem>>, vector<1x1x1x16xf32>,
        %swap3A_873 = vector.shape_cast %swap3A_872 : vector<1x1x1x16xf32> to vector<16xf32>
        %swap3A_874 = vector.shape_cast %mul3A_865 : vector<16xf32> to vector<1x1x1x16xf32>
        tpu.vector_store %arg6[%swap3A_868, %swap3A_869, %swap3A_870, %swap3A_871], %swap3A_874 {strides = array<i32>} : memref<4x2x128x64xf32, #tpu.memory_space<vmem>>, vector<1x1x1x16xf32>,
        %get3A_875 = arith.constant 1 : i32
        %get3A_876 = arith.constant 0 : i32
        %get3A_877 = arith.index_cast %get3A_875 : i32 to index
        %get3A_878 = arith.index_cast %get3A_876 : i32 to index
        %get3A_879 = arith.index_cast %scan3A_814 : i32 to index
        %get3A_880 = arith.constant 48 : index
        %get3A_881 = tpu.vector_load %arg6[%get3A_877, %get3A_878, %get3A_879, %get3A_880] {strides = array<i32>} : memref<4x2x128x64xf32, #tpu.memory_space<vmem>>, vector<1x1x1x16xf32>,
        %get3A_882 = vector.shape_cast %get3A_881 : vector<1x1x1x16xf32> to vector<16xf32>
        %mul3A_883 = arith.constant 8.000000e+00 : f32
        %mul3A_884 = vector.broadcast %mul3A_883 : f32 to vector<16xf32>
        %mul3A_885 = arith.mulf %get3A_882, %mul3A_884 : vector<16xf32>
        %swap3A_886 = arith.constant 1 : i32
        %swap3A_887 = arith.constant 0 : i32
        %swap3A_888 = arith.index_cast %swap3A_886 : i32 to index
        %swap3A_889 = arith.index_cast %swap3A_887 : i32 to index
        %swap3A_890 = arith.index_cast %scan3A_814 : i32 to index
        %swap3A_891 = arith.constant 48 : index
        %swap3A_892 = tpu.vector_load %arg6[%swap3A_888, %swap3A_889, %swap3A_890, %swap3A_891] {strides = array<i32>} : memref<4x2x128x64xf32, #tpu.memory_space<vmem>>, vector<1x1x1x16xf32>,
        %swap3A_893 = vector.shape_cast %swap3A_892 : vector<1x1x1x16xf32> to vector<16xf32>
        %swap3A_894 = vector.shape_cast %mul3A_885 : vector<16xf32> to vector<1x1x1x16xf32>
        tpu.vector_store %arg6[%swap3A_888, %swap3A_889, %swap3A_890, %swap3A_891], %swap3A_894 {strides = array<i32>} : memref<4x2x128x64xf32, #tpu.memory_space<vmem>>, vector<1x1x1x16xf32>,
        %get3A_895 = arith.constant 1 : i32
        %get3A_896 = arith.constant 1 : i32
        %get3A_897 = arith.index_cast %get3A_895 : i32 to index
        %get3A_898 = arith.index_cast %get3A_896 : i32 to index
        %get3A_899 = arith.index_cast %scan3A_814 : i32 to index
        %get3A_900 = arith.constant 0 : index
        %get3A_901 = tpu.vector_load %arg6[%get3A_897, %get3A_898, %get3A_899, %get3A_900] {strides = array<i32>} : memref<4x2x128x64xf32, #tpu.memory_space<vmem>>, vector<1x1x1x16xf32>,
        %get3A_902 = vector.shape_cast %get3A_901 : vector<1x1x1x16xf32> to vector<16xf32>
        %mul3A_903 = arith.constant 8.000000e+00 : f32
        %mul3A_904 = vector.broadcast %mul3A_903 : f32 to vector<16xf32>
        %mul3A_905 = arith.mulf %get3A_902, %mul3A_904 : vector<16xf32>
        %swap3A_906 = arith.constant 1 : i32
        %swap3A_907 = arith.constant 1 : i32
        %swap3A_908 = arith.index_cast %swap3A_906 : i32 to index
        %swap3A_909 = arith.index_cast %swap3A_907 : i32 to index
        %swap3A_910 = arith.index_cast %scan3A_814 : i32 to index
        %swap3A_911 = arith.constant 0 : index
        %swap3A_912 = tpu.vector_load %arg6[%swap3A_908, %swap3A_909, %swap3A_910, %swap3A_911] {strides = array<i32>} : memref<4x2x128x64xf32, #tpu.memory_space<vmem>>, vector<1x1x1x16xf32>,
        %swap3A_913 = vector.shape_cast %swap3A_912 : vector<1x1x1x16xf32> to vector<16xf32>
        %swap3A_914 = vector.shape_cast %mul3A_905 : vector<16xf32> to vector<1x1x1x16xf32>
        tpu.vector_store %arg6[%swap3A_908, %swap3A_909, %swap3A_910, %swap3A_911], %swap3A_914 {strides = array<i32>} : memref<4x2x128x64xf32, #tpu.memory_space<vmem>>, vector<1x1x1x16xf32>,
        %get3A_915 = arith.constant 1 : i32
        %get3A_916 = arith.constant 1 : i32
        %get3A_917 = arith.index_cast %get3A_915 : i32 to index
        %get3A_918 = arith.index_cast %get3A_916 : i32 to index
        %get3A_919 = arith.index_cast %scan3A_814 : i32 to index
        %get3A_920 = arith.constant 16 : index
        %get3A_921 = tpu.vector_load %arg6[%get3A_917, %get3A_918, %get3A_919, %get3A_920] {strides = array<i32>} : memref<4x2x128x64xf32, #tpu.memory_space<vmem>>, vector<1x1x1x16xf32>,
        %get3A_922 = vector.shape_cast %get3A_921 : vector<1x1x1x16xf32> to vector<16xf32>
        %mul3A_923 = arith.constant 8.000000e+00 : f32
        %mul3A_924 = vector.broadcast %mul3A_923 : f32 to vector<16xf32>
        %mul3A_925 = arith.mulf %get3A_922, %mul3A_924 : vector<16xf32>
        %swap3A_926 = arith.constant 1 : i32
        %swap3A_927 = arith.constant 1 : i32
        %swap3A_928 = arith.index_cast %swap3A_926 : i32 to index
        %swap3A_929 = arith.index_cast %swap3A_927 : i32 to index
        %swap3A_930 = arith.index_cast %scan3A_814 : i32 to index
        %swap3A_931 = arith.constant 16 : index
        %swap3A_932 = tpu.vector_load %arg6[%swap3A_928, %swap3A_929, %swap3A_930, %swap3A_931] {strides = array<i32>} : memref<4x2x128x64xf32, #tpu.memory_space<vmem>>, vector<1x1x1x16xf32>,
        %swap3A_933 = vector.shape_cast %swap3A_932 : vector<1x1x1x16xf32> to vector<16xf32>
        %swap3A_934 = vector.shape_cast %mul3A_925 : vector<16xf32> to vector<1x1x1x16xf32>
        tpu.vector_store %arg6[%swap3A_928, %swap3A_929, %swap3A_930, %swap3A_931], %swap3A_934 {strides = array<i32>} : memref<4x2x128x64xf32, #tpu.memory_space<vmem>>, vector<1x1x1x16xf32>,
        %get3A_935 = arith.constant 1 : i32
        %get3A_936 = arith.constant 1 : i32
        %get3A_937 = arith.index_cast %get3A_935 : i32 to index
        %get3A_938 = arith.index_cast %get3A_936 : i32 to index
        %get3A_939 = arith.index_cast %scan3A_814 : i32 to index
        %get3A_940 = arith.constant 32 : index
        %get3A_941 = tpu.vector_load %arg6[%get3A_937, %get3A_938, %get3A_939, %get3A_940] {strides = array<i32>} : memref<4x2x128x64xf32, #tpu.memory_space<vmem>>, vector<1x1x1x16xf32>,
        %get3A_942 = vector.shape_cast %get3A_941 : vector<1x1x1x16xf32> to vector<16xf32>
        %mul3A_943 = arith.constant 8.000000e+00 : f32
        %mul3A_944 = vector.broadcast %mul3A_943 : f32 to vector<16xf32>
        %mul3A_945 = arith.mulf %get3A_942, %mul3A_944 : vector<16xf32>
        %swap3A_946 = arith.constant 1 : i32
        %swap3A_947 = arith.constant 1 : i32
        %swap3A_948 = arith.index_cast %swap3A_946 : i32 to index
        %swap3A_949 = arith.index_cast %swap3A_947 : i32 to index
        %swap3A_950 = arith.index_cast %scan3A_814 : i32 to index
        %swap3A_951 = arith.constant 32 : index
        %swap3A_952 = tpu.vector_load %arg6[%swap3A_948, %swap3A_949, %swap3A_950, %swap3A_951] {strides = array<i32>} : memref<4x2x128x64xf32, #tpu.memory_space<vmem>>, vector<1x1x1x16xf32>,
        %swap3A_953 = vector.shape_cast %swap3A_952 : vector<1x1x1x16xf32> to vector<16xf32>
        %swap3A_954 = vector.shape_cast %mul3A_945 : vector<16xf32> to vector<1x1x1x16xf32>
        tpu.vector_store %arg6[%swap3A_948, %swap3A_949, %swap3A_950, %swap3A_951], %swap3A_954 {strides = array<i32>} : memref<4x2x128x64xf32, #tpu.memory_space<vmem>>, vector<1x1x1x16xf32>,
        %get3A_955 = arith.constant 1 : i32
        %get3A_956 = arith.constant 1 : i32
        %get3A_957 = arith.index_cast %get3A_955 : i32 to index
        %get3A_958 = arith.index_cast %get3A_956 : i32 to index
        %get3A_959 = arith.index_cast %scan3A_814 : i32 to index
        %get3A_960 = arith.constant 48 : index
        %get3A_961 = tpu.vector_load %arg6[%get3A_957, %get3A_958, %get3A_959, %get3A_960] {strides = array<i32>} : memref<4x2x128x64xf32, #tpu.memory_space<vmem>>, vector<1x1x1x16xf32>,
        %get3A_962 = vector.shape_cast %get3A_961 : vector<1x1x1x16xf32> to vector<16xf32>
        %mul3A_963 = arith.constant 8.000000e+00 : f32
        %mul3A_964 = vector.broadcast %mul3A_963 : f32 to vector<16xf32>
        %mul3A_965 = arith.mulf %get3A_962, %mul3A_964 : vector<16xf32>
        %swap3A_966 = arith.constant 1 : i32
        %swap3A_967 = arith.constant 1 : i32
        %swap3A_968 = arith.index_cast %swap3A_966 : i32 to index
        %swap3A_969 = arith.index_cast %swap3A_967 : i32 to index
        %swap3A_970 = arith.index_cast %scan3A_814 : i32 to index
        %swap3A_971 = arith.constant 48 : index
        %swap3A_972 = tpu.vector_load %arg6[%swap3A_968, %swap3A_969, %swap3A_970, %swap3A_971] {strides = array<i32>} : memref<4x2x128x64xf32, #tpu.memory_space<vmem>>, vector<1x1x1x16xf32>,
        %swap3A_973 = vector.shape_cast %swap3A_972 : vector<1x1x1x16xf32> to vector<16xf32>
        %swap3A_974 = vector.shape_cast %mul3A_965 : vector<16xf32> to vector<1x1x1x16xf32>
        tpu.vector_store %arg6[%swap3A_968, %swap3A_969, %swap3A_970, %swap3A_971], %swap3A_974 {strides = array<i32>} : memref<4x2x128x64xf32, #tpu.memory_space<vmem>>, vector<1x1x1x16xf32>,
        %scan3A_975 = arith.constant 0 : i32
        %scan3A_976 = arith.constant 3 : i32
        %scan3A_977 = arith.addi %scan3A_489, %scan3A_976 : i32
        %get3A_978 = arith.constant 1 : i32
        %get3A_979 = arith.constant 0 : i32
        %get3A_980 = arith.index_cast %get3A_978 : i32 to index
        %get3A_981 = arith.index_cast %get3A_979 : i32 to index
        %get3A_982 = arith.index_cast %scan3A_977 : i32 to index
        %get3A_983 = arith.constant 0 : index
        %get3A_984 = tpu.vector_load %arg6[%get3A_980, %get3A_981, %get3A_982, %get3A_983] {strides = array<i32>} : memref<4x2x128x64xf32, #tpu.memory_space<vmem>>, vector<1x1x1x16xf32>,
        %get3A_985 = vector.shape_cast %get3A_984 : vector<1x1x1x16xf32> to vector<16xf32>
        %mul3A_986 = arith.constant 8.000000e+00 : f32
        %mul3A_987 = vector.broadcast %mul3A_986 : f32 to vector<16xf32>
        %mul3A_988 = arith.mulf %get3A_985, %mul3A_987 : vector<16xf32>
        %swap3A_989 = arith.constant 1 : i32
        %swap3A_990 = arith.constant 0 : i32
        %swap3A_991 = arith.index_cast %swap3A_989 : i32 to index
        %swap3A_992 = arith.index_cast %swap3A_990 : i32 to index
        %swap3A_993 = arith.index_cast %scan3A_977 : i32 to index
        %swap3A_994 = arith.constant 0 : index
        %swap3A_995 = tpu.vector_load %arg6[%swap3A_991, %swap3A_992, %swap3A_993, %swap3A_994] {strides = array<i32>} : memref<4x2x128x64xf32, #tpu.memory_space<vmem>>, vector<1x1x1x16xf32>,
        %swap3A_996 = vector.shape_cast %swap3A_995 : vector<1x1x1x16xf32> to vector<16xf32>
        %swap3A_997 = vector.shape_cast %mul3A_988 : vector<16xf32> to vector<1x1x1x16xf32>
        tpu.vector_store %arg6[%swap3A_991, %swap3A_992, %swap3A_993, %swap3A_994], %swap3A_997 {strides = array<i32>} : memref<4x2x128x64xf32, #tpu.memory_space<vmem>>, vector<1x1x1x16xf32>,
        %get3A_998 = arith.constant 1 : i32
        %get3A_999 = arith.constant 0 : i32
        %get3A_1000 = arith.index_cast %get3A_998 : i32 to index
        %get3A_1001 = arith.index_cast %get3A_999 : i32 to index
        %get3A_1002 = arith.index_cast %scan3A_977 : i32 to index
        %get3A_1003 = arith.constant 16 : index
        %get3A_1004 = tpu.vector_load %arg6[%get3A_1000, %get3A_1001, %get3A_1002, %get3A_1003] {strides = array<i32>} : memref<4x2x128x64xf32, #tpu.memory_space<vmem>>, vector<1x1x1x16xf32>,
        %get3A_1005 = vector.shape_cast %get3A_1004 : vector<1x1x1x16xf32> to vector<16xf32>
        %mul3A_1006 = arith.constant 8.000000e+00 : f32
        %mul3A_1007 = vector.broadcast %mul3A_1006 : f32 to vector<16xf32>
        %mul3A_1008 = arith.mulf %get3A_1005, %mul3A_1007 : vector<16xf32>
        %swap3A_1009 = arith.constant 1 : i32
        %swap3A_1010 = arith.constant 0 : i32
        %swap3A_1011 = arith.index_cast %swap3A_1009 : i32 to index
        %swap3A_1012 = arith.index_cast %swap3A_1010 : i32 to index
        %swap3A_1013 = arith.index_cast %scan3A_977 : i32 to index
        %swap3A_1014 = arith.constant 16 : index
        %swap3A_1015 = tpu.vector_load %arg6[%swap3A_1011, %swap3A_1012, %swap3A_1013, %swap3A_1014] {strides = array<i32>} : memref<4x2x128x64xf32, #tpu.memory_space<vmem>>, vector<1x1x1x16xf32>,
        %swap3A_1016 = vector.shape_cast %swap3A_1015 : vector<1x1x1x16xf32> to vector<16xf32>
        %swap3A_1017 = vector.shape_cast %mul3A_1008 : vector<16xf32> to vector<1x1x1x16xf32>
        tpu.vector_store %arg6[%swap3A_1011, %swap3A_1012, %swap3A_1013, %swap3A_1014], %swap3A_1017 {strides = array<i32>} : memref<4x2x128x64xf32, #tpu.memory_space<vmem>>, vector<1x1x1x16xf32>,
        %get3A_1018 = arith.constant 1 : i32
        %get3A_1019 = arith.constant 0 : i32
        %get3A_1020 = arith.index_cast %get3A_1018 : i32 to index
        %get3A_1021 = arith.index_cast %get3A_1019 : i32 to index
        %get3A_1022 = arith.index_cast %scan3A_977 : i32 to index
        %get3A_1023 = arith.constant 32 : index
        %get3A_1024 = tpu.vector_load %arg6[%get3A_1020, %get3A_1021, %get3A_1022, %get3A_1023] {strides = array<i32>} : memref<4x2x128x64xf32, #tpu.memory_space<vmem>>, vector<1x1x1x16xf32>,
        %get3A_1025 = vector.shape_cast %get3A_1024 : vector<1x1x1x16xf32> to vector<16xf32>
        %mul3A_1026 = arith.constant 8.000000e+00 : f32
        %mul3A_1027 = vector.broadcast %mul3A_1026 : f32 to vector<16xf32>
        %mul3A_1028 = arith.mulf %get3A_1025, %mul3A_1027 : vector<16xf32>
        %swap3A_1029 = arith.constant 1 : i32
        %swap3A_1030 = arith.constant 0 : i32
        %swap3A_1031 = arith.index_cast %swap3A_1029 : i32 to index
        %swap3A_1032 = arith.index_cast %swap3A_1030 : i32 to index
        %swap3A_1033 = arith.index_cast %scan3A_977 : i32 to index
        %swap3A_1034 = arith.constant 32 : index
        %swap3A_1035 = tpu.vector_load %arg6[%swap3A_1031, %swap3A_1032, %swap3A_1033, %swap3A_1034] {strides = array<i32>} : memref<4x2x128x64xf32, #tpu.memory_space<vmem>>, vector<1x1x1x16xf32>,
        %swap3A_1036 = vector.shape_cast %swap3A_1035 : vector<1x1x1x16xf32> to vector<16xf32>
        %swap3A_1037 = vector.shape_cast %mul3A_1028 : vector<16xf32> to vector<1x1x1x16xf32>
        tpu.vector_store %arg6[%swap3A_1031, %swap3A_1032, %swap3A_1033, %swap3A_1034], %swap3A_1037 {strides = array<i32>} : memref<4x2x128x64xf32, #tpu.memory_space<vmem>>, vector<1x1x1x16xf32>,
        %get3A_1038 = arith.constant 1 : i32
        %get3A_1039 = arith.constant 0 : i32
        %get3A_1040 = arith.index_cast %get3A_1038 : i32 to index
        %get3A_1041 = arith.index_cast %get3A_1039 : i32 to index
        %get3A_1042 = arith.index_cast %scan3A_977 : i32 to index
        %get3A_1043 = arith.constant 48 : index
        %get3A_1044 = tpu.vector_load %arg6[%get3A_1040, %get3A_1041, %get3A_1042, %get3A_1043] {strides = array<i32>} : memref<4x2x128x64xf32, #tpu.memory_space<vmem>>, vector<1x1x1x16xf32>,
        %get3A_1045 = vector.shape_cast %get3A_1044 : vector<1x1x1x16xf32> to vector<16xf32>
        %mul3A_1046 = arith.constant 8.000000e+00 : f32
        %mul3A_1047 = vector.broadcast %mul3A_1046 : f32 to vector<16xf32>
        %mul3A_1048 = arith.mulf %get3A_1045, %mul3A_1047 : vector<16xf32>
        %swap3A_1049 = arith.constant 1 : i32
        %swap3A_1050 = arith.constant 0 : i32
        %swap3A_1051 = arith.index_cast %swap3A_1049 : i32 to index
        %swap3A_1052 = arith.index_cast %swap3A_1050 : i32 to index
        %swap3A_1053 = arith.index_cast %scan3A_977 : i32 to index
        %swap3A_1054 = arith.constant 48 : index
        %swap3A_1055 = tpu.vector_load %arg6[%swap3A_1051, %swap3A_1052, %swap3A_1053, %swap3A_1054] {strides = array<i32>} : memref<4x2x128x64xf32, #tpu.memory_space<vmem>>, vector<1x1x1x16xf32>,
        %swap3A_1056 = vector.shape_cast %swap3A_1055 : vector<1x1x1x16xf32> to vector<16xf32>
        %swap3A_1057 = vector.shape_cast %mul3A_1048 : vector<16xf32> to vector<1x1x1x16xf32>
        tpu.vector_store %arg6[%swap3A_1051, %swap3A_1052, %swap3A_1053, %swap3A_1054], %swap3A_1057 {strides = array<i32>} : memref<4x2x128x64xf32, #tpu.memory_space<vmem>>, vector<1x1x1x16xf32>,
        %get3A_1058 = arith.constant 1 : i32
        %get3A_1059 = arith.constant 1 : i32
        %get3A_1060 = arith.index_cast %get3A_1058 : i32 to index
        %get3A_1061 = arith.index_cast %get3A_1059 : i32 to index
        %get3A_1062 = arith.index_cast %scan3A_977 : i32 to index
        %get3A_1063 = arith.constant 0 : index
        %get3A_1064 = tpu.vector_load %arg6[%get3A_1060, %get3A_1061, %get3A_1062, %get3A_1063] {strides = array<i32>} : memref<4x2x128x64xf32, #tpu.memory_space<vmem>>, vector<1x1x1x16xf32>,
        %get3A_1065 = vector.shape_cast %get3A_1064 : vector<1x1x1x16xf32> to vector<16xf32>
        %mul3A_1066 = arith.constant 8.000000e+00 : f32
        %mul3A_1067 = vector.broadcast %mul3A_1066 : f32 to vector<16xf32>
        %mul3A_1068 = arith.mulf %get3A_1065, %mul3A_1067 : vector<16xf32>
        %swap3A_1069 = arith.constant 1 : i32
        %swap3A_1070 = arith.constant 1 : i32
        %swap3A_1071 = arith.index_cast %swap3A_1069 : i32 to index
        %swap3A_1072 = arith.index_cast %swap3A_1070 : i32 to index
        %swap3A_1073 = arith.index_cast %scan3A_977 : i32 to index
        %swap3A_1074 = arith.constant 0 : index
        %swap3A_1075 = tpu.vector_load %arg6[%swap3A_1071, %swap3A_1072, %swap3A_1073, %swap3A_1074] {strides = array<i32>} : memref<4x2x128x64xf32, #tpu.memory_space<vmem>>, vector<1x1x1x16xf32>,
        %swap3A_1076 = vector.shape_cast %swap3A_1075 : vector<1x1x1x16xf32> to vector<16xf32>
        %swap3A_1077 = vector.shape_cast %mul3A_1068 : vector<16xf32> to vector<1x1x1x16xf32>
        tpu.vector_store %arg6[%swap3A_1071, %swap3A_1072, %swap3A_1073, %swap3A_1074], %swap3A_1077 {strides = array<i32>} : memref<4x2x128x64xf32, #tpu.memory_space<vmem>>, vector<1x1x1x16xf32>,
        %get3A_1078 = arith.constant 1 : i32
        %get3A_1079 = arith.constant 1 : i32
        %get3A_1080 = arith.index_cast %get3A_1078 : i32 to index
        %get3A_1081 = arith.index_cast %get3A_1079 : i32 to index
        %get3A_1082 = arith.index_cast %scan3A_977 : i32 to index
        %get3A_1083 = arith.constant 16 : index
        %get3A_1084 = tpu.vector_load %arg6[%get3A_1080, %get3A_1081, %get3A_1082, %get3A_1083] {strides = array<i32>} : memref<4x2x128x64xf32, #tpu.memory_space<vmem>>, vector<1x1x1x16xf32>,
        %get3A_1085 = vector.shape_cast %get3A_1084 : vector<1x1x1x16xf32> to vector<16xf32>
        %mul3A_1086 = arith.constant 8.000000e+00 : f32
        %mul3A_1087 = vector.broadcast %mul3A_1086 : f32 to vector<16xf32>
        %mul3A_1088 = arith.mulf %get3A_1085, %mul3A_1087 : vector<16xf32>
        %swap3A_1089 = arith.constant 1 : i32
        %swap3A_1090 = arith.constant 1 : i32
        %swap3A_1091 = arith.index_cast %swap3A_1089 : i32 to index
        %swap3A_1092 = arith.index_cast %swap3A_1090 : i32 to index
        %swap3A_1093 = arith.index_cast %scan3A_977 : i32 to index
        %swap3A_1094 = arith.constant 16 : index
        %swap3A_1095 = tpu.vector_load %arg6[%swap3A_1091, %swap3A_1092, %swap3A_1093, %swap3A_1094] {strides = array<i32>} : memref<4x2x128x64xf32, #tpu.memory_space<vmem>>, vector<1x1x1x16xf32>,
        %swap3A_1096 = vector.shape_cast %swap3A_1095 : vector<1x1x1x16xf32> to vector<16xf32>
        %swap3A_1097 = vector.shape_cast %mul3A_1088 : vector<16xf32> to vector<1x1x1x16xf32>
        tpu.vector_store %arg6[%swap3A_1091, %swap3A_1092, %swap3A_1093, %swap3A_1094], %swap3A_1097 {strides = array<i32>} : memref<4x2x128x64xf32, #tpu.memory_space<vmem>>, vector<1x1x1x16xf32>,
        %get3A_1098 = arith.constant 1 : i32
        %get3A_1099 = arith.constant 1 : i32
        %get3A_1100 = arith.index_cast %get3A_1098 : i32 to index
        %get3A_1101 = arith.index_cast %get3A_1099 : i32 to index
        %get3A_1102 = arith.index_cast %scan3A_977 : i32 to index
        %get3A_1103 = arith.constant 32 : index
        %get3A_1104 = tpu.vector_load %arg6[%get3A_1100, %get3A_1101, %get3A_1102, %get3A_1103] {strides = array<i32>} : memref<4x2x128x64xf32, #tpu.memory_space<vmem>>, vector<1x1x1x16xf32>,
        %get3A_1105 = vector.shape_cast %get3A_1104 : vector<1x1x1x16xf32> to vector<16xf32>
        %mul3A_1106 = arith.constant 8.000000e+00 : f32
        %mul3A_1107 = vector.broadcast %mul3A_1106 : f32 to vector<16xf32>
        %mul3A_1108 = arith.mulf %get3A_1105, %mul3A_1107 : vector<16xf32>
        %swap3A_1109 = arith.constant 1 : i32
        %swap3A_1110 = arith.constant 1 : i32
        %swap3A_1111 = arith.index_cast %swap3A_1109 : i32 to index
        %swap3A_1112 = arith.index_cast %swap3A_1110 : i32 to index
        %swap3A_1113 = arith.index_cast %scan3A_977 : i32 to index
        %swap3A_1114 = arith.constant 32 : index
        %swap3A_1115 = tpu.vector_load %arg6[%swap3A_1111, %swap3A_1112, %swap3A_1113, %swap3A_1114] {strides = array<i32>} : memref<4x2x128x64xf32, #tpu.memory_space<vmem>>, vector<1x1x1x16xf32>,
        %swap3A_1116 = vector.shape_cast %swap3A_1115 : vector<1x1x1x16xf32> to vector<16xf32>
        %swap3A_1117 = vector.shape_cast %mul3A_1108 : vector<16xf32> to vector<1x1x1x16xf32>
        tpu.vector_store %arg6[%swap3A_1111, %swap3A_1112, %swap3A_1113, %swap3A_1114], %swap3A_1117 {strides = array<i32>} : memref<4x2x128x64xf32, #tpu.memory_space<vmem>>, vector<1x1x1x16xf32>,
        %get3A_1118 = arith.constant 1 : i32
        %get3A_1119 = arith.constant 1 : i32
        %get3A_1120 = arith.index_cast %get3A_1118 : i32 to index
        %get3A_1121 = arith.index_cast %get3A_1119 : i32 to index
        %get3A_1122 = arith.index_cast %scan3A_977 : i32 to index
        %get3A_1123 = arith.constant 48 : index
        %get3A_1124 = tpu.vector_load %arg6[%get3A_1120, %get3A_1121, %get3A_1122, %get3A_1123] {strides = array<i32>} : memref<4x2x128x64xf32, #tpu.memory_space<vmem>>, vector<1x1x1x16xf32>,
        %get3A_1125 = vector.shape_cast %get3A_1124 : vector<1x1x1x16xf32> to vector<16xf32>
        %mul3A_1126 = arith.constant 8.000000e+00 : f32
        %mul3A_1127 = vector.broadcast %mul3A_1126 : f32 to vector<16xf32>
        %mul3A_1128 = arith.mulf %get3A_1125, %mul3A_1127 : vector<16xf32>
        %swap3A_1129 = arith.constant 1 : i32
        %swap3A_1130 = arith.constant 1 : i32
        %swap3A_1131 = arith.index_cast %swap3A_1129 : i32 to index
        %swap3A_1132 = arith.index_cast %swap3A_1130 : i32 to index
        %swap3A_1133 = arith.index_cast %scan3A_977 : i32 to index
        %swap3A_1134 = arith.constant 48 : index
        %swap3A_1135 = tpu.vector_load %arg6[%swap3A_1131, %swap3A_1132, %swap3A_1133, %swap3A_1134] {strides = array<i32>} : memref<4x2x128x64xf32, #tpu.memory_space<vmem>>, vector<1x1x1x16xf32>,
        %swap3A_1136 = vector.shape_cast %swap3A_1135 : vector<1x1x1x16xf32> to vector<16xf32>
        %swap3A_1137 = vector.shape_cast %mul3A_1128 : vector<16xf32> to vector<1x1x1x16xf32>
        tpu.vector_store %arg6[%swap3A_1131, %swap3A_1132, %swap3A_1133, %swap3A_1134], %swap3A_1137 {strides = array<i32>} : memref<4x2x128x64xf32, #tpu.memory_space<vmem>>, vector<1x1x1x16xf32>,
        %scan3A_1138 = arith.constant 0 : i32
        scf.yield %scan3A_1138 : i32
      }
      %scan3A_313 = arith.constant 128 : i32
      %mul3A_314 = arith.constant 2 : i32
      %mul3A_315 = arith.muli %add3A_264, %mul3A_314 : i32
      %add3A_316 = arith.addi %mul3A_2, %mul3A_315 : i32
      %dma_start3A_317 = arith.constant 1 : i32
      %dma_start3A_318 = arith.constant 1 : i32
      %dma_start3A_319 = arith.constant 0 : i32
      %dma_start3A_320 = arith.constant 0 : i32
      %dma_start3A_321 = arith.constant 0 : i32
      %dma_start3A_322 = tpu.memref_slice %arg6[%dma_start3A_317, %dma_start3A_319, %dma_start3A_320, %dma_start3A_321] : memref<4x2x128x64xf32, #tpu.memory_space<vmem>> -> memref<1x2x128x64xf32, #tpu.memory_space<vmem>>
      %dma_start3A_323 = tpu.memref_squeeze %dma_start3A_322 : memref<1x2x128x64xf32, #tpu.memory_space<vmem>> -> memref<2x128x64xf32, #tpu.memory_space<vmem>>
      %dma_start3A_324 = arith.constant 0 : i32
      %dma_start3A_325 = arith.constant 0 : i32
      %dma_start3A_326 = tpu.memref_slice %arg4[%add3A_316, %dma_start3A_324, %dma_start3A_325] : memref<6400x128x64xf32, #tpu.memory_space<hbm>> -> memref<2x128x64xf32, #tpu.memory_space<hbm>>
      %dma_start3A_327 = tpu.memref_slice %arg8[%dma_start3A_318] : memref<4x!tpu.dma_semaphore, #tpu.memory_space<semaphore_mem>> -> memref<1x!tpu.dma_semaphore, #tpu.memory_space<semaphore_mem>>
      %dma_start3A_328 = tpu.memref_squeeze %dma_start3A_327 : memref<1x!tpu.dma_semaphore, #tpu.memory_space<semaphore_mem>> -> memref<!tpu.dma_semaphore, #tpu.memory_space<semaphore_mem>>
      %dma_start3A_329 = arith.constant 0 : i32
      %dma_start3A_330 = arith.constant 0 : i32
      %dma_start3A_331 = tpu.memref_slice %arg4[%add3A_316, %dma_start3A_329, %dma_start3A_330] : memref<6400x128x64xf32, #tpu.memory_space<hbm>> -> memref<2x128x64xf32, #tpu.memory_space<hbm>>
      %dma_start3A_332 = arith.constant 0 : i32
      %dma_start3A_333 = arith.constant 0 : i32
      %dma_start3A_334 = arith.constant 0 : i32
      %dma_start3A_335 = tpu.memref_slice %arg6[%dma_start3A_317, %dma_start3A_332, %dma_start3A_333, %dma_start3A_334] : memref<4x2x128x64xf32, #tpu.memory_space<vmem>> -> memref<1x2x128x64xf32, #tpu.memory_space<vmem>>
      %dma_start3A_336 = tpu.memref_squeeze %dma_start3A_335 : memref<1x2x128x64xf32, #tpu.memory_space<vmem>> -> memref<2x128x64xf32, #tpu.memory_space<vmem>>
      tpu.enqueue_dma source(%dma_start3A_336 : memref<2x128x64xf32, #tpu.memory_space<vmem>>) target(%dma_start3A_331 : memref<2x128x64xf32, #tpu.memory_space<hbm>>) target_semaphore(%dma_start3A_328 : memref<!tpu.dma_semaphore, #tpu.memory_space<semaphore_mem>>)
      %mul3A_337 = arith.constant 4 : i32
      %mul3A_338 = arith.muli %scan3A_190, %mul3A_337 : i32
      %add3A_339 = arith.constant 2 : i32
      %add3A_340 = arith.addi %mul3A_338, %add3A_339 : i32
      %add3A_341 = arith.constant 4 : i32
      %add3A_342 = arith.addi %add3A_340, %add3A_341 : i32
      %sub3A_343 = arith.constant 1 : i32
      %sub3A_344 = arith.subi %add3A_342, %sub3A_343 : i32
      %lt3A_345 = arith.constant 100 : i32
      %lt3A_346 = arith.cmpi slt, %sub3A_344, %lt3A_345 : i32
      %ge3A_347 = arith.constant 4 : i32
      %ge3A_348 = arith.cmpi sge, %sub3A_344, %ge3A_347 : i32
      %and3A_349 = arith.andi %lt3A_346, %ge3A_348 : i1
      %convert_element_type3A_350 = arith.extui %and3A_349 : i1 to i32
      %cond3A_351 = arith.constant 0 : i32
      %cond3A_352 = arith.cmpi ne, %convert_element_type3A_350, %cond3A_351 : i32
      scf.if %cond3A_352 {
        %dma_wait3A_489 = arith.constant 1 : i32
        %dma_wait3A_490 = arith.constant 1 : i32
        %dma_wait3A_491 = arith.constant 0 : i32
        %dma_wait3A_492 = arith.constant 0 : i32
        %dma_wait3A_493 = arith.constant 0 : i32
        %dma_wait3A_494 = tpu.memref_slice %arg6[%dma_wait3A_489, %dma_wait3A_491, %dma_wait3A_492, %dma_wait3A_493] : memref<4x2x128x64xf32, #tpu.memory_space<vmem>> -> memref<1x2x128x64xf32, #tpu.memory_space<vmem>>
        %dma_wait3A_495 = tpu.memref_squeeze %dma_wait3A_494 : memref<1x2x128x64xf32, #tpu.memory_space<vmem>> -> memref<2x128x64xf32, #tpu.memory_space<vmem>>
        %dma_wait3A_496 = arith.constant 0 : i32
        %dma_wait3A_497 = arith.constant 0 : i32
        %dma_wait3A_498 = arith.constant 0 : i32
        %dma_wait3A_499 = tpu.memref_slice %arg4[%dma_wait3A_496, %dma_wait3A_497, %dma_wait3A_498] : memref<6400x128x64xf32, #tpu.memory_space<hbm>> -> memref<2x128x64xf32, #tpu.memory_space<hbm>>
        %dma_wait3A_500 = tpu.memref_slice %arg8[%dma_wait3A_490] : memref<4x!tpu.dma_semaphore, #tpu.memory_space<semaphore_mem>> -> memref<1x!tpu.dma_semaphore, #tpu.memory_space<semaphore_mem>>
        %dma_wait3A_501 = tpu.memref_squeeze %dma_wait3A_500 : memref<1x!tpu.dma_semaphore, #tpu.memory_space<semaphore_mem>> -> memref<!tpu.dma_semaphore, #tpu.memory_space<semaphore_mem>>
        %dma_wait3A_502 = arith.constant 0 : i32
        %dma_wait3A_503 = arith.constant 0 : i32
        %dma_wait3A_504 = arith.constant 0 : i32
        %dma_wait3A_505 = tpu.memref_slice %arg4[%dma_wait3A_502, %dma_wait3A_503, %dma_wait3A_504] : memref<6400x128x64xf32, #tpu.memory_space<hbm>> -> memref<2x128x64xf32, #tpu.memory_space<hbm>>
        %dma_wait3A_506 = arith.constant 0 : i32
        %dma_wait3A_507 = arith.constant 0 : i32
        %dma_wait3A_508 = arith.constant 0 : i32
        %dma_wait3A_509 = tpu.memref_slice %arg6[%dma_wait3A_489, %dma_wait3A_506, %dma_wait3A_507, %dma_wait3A_508] : memref<4x2x128x64xf32, #tpu.memory_space<vmem>> -> memref<1x2x128x64xf32, #tpu.memory_space<vmem>>
        %dma_wait3A_510 = tpu.memref_squeeze %dma_wait3A_509 : memref<1x2x128x64xf32, #tpu.memory_space<vmem>> -> memref<2x128x64xf32, #tpu.memory_space<vmem>>
        tpu.wait_dma2 semaphore(%dma_wait3A_501 : memref<!tpu.dma_semaphore, #tpu.memory_space<semaphore_mem>>) src(%dma_wait3A_510 : memref<2x128x64xf32, #tpu.memory_space<vmem>>) dst(%dma_wait3A_505 : memref<2x128x64xf32, #tpu.memory_space<hbm>>)
        %mul3A_511 = arith.constant 2 : i32
        %mul3A_512 = arith.muli %sub3A_344, %mul3A_511 : i32
        %add3A_513 = arith.constant 0 : i32
        %add3A_514 = arith.addi %mul3A_512, %add3A_513 : i32
        %dma_start3A_515 = arith.constant 1 : i32
        %dma_start3A_516 = arith.constant 0 : i32
        %dma_start3A_517 = arith.constant 1 : i32
        %dma_start3A_518 = arith.constant 0 : i32
        %dma_start3A_519 = arith.constant 0 : i32
        %dma_start3A_520 = tpu.memref_slice %arg6[%dma_start3A_515, %dma_start3A_516, %dma_start3A_518, %dma_start3A_519] : memref<4x2x128x64xf32, #tpu.memory_space<vmem>> -> memref<1x1x128x64xf32, #tpu.memory_space<vmem>>
        %dma_start3A_521 = tpu.memref_squeeze %dma_start3A_520 : memref<1x1x128x64xf32, #tpu.memory_space<vmem>> -> memref<128x64xf32, #tpu.memory_space<vmem>>
        %dma_start3A_522 = arith.constant 0 : i32
        %dma_start3A_523 = tpu.memref_slice %arg5[%add3A_514, %dma_start3A_522] : memref<200x128xi32, #tpu.memory_space<vmem>> -> memref<1x128xi32, #tpu.memory_space<vmem>>
        %dma_start3A_524 = tpu.memref_squeeze %dma_start3A_523 : memref<1x128xi32, #tpu.memory_space<vmem>> -> memref<128xi32, #tpu.memory_space<vmem>>
        %dma_start3A_525 = arith.constant 0 : i32
        %dma_start3A_526 = arith.constant 0 : i32
        %dma_start3A_527 = tpu.memref_slice %arg3[%dma_start3A_525, %dma_start3A_526] : memref<1000000x64xf32, #tpu.memory_space<hbm>> -> memref<1000000x64xf32, #tpu.memory_space<hbm>>
        %dma_start3A_528 = tpu.memref_slice %arg7[%dma_start3A_517] : memref<4x!tpu.dma_semaphore, #tpu.memory_space<semaphore_mem>> -> memref<1x!tpu.dma_semaphore, #tpu.memory_space<semaphore_mem>>
        %dma_start3A_529 = tpu.memref_squeeze %dma_start3A_528 : memref<1x!tpu.dma_semaphore, #tpu.memory_space<semaphore_mem>> -> memref<!tpu.dma_semaphore, #tpu.memory_space<semaphore_mem>>
        tpu.enqueue_indirect_dma source(%dma_start3A_527 : memref<1000000x64xf32, #tpu.memory_space<hbm>>) target(%dma_start3A_521 : memref<128x64xf32, #tpu.memory_space<vmem>>) offsets(%dma_start3A_524 : memref<128xi32, #tpu.memory_space<vmem>>) semaphore(%dma_start3A_529 : memref<!tpu.dma_semaphore, #tpu.memory_space<semaphore_mem>>)
        %mul3A_530 = arith.constant 2 : i32
        %mul3A_531 = arith.muli %sub3A_344, %mul3A_530 : i32
        %add3A_532 = arith.constant 1 : i32
        %add3A_533 = arith.addi %mul3A_531, %add3A_532 : i32
        %dma_start3A_534 = arith.constant 1 : i32
        %dma_start3A_535 = arith.constant 1 : i32
        %dma_start3A_536 = arith.constant 1 : i32
        %dma_start3A_537 = arith.constant 0 : i32
        %dma_start3A_538 = arith.constant 0 : i32
        %dma_start3A_539 = tpu.memref_slice %arg6[%dma_start3A_534, %dma_start3A_535, %dma_start3A_537, %dma_start3A_538] : memref<4x2x128x64xf32, #tpu.memory_space<vmem>> -> memref<1x1x128x64xf32, #tpu.memory_space<vmem>>
        %dma_start3A_540 = tpu.memref_squeeze %dma_start3A_539 : memref<1x1x128x64xf32, #tpu.memory_space<vmem>> -> memref<128x64xf32, #tpu.memory_space<vmem>>
        %dma_start3A_541 = arith.constant 0 : i32
        %dma_start3A_542 = tpu.memref_slice %arg5[%add3A_533, %dma_start3A_541] : memref<200x128xi32, #tpu.memory_space<vmem>> -> memref<1x128xi32, #tpu.memory_space<vmem>>
        %dma_start3A_543 = tpu.memref_squeeze %dma_start3A_542 : memref<1x128xi32, #tpu.memory_space<vmem>> -> memref<128xi32, #tpu.memory_space<vmem>>
        %dma_start3A_544 = arith.constant 0 : i32
        %dma_start3A_545 = arith.constant 0 : i32
        %dma_start3A_546 = tpu.memref_slice %arg3[%dma_start3A_544, %dma_start3A_545] : memref<1000000x64xf32, #tpu.memory_space<hbm>> -> memref<1000000x64xf32, #tpu.memory_space<hbm>>
        %dma_start3A_547 = tpu.memref_slice %arg7[%dma_start3A_536] : memref<4x!tpu.dma_semaphore, #tpu.memory_space<semaphore_mem>> -> memref<1x!tpu.dma_semaphore, #tpu.memory_space<semaphore_mem>>
        %dma_start3A_548 = tpu.memref_squeeze %dma_start3A_547 : memref<1x!tpu.dma_semaphore, #tpu.memory_space<semaphore_mem>> -> memref<!tpu.dma_semaphore, #tpu.memory_space<semaphore_mem>>
        tpu.enqueue_indirect_dma source(%dma_start3A_546 : memref<1000000x64xf32, #tpu.memory_space<hbm>>) target(%dma_start3A_540 : memref<128x64xf32, #tpu.memory_space<vmem>>) offsets(%dma_start3A_543 : memref<128xi32, #tpu.memory_space<vmem>>) semaphore(%dma_start3A_548 : memref<!tpu.dma_semaphore, #tpu.memory_space<semaphore_mem>>)
      } else {
      }
      %lt3A_353 = arith.constant 100 : i32
      %lt3A_354 = arith.cmpi slt, %sub3A_344, %lt3A_353 : i32
      %lt3A_355 = arith.constant 4 : i32
      %lt3A_356 = arith.cmpi slt, %sub3A_344, %lt3A_355 : i32
      %and3A_357 = arith.andi %lt3A_354, %lt3A_356 : i1
      %convert_element_type3A_358 = arith.extui %and3A_357 : i1 to i32
      %cond3A_359 = arith.constant 0 : i32
      %cond3A_360 = arith.cmpi ne, %convert_element_type3A_358, %cond3A_359 : i32
      scf.if %cond3A_360 {
        %mul3A_489 = arith.constant 2 : i32
        %mul3A_490 = arith.muli %sub3A_344, %mul3A_489 : i32
        %add3A_491 = arith.constant 0 : i32
        %add3A_492 = arith.addi %mul3A_490, %add3A_491 : i32
        %dma_start3A_493 = arith.constant 1 : i32
        %dma_start3A_494 = arith.constant 0 : i32
        %dma_start3A_495 = arith.constant 1 : i32
        %dma_start3A_496 = arith.constant 0 : i32
        %dma_start3A_497 = arith.constant 0 : i32
        %dma_start3A_498 = tpu.memref_slice %arg6[%dma_start3A_493, %dma_start3A_494, %dma_start3A_496, %dma_start3A_497] : memref<4x2x128x64xf32, #tpu.memory_space<vmem>> -> memref<1x1x128x64xf32, #tpu.memory_space<vmem>>
        %dma_start3A_499 = tpu.memref_squeeze %dma_start3A_498 : memref<1x1x128x64xf32, #tpu.memory_space<vmem>> -> memref<128x64xf32, #tpu.memory_space<vmem>>
        %dma_start3A_500 = arith.constant 0 : i32
        %dma_start3A_501 = tpu.memref_slice %arg5[%add3A_492, %dma_start3A_500] : memref<200x128xi32, #tpu.memory_space<vmem>> -> memref<1x128xi32, #tpu.memory_space<vmem>>
        %dma_start3A_502 = tpu.memref_squeeze %dma_start3A_501 : memref<1x128xi32, #tpu.memory_space<vmem>> -> memref<128xi32, #tpu.memory_space<vmem>>
        %dma_start3A_503 = arith.constant 0 : i32
        %dma_start3A_504 = arith.constant 0 : i32
        %dma_start3A_505 = tpu.memref_slice %arg3[%dma_start3A_503, %dma_start3A_504] : memref<1000000x64xf32, #tpu.memory_space<hbm>> -> memref<1000000x64xf32, #tpu.memory_space<hbm>>
        %dma_start3A_506 = tpu.memref_slice %arg7[%dma_start3A_495] : memref<4x!tpu.dma_semaphore, #tpu.memory_space<semaphore_mem>> -> memref<1x!tpu.dma_semaphore, #tpu.memory_space<semaphore_mem>>
        %dma_start3A_507 = tpu.memref_squeeze %dma_start3A_506 : memref<1x!tpu.dma_semaphore, #tpu.memory_space<semaphore_mem>> -> memref<!tpu.dma_semaphore, #tpu.memory_space<semaphore_mem>>
        tpu.enqueue_indirect_dma source(%dma_start3A_505 : memref<1000000x64xf32, #tpu.memory_space<hbm>>) target(%dma_start3A_499 : memref<128x64xf32, #tpu.memory_space<vmem>>) offsets(%dma_start3A_502 : memref<128xi32, #tpu.memory_space<vmem>>) semaphore(%dma_start3A_507 : memref<!tpu.dma_semaphore, #tpu.memory_space<semaphore_mem>>)
        %mul3A_508 = arith.constant 2 : i32
        %mul3A_509 = arith.muli %sub3A_344, %mul3A_508 : i32
        %add3A_510 = arith.constant 1 : i32
        %add3A_511 = arith.addi %mul3A_509, %add3A_510 : i32
        %dma_start3A_512 = arith.constant 1 : i32
        %dma_start3A_513 = arith.constant 1 : i32
        %dma_start3A_514 = arith.constant 1 : i32
        %dma_start3A_515 = arith.constant 0 : i32
        %dma_start3A_516 = arith.constant 0 : i32
        %dma_start3A_517 = tpu.memref_slice %arg6[%dma_start3A_512, %dma_start3A_513, %dma_start3A_515, %dma_start3A_516] : memref<4x2x128x64xf32, #tpu.memory_space<vmem>> -> memref<1x1x128x64xf32, #tpu.memory_space<vmem>>
        %dma_start3A_518 = tpu.memref_squeeze %dma_start3A_517 : memref<1x1x128x64xf32, #tpu.memory_space<vmem>> -> memref<128x64xf32, #tpu.memory_space<vmem>>
        %dma_start3A_519 = arith.constant 0 : i32
        %dma_start3A_520 = tpu.memref_slice %arg5[%add3A_511, %dma_start3A_519] : memref<200x128xi32, #tpu.memory_space<vmem>> -> memref<1x128xi32, #tpu.memory_space<vmem>>
        %dma_start3A_521 = tpu.memref_squeeze %dma_start3A_520 : memref<1x128xi32, #tpu.memory_space<vmem>> -> memref<128xi32, #tpu.memory_space<vmem>>
        %dma_start3A_522 = arith.constant 0 : i32
        %dma_start3A_523 = arith.constant 0 : i32
        %dma_start3A_524 = tpu.memref_slice %arg3[%dma_start3A_522, %dma_start3A_523] : memref<1000000x64xf32, #tpu.memory_space<hbm>> -> memref<1000000x64xf32, #tpu.memory_space<hbm>>
        %dma_start3A_525 = tpu.memref_slice %arg7[%dma_start3A_514] : memref<4x!tpu.dma_semaphore, #tpu.memory_space<semaphore_mem>> -> memref<1x!tpu.dma_semaphore, #tpu.memory_space<semaphore_mem>>
        %dma_start3A_526 = tpu.memref_squeeze %dma_start3A_525 : memref<1x!tpu.dma_semaphore, #tpu.memory_space<semaphore_mem>> -> memref<!tpu.dma_semaphore, #tpu.memory_space<semaphore_mem>>
        tpu.enqueue_indirect_dma source(%dma_start3A_524 : memref<1000000x64xf32, #tpu.memory_space<hbm>>) target(%dma_start3A_518 : memref<128x64xf32, #tpu.memory_space<vmem>>) offsets(%dma_start3A_521 : memref<128xi32, #tpu.memory_space<vmem>>) semaphore(%dma_start3A_526 : memref<!tpu.dma_semaphore, #tpu.memory_space<semaphore_mem>>)
      } else {
      }
      %dma_wait3A_361 = arith.constant 2 : i32
      %dma_wait3A_362 = arith.constant 2 : i32
      %dma_wait3A_363 = arith.constant 0 : i32
      %dma_wait3A_364 = arith.constant 0 : i32
      %dma_wait3A_365 = arith.constant 0 : i32
      %dma_wait3A_366 = tpu.memref_slice %arg6[%dma_wait3A_361, %dma_wait3A_363, %dma_wait3A_364, %dma_wait3A_365] : memref<4x2x128x64xf32, #tpu.memory_space<vmem>> -> memref<1x2x128x64xf32, #tpu.memory_space<vmem>>
      %dma_wait3A_367 = tpu.memref_squeeze %dma_wait3A_366 : memref<1x2x128x64xf32, #tpu.memory_space<vmem>> -> memref<2x128x64xf32, #tpu.memory_space<vmem>>
      %dma_wait3A_368 = arith.constant 0 : i32
      %dma_wait3A_369 = arith.constant 0 : i32
      %dma_wait3A_370 = arith.constant 0 : i32
      %dma_wait3A_371 = tpu.memref_slice %arg4[%dma_wait3A_368, %dma_wait3A_369, %dma_wait3A_370] : memref<6400x128x64xf32, #tpu.memory_space<hbm>> -> memref<2x128x64xf32, #tpu.memory_space<hbm>>
      %dma_wait3A_372 = tpu.memref_slice %arg7[%dma_wait3A_362] : memref<4x!tpu.dma_semaphore, #tpu.memory_space<semaphore_mem>> -> memref<1x!tpu.dma_semaphore, #tpu.memory_space<semaphore_mem>>
      %dma_wait3A_373 = tpu.memref_squeeze %dma_wait3A_372 : memref<1x!tpu.dma_semaphore, #tpu.memory_space<semaphore_mem>> -> memref<!tpu.dma_semaphore, #tpu.memory_space<semaphore_mem>>
      %dma_wait3A_374 = arith.constant 0 : i32
      %dma_wait3A_375 = arith.constant 0 : i32
      %dma_wait3A_376 = arith.constant 0 : i32
      %dma_wait3A_377 = tpu.memref_slice %arg6[%dma_wait3A_361, %dma_wait3A_374, %dma_wait3A_375, %dma_wait3A_376] : memref<4x2x128x64xf32, #tpu.memory_space<vmem>> -> memref<1x2x128x64xf32, #tpu.memory_space<vmem>>
      %dma_wait3A_378 = tpu.memref_squeeze %dma_wait3A_377 : memref<1x2x128x64xf32, #tpu.memory_space<vmem>> -> memref<2x128x64xf32, #tpu.memory_space<vmem>>
      %dma_wait3A_379 = arith.constant 0 : i32
      %dma_wait3A_380 = arith.constant 0 : i32
      %dma_wait3A_381 = arith.constant 0 : i32
      %dma_wait3A_382 = tpu.memref_slice %arg4[%dma_wait3A_379, %dma_wait3A_380, %dma_wait3A_381] : memref<6400x128x64xf32, #tpu.memory_space<hbm>> -> memref<2x128x64xf32, #tpu.memory_space<hbm>>
      tpu.wait_dma2 semaphore(%dma_wait3A_373 : memref<!tpu.dma_semaphore, #tpu.memory_space<semaphore_mem>>) src(%dma_wait3A_382 : memref<2x128x64xf32, #tpu.memory_space<hbm>>) dst(%dma_wait3A_378 : memref<2x128x64xf32, #tpu.memory_space<vmem>>)
      %scan3A_383 = arith.constant 0 : i32
      %scan3A_384 = arith.constant 0 : i32
      %scan3A_385 = arith.constant 128 : i32
      %scan3A_386 = arith.addi %scan3A_384, %scan3A_385 : i32
      %scan3A_387 = arith.constant 4 : i32
      %scan3A_388 = scf.for %scan3A_489 = %scan3A_384 to %scan3A_386 step %scan3A_387 iter_args(%scan3A_490 = %scan3A_383) -> (i32)  : i32 {
        %get3A = arith.constant 2 : i32
        %get3A_491 = arith.constant 0 : i32
        %get3A_492 = arith.index_cast %get3A : i32 to index
        %get3A_493 = arith.index_cast %get3A_491 : i32 to index
        %get3A_494 = arith.index_cast %scan3A_489 : i32 to index
        %get3A_495 = arith.constant 0 : index
        %get3A_496 = tpu.vector_load %arg6[%get3A_492, %get3A_493, %get3A_494, %get3A_495] {strides = array<i32>} : memref<4x2x128x64xf32, #tpu.memory_space<vmem>>, vector<1x1x1x16xf32>,
        %get3A_497 = vector.shape_cast %get3A_496 : vector<1x1x1x16xf32> to vector<16xf32>
        %mul3A_498 = arith.constant 8.000000e+00 : f32
        %mul3A_499 = vector.broadcast %mul3A_498 : f32 to vector<16xf32>
        %mul3A_500 = arith.mulf %get3A_497, %mul3A_499 : vector<16xf32>
        %swap3A = arith.constant 2 : i32
        %swap3A_501 = arith.constant 0 : i32
        %swap3A_502 = arith.index_cast %swap3A : i32 to index
        %swap3A_503 = arith.index_cast %swap3A_501 : i32 to index
        %swap3A_504 = arith.index_cast %scan3A_489 : i32 to index
        %swap3A_505 = arith.constant 0 : index
        %swap3A_506 = tpu.vector_load %arg6[%swap3A_502, %swap3A_503, %swap3A_504, %swap3A_505] {strides = array<i32>} : memref<4x2x128x64xf32, #tpu.memory_space<vmem>>, vector<1x1x1x16xf32>,
        %swap3A_507 = vector.shape_cast %swap3A_506 : vector<1x1x1x16xf32> to vector<16xf32>
        %swap3A_508 = vector.shape_cast %mul3A_500 : vector<16xf32> to vector<1x1x1x16xf32>
        tpu.vector_store %arg6[%swap3A_502, %swap3A_503, %swap3A_504, %swap3A_505], %swap3A_508 {strides = array<i32>} : memref<4x2x128x64xf32, #tpu.memory_space<vmem>>, vector<1x1x1x16xf32>,
        %get3A_509 = arith.constant 2 : i32
        %get3A_510 = arith.constant 0 : i32
        %get3A_511 = arith.index_cast %get3A_509 : i32 to index
        %get3A_512 = arith.index_cast %get3A_510 : i32 to index
        %get3A_513 = arith.index_cast %scan3A_489 : i32 to index
        %get3A_514 = arith.constant 16 : index
        %get3A_515 = tpu.vector_load %arg6[%get3A_511, %get3A_512, %get3A_513, %get3A_514] {strides = array<i32>} : memref<4x2x128x64xf32, #tpu.memory_space<vmem>>, vector<1x1x1x16xf32>,
        %get3A_516 = vector.shape_cast %get3A_515 : vector<1x1x1x16xf32> to vector<16xf32>
        %mul3A_517 = arith.constant 8.000000e+00 : f32
        %mul3A_518 = vector.broadcast %mul3A_517 : f32 to vector<16xf32>
        %mul3A_519 = arith.mulf %get3A_516, %mul3A_518 : vector<16xf32>
        %swap3A_520 = arith.constant 2 : i32
        %swap3A_521 = arith.constant 0 : i32
        %swap3A_522 = arith.index_cast %swap3A_520 : i32 to index
        %swap3A_523 = arith.index_cast %swap3A_521 : i32 to index
        %swap3A_524 = arith.index_cast %scan3A_489 : i32 to index
        %swap3A_525 = arith.constant 16 : index
        %swap3A_526 = tpu.vector_load %arg6[%swap3A_522, %swap3A_523, %swap3A_524, %swap3A_525] {strides = array<i32>} : memref<4x2x128x64xf32, #tpu.memory_space<vmem>>, vector<1x1x1x16xf32>,
        %swap3A_527 = vector.shape_cast %swap3A_526 : vector<1x1x1x16xf32> to vector<16xf32>
        %swap3A_528 = vector.shape_cast %mul3A_519 : vector<16xf32> to vector<1x1x1x16xf32>
        tpu.vector_store %arg6[%swap3A_522, %swap3A_523, %swap3A_524, %swap3A_525], %swap3A_528 {strides = array<i32>} : memref<4x2x128x64xf32, #tpu.memory_space<vmem>>, vector<1x1x1x16xf32>,
        %get3A_529 = arith.constant 2 : i32
        %get3A_530 = arith.constant 0 : i32
        %get3A_531 = arith.index_cast %get3A_529 : i32 to index
        %get3A_532 = arith.index_cast %get3A_530 : i32 to index
        %get3A_533 = arith.index_cast %scan3A_489 : i32 to index
        %get3A_534 = arith.constant 32 : index
        %get3A_535 = tpu.vector_load %arg6[%get3A_531, %get3A_532, %get3A_533, %get3A_534] {strides = array<i32>} : memref<4x2x128x64xf32, #tpu.memory_space<vmem>>, vector<1x1x1x16xf32>,
        %get3A_536 = vector.shape_cast %get3A_535 : vector<1x1x1x16xf32> to vector<16xf32>
        %mul3A_537 = arith.constant 8.000000e+00 : f32
        %mul3A_538 = vector.broadcast %mul3A_537 : f32 to vector<16xf32>
        %mul3A_539 = arith.mulf %get3A_536, %mul3A_538 : vector<16xf32>
        %swap3A_540 = arith.constant 2 : i32
        %swap3A_541 = arith.constant 0 : i32
        %swap3A_542 = arith.index_cast %swap3A_540 : i32 to index
        %swap3A_543 = arith.index_cast %swap3A_541 : i32 to index
        %swap3A_544 = arith.index_cast %scan3A_489 : i32 to index
        %swap3A_545 = arith.constant 32 : index
        %swap3A_546 = tpu.vector_load %arg6[%swap3A_542, %swap3A_543, %swap3A_544, %swap3A_545] {strides = array<i32>} : memref<4x2x128x64xf32, #tpu.memory_space<vmem>>, vector<1x1x1x16xf32>,
        %swap3A_547 = vector.shape_cast %swap3A_546 : vector<1x1x1x16xf32> to vector<16xf32>
        %swap3A_548 = vector.shape_cast %mul3A_539 : vector<16xf32> to vector<1x1x1x16xf32>
        tpu.vector_store %arg6[%swap3A_542, %swap3A_543, %swap3A_544, %swap3A_545], %swap3A_548 {strides = array<i32>} : memref<4x2x128x64xf32, #tpu.memory_space<vmem>>, vector<1x1x1x16xf32>,
        %get3A_549 = arith.constant 2 : i32
        %get3A_550 = arith.constant 0 : i32
        %get3A_551 = arith.index_cast %get3A_549 : i32 to index
        %get3A_552 = arith.index_cast %get3A_550 : i32 to index
        %get3A_553 = arith.index_cast %scan3A_489 : i32 to index
        %get3A_554 = arith.constant 48 : index
        %get3A_555 = tpu.vector_load %arg6[%get3A_551, %get3A_552, %get3A_553, %get3A_554] {strides = array<i32>} : memref<4x2x128x64xf32, #tpu.memory_space<vmem>>, vector<1x1x1x16xf32>,
        %get3A_556 = vector.shape_cast %get3A_555 : vector<1x1x1x16xf32> to vector<16xf32>
        %mul3A_557 = arith.constant 8.000000e+00 : f32
        %mul3A_558 = vector.broadcast %mul3A_557 : f32 to vector<16xf32>
        %mul3A_559 = arith.mulf %get3A_556, %mul3A_558 : vector<16xf32>
        %swap3A_560 = arith.constant 2 : i32
        %swap3A_561 = arith.constant 0 : i32
        %swap3A_562 = arith.index_cast %swap3A_560 : i32 to index
        %swap3A_563 = arith.index_cast %swap3A_561 : i32 to index
        %swap3A_564 = arith.index_cast %scan3A_489 : i32 to index
        %swap3A_565 = arith.constant 48 : index
        %swap3A_566 = tpu.vector_load %arg6[%swap3A_562, %swap3A_563, %swap3A_564, %swap3A_565] {strides = array<i32>} : memref<4x2x128x64xf32, #tpu.memory_space<vmem>>, vector<1x1x1x16xf32>,
        %swap3A_567 = vector.shape_cast %swap3A_566 : vector<1x1x1x16xf32> to vector<16xf32>
        %swap3A_568 = vector.shape_cast %mul3A_559 : vector<16xf32> to vector<1x1x1x16xf32>
        tpu.vector_store %arg6[%swap3A_562, %swap3A_563, %swap3A_564, %swap3A_565], %swap3A_568 {strides = array<i32>} : memref<4x2x128x64xf32, #tpu.memory_space<vmem>>, vector<1x1x1x16xf32>,
        %get3A_569 = arith.constant 2 : i32
        %get3A_570 = arith.constant 1 : i32
        %get3A_571 = arith.index_cast %get3A_569 : i32 to index
        %get3A_572 = arith.index_cast %get3A_570 : i32 to index
        %get3A_573 = arith.index_cast %scan3A_489 : i32 to index
        %get3A_574 = arith.constant 0 : index
        %get3A_575 = tpu.vector_load %arg6[%get3A_571, %get3A_572, %get3A_573, %get3A_574] {strides = array<i32>} : memref<4x2x128x64xf32, #tpu.memory_space<vmem>>, vector<1x1x1x16xf32>,
        %get3A_576 = vector.shape_cast %get3A_575 : vector<1x1x1x16xf32> to vector<16xf32>
        %mul3A_577 = arith.constant 8.000000e+00 : f32
        %mul3A_578 = vector.broadcast %mul3A_577 : f32 to vector<16xf32>
        %mul3A_579 = arith.mulf %get3A_576, %mul3A_578 : vector<16xf32>
        %swap3A_580 = arith.constant 2 : i32
        %swap3A_581 = arith.constant 1 : i32
        %swap3A_582 = arith.index_cast %swap3A_580 : i32 to index
        %swap3A_583 = arith.index_cast %swap3A_581 : i32 to index
        %swap3A_584 = arith.index_cast %scan3A_489 : i32 to index
        %swap3A_585 = arith.constant 0 : index
        %swap3A_586 = tpu.vector_load %arg6[%swap3A_582, %swap3A_583, %swap3A_584, %swap3A_585] {strides = array<i32>} : memref<4x2x128x64xf32, #tpu.memory_space<vmem>>, vector<1x1x1x16xf32>,
        %swap3A_587 = vector.shape_cast %swap3A_586 : vector<1x1x1x16xf32> to vector<16xf32>
        %swap3A_588 = vector.shape_cast %mul3A_579 : vector<16xf32> to vector<1x1x1x16xf32>
        tpu.vector_store %arg6[%swap3A_582, %swap3A_583, %swap3A_584, %swap3A_585], %swap3A_588 {strides = array<i32>} : memref<4x2x128x64xf32, #tpu.memory_space<vmem>>, vector<1x1x1x16xf32>,
        %get3A_589 = arith.constant 2 : i32
        %get3A_590 = arith.constant 1 : i32
        %get3A_591 = arith.index_cast %get3A_589 : i32 to index
        %get3A_592 = arith.index_cast %get3A_590 : i32 to index
        %get3A_593 = arith.index_cast %scan3A_489 : i32 to index
        %get3A_594 = arith.constant 16 : index
        %get3A_595 = tpu.vector_load %arg6[%get3A_591, %get3A_592, %get3A_593, %get3A_594] {strides = array<i32>} : memref<4x2x128x64xf32, #tpu.memory_space<vmem>>, vector<1x1x1x16xf32>,
        %get3A_596 = vector.shape_cast %get3A_595 : vector<1x1x1x16xf32> to vector<16xf32>
        %mul3A_597 = arith.constant 8.000000e+00 : f32
        %mul3A_598 = vector.broadcast %mul3A_597 : f32 to vector<16xf32>
        %mul3A_599 = arith.mulf %get3A_596, %mul3A_598 : vector<16xf32>
        %swap3A_600 = arith.constant 2 : i32
        %swap3A_601 = arith.constant 1 : i32
        %swap3A_602 = arith.index_cast %swap3A_600 : i32 to index
        %swap3A_603 = arith.index_cast %swap3A_601 : i32 to index
        %swap3A_604 = arith.index_cast %scan3A_489 : i32 to index
        %swap3A_605 = arith.constant 16 : index
        %swap3A_606 = tpu.vector_load %arg6[%swap3A_602, %swap3A_603, %swap3A_604, %swap3A_605] {strides = array<i32>} : memref<4x2x128x64xf32, #tpu.memory_space<vmem>>, vector<1x1x1x16xf32>,
        %swap3A_607 = vector.shape_cast %swap3A_606 : vector<1x1x1x16xf32> to vector<16xf32>
        %swap3A_608 = vector.shape_cast %mul3A_599 : vector<16xf32> to vector<1x1x1x16xf32>
        tpu.vector_store %arg6[%swap3A_602, %swap3A_603, %swap3A_604, %swap3A_605], %swap3A_608 {strides = array<i32>} : memref<4x2x128x64xf32, #tpu.memory_space<vmem>>, vector<1x1x1x16xf32>,
        %get3A_609 = arith.constant 2 : i32
        %get3A_610 = arith.constant 1 : i32
        %get3A_611 = arith.index_cast %get3A_609 : i32 to index
        %get3A_612 = arith.index_cast %get3A_610 : i32 to index
        %get3A_613 = arith.index_cast %scan3A_489 : i32 to index
        %get3A_614 = arith.constant 32 : index
        %get3A_615 = tpu.vector_load %arg6[%get3A_611, %get3A_612, %get3A_613, %get3A_614] {strides = array<i32>} : memref<4x2x128x64xf32, #tpu.memory_space<vmem>>, vector<1x1x1x16xf32>,
        %get3A_616 = vector.shape_cast %get3A_615 : vector<1x1x1x16xf32> to vector<16xf32>
        %mul3A_617 = arith.constant 8.000000e+00 : f32
        %mul3A_618 = vector.broadcast %mul3A_617 : f32 to vector<16xf32>
        %mul3A_619 = arith.mulf %get3A_616, %mul3A_618 : vector<16xf32>
        %swap3A_620 = arith.constant 2 : i32
        %swap3A_621 = arith.constant 1 : i32
        %swap3A_622 = arith.index_cast %swap3A_620 : i32 to index
        %swap3A_623 = arith.index_cast %swap3A_621 : i32 to index
        %swap3A_624 = arith.index_cast %scan3A_489 : i32 to index
        %swap3A_625 = arith.constant 32 : index
        %swap3A_626 = tpu.vector_load %arg6[%swap3A_622, %swap3A_623, %swap3A_624, %swap3A_625] {strides = array<i32>} : memref<4x2x128x64xf32, #tpu.memory_space<vmem>>, vector<1x1x1x16xf32>,
        %swap3A_627 = vector.shape_cast %swap3A_626 : vector<1x1x1x16xf32> to vector<16xf32>
        %swap3A_628 = vector.shape_cast %mul3A_619 : vector<16xf32> to vector<1x1x1x16xf32>
        tpu.vector_store %arg6[%swap3A_622, %swap3A_623, %swap3A_624, %swap3A_625], %swap3A_628 {strides = array<i32>} : memref<4x2x128x64xf32, #tpu.memory_space<vmem>>, vector<1x1x1x16xf32>,
        %get3A_629 = arith.constant 2 : i32
        %get3A_630 = arith.constant 1 : i32
        %get3A_631 = arith.index_cast %get3A_629 : i32 to index
        %get3A_632 = arith.index_cast %get3A_630 : i32 to index
        %get3A_633 = arith.index_cast %scan3A_489 : i32 to index
        %get3A_634 = arith.constant 48 : index
        %get3A_635 = tpu.vector_load %arg6[%get3A_631, %get3A_632, %get3A_633, %get3A_634] {strides = array<i32>} : memref<4x2x128x64xf32, #tpu.memory_space<vmem>>, vector<1x1x1x16xf32>,
        %get3A_636 = vector.shape_cast %get3A_635 : vector<1x1x1x16xf32> to vector<16xf32>
        %mul3A_637 = arith.constant 8.000000e+00 : f32
        %mul3A_638 = vector.broadcast %mul3A_637 : f32 to vector<16xf32>
        %mul3A_639 = arith.mulf %get3A_636, %mul3A_638 : vector<16xf32>
        %swap3A_640 = arith.constant 2 : i32
        %swap3A_641 = arith.constant 1 : i32
        %swap3A_642 = arith.index_cast %swap3A_640 : i32 to index
        %swap3A_643 = arith.index_cast %swap3A_641 : i32 to index
        %swap3A_644 = arith.index_cast %scan3A_489 : i32 to index
        %swap3A_645 = arith.constant 48 : index
        %swap3A_646 = tpu.vector_load %arg6[%swap3A_642, %swap3A_643, %swap3A_644, %swap3A_645] {strides = array<i32>} : memref<4x2x128x64xf32, #tpu.memory_space<vmem>>, vector<1x1x1x16xf32>,
        %swap3A_647 = vector.shape_cast %swap3A_646 : vector<1x1x1x16xf32> to vector<16xf32>
        %swap3A_648 = vector.shape_cast %mul3A_639 : vector<16xf32> to vector<1x1x1x16xf32>
        tpu.vector_store %arg6[%swap3A_642, %swap3A_643, %swap3A_644, %swap3A_645], %swap3A_648 {strides = array<i32>} : memref<4x2x128x64xf32, #tpu.memory_space<vmem>>, vector<1x1x1x16xf32>,
        %scan3A_649 = arith.constant 0 : i32
        %scan3A_650 = arith.constant 1 : i32
        %scan3A_651 = arith.addi %scan3A_489, %scan3A_650 : i32
        %get3A_652 = arith.constant 2 : i32
        %get3A_653 = arith.constant 0 : i32
        %get3A_654 = arith.index_cast %get3A_652 : i32 to index
        %get3A_655 = arith.index_cast %get3A_653 : i32 to index
        %get3A_656 = arith.index_cast %scan3A_651 : i32 to index
        %get3A_657 = arith.constant 0 : index
        %get3A_658 = tpu.vector_load %arg6[%get3A_654, %get3A_655, %get3A_656, %get3A_657] {strides = array<i32>} : memref<4x2x128x64xf32, #tpu.memory_space<vmem>>, vector<1x1x1x16xf32>,
        %get3A_659 = vector.shape_cast %get3A_658 : vector<1x1x1x16xf32> to vector<16xf32>
        %mul3A_660 = arith.constant 8.000000e+00 : f32
        %mul3A_661 = vector.broadcast %mul3A_660 : f32 to vector<16xf32>
        %mul3A_662 = arith.mulf %get3A_659, %mul3A_661 : vector<16xf32>
        %swap3A_663 = arith.constant 2 : i32
        %swap3A_664 = arith.constant 0 : i32
        %swap3A_665 = arith.index_cast %swap3A_663 : i32 to index
        %swap3A_666 = arith.index_cast %swap3A_664 : i32 to index
        %swap3A_667 = arith.index_cast %scan3A_651 : i32 to index
        %swap3A_668 = arith.constant 0 : index
        %swap3A_669 = tpu.vector_load %arg6[%swap3A_665, %swap3A_666, %swap3A_667, %swap3A_668] {strides = array<i32>} : memref<4x2x128x64xf32, #tpu.memory_space<vmem>>, vector<1x1x1x16xf32>,
        %swap3A_670 = vector.shape_cast %swap3A_669 : vector<1x1x1x16xf32> to vector<16xf32>
        %swap3A_671 = vector.shape_cast %mul3A_662 : vector<16xf32> to vector<1x1x1x16xf32>
        tpu.vector_store %arg6[%swap3A_665, %swap3A_666, %swap3A_667, %swap3A_668], %swap3A_671 {strides = array<i32>} : memref<4x2x128x64xf32, #tpu.memory_space<vmem>>, vector<1x1x1x16xf32>,
        %get3A_672 = arith.constant 2 : i32
        %get3A_673 = arith.constant 0 : i32
        %get3A_674 = arith.index_cast %get3A_672 : i32 to index
        %get3A_675 = arith.index_cast %get3A_673 : i32 to index
        %get3A_676 = arith.index_cast %scan3A_651 : i32 to index
        %get3A_677 = arith.constant 16 : index
        %get3A_678 = tpu.vector_load %arg6[%get3A_674, %get3A_675, %get3A_676, %get3A_677] {strides = array<i32>} : memref<4x2x128x64xf32, #tpu.memory_space<vmem>>, vector<1x1x1x16xf32>,
        %get3A_679 = vector.shape_cast %get3A_678 : vector<1x1x1x16xf32> to vector<16xf32>
        %mul3A_680 = arith.constant 8.000000e+00 : f32
        %mul3A_681 = vector.broadcast %mul3A_680 : f32 to vector<16xf32>
        %mul3A_682 = arith.mulf %get3A_679, %mul3A_681 : vector<16xf32>
        %swap3A_683 = arith.constant 2 : i32
        %swap3A_684 = arith.constant 0 : i32
        %swap3A_685 = arith.index_cast %swap3A_683 : i32 to index
        %swap3A_686 = arith.index_cast %swap3A_684 : i32 to index
        %swap3A_687 = arith.index_cast %scan3A_651 : i32 to index
        %swap3A_688 = arith.constant 16 : index
        %swap3A_689 = tpu.vector_load %arg6[%swap3A_685, %swap3A_686, %swap3A_687, %swap3A_688] {strides = array<i32>} : memref<4x2x128x64xf32, #tpu.memory_space<vmem>>, vector<1x1x1x16xf32>,
        %swap3A_690 = vector.shape_cast %swap3A_689 : vector<1x1x1x16xf32> to vector<16xf32>
        %swap3A_691 = vector.shape_cast %mul3A_682 : vector<16xf32> to vector<1x1x1x16xf32>
        tpu.vector_store %arg6[%swap3A_685, %swap3A_686, %swap3A_687, %swap3A_688], %swap3A_691 {strides = array<i32>} : memref<4x2x128x64xf32, #tpu.memory_space<vmem>>, vector<1x1x1x16xf32>,
        %get3A_692 = arith.constant 2 : i32
        %get3A_693 = arith.constant 0 : i32
        %get3A_694 = arith.index_cast %get3A_692 : i32 to index
        %get3A_695 = arith.index_cast %get3A_693 : i32 to index
        %get3A_696 = arith.index_cast %scan3A_651 : i32 to index
        %get3A_697 = arith.constant 32 : index
        %get3A_698 = tpu.vector_load %arg6[%get3A_694, %get3A_695, %get3A_696, %get3A_697] {strides = array<i32>} : memref<4x2x128x64xf32, #tpu.memory_space<vmem>>, vector<1x1x1x16xf32>,
        %get3A_699 = vector.shape_cast %get3A_698 : vector<1x1x1x16xf32> to vector<16xf32>
        %mul3A_700 = arith.constant 8.000000e+00 : f32
        %mul3A_701 = vector.broadcast %mul3A_700 : f32 to vector<16xf32>
        %mul3A_702 = arith.mulf %get3A_699, %mul3A_701 : vector<16xf32>
        %swap3A_703 = arith.constant 2 : i32
        %swap3A_704 = arith.constant 0 : i32
        %swap3A_705 = arith.index_cast %swap3A_703 : i32 to index
        %swap3A_706 = arith.index_cast %swap3A_704 : i32 to index
        %swap3A_707 = arith.index_cast %scan3A_651 : i32 to index
        %swap3A_708 = arith.constant 32 : index
        %swap3A_709 = tpu.vector_load %arg6[%swap3A_705, %swap3A_706, %swap3A_707, %swap3A_708] {strides = array<i32>} : memref<4x2x128x64xf32, #tpu.memory_space<vmem>>, vector<1x1x1x16xf32>,
        %swap3A_710 = vector.shape_cast %swap3A_709 : vector<1x1x1x16xf32> to vector<16xf32>
        %swap3A_711 = vector.shape_cast %mul3A_702 : vector<16xf32> to vector<1x1x1x16xf32>
        tpu.vector_store %arg6[%swap3A_705, %swap3A_706, %swap3A_707, %swap3A_708], %swap3A_711 {strides = array<i32>} : memref<4x2x128x64xf32, #tpu.memory_space<vmem>>, vector<1x1x1x16xf32>,
        %get3A_712 = arith.constant 2 : i32
        %get3A_713 = arith.constant 0 : i32
        %get3A_714 = arith.index_cast %get3A_712 : i32 to index
        %get3A_715 = arith.index_cast %get3A_713 : i32 to index
        %get3A_716 = arith.index_cast %scan3A_651 : i32 to index
        %get3A_717 = arith.constant 48 : index
        %get3A_718 = tpu.vector_load %arg6[%get3A_714, %get3A_715, %get3A_716, %get3A_717] {strides = array<i32>} : memref<4x2x128x64xf32, #tpu.memory_space<vmem>>, vector<1x1x1x16xf32>,
        %get3A_719 = vector.shape_cast %get3A_718 : vector<1x1x1x16xf32> to vector<16xf32>
        %mul3A_720 = arith.constant 8.000000e+00 : f32
        %mul3A_721 = vector.broadcast %mul3A_720 : f32 to vector<16xf32>
        %mul3A_722 = arith.mulf %get3A_719, %mul3A_721 : vector<16xf32>
        %swap3A_723 = arith.constant 2 : i32
        %swap3A_724 = arith.constant 0 : i32
        %swap3A_725 = arith.index_cast %swap3A_723 : i32 to index
        %swap3A_726 = arith.index_cast %swap3A_724 : i32 to index
        %swap3A_727 = arith.index_cast %scan3A_651 : i32 to index
        %swap3A_728 = arith.constant 48 : index
        %swap3A_729 = tpu.vector_load %arg6[%swap3A_725, %swap3A_726, %swap3A_727, %swap3A_728] {strides = array<i32>} : memref<4x2x128x64xf32, #tpu.memory_space<vmem>>, vector<1x1x1x16xf32>,
        %swap3A_730 = vector.shape_cast %swap3A_729 : vector<1x1x1x16xf32> to vector<16xf32>
        %swap3A_731 = vector.shape_cast %mul3A_722 : vector<16xf32> to vector<1x1x1x16xf32>
        tpu.vector_store %arg6[%swap3A_725, %swap3A_726, %swap3A_727, %swap3A_728], %swap3A_731 {strides = array<i32>} : memref<4x2x128x64xf32, #tpu.memory_space<vmem>>, vector<1x1x1x16xf32>,
        %get3A_732 = arith.constant 2 : i32
        %get3A_733 = arith.constant 1 : i32
        %get3A_734 = arith.index_cast %get3A_732 : i32 to index
        %get3A_735 = arith.index_cast %get3A_733 : i32 to index
        %get3A_736 = arith.index_cast %scan3A_651 : i32 to index
        %get3A_737 = arith.constant 0 : index
        %get3A_738 = tpu.vector_load %arg6[%get3A_734, %get3A_735, %get3A_736, %get3A_737] {strides = array<i32>} : memref<4x2x128x64xf32, #tpu.memory_space<vmem>>, vector<1x1x1x16xf32>,
        %get3A_739 = vector.shape_cast %get3A_738 : vector<1x1x1x16xf32> to vector<16xf32>
        %mul3A_740 = arith.constant 8.000000e+00 : f32
        %mul3A_741 = vector.broadcast %mul3A_740 : f32 to vector<16xf32>
        %mul3A_742 = arith.mulf %get3A_739, %mul3A_741 : vector<16xf32>
        %swap3A_743 = arith.constant 2 : i32
        %swap3A_744 = arith.constant 1 : i32
        %swap3A_745 = arith.index_cast %swap3A_743 : i32 to index
        %swap3A_746 = arith.index_cast %swap3A_744 : i32 to index
        %swap3A_747 = arith.index_cast %scan3A_651 : i32 to index
        %swap3A_748 = arith.constant 0 : index
        %swap3A_749 = tpu.vector_load %arg6[%swap3A_745, %swap3A_746, %swap3A_747, %swap3A_748] {strides = array<i32>} : memref<4x2x128x64xf32, #tpu.memory_space<vmem>>, vector<1x1x1x16xf32>,
        %swap3A_750 = vector.shape_cast %swap3A_749 : vector<1x1x1x16xf32> to vector<16xf32>
        %swap3A_751 = vector.shape_cast %mul3A_742 : vector<16xf32> to vector<1x1x1x16xf32>
        tpu.vector_store %arg6[%swap3A_745, %swap3A_746, %swap3A_747, %swap3A_748], %swap3A_751 {strides = array<i32>} : memref<4x2x128x64xf32, #tpu.memory_space<vmem>>, vector<1x1x1x16xf32>,
        %get3A_752 = arith.constant 2 : i32
        %get3A_753 = arith.constant 1 : i32
        %get3A_754 = arith.index_cast %get3A_752 : i32 to index
        %get3A_755 = arith.index_cast %get3A_753 : i32 to index
        %get3A_756 = arith.index_cast %scan3A_651 : i32 to index
        %get3A_757 = arith.constant 16 : index
        %get3A_758 = tpu.vector_load %arg6[%get3A_754, %get3A_755, %get3A_756, %get3A_757] {strides = array<i32>} : memref<4x2x128x64xf32, #tpu.memory_space<vmem>>, vector<1x1x1x16xf32>,
        %get3A_759 = vector.shape_cast %get3A_758 : vector<1x1x1x16xf32> to vector<16xf32>
        %mul3A_760 = arith.constant 8.000000e+00 : f32
        %mul3A_761 = vector.broadcast %mul3A_760 : f32 to vector<16xf32>
        %mul3A_762 = arith.mulf %get3A_759, %mul3A_761 : vector<16xf32>
        %swap3A_763 = arith.constant 2 : i32
        %swap3A_764 = arith.constant 1 : i32
        %swap3A_765 = arith.index_cast %swap3A_763 : i32 to index
        %swap3A_766 = arith.index_cast %swap3A_764 : i32 to index
        %swap3A_767 = arith.index_cast %scan3A_651 : i32 to index
        %swap3A_768 = arith.constant 16 : index
        %swap3A_769 = tpu.vector_load %arg6[%swap3A_765, %swap3A_766, %swap3A_767, %swap3A_768] {strides = array<i32>} : memref<4x2x128x64xf32, #tpu.memory_space<vmem>>, vector<1x1x1x16xf32>,
        %swap3A_770 = vector.shape_cast %swap3A_769 : vector<1x1x1x16xf32> to vector<16xf32>
        %swap3A_771 = vector.shape_cast %mul3A_762 : vector<16xf32> to vector<1x1x1x16xf32>
        tpu.vector_store %arg6[%swap3A_765, %swap3A_766, %swap3A_767, %swap3A_768], %swap3A_771 {strides = array<i32>} : memref<4x2x128x64xf32, #tpu.memory_space<vmem>>, vector<1x1x1x16xf32>,
        %get3A_772 = arith.constant 2 : i32
        %get3A_773 = arith.constant 1 : i32
        %get3A_774 = arith.index_cast %get3A_772 : i32 to index
        %get3A_775 = arith.index_cast %get3A_773 : i32 to index
        %get3A_776 = arith.index_cast %scan3A_651 : i32 to index
        %get3A_777 = arith.constant 32 : index
        %get3A_778 = tpu.vector_load %arg6[%get3A_774, %get3A_775, %get3A_776, %get3A_777] {strides = array<i32>} : memref<4x2x128x64xf32, #tpu.memory_space<vmem>>, vector<1x1x1x16xf32>,
        %get3A_779 = vector.shape_cast %get3A_778 : vector<1x1x1x16xf32> to vector<16xf32>
        %mul3A_780 = arith.constant 8.000000e+00 : f32
        %mul3A_781 = vector.broadcast %mul3A_780 : f32 to vector<16xf32>
        %mul3A_782 = arith.mulf %get3A_779, %mul3A_781 : vector<16xf32>
        %swap3A_783 = arith.constant 2 : i32
        %swap3A_784 = arith.constant 1 : i32
        %swap3A_785 = arith.index_cast %swap3A_783 : i32 to index
        %swap3A_786 = arith.index_cast %swap3A_784 : i32 to index
        %swap3A_787 = arith.index_cast %scan3A_651 : i32 to index
        %swap3A_788 = arith.constant 32 : index
        %swap3A_789 = tpu.vector_load %arg6[%swap3A_785, %swap3A_786, %swap3A_787, %swap3A_788] {strides = array<i32>} : memref<4x2x128x64xf32, #tpu.memory_space<vmem>>, vector<1x1x1x16xf32>,
        %swap3A_790 = vector.shape_cast %swap3A_789 : vector<1x1x1x16xf32> to vector<16xf32>
        %swap3A_791 = vector.shape_cast %mul3A_782 : vector<16xf32> to vector<1x1x1x16xf32>
        tpu.vector_store %arg6[%swap3A_785, %swap3A_786, %swap3A_787, %swap3A_788], %swap3A_791 {strides = array<i32>} : memref<4x2x128x64xf32, #tpu.memory_space<vmem>>, vector<1x1x1x16xf32>,
        %get3A_792 = arith.constant 2 : i32
        %get3A_793 = arith.constant 1 : i32
        %get3A_794 = arith.index_cast %get3A_792 : i32 to index
        %get3A_795 = arith.index_cast %get3A_793 : i32 to index
        %get3A_796 = arith.index_cast %scan3A_651 : i32 to index
        %get3A_797 = arith.constant 48 : index
        %get3A_798 = tpu.vector_load %arg6[%get3A_794, %get3A_795, %get3A_796, %get3A_797] {strides = array<i32>} : memref<4x2x128x64xf32, #tpu.memory_space<vmem>>, vector<1x1x1x16xf32>,
        %get3A_799 = vector.shape_cast %get3A_798 : vector<1x1x1x16xf32> to vector<16xf32>
        %mul3A_800 = arith.constant 8.000000e+00 : f32
        %mul3A_801 = vector.broadcast %mul3A_800 : f32 to vector<16xf32>
        %mul3A_802 = arith.mulf %get3A_799, %mul3A_801 : vector<16xf32>
        %swap3A_803 = arith.constant 2 : i32
        %swap3A_804 = arith.constant 1 : i32
        %swap3A_805 = arith.index_cast %swap3A_803 : i32 to index
        %swap3A_806 = arith.index_cast %swap3A_804 : i32 to index
        %swap3A_807 = arith.index_cast %scan3A_651 : i32 to index
        %swap3A_808 = arith.constant 48 : index
        %swap3A_809 = tpu.vector_load %arg6[%swap3A_805, %swap3A_806, %swap3A_807, %swap3A_808] {strides = array<i32>} : memref<4x2x128x64xf32, #tpu.memory_space<vmem>>, vector<1x1x1x16xf32>,
        %swap3A_810 = vector.shape_cast %swap3A_809 : vector<1x1x1x16xf32> to vector<16xf32>
        %swap3A_811 = vector.shape_cast %mul3A_802 : vector<16xf32> to vector<1x1x1x16xf32>
        tpu.vector_store %arg6[%swap3A_805, %swap3A_806, %swap3A_807, %swap3A_808], %swap3A_811 {strides = array<i32>} : memref<4x2x128x64xf32, #tpu.memory_space<vmem>>, vector<1x1x1x16xf32>,
        %scan3A_812 = arith.constant 0 : i32
        %scan3A_813 = arith.constant 2 : i32
        %scan3A_814 = arith.addi %scan3A_489, %scan3A_813 : i32
        %get3A_815 = arith.constant 2 : i32
        %get3A_816 = arith.constant 0 : i32
        %get3A_817 = arith.index_cast %get3A_815 : i32 to index
        %get3A_818 = arith.index_cast %get3A_816 : i32 to index
        %get3A_819 = arith.index_cast %scan3A_814 : i32 to index
        %get3A_820 = arith.constant 0 : index
        %get3A_821 = tpu.vector_load %arg6[%get3A_817, %get3A_818, %get3A_819, %get3A_820] {strides = array<i32>} : memref<4x2x128x64xf32, #tpu.memory_space<vmem>>, vector<1x1x1x16xf32>,
        %get3A_822 = vector.shape_cast %get3A_821 : vector<1x1x1x16xf32> to vector<16xf32>
        %mul3A_823 = arith.constant 8.000000e+00 : f32
        %mul3A_824 = vector.broadcast %mul3A_823 : f32 to vector<16xf32>
        %mul3A_825 = arith.mulf %get3A_822, %mul3A_824 : vector<16xf32>
        %swap3A_826 = arith.constant 2 : i32
        %swap3A_827 = arith.constant 0 : i32
        %swap3A_828 = arith.index_cast %swap3A_826 : i32 to index
        %swap3A_829 = arith.index_cast %swap3A_827 : i32 to index
        %swap3A_830 = arith.index_cast %scan3A_814 : i32 to index
        %swap3A_831 = arith.constant 0 : index
        %swap3A_832 = tpu.vector_load %arg6[%swap3A_828, %swap3A_829, %swap3A_830, %swap3A_831] {strides = array<i32>} : memref<4x2x128x64xf32, #tpu.memory_space<vmem>>, vector<1x1x1x16xf32>,
        %swap3A_833 = vector.shape_cast %swap3A_832 : vector<1x1x1x16xf32> to vector<16xf32>
        %swap3A_834 = vector.shape_cast %mul3A_825 : vector<16xf32> to vector<1x1x1x16xf32>
        tpu.vector_store %arg6[%swap3A_828, %swap3A_829, %swap3A_830, %swap3A_831], %swap3A_834 {strides = array<i32>} : memref<4x2x128x64xf32, #tpu.memory_space<vmem>>, vector<1x1x1x16xf32>,
        %get3A_835 = arith.constant 2 : i32
        %get3A_836 = arith.constant 0 : i32
        %get3A_837 = arith.index_cast %get3A_835 : i32 to index
        %get3A_838 = arith.index_cast %get3A_836 : i32 to index
        %get3A_839 = arith.index_cast %scan3A_814 : i32 to index
        %get3A_840 = arith.constant 16 : index
        %get3A_841 = tpu.vector_load %arg6[%get3A_837, %get3A_838, %get3A_839, %get3A_840] {strides = array<i32>} : memref<4x2x128x64xf32, #tpu.memory_space<vmem>>, vector<1x1x1x16xf32>,
        %get3A_842 = vector.shape_cast %get3A_841 : vector<1x1x1x16xf32> to vector<16xf32>
        %mul3A_843 = arith.constant 8.000000e+00 : f32
        %mul3A_844 = vector.broadcast %mul3A_843 : f32 to vector<16xf32>
        %mul3A_845 = arith.mulf %get3A_842, %mul3A_844 : vector<16xf32>
        %swap3A_846 = arith.constant 2 : i32
        %swap3A_847 = arith.constant 0 : i32
        %swap3A_848 = arith.index_cast %swap3A_846 : i32 to index
        %swap3A_849 = arith.index_cast %swap3A_847 : i32 to index
        %swap3A_850 = arith.index_cast %scan3A_814 : i32 to index
        %swap3A_851 = arith.constant 16 : index
        %swap3A_852 = tpu.vector_load %arg6[%swap3A_848, %swap3A_849, %swap3A_850, %swap3A_851] {strides = array<i32>} : memref<4x2x128x64xf32, #tpu.memory_space<vmem>>, vector<1x1x1x16xf32>,
        %swap3A_853 = vector.shape_cast %swap3A_852 : vector<1x1x1x16xf32> to vector<16xf32>
        %swap3A_854 = vector.shape_cast %mul3A_845 : vector<16xf32> to vector<1x1x1x16xf32>
        tpu.vector_store %arg6[%swap3A_848, %swap3A_849, %swap3A_850, %swap3A_851], %swap3A_854 {strides = array<i32>} : memref<4x2x128x64xf32, #tpu.memory_space<vmem>>, vector<1x1x1x16xf32>,
        %get3A_855 = arith.constant 2 : i32
        %get3A_856 = arith.constant 0 : i32
        %get3A_857 = arith.index_cast %get3A_855 : i32 to index
        %get3A_858 = arith.index_cast %get3A_856 : i32 to index
        %get3A_859 = arith.index_cast %scan3A_814 : i32 to index
        %get3A_860 = arith.constant 32 : index
        %get3A_861 = tpu.vector_load %arg6[%get3A_857, %get3A_858, %get3A_859, %get3A_860] {strides = array<i32>} : memref<4x2x128x64xf32, #tpu.memory_space<vmem>>, vector<1x1x1x16xf32>,
        %get3A_862 = vector.shape_cast %get3A_861 : vector<1x1x1x16xf32> to vector<16xf32>
        %mul3A_863 = arith.constant 8.000000e+00 : f32
        %mul3A_864 = vector.broadcast %mul3A_863 : f32 to vector<16xf32>
        %mul3A_865 = arith.mulf %get3A_862, %mul3A_864 : vector<16xf32>
        %swap3A_866 = arith.constant 2 : i32
        %swap3A_867 = arith.constant 0 : i32
        %swap3A_868 = arith.index_cast %swap3A_866 : i32 to index
        %swap3A_869 = arith.index_cast %swap3A_867 : i32 to index
        %swap3A_870 = arith.index_cast %scan3A_814 : i32 to index
        %swap3A_871 = arith.constant 32 : index
        %swap3A_872 = tpu.vector_load %arg6[%swap3A_868, %swap3A_869, %swap3A_870, %swap3A_871] {strides = array<i32>} : memref<4x2x128x64xf32, #tpu.memory_space<vmem>>, vector<1x1x1x16xf32>,
        %swap3A_873 = vector.shape_cast %swap3A_872 : vector<1x1x1x16xf32> to vector<16xf32>
        %swap3A_874 = vector.shape_cast %mul3A_865 : vector<16xf32> to vector<1x1x1x16xf32>
        tpu.vector_store %arg6[%swap3A_868, %swap3A_869, %swap3A_870, %swap3A_871], %swap3A_874 {strides = array<i32>} : memref<4x2x128x64xf32, #tpu.memory_space<vmem>>, vector<1x1x1x16xf32>,
        %get3A_875 = arith.constant 2 : i32
        %get3A_876 = arith.constant 0 : i32
        %get3A_877 = arith.index_cast %get3A_875 : i32 to index
        %get3A_878 = arith.index_cast %get3A_876 : i32 to index
        %get3A_879 = arith.index_cast %scan3A_814 : i32 to index
        %get3A_880 = arith.constant 48 : index
        %get3A_881 = tpu.vector_load %arg6[%get3A_877, %get3A_878, %get3A_879, %get3A_880] {strides = array<i32>} : memref<4x2x128x64xf32, #tpu.memory_space<vmem>>, vector<1x1x1x16xf32>,
        %get3A_882 = vector.shape_cast %get3A_881 : vector<1x1x1x16xf32> to vector<16xf32>
        %mul3A_883 = arith.constant 8.000000e+00 : f32
        %mul3A_884 = vector.broadcast %mul3A_883 : f32 to vector<16xf32>
        %mul3A_885 = arith.mulf %get3A_882, %mul3A_884 : vector<16xf32>
        %swap3A_886 = arith.constant 2 : i32
        %swap3A_887 = arith.constant 0 : i32
        %swap3A_888 = arith.index_cast %swap3A_886 : i32 to index
        %swap3A_889 = arith.index_cast %swap3A_887 : i32 to index
        %swap3A_890 = arith.index_cast %scan3A_814 : i32 to index
        %swap3A_891 = arith.constant 48 : index
        %swap3A_892 = tpu.vector_load %arg6[%swap3A_888, %swap3A_889, %swap3A_890, %swap3A_891] {strides = array<i32>} : memref<4x2x128x64xf32, #tpu.memory_space<vmem>>, vector<1x1x1x16xf32>,
        %swap3A_893 = vector.shape_cast %swap3A_892 : vector<1x1x1x16xf32> to vector<16xf32>
        %swap3A_894 = vector.shape_cast %mul3A_885 : vector<16xf32> to vector<1x1x1x16xf32>
        tpu.vector_store %arg6[%swap3A_888, %swap3A_889, %swap3A_890, %swap3A_891], %swap3A_894 {strides = array<i32>} : memref<4x2x128x64xf32, #tpu.memory_space<vmem>>, vector<1x1x1x16xf32>,
        %get3A_895 = arith.constant 2 : i32
        %get3A_896 = arith.constant 1 : i32
        %get3A_897 = arith.index_cast %get3A_895 : i32 to index
        %get3A_898 = arith.index_cast %get3A_896 : i32 to index
        %get3A_899 = arith.index_cast %scan3A_814 : i32 to index
        %get3A_900 = arith.constant 0 : index
        %get3A_901 = tpu.vector_load %arg6[%get3A_897, %get3A_898, %get3A_899, %get3A_900] {strides = array<i32>} : memref<4x2x128x64xf32, #tpu.memory_space<vmem>>, vector<1x1x1x16xf32>,
        %get3A_902 = vector.shape_cast %get3A_901 : vector<1x1x1x16xf32> to vector<16xf32>
        %mul3A_903 = arith.constant 8.000000e+00 : f32
        %mul3A_904 = vector.broadcast %mul3A_903 : f32 to vector<16xf32>
        %mul3A_905 = arith.mulf %get3A_902, %mul3A_904 : vector<16xf32>
        %swap3A_906 = arith.constant 2 : i32
        %swap3A_907 = arith.constant 1 : i32
        %swap3A_908 = arith.index_cast %swap3A_906 : i32 to index
        %swap3A_909 = arith.index_cast %swap3A_907 : i32 to index
        %swap3A_910 = arith.index_cast %scan3A_814 : i32 to index
        %swap3A_911 = arith.constant 0 : index
        %swap3A_912 = tpu.vector_load %arg6[%swap3A_908, %swap3A_909, %swap3A_910, %swap3A_911] {strides = array<i32>} : memref<4x2x128x64xf32, #tpu.memory_space<vmem>>, vector<1x1x1x16xf32>,
        %swap3A_913 = vector.shape_cast %swap3A_912 : vector<1x1x1x16xf32> to vector<16xf32>
        %swap3A_914 = vector.shape_cast %mul3A_905 : vector<16xf32> to vector<1x1x1x16xf32>
        tpu.vector_store %arg6[%swap3A_908, %swap3A_909, %swap3A_910, %swap3A_911], %swap3A_914 {strides = array<i32>} : memref<4x2x128x64xf32, #tpu.memory_space<vmem>>, vector<1x1x1x16xf32>,
        %get3A_915 = arith.constant 2 : i32
        %get3A_916 = arith.constant 1 : i32
        %get3A_917 = arith.index_cast %get3A_915 : i32 to index
        %get3A_918 = arith.index_cast %get3A_916 : i32 to index
        %get3A_919 = arith.index_cast %scan3A_814 : i32 to index
        %get3A_920 = arith.constant 16 : index
        %get3A_921 = tpu.vector_load %arg6[%get3A_917, %get3A_918, %get3A_919, %get3A_920] {strides = array<i32>} : memref<4x2x128x64xf32, #tpu.memory_space<vmem>>, vector<1x1x1x16xf32>,
        %get3A_922 = vector.shape_cast %get3A_921 : vector<1x1x1x16xf32> to vector<16xf32>
        %mul3A_923 = arith.constant 8.000000e+00 : f32
        %mul3A_924 = vector.broadcast %mul3A_923 : f32 to vector<16xf32>
        %mul3A_925 = arith.mulf %get3A_922, %mul3A_924 : vector<16xf32>
        %swap3A_926 = arith.constant 2 : i32
        %swap3A_927 = arith.constant 1 : i32
        %swap3A_928 = arith.index_cast %swap3A_926 : i32 to index
        %swap3A_929 = arith.index_cast %swap3A_927 : i32 to index
        %swap3A_930 = arith.index_cast %scan3A_814 : i32 to index
        %swap3A_931 = arith.constant 16 : index
        %swap3A_932 = tpu.vector_load %arg6[%swap3A_928, %swap3A_929, %swap3A_930, %swap3A_931] {strides = array<i32>} : memref<4x2x128x64xf32, #tpu.memory_space<vmem>>, vector<1x1x1x16xf32>,
        %swap3A_933 = vector.shape_cast %swap3A_932 : vector<1x1x1x16xf32> to vector<16xf32>
        %swap3A_934 = vector.shape_cast %mul3A_925 : vector<16xf32> to vector<1x1x1x16xf32>
        tpu.vector_store %arg6[%swap3A_928, %swap3A_929, %swap3A_930, %swap3A_931], %swap3A_934 {strides = array<i32>} : memref<4x2x128x64xf32, #tpu.memory_space<vmem>>, vector<1x1x1x16xf32>,
        %get3A_935 = arith.constant 2 : i32
        %get3A_936 = arith.constant 1 : i32
        %get3A_937 = arith.index_cast %get3A_935 : i32 to index
        %get3A_938 = arith.index_cast %get3A_936 : i32 to index
        %get3A_939 = arith.index_cast %scan3A_814 : i32 to index
        %get3A_940 = arith.constant 32 : index
        %get3A_941 = tpu.vector_load %arg6[%get3A_937, %get3A_938, %get3A_939, %get3A_940] {strides = array<i32>} : memref<4x2x128x64xf32, #tpu.memory_space<vmem>>, vector<1x1x1x16xf32>,
        %get3A_942 = vector.shape_cast %get3A_941 : vector<1x1x1x16xf32> to vector<16xf32>
        %mul3A_943 = arith.constant 8.000000e+00 : f32
        %mul3A_944 = vector.broadcast %mul3A_943 : f32 to vector<16xf32>
        %mul3A_945 = arith.mulf %get3A_942, %mul3A_944 : vector<16xf32>
        %swap3A_946 = arith.constant 2 : i32
        %swap3A_947 = arith.constant 1 : i32
        %swap3A_948 = arith.index_cast %swap3A_946 : i32 to index
        %swap3A_949 = arith.index_cast %swap3A_947 : i32 to index
        %swap3A_950 = arith.index_cast %scan3A_814 : i32 to index
        %swap3A_951 = arith.constant 32 : index
        %swap3A_952 = tpu.vector_load %arg6[%swap3A_948, %swap3A_949, %swap3A_950, %swap3A_951] {strides = array<i32>} : memref<4x2x128x64xf32, #tpu.memory_space<vmem>>, vector<1x1x1x16xf32>,
        %swap3A_953 = vector.shape_cast %swap3A_952 : vector<1x1x1x16xf32> to vector<16xf32>
        %swap3A_954 = vector.shape_cast %mul3A_945 : vector<16xf32> to vector<1x1x1x16xf32>
        tpu.vector_store %arg6[%swap3A_948, %swap3A_949, %swap3A_950, %swap3A_951], %swap3A_954 {strides = array<i32>} : memref<4x2x128x64xf32, #tpu.memory_space<vmem>>, vector<1x1x1x16xf32>,
        %get3A_955 = arith.constant 2 : i32
        %get3A_956 = arith.constant 1 : i32
        %get3A_957 = arith.index_cast %get3A_955 : i32 to index
        %get3A_958 = arith.index_cast %get3A_956 : i32 to index
        %get3A_959 = arith.index_cast %scan3A_814 : i32 to index
        %get3A_960 = arith.constant 48 : index
        %get3A_961 = tpu.vector_load %arg6[%get3A_957, %get3A_958, %get3A_959, %get3A_960] {strides = array<i32>} : memref<4x2x128x64xf32, #tpu.memory_space<vmem>>, vector<1x1x1x16xf32>,
        %get3A_962 = vector.shape_cast %get3A_961 : vector<1x1x1x16xf32> to vector<16xf32>
        %mul3A_963 = arith.constant 8.000000e+00 : f32
        %mul3A_964 = vector.broadcast %mul3A_963 : f32 to vector<16xf32>
        %mul3A_965 = arith.mulf %get3A_962, %mul3A_964 : vector<16xf32>
        %swap3A_966 = arith.constant 2 : i32
        %swap3A_967 = arith.constant 1 : i32
        %swap3A_968 = arith.index_cast %swap3A_966 : i32 to index
        %swap3A_969 = arith.index_cast %swap3A_967 : i32 to index
        %swap3A_970 = arith.index_cast %scan3A_814 : i32 to index
        %swap3A_971 = arith.constant 48 : index
        %swap3A_972 = tpu.vector_load %arg6[%swap3A_968, %swap3A_969, %swap3A_970, %swap3A_971] {strides = array<i32>} : memref<4x2x128x64xf32, #tpu.memory_space<vmem>>, vector<1x1x1x16xf32>,
        %swap3A_973 = vector.shape_cast %swap3A_972 : vector<1x1x1x16xf32> to vector<16xf32>
        %swap3A_974 = vector.shape_cast %mul3A_965 : vector<16xf32> to vector<1x1x1x16xf32>
        tpu.vector_store %arg6[%swap3A_968, %swap3A_969, %swap3A_970, %swap3A_971], %swap3A_974 {strides = array<i32>} : memref<4x2x128x64xf32, #tpu.memory_space<vmem>>, vector<1x1x1x16xf32>,
        %scan3A_975 = arith.constant 0 : i32
        %scan3A_976 = arith.constant 3 : i32
        %scan3A_977 = arith.addi %scan3A_489, %scan3A_976 : i32
        %get3A_978 = arith.constant 2 : i32
        %get3A_979 = arith.constant 0 : i32
        %get3A_980 = arith.index_cast %get3A_978 : i32 to index
        %get3A_981 = arith.index_cast %get3A_979 : i32 to index
        %get3A_982 = arith.index_cast %scan3A_977 : i32 to index
        %get3A_983 = arith.constant 0 : index
        %get3A_984 = tpu.vector_load %arg6[%get3A_980, %get3A_981, %get3A_982, %get3A_983] {strides = array<i32>} : memref<4x2x128x64xf32, #tpu.memory_space<vmem>>, vector<1x1x1x16xf32>,
        %get3A_985 = vector.shape_cast %get3A_984 : vector<1x1x1x16xf32> to vector<16xf32>
        %mul3A_986 = arith.constant 8.000000e+00 : f32
        %mul3A_987 = vector.broadcast %mul3A_986 : f32 to vector<16xf32>
        %mul3A_988 = arith.mulf %get3A_985, %mul3A_987 : vector<16xf32>
        %swap3A_989 = arith.constant 2 : i32
        %swap3A_990 = arith.constant 0 : i32
        %swap3A_991 = arith.index_cast %swap3A_989 : i32 to index
        %swap3A_992 = arith.index_cast %swap3A_990 : i32 to index
        %swap3A_993 = arith.index_cast %scan3A_977 : i32 to index
        %swap3A_994 = arith.constant 0 : index
        %swap3A_995 = tpu.vector_load %arg6[%swap3A_991, %swap3A_992, %swap3A_993, %swap3A_994] {strides = array<i32>} : memref<4x2x128x64xf32, #tpu.memory_space<vmem>>, vector<1x1x1x16xf32>,
        %swap3A_996 = vector.shape_cast %swap3A_995 : vector<1x1x1x16xf32> to vector<16xf32>
        %swap3A_997 = vector.shape_cast %mul3A_988 : vector<16xf32> to vector<1x1x1x16xf32>
        tpu.vector_store %arg6[%swap3A_991, %swap3A_992, %swap3A_993, %swap3A_994], %swap3A_997 {strides = array<i32>} : memref<4x2x128x64xf32, #tpu.memory_space<vmem>>, vector<1x1x1x16xf32>,
        %get3A_998 = arith.constant 2 : i32
        %get3A_999 = arith.constant 0 : i32
        %get3A_1000 = arith.index_cast %get3A_998 : i32 to index
        %get3A_1001 = arith.index_cast %get3A_999 : i32 to index
        %get3A_1002 = arith.index_cast %scan3A_977 : i32 to index
        %get3A_1003 = arith.constant 16 : index
        %get3A_1004 = tpu.vector_load %arg6[%get3A_1000, %get3A_1001, %get3A_1002, %get3A_1003] {strides = array<i32>} : memref<4x2x128x64xf32, #tpu.memory_space<vmem>>, vector<1x1x1x16xf32>,
        %get3A_1005 = vector.shape_cast %get3A_1004 : vector<1x1x1x16xf32> to vector<16xf32>
        %mul3A_1006 = arith.constant 8.000000e+00 : f32
        %mul3A_1007 = vector.broadcast %mul3A_1006 : f32 to vector<16xf32>
        %mul3A_1008 = arith.mulf %get3A_1005, %mul3A_1007 : vector<16xf32>
        %swap3A_1009 = arith.constant 2 : i32
        %swap3A_1010 = arith.constant 0 : i32
        %swap3A_1011 = arith.index_cast %swap3A_1009 : i32 to index
        %swap3A_1012 = arith.index_cast %swap3A_1010 : i32 to index
        %swap3A_1013 = arith.index_cast %scan3A_977 : i32 to index
        %swap3A_1014 = arith.constant 16 : index
        %swap3A_1015 = tpu.vector_load %arg6[%swap3A_1011, %swap3A_1012, %swap3A_1013, %swap3A_1014] {strides = array<i32>} : memref<4x2x128x64xf32, #tpu.memory_space<vmem>>, vector<1x1x1x16xf32>,
        %swap3A_1016 = vector.shape_cast %swap3A_1015 : vector<1x1x1x16xf32> to vector<16xf32>
        %swap3A_1017 = vector.shape_cast %mul3A_1008 : vector<16xf32> to vector<1x1x1x16xf32>
        tpu.vector_store %arg6[%swap3A_1011, %swap3A_1012, %swap3A_1013, %swap3A_1014], %swap3A_1017 {strides = array<i32>} : memref<4x2x128x64xf32, #tpu.memory_space<vmem>>, vector<1x1x1x16xf32>,
        %get3A_1018 = arith.constant 2 : i32
        %get3A_1019 = arith.constant 0 : i32
        %get3A_1020 = arith.index_cast %get3A_1018 : i32 to index
        %get3A_1021 = arith.index_cast %get3A_1019 : i32 to index
        %get3A_1022 = arith.index_cast %scan3A_977 : i32 to index
        %get3A_1023 = arith.constant 32 : index
        %get3A_1024 = tpu.vector_load %arg6[%get3A_1020, %get3A_1021, %get3A_1022, %get3A_1023] {strides = array<i32>} : memref<4x2x128x64xf32, #tpu.memory_space<vmem>>, vector<1x1x1x16xf32>,
        %get3A_1025 = vector.shape_cast %get3A_1024 : vector<1x1x1x16xf32> to vector<16xf32>
        %mul3A_1026 = arith.constant 8.000000e+00 : f32
        %mul3A_1027 = vector.broadcast %mul3A_1026 : f32 to vector<16xf32>
        %mul3A_1028 = arith.mulf %get3A_1025, %mul3A_1027 : vector<16xf32>
        %swap3A_1029 = arith.constant 2 : i32
        %swap3A_1030 = arith.constant 0 : i32
        %swap3A_1031 = arith.index_cast %swap3A_1029 : i32 to index
        %swap3A_1032 = arith.index_cast %swap3A_1030 : i32 to index
        %swap3A_1033 = arith.index_cast %scan3A_977 : i32 to index
        %swap3A_1034 = arith.constant 32 : index
        %swap3A_1035 = tpu.vector_load %arg6[%swap3A_1031, %swap3A_1032, %swap3A_1033, %swap3A_1034] {strides = array<i32>} : memref<4x2x128x64xf32, #tpu.memory_space<vmem>>, vector<1x1x1x16xf32>,
        %swap3A_1036 = vector.shape_cast %swap3A_1035 : vector<1x1x1x16xf32> to vector<16xf32>
        %swap3A_1037 = vector.shape_cast %mul3A_1028 : vector<16xf32> to vector<1x1x1x16xf32>
        tpu.vector_store %arg6[%swap3A_1031, %swap3A_1032, %swap3A_1033, %swap3A_1034], %swap3A_1037 {strides = array<i32>} : memref<4x2x128x64xf32, #tpu.memory_space<vmem>>, vector<1x1x1x16xf32>,
        %get3A_1038 = arith.constant 2 : i32
        %get3A_1039 = arith.constant 0 : i32
        %get3A_1040 = arith.index_cast %get3A_1038 : i32 to index
        %get3A_1041 = arith.index_cast %get3A_1039 : i32 to index
        %get3A_1042 = arith.index_cast %scan3A_977 : i32 to index
        %get3A_1043 = arith.constant 48 : index
        %get3A_1044 = tpu.vector_load %arg6[%get3A_1040, %get3A_1041, %get3A_1042, %get3A_1043] {strides = array<i32>} : memref<4x2x128x64xf32, #tpu.memory_space<vmem>>, vector<1x1x1x16xf32>,
        %get3A_1045 = vector.shape_cast %get3A_1044 : vector<1x1x1x16xf32> to vector<16xf32>
        %mul3A_1046 = arith.constant 8.000000e+00 : f32
        %mul3A_1047 = vector.broadcast %mul3A_1046 : f32 to vector<16xf32>
        %mul3A_1048 = arith.mulf %get3A_1045, %mul3A_1047 : vector<16xf32>
        %swap3A_1049 = arith.constant 2 : i32
        %swap3A_1050 = arith.constant 0 : i32
        %swap3A_1051 = arith.index_cast %swap3A_1049 : i32 to index
        %swap3A_1052 = arith.index_cast %swap3A_1050 : i32 to index
        %swap3A_1053 = arith.index_cast %scan3A_977 : i32 to index
        %swap3A_1054 = arith.constant 48 : index
        %swap3A_1055 = tpu.vector_load %arg6[%swap3A_1051, %swap3A_1052, %swap3A_1053, %swap3A_1054] {strides = array<i32>} : memref<4x2x128x64xf32, #tpu.memory_space<vmem>>, vector<1x1x1x16xf32>,
        %swap3A_1056 = vector.shape_cast %swap3A_1055 : vector<1x1x1x16xf32> to vector<16xf32>
        %swap3A_1057 = vector.shape_cast %mul3A_1048 : vector<16xf32> to vector<1x1x1x16xf32>
        tpu.vector_store %arg6[%swap3A_1051, %swap3A_1052, %swap3A_1053, %swap3A_1054], %swap3A_1057 {strides = array<i32>} : memref<4x2x128x64xf32, #tpu.memory_space<vmem>>, vector<1x1x1x16xf32>,
        %get3A_1058 = arith.constant 2 : i32
        %get3A_1059 = arith.constant 1 : i32
        %get3A_1060 = arith.index_cast %get3A_1058 : i32 to index
        %get3A_1061 = arith.index_cast %get3A_1059 : i32 to index
        %get3A_1062 = arith.index_cast %scan3A_977 : i32 to index
        %get3A_1063 = arith.constant 0 : index
        %get3A_1064 = tpu.vector_load %arg6[%get3A_1060, %get3A_1061, %get3A_1062, %get3A_1063] {strides = array<i32>} : memref<4x2x128x64xf32, #tpu.memory_space<vmem>>, vector<1x1x1x16xf32>,
        %get3A_1065 = vector.shape_cast %get3A_1064 : vector<1x1x1x16xf32> to vector<16xf32>
        %mul3A_1066 = arith.constant 8.000000e+00 : f32
        %mul3A_1067 = vector.broadcast %mul3A_1066 : f32 to vector<16xf32>
        %mul3A_1068 = arith.mulf %get3A_1065, %mul3A_1067 : vector<16xf32>
        %swap3A_1069 = arith.constant 2 : i32
        %swap3A_1070 = arith.constant 1 : i32
        %swap3A_1071 = arith.index_cast %swap3A_1069 : i32 to index
        %swap3A_1072 = arith.index_cast %swap3A_1070 : i32 to index
        %swap3A_1073 = arith.index_cast %scan3A_977 : i32 to index
        %swap3A_1074 = arith.constant 0 : index
        %swap3A_1075 = tpu.vector_load %arg6[%swap3A_1071, %swap3A_1072, %swap3A_1073, %swap3A_1074] {strides = array<i32>} : memref<4x2x128x64xf32, #tpu.memory_space<vmem>>, vector<1x1x1x16xf32>,
        %swap3A_1076 = vector.shape_cast %swap3A_1075 : vector<1x1x1x16xf32> to vector<16xf32>
        %swap3A_1077 = vector.shape_cast %mul3A_1068 : vector<16xf32> to vector<1x1x1x16xf32>
        tpu.vector_store %arg6[%swap3A_1071, %swap3A_1072, %swap3A_1073, %swap3A_1074], %swap3A_1077 {strides = array<i32>} : memref<4x2x128x64xf32, #tpu.memory_space<vmem>>, vector<1x1x1x16xf32>,
        %get3A_1078 = arith.constant 2 : i32
        %get3A_1079 = arith.constant 1 : i32
        %get3A_1080 = arith.index_cast %get3A_1078 : i32 to index
        %get3A_1081 = arith.index_cast %get3A_1079 : i32 to index
        %get3A_1082 = arith.index_cast %scan3A_977 : i32 to index
        %get3A_1083 = arith.constant 16 : index
        %get3A_1084 = tpu.vector_load %arg6[%get3A_1080, %get3A_1081, %get3A_1082, %get3A_1083] {strides = array<i32>} : memref<4x2x128x64xf32, #tpu.memory_space<vmem>>, vector<1x1x1x16xf32>,
        %get3A_1085 = vector.shape_cast %get3A_1084 : vector<1x1x1x16xf32> to vector<16xf32>
        %mul3A_1086 = arith.constant 8.000000e+00 : f32
        %mul3A_1087 = vector.broadcast %mul3A_1086 : f32 to vector<16xf32>
        %mul3A_1088 = arith.mulf %get3A_1085, %mul3A_1087 : vector<16xf32>
        %swap3A_1089 = arith.constant 2 : i32
        %swap3A_1090 = arith.constant 1 : i32
        %swap3A_1091 = arith.index_cast %swap3A_1089 : i32 to index
        %swap3A_1092 = arith.index_cast %swap3A_1090 : i32 to index
        %swap3A_1093 = arith.index_cast %scan3A_977 : i32 to index
        %swap3A_1094 = arith.constant 16 : index
        %swap3A_1095 = tpu.vector_load %arg6[%swap3A_1091, %swap3A_1092, %swap3A_1093, %swap3A_1094] {strides = array<i32>} : memref<4x2x128x64xf32, #tpu.memory_space<vmem>>, vector<1x1x1x16xf32>,
        %swap3A_1096 = vector.shape_cast %swap3A_1095 : vector<1x1x1x16xf32> to vector<16xf32>
        %swap3A_1097 = vector.shape_cast %mul3A_1088 : vector<16xf32> to vector<1x1x1x16xf32>
        tpu.vector_store %arg6[%swap3A_1091, %swap3A_1092, %swap3A_1093, %swap3A_1094], %swap3A_1097 {strides = array<i32>} : memref<4x2x128x64xf32, #tpu.memory_space<vmem>>, vector<1x1x1x16xf32>,
        %get3A_1098 = arith.constant 2 : i32
        %get3A_1099 = arith.constant 1 : i32
        %get3A_1100 = arith.index_cast %get3A_1098 : i32 to index
        %get3A_1101 = arith.index_cast %get3A_1099 : i32 to index
        %get3A_1102 = arith.index_cast %scan3A_977 : i32 to index
        %get3A_1103 = arith.constant 32 : index
        %get3A_1104 = tpu.vector_load %arg6[%get3A_1100, %get3A_1101, %get3A_1102, %get3A_1103] {strides = array<i32>} : memref<4x2x128x64xf32, #tpu.memory_space<vmem>>, vector<1x1x1x16xf32>,
        %get3A_1105 = vector.shape_cast %get3A_1104 : vector<1x1x1x16xf32> to vector<16xf32>
        %mul3A_1106 = arith.constant 8.000000e+00 : f32
        %mul3A_1107 = vector.broadcast %mul3A_1106 : f32 to vector<16xf32>
        %mul3A_1108 = arith.mulf %get3A_1105, %mul3A_1107 : vector<16xf32>
        %swap3A_1109 = arith.constant 2 : i32
        %swap3A_1110 = arith.constant 1 : i32
        %swap3A_1111 = arith.index_cast %swap3A_1109 : i32 to index
        %swap3A_1112 = arith.index_cast %swap3A_1110 : i32 to index
        %swap3A_1113 = arith.index_cast %scan3A_977 : i32 to index
        %swap3A_1114 = arith.constant 32 : index
        %swap3A_1115 = tpu.vector_load %arg6[%swap3A_1111, %swap3A_1112, %swap3A_1113, %swap3A_1114] {strides = array<i32>} : memref<4x2x128x64xf32, #tpu.memory_space<vmem>>, vector<1x1x1x16xf32>,
        %swap3A_1116 = vector.shape_cast %swap3A_1115 : vector<1x1x1x16xf32> to vector<16xf32>
        %swap3A_1117 = vector.shape_cast %mul3A_1108 : vector<16xf32> to vector<1x1x1x16xf32>
        tpu.vector_store %arg6[%swap3A_1111, %swap3A_1112, %swap3A_1113, %swap3A_1114], %swap3A_1117 {strides = array<i32>} : memref<4x2x128x64xf32, #tpu.memory_space<vmem>>, vector<1x1x1x16xf32>,
        %get3A_1118 = arith.constant 2 : i32
        %get3A_1119 = arith.constant 1 : i32
        %get3A_1120 = arith.index_cast %get3A_1118 : i32 to index
        %get3A_1121 = arith.index_cast %get3A_1119 : i32 to index
        %get3A_1122 = arith.index_cast %scan3A_977 : i32 to index
        %get3A_1123 = arith.constant 48 : index
        %get3A_1124 = tpu.vector_load %arg6[%get3A_1120, %get3A_1121, %get3A_1122, %get3A_1123] {strides = array<i32>} : memref<4x2x128x64xf32, #tpu.memory_space<vmem>>, vector<1x1x1x16xf32>,
        %get3A_1125 = vector.shape_cast %get3A_1124 : vector<1x1x1x16xf32> to vector<16xf32>
        %mul3A_1126 = arith.constant 8.000000e+00 : f32
        %mul3A_1127 = vector.broadcast %mul3A_1126 : f32 to vector<16xf32>
        %mul3A_1128 = arith.mulf %get3A_1125, %mul3A_1127 : vector<16xf32>
        %swap3A_1129 = arith.constant 2 : i32
        %swap3A_1130 = arith.constant 1 : i32
        %swap3A_1131 = arith.index_cast %swap3A_1129 : i32 to index
        %swap3A_1132 = arith.index_cast %swap3A_1130 : i32 to index
        %swap3A_1133 = arith.index_cast %scan3A_977 : i32 to index
        %swap3A_1134 = arith.constant 48 : index
        %swap3A_1135 = tpu.vector_load %arg6[%swap3A_1131, %swap3A_1132, %swap3A_1133, %swap3A_1134] {strides = array<i32>} : memref<4x2x128x64xf32, #tpu.memory_space<vmem>>, vector<1x1x1x16xf32>,
        %swap3A_1136 = vector.shape_cast %swap3A_1135 : vector<1x1x1x16xf32> to vector<16xf32>
        %swap3A_1137 = vector.shape_cast %mul3A_1128 : vector<16xf32> to vector<1x1x1x16xf32>
        tpu.vector_store %arg6[%swap3A_1131, %swap3A_1132, %swap3A_1133, %swap3A_1134], %swap3A_1137 {strides = array<i32>} : memref<4x2x128x64xf32, #tpu.memory_space<vmem>>, vector<1x1x1x16xf32>,
        %scan3A_1138 = arith.constant 0 : i32
        scf.yield %scan3A_1138 : i32
      }
      %scan3A_389 = arith.constant 128 : i32
      %mul3A_390 = arith.constant 2 : i32
      %mul3A_391 = arith.muli %add3A_340, %mul3A_390 : i32
      %add3A_392 = arith.addi %mul3A_2, %mul3A_391 : i32
      %dma_start3A_393 = arith.constant 2 : i32
      %dma_start3A_394 = arith.constant 2 : i32
      %dma_start3A_395 = arith.constant 0 : i32
      %dma_start3A_396 = arith.constant 0 : i32
      %dma_start3A_397 = arith.constant 0 : i32
      %dma_start3A_398 = tpu.memref_slice %arg6[%dma_start3A_393, %dma_start3A_395, %dma_start3A_396, %dma_start3A_397] : memref<4x2x128x64xf32, #tpu.memory_space<vmem>> -> memref<1x2x128x64xf32, #tpu.memory_space<vmem>>
      %dma_start3A_399 = tpu.memref_squeeze %dma_start3A_398 : memref<1x2x128x64xf32, #tpu.memory_space<vmem>> -> memref<2x128x64xf32, #tpu.memory_space<vmem>>
      %dma_start3A_400 = arith.constant 0 : i32
      %dma_start3A_401 = arith.constant 0 : i32
      %dma_start3A_402 = tpu.memref_slice %arg4[%add3A_392, %dma_start3A_400, %dma_start3A_401] : memref<6400x128x64xf32, #tpu.memory_space<hbm>> -> memref<2x128x64xf32, #tpu.memory_space<hbm>>
      %dma_start3A_403 = tpu.memref_slice %arg8[%dma_start3A_394] : memref<4x!tpu.dma_semaphore, #tpu.memory_space<semaphore_mem>> -> memref<1x!tpu.dma_semaphore, #tpu.memory_space<semaphore_mem>>
      %dma_start3A_404 = tpu.memref_squeeze %dma_start3A_403 : memref<1x!tpu.dma_semaphore, #tpu.memory_space<semaphore_mem>> -> memref<!tpu.dma_semaphore, #tpu.memory_space<semaphore_mem>>
      %dma_start3A_405 = arith.constant 0 : i32
      %dma_start3A_406 = arith.constant 0 : i32
      %dma_start3A_407 = tpu.memref_slice %arg4[%add3A_392, %dma_start3A_405, %dma_start3A_406] : memref<6400x128x64xf32, #tpu.memory_space<hbm>> -> memref<2x128x64xf32, #tpu.memory_space<hbm>>
      %dma_start3A_408 = arith.constant 0 : i32
      %dma_start3A_409 = arith.constant 0 : i32
      %dma_start3A_410 = arith.constant 0 : i32
      %dma_start3A_411 = tpu.memref_slice %arg6[%dma_start3A_393, %dma_start3A_408, %dma_start3A_409, %dma_start3A_410] : memref<4x2x128x64xf32, #tpu.memory_space<vmem>> -> memref<1x2x128x64xf32, #tpu.memory_space<vmem>>
      %dma_start3A_412 = tpu.memref_squeeze %dma_start3A_411 : memref<1x2x128x64xf32, #tpu.memory_space<vmem>> -> memref<2x128x64xf32, #tpu.memory_space<vmem>>
      tpu.enqueue_dma source(%dma_start3A_412 : memref<2x128x64xf32, #tpu.memory_space<vmem>>) target(%dma_start3A_407 : memref<2x128x64xf32, #tpu.memory_space<hbm>>) target_semaphore(%dma_start3A_404 : memref<!tpu.dma_semaphore, #tpu.memory_space<semaphore_mem>>)
      %mul3A_413 = arith.constant 4 : i32
      %mul3A_414 = arith.muli %scan3A_190, %mul3A_413 : i32
      %add3A_415 = arith.constant 3 : i32
      %add3A_416 = arith.addi %mul3A_414, %add3A_415 : i32
      %add3A_417 = arith.constant 4 : i32
      %add3A_418 = arith.addi %add3A_416, %add3A_417 : i32
      %sub3A_419 = arith.constant 1 : i32
      %sub3A_420 = arith.subi %add3A_418, %sub3A_419 : i32
      %lt3A_421 = arith.constant 100 : i32
      %lt3A_422 = arith.cmpi slt, %sub3A_420, %lt3A_421 : i32
      %ge3A_423 = arith.constant 4 : i32
      %ge3A_424 = arith.cmpi sge, %sub3A_420, %ge3A_423 : i32
      %and3A_425 = arith.andi %lt3A_422, %ge3A_424 : i1
      %convert_element_type3A_426 = arith.extui %and3A_425 : i1 to i32
      %cond3A_427 = arith.constant 0 : i32
      %cond3A_428 = arith.cmpi ne, %convert_element_type3A_426, %cond3A_427 : i32
      scf.if %cond3A_428 {
        %dma_wait3A_489 = arith.constant 2 : i32
        %dma_wait3A_490 = arith.constant 2 : i32
        %dma_wait3A_491 = arith.constant 0 : i32
        %dma_wait3A_492 = arith.constant 0 : i32
        %dma_wait3A_493 = arith.constant 0 : i32
        %dma_wait3A_494 = tpu.memref_slice %arg6[%dma_wait3A_489, %dma_wait3A_491, %dma_wait3A_492, %dma_wait3A_493] : memref<4x2x128x64xf32, #tpu.memory_space<vmem>> -> memref<1x2x128x64xf32, #tpu.memory_space<vmem>>
        %dma_wait3A_495 = tpu.memref_squeeze %dma_wait3A_494 : memref<1x2x128x64xf32, #tpu.memory_space<vmem>> -> memref<2x128x64xf32, #tpu.memory_space<vmem>>
        %dma_wait3A_496 = arith.constant 0 : i32
        %dma_wait3A_497 = arith.constant 0 : i32
        %dma_wait3A_498 = arith.constant 0 : i32
        %dma_wait3A_499 = tpu.memref_slice %arg4[%dma_wait3A_496, %dma_wait3A_497, %dma_wait3A_498] : memref<6400x128x64xf32, #tpu.memory_space<hbm>> -> memref<2x128x64xf32, #tpu.memory_space<hbm>>
        %dma_wait3A_500 = tpu.memref_slice %arg8[%dma_wait3A_490] : memref<4x!tpu.dma_semaphore, #tpu.memory_space<semaphore_mem>> -> memref<1x!tpu.dma_semaphore, #tpu.memory_space<semaphore_mem>>
        %dma_wait3A_501 = tpu.memref_squeeze %dma_wait3A_500 : memref<1x!tpu.dma_semaphore, #tpu.memory_space<semaphore_mem>> -> memref<!tpu.dma_semaphore, #tpu.memory_space<semaphore_mem>>
        %dma_wait3A_502 = arith.constant 0 : i32
        %dma_wait3A_503 = arith.constant 0 : i32
        %dma_wait3A_504 = arith.constant 0 : i32
        %dma_wait3A_505 = tpu.memref_slice %arg4[%dma_wait3A_502, %dma_wait3A_503, %dma_wait3A_504] : memref<6400x128x64xf32, #tpu.memory_space<hbm>> -> memref<2x128x64xf32, #tpu.memory_space<hbm>>
        %dma_wait3A_506 = arith.constant 0 : i32
        %dma_wait3A_507 = arith.constant 0 : i32
        %dma_wait3A_508 = arith.constant 0 : i32
        %dma_wait3A_509 = tpu.memref_slice %arg6[%dma_wait3A_489, %dma_wait3A_506, %dma_wait3A_507, %dma_wait3A_508] : memref<4x2x128x64xf32, #tpu.memory_space<vmem>> -> memref<1x2x128x64xf32, #tpu.memory_space<vmem>>
        %dma_wait3A_510 = tpu.memref_squeeze %dma_wait3A_509 : memref<1x2x128x64xf32, #tpu.memory_space<vmem>> -> memref<2x128x64xf32, #tpu.memory_space<vmem>>
        tpu.wait_dma2 semaphore(%dma_wait3A_501 : memref<!tpu.dma_semaphore, #tpu.memory_space<semaphore_mem>>) src(%dma_wait3A_510 : memref<2x128x64xf32, #tpu.memory_space<vmem>>) dst(%dma_wait3A_505 : memref<2x128x64xf32, #tpu.memory_space<hbm>>)
        %mul3A_511 = arith.constant 2 : i32
        %mul3A_512 = arith.muli %sub3A_420, %mul3A_511 : i32
        %add3A_513 = arith.constant 0 : i32
        %add3A_514 = arith.addi %mul3A_512, %add3A_513 : i32
        %dma_start3A_515 = arith.constant 2 : i32
        %dma_start3A_516 = arith.constant 0 : i32
        %dma_start3A_517 = arith.constant 2 : i32
        %dma_start3A_518 = arith.constant 0 : i32
        %dma_start3A_519 = arith.constant 0 : i32
        %dma_start3A_520 = tpu.memref_slice %arg6[%dma_start3A_515, %dma_start3A_516, %dma_start3A_518, %dma_start3A_519] : memref<4x2x128x64xf32, #tpu.memory_space<vmem>> -> memref<1x1x128x64xf32, #tpu.memory_space<vmem>>
        %dma_start3A_521 = tpu.memref_squeeze %dma_start3A_520 : memref<1x1x128x64xf32, #tpu.memory_space<vmem>> -> memref<128x64xf32, #tpu.memory_space<vmem>>
        %dma_start3A_522 = arith.constant 0 : i32
        %dma_start3A_523 = tpu.memref_slice %arg5[%add3A_514, %dma_start3A_522] : memref<200x128xi32, #tpu.memory_space<vmem>> -> memref<1x128xi32, #tpu.memory_space<vmem>>
        %dma_start3A_524 = tpu.memref_squeeze %dma_start3A_523 : memref<1x128xi32, #tpu.memory_space<vmem>> -> memref<128xi32, #tpu.memory_space<vmem>>
        %dma_start3A_525 = arith.constant 0 : i32
        %dma_start3A_526 = arith.constant 0 : i32
        %dma_start3A_527 = tpu.memref_slice %arg3[%dma_start3A_525, %dma_start3A_526] : memref<1000000x64xf32, #tpu.memory_space<hbm>> -> memref<1000000x64xf32, #tpu.memory_space<hbm>>
        %dma_start3A_528 = tpu.memref_slice %arg7[%dma_start3A_517] : memref<4x!tpu.dma_semaphore, #tpu.memory_space<semaphore_mem>> -> memref<1x!tpu.dma_semaphore, #tpu.memory_space<semaphore_mem>>
        %dma_start3A_529 = tpu.memref_squeeze %dma_start3A_528 : memref<1x!tpu.dma_semaphore, #tpu.memory_space<semaphore_mem>> -> memref<!tpu.dma_semaphore, #tpu.memory_space<semaphore_mem>>
        tpu.enqueue_indirect_dma source(%dma_start3A_527 : memref<1000000x64xf32, #tpu.memory_space<hbm>>) target(%dma_start3A_521 : memref<128x64xf32, #tpu.memory_space<vmem>>) offsets(%dma_start3A_524 : memref<128xi32, #tpu.memory_space<vmem>>) semaphore(%dma_start3A_529 : memref<!tpu.dma_semaphore, #tpu.memory_space<semaphore_mem>>)
        %mul3A_530 = arith.constant 2 : i32
        %mul3A_531 = arith.muli %sub3A_420, %mul3A_530 : i32
        %add3A_532 = arith.constant 1 : i32
        %add3A_533 = arith.addi %mul3A_531, %add3A_532 : i32
        %dma_start3A_534 = arith.constant 2 : i32
        %dma_start3A_535 = arith.constant 1 : i32
        %dma_start3A_536 = arith.constant 2 : i32
        %dma_start3A_537 = arith.constant 0 : i32
        %dma_start3A_538 = arith.constant 0 : i32
        %dma_start3A_539 = tpu.memref_slice %arg6[%dma_start3A_534, %dma_start3A_535, %dma_start3A_537, %dma_start3A_538] : memref<4x2x128x64xf32, #tpu.memory_space<vmem>> -> memref<1x1x128x64xf32, #tpu.memory_space<vmem>>
        %dma_start3A_540 = tpu.memref_squeeze %dma_start3A_539 : memref<1x1x128x64xf32, #tpu.memory_space<vmem>> -> memref<128x64xf32, #tpu.memory_space<vmem>>
        %dma_start3A_541 = arith.constant 0 : i32
        %dma_start3A_542 = tpu.memref_slice %arg5[%add3A_533, %dma_start3A_541] : memref<200x128xi32, #tpu.memory_space<vmem>> -> memref<1x128xi32, #tpu.memory_space<vmem>>
        %dma_start3A_543 = tpu.memref_squeeze %dma_start3A_542 : memref<1x128xi32, #tpu.memory_space<vmem>> -> memref<128xi32, #tpu.memory_space<vmem>>
        %dma_start3A_544 = arith.constant 0 : i32
        %dma_start3A_545 = arith.constant 0 : i32
        %dma_start3A_546 = tpu.memref_slice %arg3[%dma_start3A_544, %dma_start3A_545] : memref<1000000x64xf32, #tpu.memory_space<hbm>> -> memref<1000000x64xf32, #tpu.memory_space<hbm>>
        %dma_start3A_547 = tpu.memref_slice %arg7[%dma_start3A_536] : memref<4x!tpu.dma_semaphore, #tpu.memory_space<semaphore_mem>> -> memref<1x!tpu.dma_semaphore, #tpu.memory_space<semaphore_mem>>
        %dma_start3A_548 = tpu.memref_squeeze %dma_start3A_547 : memref<1x!tpu.dma_semaphore, #tpu.memory_space<semaphore_mem>> -> memref<!tpu.dma_semaphore, #tpu.memory_space<semaphore_mem>>
        tpu.enqueue_indirect_dma source(%dma_start3A_546 : memref<1000000x64xf32, #tpu.memory_space<hbm>>) target(%dma_start3A_540 : memref<128x64xf32, #tpu.memory_space<vmem>>) offsets(%dma_start3A_543 : memref<128xi32, #tpu.memory_space<vmem>>) semaphore(%dma_start3A_548 : memref<!tpu.dma_semaphore, #tpu.memory_space<semaphore_mem>>)
      } else {
      }
      %lt3A_429 = arith.constant 100 : i32
      %lt3A_430 = arith.cmpi slt, %sub3A_420, %lt3A_429 : i32
      %lt3A_431 = arith.constant 4 : i32
      %lt3A_432 = arith.cmpi slt, %sub3A_420, %lt3A_431 : i32
      %and3A_433 = arith.andi %lt3A_430, %lt3A_432 : i1
      %convert_element_type3A_434 = arith.extui %and3A_433 : i1 to i32
      %cond3A_435 = arith.constant 0 : i32
      %cond3A_436 = arith.cmpi ne, %convert_element_type3A_434, %cond3A_435 : i32
      scf.if %cond3A_436 {
        %mul3A_489 = arith.constant 2 : i32
        %mul3A_490 = arith.muli %sub3A_420, %mul3A_489 : i32
        %add3A_491 = arith.constant 0 : i32
        %add3A_492 = arith.addi %mul3A_490, %add3A_491 : i32
        %dma_start3A_493 = arith.constant 2 : i32
        %dma_start3A_494 = arith.constant 0 : i32
        %dma_start3A_495 = arith.constant 2 : i32
        %dma_start3A_496 = arith.constant 0 : i32
        %dma_start3A_497 = arith.constant 0 : i32
        %dma_start3A_498 = tpu.memref_slice %arg6[%dma_start3A_493, %dma_start3A_494, %dma_start3A_496, %dma_start3A_497] : memref<4x2x128x64xf32, #tpu.memory_space<vmem>> -> memref<1x1x128x64xf32, #tpu.memory_space<vmem>>
        %dma_start3A_499 = tpu.memref_squeeze %dma_start3A_498 : memref<1x1x128x64xf32, #tpu.memory_space<vmem>> -> memref<128x64xf32, #tpu.memory_space<vmem>>
        %dma_start3A_500 = arith.constant 0 : i32
        %dma_start3A_501 = tpu.memref_slice %arg5[%add3A_492, %dma_start3A_500] : memref<200x128xi32, #tpu.memory_space<vmem>> -> memref<1x128xi32, #tpu.memory_space<vmem>>
        %dma_start3A_502 = tpu.memref_squeeze %dma_start3A_501 : memref<1x128xi32, #tpu.memory_space<vmem>> -> memref<128xi32, #tpu.memory_space<vmem>>
        %dma_start3A_503 = arith.constant 0 : i32
        %dma_start3A_504 = arith.constant 0 : i32
        %dma_start3A_505 = tpu.memref_slice %arg3[%dma_start3A_503, %dma_start3A_504] : memref<1000000x64xf32, #tpu.memory_space<hbm>> -> memref<1000000x64xf32, #tpu.memory_space<hbm>>
        %dma_start3A_506 = tpu.memref_slice %arg7[%dma_start3A_495] : memref<4x!tpu.dma_semaphore, #tpu.memory_space<semaphore_mem>> -> memref<1x!tpu.dma_semaphore, #tpu.memory_space<semaphore_mem>>
        %dma_start3A_507 = tpu.memref_squeeze %dma_start3A_506 : memref<1x!tpu.dma_semaphore, #tpu.memory_space<semaphore_mem>> -> memref<!tpu.dma_semaphore, #tpu.memory_space<semaphore_mem>>
        tpu.enqueue_indirect_dma source(%dma_start3A_505 : memref<1000000x64xf32, #tpu.memory_space<hbm>>) target(%dma_start3A_499 : memref<128x64xf32, #tpu.memory_space<vmem>>) offsets(%dma_start3A_502 : memref<128xi32, #tpu.memory_space<vmem>>) semaphore(%dma_start3A_507 : memref<!tpu.dma_semaphore, #tpu.memory_space<semaphore_mem>>)
        %mul3A_508 = arith.constant 2 : i32
        %mul3A_509 = arith.muli %sub3A_420, %mul3A_508 : i32
        %add3A_510 = arith.constant 1 : i32
        %add3A_511 = arith.addi %mul3A_509, %add3A_510 : i32
        %dma_start3A_512 = arith.constant 2 : i32
        %dma_start3A_513 = arith.constant 1 : i32
        %dma_start3A_514 = arith.constant 2 : i32
        %dma_start3A_515 = arith.constant 0 : i32
        %dma_start3A_516 = arith.constant 0 : i32
        %dma_start3A_517 = tpu.memref_slice %arg6[%dma_start3A_512, %dma_start3A_513, %dma_start3A_515, %dma_start3A_516] : memref<4x2x128x64xf32, #tpu.memory_space<vmem>> -> memref<1x1x128x64xf32, #tpu.memory_space<vmem>>
        %dma_start3A_518 = tpu.memref_squeeze %dma_start3A_517 : memref<1x1x128x64xf32, #tpu.memory_space<vmem>> -> memref<128x64xf32, #tpu.memory_space<vmem>>
        %dma_start3A_519 = arith.constant 0 : i32
        %dma_start3A_520 = tpu.memref_slice %arg5[%add3A_511, %dma_start3A_519] : memref<200x128xi32, #tpu.memory_space<vmem>> -> memref<1x128xi32, #tpu.memory_space<vmem>>
        %dma_start3A_521 = tpu.memref_squeeze %dma_start3A_520 : memref<1x128xi32, #tpu.memory_space<vmem>> -> memref<128xi32, #tpu.memory_space<vmem>>
        %dma_start3A_522 = arith.constant 0 : i32
        %dma_start3A_523 = arith.constant 0 : i32
        %dma_start3A_524 = tpu.memref_slice %arg3[%dma_start3A_522, %dma_start3A_523] : memref<1000000x64xf32, #tpu.memory_space<hbm>> -> memref<1000000x64xf32, #tpu.memory_space<hbm>>
        %dma_start3A_525 = tpu.memref_slice %arg7[%dma_start3A_514] : memref<4x!tpu.dma_semaphore, #tpu.memory_space<semaphore_mem>> -> memref<1x!tpu.dma_semaphore, #tpu.memory_space<semaphore_mem>>
        %dma_start3A_526 = tpu.memref_squeeze %dma_start3A_525 : memref<1x!tpu.dma_semaphore, #tpu.memory_space<semaphore_mem>> -> memref<!tpu.dma_semaphore, #tpu.memory_space<semaphore_mem>>
        tpu.enqueue_indirect_dma source(%dma_start3A_524 : memref<1000000x64xf32, #tpu.memory_space<hbm>>) target(%dma_start3A_518 : memref<128x64xf32, #tpu.memory_space<vmem>>) offsets(%dma_start3A_521 : memref<128xi32, #tpu.memory_space<vmem>>) semaphore(%dma_start3A_526 : memref<!tpu.dma_semaphore, #tpu.memory_space<semaphore_mem>>)
      } else {
      }
      %dma_wait3A_437 = arith.constant 3 : i32
      %dma_wait3A_438 = arith.constant 3 : i32
      %dma_wait3A_439 = arith.constant 0 : i32
      %dma_wait3A_440 = arith.constant 0 : i32
      %dma_wait3A_441 = arith.constant 0 : i32
      %dma_wait3A_442 = tpu.memref_slice %arg6[%dma_wait3A_437, %dma_wait3A_439, %dma_wait3A_440, %dma_wait3A_441] : memref<4x2x128x64xf32, #tpu.memory_space<vmem>> -> memref<1x2x128x64xf32, #tpu.memory_space<vmem>>
      %dma_wait3A_443 = tpu.memref_squeeze %dma_wait3A_442 : memref<1x2x128x64xf32, #tpu.memory_space<vmem>> -> memref<2x128x64xf32, #tpu.memory_space<vmem>>
      %dma_wait3A_444 = arith.constant 0 : i32
      %dma_wait3A_445 = arith.constant 0 : i32
      %dma_wait3A_446 = arith.constant 0 : i32
      %dma_wait3A_447 = tpu.memref_slice %arg4[%dma_wait3A_444, %dma_wait3A_445, %dma_wait3A_446] : memref<6400x128x64xf32, #tpu.memory_space<hbm>> -> memref<2x128x64xf32, #tpu.memory_space<hbm>>
      %dma_wait3A_448 = tpu.memref_slice %arg7[%dma_wait3A_438] : memref<4x!tpu.dma_semaphore, #tpu.memory_space<semaphore_mem>> -> memref<1x!tpu.dma_semaphore, #tpu.memory_space<semaphore_mem>>
      %dma_wait3A_449 = tpu.memref_squeeze %dma_wait3A_448 : memref<1x!tpu.dma_semaphore, #tpu.memory_space<semaphore_mem>> -> memref<!tpu.dma_semaphore, #tpu.memory_space<semaphore_mem>>
      %dma_wait3A_450 = arith.constant 0 : i32
      %dma_wait3A_451 = arith.constant 0 : i32
      %dma_wait3A_452 = arith.constant 0 : i32
      %dma_wait3A_453 = tpu.memref_slice %arg6[%dma_wait3A_437, %dma_wait3A_450, %dma_wait3A_451, %dma_wait3A_452] : memref<4x2x128x64xf32, #tpu.memory_space<vmem>> -> memref<1x2x128x64xf32, #tpu.memory_space<vmem>>
      %dma_wait3A_454 = tpu.memref_squeeze %dma_wait3A_453 : memref<1x2x128x64xf32, #tpu.memory_space<vmem>> -> memref<2x128x64xf32, #tpu.memory_space<vmem>>
      %dma_wait3A_455 = arith.constant 0 : i32
      %dma_wait3A_456 = arith.constant 0 : i32
      %dma_wait3A_457 = arith.constant 0 : i32
      %dma_wait3A_458 = tpu.memref_slice %arg4[%dma_wait3A_455, %dma_wait3A_456, %dma_wait3A_457] : memref<6400x128x64xf32, #tpu.memory_space<hbm>> -> memref<2x128x64xf32, #tpu.memory_space<hbm>>
      tpu.wait_dma2 semaphore(%dma_wait3A_449 : memref<!tpu.dma_semaphore, #tpu.memory_space<semaphore_mem>>) src(%dma_wait3A_458 : memref<2x128x64xf32, #tpu.memory_space<hbm>>) dst(%dma_wait3A_454 : memref<2x128x64xf32, #tpu.memory_space<vmem>>)
      %scan3A_459 = arith.constant 0 : i32
      %scan3A_460 = arith.constant 0 : i32
      %scan3A_461 = arith.constant 128 : i32
      %scan3A_462 = arith.addi %scan3A_460, %scan3A_461 : i32
      %scan3A_463 = arith.constant 4 : i32
      %scan3A_464 = scf.for %scan3A_489 = %scan3A_460 to %scan3A_462 step %scan3A_463 iter_args(%scan3A_490 = %scan3A_459) -> (i32)  : i32 {
        %get3A = arith.constant 3 : i32
        %get3A_491 = arith.constant 0 : i32
        %get3A_492 = arith.index_cast %get3A : i32 to index
        %get3A_493 = arith.index_cast %get3A_491 : i32 to index
        %get3A_494 = arith.index_cast %scan3A_489 : i32 to index
        %get3A_495 = arith.constant 0 : index
        %get3A_496 = tpu.vector_load %arg6[%get3A_492, %get3A_493, %get3A_494, %get3A_495] {strides = array<i32>} : memref<4x2x128x64xf32, #tpu.memory_space<vmem>>, vector<1x1x1x16xf32>,
        %get3A_497 = vector.shape_cast %get3A_496 : vector<1x1x1x16xf32> to vector<16xf32>
        %mul3A_498 = arith.constant 8.000000e+00 : f32
        %mul3A_499 = vector.broadcast %mul3A_498 : f32 to vector<16xf32>
        %mul3A_500 = arith.mulf %get3A_497, %mul3A_499 : vector<16xf32>
        %swap3A = arith.constant 3 : i32
        %swap3A_501 = arith.constant 0 : i32
        %swap3A_502 = arith.index_cast %swap3A : i32 to index
        %swap3A_503 = arith.index_cast %swap3A_501 : i32 to index
        %swap3A_504 = arith.index_cast %scan3A_489 : i32 to index
        %swap3A_505 = arith.constant 0 : index
        %swap3A_506 = tpu.vector_load %arg6[%swap3A_502, %swap3A_503, %swap3A_504, %swap3A_505] {strides = array<i32>} : memref<4x2x128x64xf32, #tpu.memory_space<vmem>>, vector<1x1x1x16xf32>,
        %swap3A_507 = vector.shape_cast %swap3A_506 : vector<1x1x1x16xf32> to vector<16xf32>
        %swap3A_508 = vector.shape_cast %mul3A_500 : vector<16xf32> to vector<1x1x1x16xf32>
        tpu.vector_store %arg6[%swap3A_502, %swap3A_503, %swap3A_504, %swap3A_505], %swap3A_508 {strides = array<i32>} : memref<4x2x128x64xf32, #tpu.memory_space<vmem>>, vector<1x1x1x16xf32>,
        %get3A_509 = arith.constant 3 : i32
        %get3A_510 = arith.constant 0 : i32
        %get3A_511 = arith.index_cast %get3A_509 : i32 to index
        %get3A_512 = arith.index_cast %get3A_510 : i32 to index
        %get3A_513 = arith.index_cast %scan3A_489 : i32 to index
        %get3A_514 = arith.constant 16 : index
        %get3A_515 = tpu.vector_load %arg6[%get3A_511, %get3A_512, %get3A_513, %get3A_514] {strides = array<i32>} : memref<4x2x128x64xf32, #tpu.memory_space<vmem>>, vector<1x1x1x16xf32>,
        %get3A_516 = vector.shape_cast %get3A_515 : vector<1x1x1x16xf32> to vector<16xf32>
        %mul3A_517 = arith.constant 8.000000e+00 : f32
        %mul3A_518 = vector.broadcast %mul3A_517 : f32 to vector<16xf32>
        %mul3A_519 = arith.mulf %get3A_516, %mul3A_518 : vector<16xf32>
        %swap3A_520 = arith.constant 3 : i32
        %swap3A_521 = arith.constant 0 : i32
        %swap3A_522 = arith.index_cast %swap3A_520 : i32 to index
        %swap3A_523 = arith.index_cast %swap3A_521 : i32 to index
        %swap3A_524 = arith.index_cast %scan3A_489 : i32 to index
        %swap3A_525 = arith.constant 16 : index
        %swap3A_526 = tpu.vector_load %arg6[%swap3A_522, %swap3A_523, %swap3A_524, %swap3A_525] {strides = array<i32>} : memref<4x2x128x64xf32, #tpu.memory_space<vmem>>, vector<1x1x1x16xf32>,
        %swap3A_527 = vector.shape_cast %swap3A_526 : vector<1x1x1x16xf32> to vector<16xf32>
        %swap3A_528 = vector.shape_cast %mul3A_519 : vector<16xf32> to vector<1x1x1x16xf32>
        tpu.vector_store %arg6[%swap3A_522, %swap3A_523, %swap3A_524, %swap3A_525], %swap3A_528 {strides = array<i32>} : memref<4x2x128x64xf32, #tpu.memory_space<vmem>>, vector<1x1x1x16xf32>,
        %get3A_529 = arith.constant 3 : i32
        %get3A_530 = arith.constant 0 : i32
        %get3A_531 = arith.index_cast %get3A_529 : i32 to index
        %get3A_532 = arith.index_cast %get3A_530 : i32 to index
        %get3A_533 = arith.index_cast %scan3A_489 : i32 to index
        %get3A_534 = arith.constant 32 : index
        %get3A_535 = tpu.vector_load %arg6[%get3A_531, %get3A_532, %get3A_533, %get3A_534] {strides = array<i32>} : memref<4x2x128x64xf32, #tpu.memory_space<vmem>>, vector<1x1x1x16xf32>,
        %get3A_536 = vector.shape_cast %get3A_535 : vector<1x1x1x16xf32> to vector<16xf32>
        %mul3A_537 = arith.constant 8.000000e+00 : f32
        %mul3A_538 = vector.broadcast %mul3A_537 : f32 to vector<16xf32>
        %mul3A_539 = arith.mulf %get3A_536, %mul3A_538 : vector<16xf32>
        %swap3A_540 = arith.constant 3 : i32
        %swap3A_541 = arith.constant 0 : i32
        %swap3A_542 = arith.index_cast %swap3A_540 : i32 to index
        %swap3A_543 = arith.index_cast %swap3A_541 : i32 to index
        %swap3A_544 = arith.index_cast %scan3A_489 : i32 to index
        %swap3A_545 = arith.constant 32 : index
        %swap3A_546 = tpu.vector_load %arg6[%swap3A_542, %swap3A_543, %swap3A_544, %swap3A_545] {strides = array<i32>} : memref<4x2x128x64xf32, #tpu.memory_space<vmem>>, vector<1x1x1x16xf32>,
        %swap3A_547 = vector.shape_cast %swap3A_546 : vector<1x1x1x16xf32> to vector<16xf32>
        %swap3A_548 = vector.shape_cast %mul3A_539 : vector<16xf32> to vector<1x1x1x16xf32>
        tpu.vector_store %arg6[%swap3A_542, %swap3A_543, %swap3A_544, %swap3A_545], %swap3A_548 {strides = array<i32>} : memref<4x2x128x64xf32, #tpu.memory_space<vmem>>, vector<1x1x1x16xf32>,
        %get3A_549 = arith.constant 3 : i32
        %get3A_550 = arith.constant 0 : i32
        %get3A_551 = arith.index_cast %get3A_549 : i32 to index
        %get3A_552 = arith.index_cast %get3A_550 : i32 to index
        %get3A_553 = arith.index_cast %scan3A_489 : i32 to index
        %get3A_554 = arith.constant 48 : index
        %get3A_555 = tpu.vector_load %arg6[%get3A_551, %get3A_552, %get3A_553, %get3A_554] {strides = array<i32>} : memref<4x2x128x64xf32, #tpu.memory_space<vmem>>, vector<1x1x1x16xf32>,
        %get3A_556 = vector.shape_cast %get3A_555 : vector<1x1x1x16xf32> to vector<16xf32>
        %mul3A_557 = arith.constant 8.000000e+00 : f32
        %mul3A_558 = vector.broadcast %mul3A_557 : f32 to vector<16xf32>
        %mul3A_559 = arith.mulf %get3A_556, %mul3A_558 : vector<16xf32>
        %swap3A_560 = arith.constant 3 : i32
        %swap3A_561 = arith.constant 0 : i32
        %swap3A_562 = arith.index_cast %swap3A_560 : i32 to index
        %swap3A_563 = arith.index_cast %swap3A_561 : i32 to index
        %swap3A_564 = arith.index_cast %scan3A_489 : i32 to index
        %swap3A_565 = arith.constant 48 : index
        %swap3A_566 = tpu.vector_load %arg6[%swap3A_562, %swap3A_563, %swap3A_564, %swap3A_565] {strides = array<i32>} : memref<4x2x128x64xf32, #tpu.memory_space<vmem>>, vector<1x1x1x16xf32>,
        %swap3A_567 = vector.shape_cast %swap3A_566 : vector<1x1x1x16xf32> to vector<16xf32>
        %swap3A_568 = vector.shape_cast %mul3A_559 : vector<16xf32> to vector<1x1x1x16xf32>
        tpu.vector_store %arg6[%swap3A_562, %swap3A_563, %swap3A_564, %swap3A_565], %swap3A_568 {strides = array<i32>} : memref<4x2x128x64xf32, #tpu.memory_space<vmem>>, vector<1x1x1x16xf32>,
        %get3A_569 = arith.constant 3 : i32
        %get3A_570 = arith.constant 1 : i32
        %get3A_571 = arith.index_cast %get3A_569 : i32 to index
        %get3A_572 = arith.index_cast %get3A_570 : i32 to index
        %get3A_573 = arith.index_cast %scan3A_489 : i32 to index
        %get3A_574 = arith.constant 0 : index
        %get3A_575 = tpu.vector_load %arg6[%get3A_571, %get3A_572, %get3A_573, %get3A_574] {strides = array<i32>} : memref<4x2x128x64xf32, #tpu.memory_space<vmem>>, vector<1x1x1x16xf32>,
        %get3A_576 = vector.shape_cast %get3A_575 : vector<1x1x1x16xf32> to vector<16xf32>
        %mul3A_577 = arith.constant 8.000000e+00 : f32
        %mul3A_578 = vector.broadcast %mul3A_577 : f32 to vector<16xf32>
        %mul3A_579 = arith.mulf %get3A_576, %mul3A_578 : vector<16xf32>
        %swap3A_580 = arith.constant 3 : i32
        %swap3A_581 = arith.constant 1 : i32
        %swap3A_582 = arith.index_cast %swap3A_580 : i32 to index
        %swap3A_583 = arith.index_cast %swap3A_581 : i32 to index
        %swap3A_584 = arith.index_cast %scan3A_489 : i32 to index
        %swap3A_585 = arith.constant 0 : index
        %swap3A_586 = tpu.vector_load %arg6[%swap3A_582, %swap3A_583, %swap3A_584, %swap3A_585] {strides = array<i32>} : memref<4x2x128x64xf32, #tpu.memory_space<vmem>>, vector<1x1x1x16xf32>,
        %swap3A_587 = vector.shape_cast %swap3A_586 : vector<1x1x1x16xf32> to vector<16xf32>
        %swap3A_588 = vector.shape_cast %mul3A_579 : vector<16xf32> to vector<1x1x1x16xf32>
        tpu.vector_store %arg6[%swap3A_582, %swap3A_583, %swap3A_584, %swap3A_585], %swap3A_588 {strides = array<i32>} : memref<4x2x128x64xf32, #tpu.memory_space<vmem>>, vector<1x1x1x16xf32>,
        %get3A_589 = arith.constant 3 : i32
        %get3A_590 = arith.constant 1 : i32
        %get3A_591 = arith.index_cast %get3A_589 : i32 to index
        %get3A_592 = arith.index_cast %get3A_590 : i32 to index
        %get3A_593 = arith.index_cast %scan3A_489 : i32 to index
        %get3A_594 = arith.constant 16 : index
        %get3A_595 = tpu.vector_load %arg6[%get3A_591, %get3A_592, %get3A_593, %get3A_594] {strides = array<i32>} : memref<4x2x128x64xf32, #tpu.memory_space<vmem>>, vector<1x1x1x16xf32>,
        %get3A_596 = vector.shape_cast %get3A_595 : vector<1x1x1x16xf32> to vector<16xf32>
        %mul3A_597 = arith.constant 8.000000e+00 : f32
        %mul3A_598 = vector.broadcast %mul3A_597 : f32 to vector<16xf32>
        %mul3A_599 = arith.mulf %get3A_596, %mul3A_598 : vector<16xf32>
        %swap3A_600 = arith.constant 3 : i32
        %swap3A_601 = arith.constant 1 : i32
        %swap3A_602 = arith.index_cast %swap3A_600 : i32 to index
        %swap3A_603 = arith.index_cast %swap3A_601 : i32 to index
        %swap3A_604 = arith.index_cast %scan3A_489 : i32 to index
        %swap3A_605 = arith.constant 16 : index
        %swap3A_606 = tpu.vector_load %arg6[%swap3A_602, %swap3A_603, %swap3A_604, %swap3A_605] {strides = array<i32>} : memref<4x2x128x64xf32, #tpu.memory_space<vmem>>, vector<1x1x1x16xf32>,
        %swap3A_607 = vector.shape_cast %swap3A_606 : vector<1x1x1x16xf32> to vector<16xf32>
        %swap3A_608 = vector.shape_cast %mul3A_599 : vector<16xf32> to vector<1x1x1x16xf32>
        tpu.vector_store %arg6[%swap3A_602, %swap3A_603, %swap3A_604, %swap3A_605], %swap3A_608 {strides = array<i32>} : memref<4x2x128x64xf32, #tpu.memory_space<vmem>>, vector<1x1x1x16xf32>,
        %get3A_609 = arith.constant 3 : i32
        %get3A_610 = arith.constant 1 : i32
        %get3A_611 = arith.index_cast %get3A_609 : i32 to index
        %get3A_612 = arith.index_cast %get3A_610 : i32 to index
        %get3A_613 = arith.index_cast %scan3A_489 : i32 to index
        %get3A_614 = arith.constant 32 : index
        %get3A_615 = tpu.vector_load %arg6[%get3A_611, %get3A_612, %get3A_613, %get3A_614] {strides = array<i32>} : memref<4x2x128x64xf32, #tpu.memory_space<vmem>>, vector<1x1x1x16xf32>,
        %get3A_616 = vector.shape_cast %get3A_615 : vector<1x1x1x16xf32> to vector<16xf32>
        %mul3A_617 = arith.constant 8.000000e+00 : f32
        %mul3A_618 = vector.broadcast %mul3A_617 : f32 to vector<16xf32>
        %mul3A_619 = arith.mulf %get3A_616, %mul3A_618 : vector<16xf32>
        %swap3A_620 = arith.constant 3 : i32
        %swap3A_621 = arith.constant 1 : i32
        %swap3A_622 = arith.index_cast %swap3A_620 : i32 to index
        %swap3A_623 = arith.index_cast %swap3A_621 : i32 to index
        %swap3A_624 = arith.index_cast %scan3A_489 : i32 to index
        %swap3A_625 = arith.constant 32 : index
        %swap3A_626 = tpu.vector_load %arg6[%swap3A_622, %swap3A_623, %swap3A_624, %swap3A_625] {strides = array<i32>} : memref<4x2x128x64xf32, #tpu.memory_space<vmem>>, vector<1x1x1x16xf32>,
        %swap3A_627 = vector.shape_cast %swap3A_626 : vector<1x1x1x16xf32> to vector<16xf32>
        %swap3A_628 = vector.shape_cast %mul3A_619 : vector<16xf32> to vector<1x1x1x16xf32>
        tpu.vector_store %arg6[%swap3A_622, %swap3A_623, %swap3A_624, %swap3A_625], %swap3A_628 {strides = array<i32>} : memref<4x2x128x64xf32, #tpu.memory_space<vmem>>, vector<1x1x1x16xf32>,
        %get3A_629 = arith.constant 3 : i32
        %get3A_630 = arith.constant 1 : i32
        %get3A_631 = arith.index_cast %get3A_629 : i32 to index
        %get3A_632 = arith.index_cast %get3A_630 : i32 to index
        %get3A_633 = arith.index_cast %scan3A_489 : i32 to index
        %get3A_634 = arith.constant 48 : index
        %get3A_635 = tpu.vector_load %arg6[%get3A_631, %get3A_632, %get3A_633, %get3A_634] {strides = array<i32>} : memref<4x2x128x64xf32, #tpu.memory_space<vmem>>, vector<1x1x1x16xf32>,
        %get3A_636 = vector.shape_cast %get3A_635 : vector<1x1x1x16xf32> to vector<16xf32>
        %mul3A_637 = arith.constant 8.000000e+00 : f32
        %mul3A_638 = vector.broadcast %mul3A_637 : f32 to vector<16xf32>
        %mul3A_639 = arith.mulf %get3A_636, %mul3A_638 : vector<16xf32>
        %swap3A_640 = arith.constant 3 : i32
        %swap3A_641 = arith.constant 1 : i32
        %swap3A_642 = arith.index_cast %swap3A_640 : i32 to index
        %swap3A_643 = arith.index_cast %swap3A_641 : i32 to index
        %swap3A_644 = arith.index_cast %scan3A_489 : i32 to index
        %swap3A_645 = arith.constant 48 : index
        %swap3A_646 = tpu.vector_load %arg6[%swap3A_642, %swap3A_643, %swap3A_644, %swap3A_645] {strides = array<i32>} : memref<4x2x128x64xf32, #tpu.memory_space<vmem>>, vector<1x1x1x16xf32>,
        %swap3A_647 = vector.shape_cast %swap3A_646 : vector<1x1x1x16xf32> to vector<16xf32>
        %swap3A_648 = vector.shape_cast %mul3A_639 : vector<16xf32> to vector<1x1x1x16xf32>
        tpu.vector_store %arg6[%swap3A_642, %swap3A_643, %swap3A_644, %swap3A_645], %swap3A_648 {strides = array<i32>} : memref<4x2x128x64xf32, #tpu.memory_space<vmem>>, vector<1x1x1x16xf32>,
        %scan3A_649 = arith.constant 0 : i32
        %scan3A_650 = arith.constant 1 : i32
        %scan3A_651 = arith.addi %scan3A_489, %scan3A_650 : i32
        %get3A_652 = arith.constant 3 : i32
        %get3A_653 = arith.constant 0 : i32
        %get3A_654 = arith.index_cast %get3A_652 : i32 to index
        %get3A_655 = arith.index_cast %get3A_653 : i32 to index
        %get3A_656 = arith.index_cast %scan3A_651 : i32 to index
        %get3A_657 = arith.constant 0 : index
        %get3A_658 = tpu.vector_load %arg6[%get3A_654, %get3A_655, %get3A_656, %get3A_657] {strides = array<i32>} : memref<4x2x128x64xf32, #tpu.memory_space<vmem>>, vector<1x1x1x16xf32>,
        %get3A_659 = vector.shape_cast %get3A_658 : vector<1x1x1x16xf32> to vector<16xf32>
        %mul3A_660 = arith.constant 8.000000e+00 : f32
        %mul3A_661 = vector.broadcast %mul3A_660 : f32 to vector<16xf32>
        %mul3A_662 = arith.mulf %get3A_659, %mul3A_661 : vector<16xf32>
        %swap3A_663 = arith.constant 3 : i32
        %swap3A_664 = arith.constant 0 : i32
        %swap3A_665 = arith.index_cast %swap3A_663 : i32 to index
        %swap3A_666 = arith.index_cast %swap3A_664 : i32 to index
        %swap3A_667 = arith.index_cast %scan3A_651 : i32 to index
        %swap3A_668 = arith.constant 0 : index
        %swap3A_669 = tpu.vector_load %arg6[%swap3A_665, %swap3A_666, %swap3A_667, %swap3A_668] {strides = array<i32>} : memref<4x2x128x64xf32, #tpu.memory_space<vmem>>, vector<1x1x1x16xf32>,
        %swap3A_670 = vector.shape_cast %swap3A_669 : vector<1x1x1x16xf32> to vector<16xf32>
        %swap3A_671 = vector.shape_cast %mul3A_662 : vector<16xf32> to vector<1x1x1x16xf32>
        tpu.vector_store %arg6[%swap3A_665, %swap3A_666, %swap3A_667, %swap3A_668], %swap3A_671 {strides = array<i32>} : memref<4x2x128x64xf32, #tpu.memory_space<vmem>>, vector<1x1x1x16xf32>,
        %get3A_672 = arith.constant 3 : i32
        %get3A_673 = arith.constant 0 : i32
        %get3A_674 = arith.index_cast %get3A_672 : i32 to index
        %get3A_675 = arith.index_cast %get3A_673 : i32 to index
        %get3A_676 = arith.index_cast %scan3A_651 : i32 to index
        %get3A_677 = arith.constant 16 : index
        %get3A_678 = tpu.vector_load %arg6[%get3A_674, %get3A_675, %get3A_676, %get3A_677] {strides = array<i32>} : memref<4x2x128x64xf32, #tpu.memory_space<vmem>>, vector<1x1x1x16xf32>,
        %get3A_679 = vector.shape_cast %get3A_678 : vector<1x1x1x16xf32> to vector<16xf32>
        %mul3A_680 = arith.constant 8.000000e+00 : f32
        %mul3A_681 = vector.broadcast %mul3A_680 : f32 to vector<16xf32>
        %mul3A_682 = arith.mulf %get3A_679, %mul3A_681 : vector<16xf32>
        %swap3A_683 = arith.constant 3 : i32
        %swap3A_684 = arith.constant 0 : i32
        %swap3A_685 = arith.index_cast %swap3A_683 : i32 to index
        %swap3A_686 = arith.index_cast %swap3A_684 : i32 to index
        %swap3A_687 = arith.index_cast %scan3A_651 : i32 to index
        %swap3A_688 = arith.constant 16 : index
        %swap3A_689 = tpu.vector_load %arg6[%swap3A_685, %swap3A_686, %swap3A_687, %swap3A_688] {strides = array<i32>} : memref<4x2x128x64xf32, #tpu.memory_space<vmem>>, vector<1x1x1x16xf32>,
        %swap3A_690 = vector.shape_cast %swap3A_689 : vector<1x1x1x16xf32> to vector<16xf32>
        %swap3A_691 = vector.shape_cast %mul3A_682 : vector<16xf32> to vector<1x1x1x16xf32>
        tpu.vector_store %arg6[%swap3A_685, %swap3A_686, %swap3A_687, %swap3A_688], %swap3A_691 {strides = array<i32>} : memref<4x2x128x64xf32, #tpu.memory_space<vmem>>, vector<1x1x1x16xf32>,
        %get3A_692 = arith.constant 3 : i32
        %get3A_693 = arith.constant 0 : i32
        %get3A_694 = arith.index_cast %get3A_692 : i32 to index
        %get3A_695 = arith.index_cast %get3A_693 : i32 to index
        %get3A_696 = arith.index_cast %scan3A_651 : i32 to index
        %get3A_697 = arith.constant 32 : index
        %get3A_698 = tpu.vector_load %arg6[%get3A_694, %get3A_695, %get3A_696, %get3A_697] {strides = array<i32>} : memref<4x2x128x64xf32, #tpu.memory_space<vmem>>, vector<1x1x1x16xf32>,
        %get3A_699 = vector.shape_cast %get3A_698 : vector<1x1x1x16xf32> to vector<16xf32>
        %mul3A_700 = arith.constant 8.000000e+00 : f32
        %mul3A_701 = vector.broadcast %mul3A_700 : f32 to vector<16xf32>
        %mul3A_702 = arith.mulf %get3A_699, %mul3A_701 : vector<16xf32>
        %swap3A_703 = arith.constant 3 : i32
        %swap3A_704 = arith.constant 0 : i32
        %swap3A_705 = arith.index_cast %swap3A_703 : i32 to index
        %swap3A_706 = arith.index_cast %swap3A_704 : i32 to index
        %swap3A_707 = arith.index_cast %scan3A_651 : i32 to index
        %swap3A_708 = arith.constant 32 : index
        %swap3A_709 = tpu.vector_load %arg6[%swap3A_705, %swap3A_706, %swap3A_707, %swap3A_708] {strides = array<i32>} : memref<4x2x128x64xf32, #tpu.memory_space<vmem>>, vector<1x1x1x16xf32>,
        %swap3A_710 = vector.shape_cast %swap3A_709 : vector<1x1x1x16xf32> to vector<16xf32>
        %swap3A_711 = vector.shape_cast %mul3A_702 : vector<16xf32> to vector<1x1x1x16xf32>
        tpu.vector_store %arg6[%swap3A_705, %swap3A_706, %swap3A_707, %swap3A_708], %swap3A_711 {strides = array<i32>} : memref<4x2x128x64xf32, #tpu.memory_space<vmem>>, vector<1x1x1x16xf32>,
        %get3A_712 = arith.constant 3 : i32
        %get3A_713 = arith.constant 0 : i32
        %get3A_714 = arith.index_cast %get3A_712 : i32 to index
        %get3A_715 = arith.index_cast %get3A_713 : i32 to index
        %get3A_716 = arith.index_cast %scan3A_651 : i32 to index
        %get3A_717 = arith.constant 48 : index
        %get3A_718 = tpu.vector_load %arg6[%get3A_714, %get3A_715, %get3A_716, %get3A_717] {strides = array<i32>} : memref<4x2x128x64xf32, #tpu.memory_space<vmem>>, vector<1x1x1x16xf32>,
        %get3A_719 = vector.shape_cast %get3A_718 : vector<1x1x1x16xf32> to vector<16xf32>
        %mul3A_720 = arith.constant 8.000000e+00 : f32
        %mul3A_721 = vector.broadcast %mul3A_720 : f32 to vector<16xf32>
        %mul3A_722 = arith.mulf %get3A_719, %mul3A_721 : vector<16xf32>
        %swap3A_723 = arith.constant 3 : i32
        %swap3A_724 = arith.constant 0 : i32
        %swap3A_725 = arith.index_cast %swap3A_723 : i32 to index
        %swap3A_726 = arith.index_cast %swap3A_724 : i32 to index
        %swap3A_727 = arith.index_cast %scan3A_651 : i32 to index
        %swap3A_728 = arith.constant 48 : index
        %swap3A_729 = tpu.vector_load %arg6[%swap3A_725, %swap3A_726, %swap3A_727, %swap3A_728] {strides = array<i32>} : memref<4x2x128x64xf32, #tpu.memory_space<vmem>>, vector<1x1x1x16xf32>,
        %swap3A_730 = vector.shape_cast %swap3A_729 : vector<1x1x1x16xf32> to vector<16xf32>
        %swap3A_731 = vector.shape_cast %mul3A_722 : vector<16xf32> to vector<1x1x1x16xf32>
        tpu.vector_store %arg6[%swap3A_725, %swap3A_726, %swap3A_727, %swap3A_728], %swap3A_731 {strides = array<i32>} : memref<4x2x128x64xf32, #tpu.memory_space<vmem>>, vector<1x1x1x16xf32>,
        %get3A_732 = arith.constant 3 : i32
        %get3A_733 = arith.constant 1 : i32
        %get3A_734 = arith.index_cast %get3A_732 : i32 to index
        %get3A_735 = arith.index_cast %get3A_733 : i32 to index
        %get3A_736 = arith.index_cast %scan3A_651 : i32 to index
        %get3A_737 = arith.constant 0 : index
        %get3A_738 = tpu.vector_load %arg6[%get3A_734, %get3A_735, %get3A_736, %get3A_737] {strides = array<i32>} : memref<4x2x128x64xf32, #tpu.memory_space<vmem>>, vector<1x1x1x16xf32>,
        %get3A_739 = vector.shape_cast %get3A_738 : vector<1x1x1x16xf32> to vector<16xf32>
        %mul3A_740 = arith.constant 8.000000e+00 : f32
        %mul3A_741 = vector.broadcast %mul3A_740 : f32 to vector<16xf32>
        %mul3A_742 = arith.mulf %get3A_739, %mul3A_741 : vector<16xf32>
        %swap3A_743 = arith.constant 3 : i32
        %swap3A_744 = arith.constant 1 : i32
        %swap3A_745 = arith.index_cast %swap3A_743 : i32 to index
        %swap3A_746 = arith.index_cast %swap3A_744 : i32 to index
        %swap3A_747 = arith.index_cast %scan3A_651 : i32 to index
        %swap3A_748 = arith.constant 0 : index
        %swap3A_749 = tpu.vector_load %arg6[%swap3A_745, %swap3A_746, %swap3A_747, %swap3A_748] {strides = array<i32>} : memref<4x2x128x64xf32, #tpu.memory_space<vmem>>, vector<1x1x1x16xf32>,
        %swap3A_750 = vector.shape_cast %swap3A_749 : vector<1x1x1x16xf32> to vector<16xf32>
        %swap3A_751 = vector.shape_cast %mul3A_742 : vector<16xf32> to vector<1x1x1x16xf32>
        tpu.vector_store %arg6[%swap3A_745, %swap3A_746, %swap3A_747, %swap3A_748], %swap3A_751 {strides = array<i32>} : memref<4x2x128x64xf32, #tpu.memory_space<vmem>>, vector<1x1x1x16xf32>,
        %get3A_752 = arith.constant 3 : i32
        %get3A_753 = arith.constant 1 : i32
        %get3A_754 = arith.index_cast %get3A_752 : i32 to index
        %get3A_755 = arith.index_cast %get3A_753 : i32 to index
        %get3A_756 = arith.index_cast %scan3A_651 : i32 to index
        %get3A_757 = arith.constant 16 : index
        %get3A_758 = tpu.vector_load %arg6[%get3A_754, %get3A_755, %get3A_756, %get3A_757] {strides = array<i32>} : memref<4x2x128x64xf32, #tpu.memory_space<vmem>>, vector<1x1x1x16xf32>,
        %get3A_759 = vector.shape_cast %get3A_758 : vector<1x1x1x16xf32> to vector<16xf32>
        %mul3A_760 = arith.constant 8.000000e+00 : f32
        %mul3A_761 = vector.broadcast %mul3A_760 : f32 to vector<16xf32>
        %mul3A_762 = arith.mulf %get3A_759, %mul3A_761 : vector<16xf32>
        %swap3A_763 = arith.constant 3 : i32
        %swap3A_764 = arith.constant 1 : i32
        %swap3A_765 = arith.index_cast %swap3A_763 : i32 to index
        %swap3A_766 = arith.index_cast %swap3A_764 : i32 to index
        %swap3A_767 = arith.index_cast %scan3A_651 : i32 to index
        %swap3A_768 = arith.constant 16 : index
        %swap3A_769 = tpu.vector_load %arg6[%swap3A_765, %swap3A_766, %swap3A_767, %swap3A_768] {strides = array<i32>} : memref<4x2x128x64xf32, #tpu.memory_space<vmem>>, vector<1x1x1x16xf32>,
        %swap3A_770 = vector.shape_cast %swap3A_769 : vector<1x1x1x16xf32> to vector<16xf32>
        %swap3A_771 = vector.shape_cast %mul3A_762 : vector<16xf32> to vector<1x1x1x16xf32>
        tpu.vector_store %arg6[%swap3A_765, %swap3A_766, %swap3A_767, %swap3A_768], %swap3A_771 {strides = array<i32>} : memref<4x2x128x64xf32, #tpu.memory_space<vmem>>, vector<1x1x1x16xf32>,
        %get3A_772 = arith.constant 3 : i32
        %get3A_773 = arith.constant 1 : i32
        %get3A_774 = arith.index_cast %get3A_772 : i32 to index
        %get3A_775 = arith.index_cast %get3A_773 : i32 to index
        %get3A_776 = arith.index_cast %scan3A_651 : i32 to index
        %get3A_777 = arith.constant 32 : index
        %get3A_778 = tpu.vector_load %arg6[%get3A_774, %get3A_775, %get3A_776, %get3A_777] {strides = array<i32>} : memref<4x2x128x64xf32, #tpu.memory_space<vmem>>, vector<1x1x1x16xf32>,
        %get3A_779 = vector.shape_cast %get3A_778 : vector<1x1x1x16xf32> to vector<16xf32>
        %mul3A_780 = arith.constant 8.000000e+00 : f32
        %mul3A_781 = vector.broadcast %mul3A_780 : f32 to vector<16xf32>
        %mul3A_782 = arith.mulf %get3A_779, %mul3A_781 : vector<16xf32>
        %swap3A_783 = arith.constant 3 : i32
        %swap3A_784 = arith.constant 1 : i32
        %swap3A_785 = arith.index_cast %swap3A_783 : i32 to index
        %swap3A_786 = arith.index_cast %swap3A_784 : i32 to index
        %swap3A_787 = arith.index_cast %scan3A_651 : i32 to index
        %swap3A_788 = arith.constant 32 : index
        %swap3A_789 = tpu.vector_load %arg6[%swap3A_785, %swap3A_786, %swap3A_787, %swap3A_788] {strides = array<i32>} : memref<4x2x128x64xf32, #tpu.memory_space<vmem>>, vector<1x1x1x16xf32>,
        %swap3A_790 = vector.shape_cast %swap3A_789 : vector<1x1x1x16xf32> to vector<16xf32>
        %swap3A_791 = vector.shape_cast %mul3A_782 : vector<16xf32> to vector<1x1x1x16xf32>
        tpu.vector_store %arg6[%swap3A_785, %swap3A_786, %swap3A_787, %swap3A_788], %swap3A_791 {strides = array<i32>} : memref<4x2x128x64xf32, #tpu.memory_space<vmem>>, vector<1x1x1x16xf32>,
        %get3A_792 = arith.constant 3 : i32
        %get3A_793 = arith.constant 1 : i32
        %get3A_794 = arith.index_cast %get3A_792 : i32 to index
        %get3A_795 = arith.index_cast %get3A_793 : i32 to index
        %get3A_796 = arith.index_cast %scan3A_651 : i32 to index
        %get3A_797 = arith.constant 48 : index
        %get3A_798 = tpu.vector_load %arg6[%get3A_794, %get3A_795, %get3A_796, %get3A_797] {strides = array<i32>} : memref<4x2x128x64xf32, #tpu.memory_space<vmem>>, vector<1x1x1x16xf32>,
        %get3A_799 = vector.shape_cast %get3A_798 : vector<1x1x1x16xf32> to vector<16xf32>
        %mul3A_800 = arith.constant 8.000000e+00 : f32
        %mul3A_801 = vector.broadcast %mul3A_800 : f32 to vector<16xf32>
        %mul3A_802 = arith.mulf %get3A_799, %mul3A_801 : vector<16xf32>
        %swap3A_803 = arith.constant 3 : i32
        %swap3A_804 = arith.constant 1 : i32
        %swap3A_805 = arith.index_cast %swap3A_803 : i32 to index
        %swap3A_806 = arith.index_cast %swap3A_804 : i32 to index
        %swap3A_807 = arith.index_cast %scan3A_651 : i32 to index
        %swap3A_808 = arith.constant 48 : index
        %swap3A_809 = tpu.vector_load %arg6[%swap3A_805, %swap3A_806, %swap3A_807, %swap3A_808] {strides = array<i32>} : memref<4x2x128x64xf32, #tpu.memory_space<vmem>>, vector<1x1x1x16xf32>,
        %swap3A_810 = vector.shape_cast %swap3A_809 : vector<1x1x1x16xf32> to vector<16xf32>
        %swap3A_811 = vector.shape_cast %mul3A_802 : vector<16xf32> to vector<1x1x1x16xf32>
        tpu.vector_store %arg6[%swap3A_805, %swap3A_806, %swap3A_807, %swap3A_808], %swap3A_811 {strides = array<i32>} : memref<4x2x128x64xf32, #tpu.memory_space<vmem>>, vector<1x1x1x16xf32>,
        %scan3A_812 = arith.constant 0 : i32
        %scan3A_813 = arith.constant 2 : i32
        %scan3A_814 = arith.addi %scan3A_489, %scan3A_813 : i32
        %get3A_815 = arith.constant 3 : i32
        %get3A_816 = arith.constant 0 : i32
        %get3A_817 = arith.index_cast %get3A_815 : i32 to index
        %get3A_818 = arith.index_cast %get3A_816 : i32 to index
        %get3A_819 = arith.index_cast %scan3A_814 : i32 to index
        %get3A_820 = arith.constant 0 : index
        %get3A_821 = tpu.vector_load %arg6[%get3A_817, %get3A_818, %get3A_819, %get3A_820] {strides = array<i32>} : memref<4x2x128x64xf32, #tpu.memory_space<vmem>>, vector<1x1x1x16xf32>,
        %get3A_822 = vector.shape_cast %get3A_821 : vector<1x1x1x16xf32> to vector<16xf32>
        %mul3A_823 = arith.constant 8.000000e+00 : f32
        %mul3A_824 = vector.broadcast %mul3A_823 : f32 to vector<16xf32>
        %mul3A_825 = arith.mulf %get3A_822, %mul3A_824 : vector<16xf32>
        %swap3A_826 = arith.constant 3 : i32
        %swap3A_827 = arith.constant 0 : i32
        %swap3A_828 = arith.index_cast %swap3A_826 : i32 to index
        %swap3A_829 = arith.index_cast %swap3A_827 : i32 to index
        %swap3A_830 = arith.index_cast %scan3A_814 : i32 to index
        %swap3A_831 = arith.constant 0 : index
        %swap3A_832 = tpu.vector_load %arg6[%swap3A_828, %swap3A_829, %swap3A_830, %swap3A_831] {strides = array<i32>} : memref<4x2x128x64xf32, #tpu.memory_space<vmem>>, vector<1x1x1x16xf32>,
        %swap3A_833 = vector.shape_cast %swap3A_832 : vector<1x1x1x16xf32> to vector<16xf32>
        %swap3A_834 = vector.shape_cast %mul3A_825 : vector<16xf32> to vector<1x1x1x16xf32>
        tpu.vector_store %arg6[%swap3A_828, %swap3A_829, %swap3A_830, %swap3A_831], %swap3A_834 {strides = array<i32>} : memref<4x2x128x64xf32, #tpu.memory_space<vmem>>, vector<1x1x1x16xf32>,
        %get3A_835 = arith.constant 3 : i32
        %get3A_836 = arith.constant 0 : i32
        %get3A_837 = arith.index_cast %get3A_835 : i32 to index
        %get3A_838 = arith.index_cast %get3A_836 : i32 to index
        %get3A_839 = arith.index_cast %scan3A_814 : i32 to index
        %get3A_840 = arith.constant 16 : index
        %get3A_841 = tpu.vector_load %arg6[%get3A_837, %get3A_838, %get3A_839, %get3A_840] {strides = array<i32>} : memref<4x2x128x64xf32, #tpu.memory_space<vmem>>, vector<1x1x1x16xf32>,
        %get3A_842 = vector.shape_cast %get3A_841 : vector<1x1x1x16xf32> to vector<16xf32>
        %mul3A_843 = arith.constant 8.000000e+00 : f32
        %mul3A_844 = vector.broadcast %mul3A_843 : f32 to vector<16xf32>
        %mul3A_845 = arith.mulf %get3A_842, %mul3A_844 : vector<16xf32>
        %swap3A_846 = arith.constant 3 : i32
        %swap3A_847 = arith.constant 0 : i32
        %swap3A_848 = arith.index_cast %swap3A_846 : i32 to index
        %swap3A_849 = arith.index_cast %swap3A_847 : i32 to index
        %swap3A_850 = arith.index_cast %scan3A_814 : i32 to index
        %swap3A_851 = arith.constant 16 : index
        %swap3A_852 = tpu.vector_load %arg6[%swap3A_848, %swap3A_849, %swap3A_850, %swap3A_851] {strides = array<i32>} : memref<4x2x128x64xf32, #tpu.memory_space<vmem>>, vector<1x1x1x16xf32>,
        %swap3A_853 = vector.shape_cast %swap3A_852 : vector<1x1x1x16xf32> to vector<16xf32>
        %swap3A_854 = vector.shape_cast %mul3A_845 : vector<16xf32> to vector<1x1x1x16xf32>
        tpu.vector_store %arg6[%swap3A_848, %swap3A_849, %swap3A_850, %swap3A_851], %swap3A_854 {strides = array<i32>} : memref<4x2x128x64xf32, #tpu.memory_space<vmem>>, vector<1x1x1x16xf32>,
        %get3A_855 = arith.constant 3 : i32
        %get3A_856 = arith.constant 0 : i32
        %get3A_857 = arith.index_cast %get3A_855 : i32 to index
        %get3A_858 = arith.index_cast %get3A_856 : i32 to index
        %get3A_859 = arith.index_cast %scan3A_814 : i32 to index
        %get3A_860 = arith.constant 32 : index
        %get3A_861 = tpu.vector_load %arg6[%get3A_857, %get3A_858, %get3A_859, %get3A_860] {strides = array<i32>} : memref<4x2x128x64xf32, #tpu.memory_space<vmem>>, vector<1x1x1x16xf32>,
        %get3A_862 = vector.shape_cast %get3A_861 : vector<1x1x1x16xf32> to vector<16xf32>
        %mul3A_863 = arith.constant 8.000000e+00 : f32
        %mul3A_864 = vector.broadcast %mul3A_863 : f32 to vector<16xf32>
        %mul3A_865 = arith.mulf %get3A_862, %mul3A_864 : vector<16xf32>
        %swap3A_866 = arith.constant 3 : i32
        %swap3A_867 = arith.constant 0 : i32
        %swap3A_868 = arith.index_cast %swap3A_866 : i32 to index
        %swap3A_869 = arith.index_cast %swap3A_867 : i32 to index
        %swap3A_870 = arith.index_cast %scan3A_814 : i32 to index
        %swap3A_871 = arith.constant 32 : index
        %swap3A_872 = tpu.vector_load %arg6[%swap3A_868, %swap3A_869, %swap3A_870, %swap3A_871] {strides = array<i32>} : memref<4x2x128x64xf32, #tpu.memory_space<vmem>>, vector<1x1x1x16xf32>,
        %swap3A_873 = vector.shape_cast %swap3A_872 : vector<1x1x1x16xf32> to vector<16xf32>
        %swap3A_874 = vector.shape_cast %mul3A_865 : vector<16xf32> to vector<1x1x1x16xf32>
        tpu.vector_store %arg6[%swap3A_868, %swap3A_869, %swap3A_870, %swap3A_871], %swap3A_874 {strides = array<i32>} : memref<4x2x128x64xf32, #tpu.memory_space<vmem>>, vector<1x1x1x16xf32>,
        %get3A_875 = arith.constant 3 : i32
        %get3A_876 = arith.constant 0 : i32
        %get3A_877 = arith.index_cast %get3A_875 : i32 to index
        %get3A_878 = arith.index_cast %get3A_876 : i32 to index
        %get3A_879 = arith.index_cast %scan3A_814 : i32 to index
        %get3A_880 = arith.constant 48 : index
        %get3A_881 = tpu.vector_load %arg6[%get3A_877, %get3A_878, %get3A_879, %get3A_880] {strides = array<i32>} : memref<4x2x128x64xf32, #tpu.memory_space<vmem>>, vector<1x1x1x16xf32>,
        %get3A_882 = vector.shape_cast %get3A_881 : vector<1x1x1x16xf32> to vector<16xf32>
        %mul3A_883 = arith.constant 8.000000e+00 : f32
        %mul3A_884 = vector.broadcast %mul3A_883 : f32 to vector<16xf32>
        %mul3A_885 = arith.mulf %get3A_882, %mul3A_884 : vector<16xf32>
        %swap3A_886 = arith.constant 3 : i32
        %swap3A_887 = arith.constant 0 : i32
        %swap3A_888 = arith.index_cast %swap3A_886 : i32 to index
        %swap3A_889 = arith.index_cast %swap3A_887 : i32 to index
        %swap3A_890 = arith.index_cast %scan3A_814 : i32 to index
        %swap3A_891 = arith.constant 48 : index
        %swap3A_892 = tpu.vector_load %arg6[%swap3A_888, %swap3A_889, %swap3A_890, %swap3A_891] {strides = array<i32>} : memref<4x2x128x64xf32, #tpu.memory_space<vmem>>, vector<1x1x1x16xf32>,
        %swap3A_893 = vector.shape_cast %swap3A_892 : vector<1x1x1x16xf32> to vector<16xf32>
        %swap3A_894 = vector.shape_cast %mul3A_885 : vector<16xf32> to vector<1x1x1x16xf32>
        tpu.vector_store %arg6[%swap3A_888, %swap3A_889, %swap3A_890, %swap3A_891], %swap3A_894 {strides = array<i32>} : memref<4x2x128x64xf32, #tpu.memory_space<vmem>>, vector<1x1x1x16xf32>,
        %get3A_895 = arith.constant 3 : i32
        %get3A_896 = arith.constant 1 : i32
        %get3A_897 = arith.index_cast %get3A_895 : i32 to index
        %get3A_898 = arith.index_cast %get3A_896 : i32 to index
        %get3A_899 = arith.index_cast %scan3A_814 : i32 to index
        %get3A_900 = arith.constant 0 : index
        %get3A_901 = tpu.vector_load %arg6[%get3A_897, %get3A_898, %get3A_899, %get3A_900] {strides = array<i32>} : memref<4x2x128x64xf32, #tpu.memory_space<vmem>>, vector<1x1x1x16xf32>,
        %get3A_902 = vector.shape_cast %get3A_901 : vector<1x1x1x16xf32> to vector<16xf32>
        %mul3A_903 = arith.constant 8.000000e+00 : f32
        %mul3A_904 = vector.broadcast %mul3A_903 : f32 to vector<16xf32>
        %mul3A_905 = arith.mulf %get3A_902, %mul3A_904 : vector<16xf32>
        %swap3A_906 = arith.constant 3 : i32
        %swap3A_907 = arith.constant 1 : i32
        %swap3A_908 = arith.index_cast %swap3A_906 : i32 to index
        %swap3A_909 = arith.index_cast %swap3A_907 : i32 to index
        %swap3A_910 = arith.index_cast %scan3A_814 : i32 to index
        %swap3A_911 = arith.constant 0 : index
        %swap3A_912 = tpu.vector_load %arg6[%swap3A_908, %swap3A_909, %swap3A_910, %swap3A_911] {strides = array<i32>} : memref<4x2x128x64xf32, #tpu.memory_space<vmem>>, vector<1x1x1x16xf32>,
        %swap3A_913 = vector.shape_cast %swap3A_912 : vector<1x1x1x16xf32> to vector<16xf32>
        %swap3A_914 = vector.shape_cast %mul3A_905 : vector<16xf32> to vector<1x1x1x16xf32>
        tpu.vector_store %arg6[%swap3A_908, %swap3A_909, %swap3A_910, %swap3A_911], %swap3A_914 {strides = array<i32>} : memref<4x2x128x64xf32, #tpu.memory_space<vmem>>, vector<1x1x1x16xf32>,
        %get3A_915 = arith.constant 3 : i32
        %get3A_916 = arith.constant 1 : i32
        %get3A_917 = arith.index_cast %get3A_915 : i32 to index
        %get3A_918 = arith.index_cast %get3A_916 : i32 to index
        %get3A_919 = arith.index_cast %scan3A_814 : i32 to index
        %get3A_920 = arith.constant 16 : index
        %get3A_921 = tpu.vector_load %arg6[%get3A_917, %get3A_918, %get3A_919, %get3A_920] {strides = array<i32>} : memref<4x2x128x64xf32, #tpu.memory_space<vmem>>, vector<1x1x1x16xf32>,
        %get3A_922 = vector.shape_cast %get3A_921 : vector<1x1x1x16xf32> to vector<16xf32>
        %mul3A_923 = arith.constant 8.000000e+00 : f32
        %mul3A_924 = vector.broadcast %mul3A_923 : f32 to vector<16xf32>
        %mul3A_925 = arith.mulf %get3A_922, %mul3A_924 : vector<16xf32>
        %swap3A_926 = arith.constant 3 : i32
        %swap3A_927 = arith.constant 1 : i32
        %swap3A_928 = arith.index_cast %swap3A_926 : i32 to index
        %swap3A_929 = arith.index_cast %swap3A_927 : i32 to index
        %swap3A_930 = arith.index_cast %scan3A_814 : i32 to index
        %swap3A_931 = arith.constant 16 : index
        %swap3A_932 = tpu.vector_load %arg6[%swap3A_928, %swap3A_929, %swap3A_930, %swap3A_931] {strides = array<i32>} : memref<4x2x128x64xf32, #tpu.memory_space<vmem>>, vector<1x1x1x16xf32>,
        %swap3A_933 = vector.shape_cast %swap3A_932 : vector<1x1x1x16xf32> to vector<16xf32>
        %swap3A_934 = vector.shape_cast %mul3A_925 : vector<16xf32> to vector<1x1x1x16xf32>
        tpu.vector_store %arg6[%swap3A_928, %swap3A_929, %swap3A_930, %swap3A_931], %swap3A_934 {strides = array<i32>} : memref<4x2x128x64xf32, #tpu.memory_space<vmem>>, vector<1x1x1x16xf32>,
        %get3A_935 = arith.constant 3 : i32
        %get3A_936 = arith.constant 1 : i32
        %get3A_937 = arith.index_cast %get3A_935 : i32 to index
        %get3A_938 = arith.index_cast %get3A_936 : i32 to index
        %get3A_939 = arith.index_cast %scan3A_814 : i32 to index
        %get3A_940 = arith.constant 32 : index
        %get3A_941 = tpu.vector_load %arg6[%get3A_937, %get3A_938, %get3A_939, %get3A_940] {strides = array<i32>} : memref<4x2x128x64xf32, #tpu.memory_space<vmem>>, vector<1x1x1x16xf32>,
        %get3A_942 = vector.shape_cast %get3A_941 : vector<1x1x1x16xf32> to vector<16xf32>
        %mul3A_943 = arith.constant 8.000000e+00 : f32
        %mul3A_944 = vector.broadcast %mul3A_943 : f32 to vector<16xf32>
        %mul3A_945 = arith.mulf %get3A_942, %mul3A_944 : vector<16xf32>
        %swap3A_946 = arith.constant 3 : i32
        %swap3A_947 = arith.constant 1 : i32
        %swap3A_948 = arith.index_cast %swap3A_946 : i32 to index
        %swap3A_949 = arith.index_cast %swap3A_947 : i32 to index
        %swap3A_950 = arith.index_cast %scan3A_814 : i32 to index
        %swap3A_951 = arith.constant 32 : index
        %swap3A_952 = tpu.vector_load %arg6[%swap3A_948, %swap3A_949, %swap3A_950, %swap3A_951] {strides = array<i32>} : memref<4x2x128x64xf32, #tpu.memory_space<vmem>>, vector<1x1x1x16xf32>,
        %swap3A_953 = vector.shape_cast %swap3A_952 : vector<1x1x1x16xf32> to vector<16xf32>
        %swap3A_954 = vector.shape_cast %mul3A_945 : vector<16xf32> to vector<1x1x1x16xf32>
        tpu.vector_store %arg6[%swap3A_948, %swap3A_949, %swap3A_950, %swap3A_951], %swap3A_954 {strides = array<i32>} : memref<4x2x128x64xf32, #tpu.memory_space<vmem>>, vector<1x1x1x16xf32>,
        %get3A_955 = arith.constant 3 : i32
        %get3A_956 = arith.constant 1 : i32
        %get3A_957 = arith.index_cast %get3A_955 : i32 to index
        %get3A_958 = arith.index_cast %get3A_956 : i32 to index
        %get3A_959 = arith.index_cast %scan3A_814 : i32 to index
        %get3A_960 = arith.constant 48 : index
        %get3A_961 = tpu.vector_load %arg6[%get3A_957, %get3A_958, %get3A_959, %get3A_960] {strides = array<i32>} : memref<4x2x128x64xf32, #tpu.memory_space<vmem>>, vector<1x1x1x16xf32>,
        %get3A_962 = vector.shape_cast %get3A_961 : vector<1x1x1x16xf32> to vector<16xf32>
        %mul3A_963 = arith.constant 8.000000e+00 : f32
        %mul3A_964 = vector.broadcast %mul3A_963 : f32 to vector<16xf32>
        %mul3A_965 = arith.mulf %get3A_962, %mul3A_964 : vector<16xf32>
        %swap3A_966 = arith.constant 3 : i32
        %swap3A_967 = arith.constant 1 : i32
        %swap3A_968 = arith.index_cast %swap3A_966 : i32 to index
        %swap3A_969 = arith.index_cast %swap3A_967 : i32 to index
        %swap3A_970 = arith.index_cast %scan3A_814 : i32 to index
        %swap3A_971 = arith.constant 48 : index
        %swap3A_972 = tpu.vector_load %arg6[%swap3A_968, %swap3A_969, %swap3A_970, %swap3A_971] {strides = array<i32>} : memref<4x2x128x64xf32, #tpu.memory_space<vmem>>, vector<1x1x1x16xf32>,
        %swap3A_973 = vector.shape_cast %swap3A_972 : vector<1x1x1x16xf32> to vector<16xf32>
        %swap3A_974 = vector.shape_cast %mul3A_965 : vector<16xf32> to vector<1x1x1x16xf32>
        tpu.vector_store %arg6[%swap3A_968, %swap3A_969, %swap3A_970, %swap3A_971], %swap3A_974 {strides = array<i32>} : memref<4x2x128x64xf32, #tpu.memory_space<vmem>>, vector<1x1x1x16xf32>,
        %scan3A_975 = arith.constant 0 : i32
        %scan3A_976 = arith.constant 3 : i32
        %scan3A_977 = arith.addi %scan3A_489, %scan3A_976 : i32
        %get3A_978 = arith.constant 3 : i32
        %get3A_979 = arith.constant 0 : i32
        %get3A_980 = arith.index_cast %get3A_978 : i32 to index
        %get3A_981 = arith.index_cast %get3A_979 : i32 to index
        %get3A_982 = arith.index_cast %scan3A_977 : i32 to index
        %get3A_983 = arith.constant 0 : index
        %get3A_984 = tpu.vector_load %arg6[%get3A_980, %get3A_981, %get3A_982, %get3A_983] {strides = array<i32>} : memref<4x2x128x64xf32, #tpu.memory_space<vmem>>, vector<1x1x1x16xf32>,
        %get3A_985 = vector.shape_cast %get3A_984 : vector<1x1x1x16xf32> to vector<16xf32>
        %mul3A_986 = arith.constant 8.000000e+00 : f32
        %mul3A_987 = vector.broadcast %mul3A_986 : f32 to vector<16xf32>
        %mul3A_988 = arith.mulf %get3A_985, %mul3A_987 : vector<16xf32>
        %swap3A_989 = arith.constant 3 : i32
        %swap3A_990 = arith.constant 0 : i32
        %swap3A_991 = arith.index_cast %swap3A_989 : i32 to index
        %swap3A_992 = arith.index_cast %swap3A_990 : i32 to index
        %swap3A_993 = arith.index_cast %scan3A_977 : i32 to index
        %swap3A_994 = arith.constant 0 : index
        %swap3A_995 = tpu.vector_load %arg6[%swap3A_991, %swap3A_992, %swap3A_993, %swap3A_994] {strides = array<i32>} : memref<4x2x128x64xf32, #tpu.memory_space<vmem>>, vector<1x1x1x16xf32>,
        %swap3A_996 = vector.shape_cast %swap3A_995 : vector<1x1x1x16xf32> to vector<16xf32>
        %swap3A_997 = vector.shape_cast %mul3A_988 : vector<16xf32> to vector<1x1x1x16xf32>
        tpu.vector_store %arg6[%swap3A_991, %swap3A_992, %swap3A_993, %swap3A_994], %swap3A_997 {strides = array<i32>} : memref<4x2x128x64xf32, #tpu.memory_space<vmem>>, vector<1x1x1x16xf32>,
        %get3A_998 = arith.constant 3 : i32
        %get3A_999 = arith.constant 0 : i32
        %get3A_1000 = arith.index_cast %get3A_998 : i32 to index
        %get3A_1001 = arith.index_cast %get3A_999 : i32 to index
        %get3A_1002 = arith.index_cast %scan3A_977 : i32 to index
        %get3A_1003 = arith.constant 16 : index
        %get3A_1004 = tpu.vector_load %arg6[%get3A_1000, %get3A_1001, %get3A_1002, %get3A_1003] {strides = array<i32>} : memref<4x2x128x64xf32, #tpu.memory_space<vmem>>, vector<1x1x1x16xf32>,
        %get3A_1005 = vector.shape_cast %get3A_1004 : vector<1x1x1x16xf32> to vector<16xf32>
        %mul3A_1006 = arith.constant 8.000000e+00 : f32
        %mul3A_1007 = vector.broadcast %mul3A_1006 : f32 to vector<16xf32>
        %mul3A_1008 = arith.mulf %get3A_1005, %mul3A_1007 : vector<16xf32>
        %swap3A_1009 = arith.constant 3 : i32
        %swap3A_1010 = arith.constant 0 : i32
        %swap3A_1011 = arith.index_cast %swap3A_1009 : i32 to index
        %swap3A_1012 = arith.index_cast %swap3A_1010 : i32 to index
        %swap3A_1013 = arith.index_cast %scan3A_977 : i32 to index
        %swap3A_1014 = arith.constant 16 : index
        %swap3A_1015 = tpu.vector_load %arg6[%swap3A_1011, %swap3A_1012, %swap3A_1013, %swap3A_1014] {strides = array<i32>} : memref<4x2x128x64xf32, #tpu.memory_space<vmem>>, vector<1x1x1x16xf32>,
        %swap3A_1016 = vector.shape_cast %swap3A_1015 : vector<1x1x1x16xf32> to vector<16xf32>
        %swap3A_1017 = vector.shape_cast %mul3A_1008 : vector<16xf32> to vector<1x1x1x16xf32>
        tpu.vector_store %arg6[%swap3A_1011, %swap3A_1012, %swap3A_1013, %swap3A_1014], %swap3A_1017 {strides = array<i32>} : memref<4x2x128x64xf32, #tpu.memory_space<vmem>>, vector<1x1x1x16xf32>,
        %get3A_1018 = arith.constant 3 : i32
        %get3A_1019 = arith.constant 0 : i32
        %get3A_1020 = arith.index_cast %get3A_1018 : i32 to index
        %get3A_1021 = arith.index_cast %get3A_1019 : i32 to index
        %get3A_1022 = arith.index_cast %scan3A_977 : i32 to index
        %get3A_1023 = arith.constant 32 : index
        %get3A_1024 = tpu.vector_load %arg6[%get3A_1020, %get3A_1021, %get3A_1022, %get3A_1023] {strides = array<i32>} : memref<4x2x128x64xf32, #tpu.memory_space<vmem>>, vector<1x1x1x16xf32>,
        %get3A_1025 = vector.shape_cast %get3A_1024 : vector<1x1x1x16xf32> to vector<16xf32>
        %mul3A_1026 = arith.constant 8.000000e+00 : f32
        %mul3A_1027 = vector.broadcast %mul3A_1026 : f32 to vector<16xf32>
        %mul3A_1028 = arith.mulf %get3A_1025, %mul3A_1027 : vector<16xf32>
        %swap3A_1029 = arith.constant 3 : i32
        %swap3A_1030 = arith.constant 0 : i32
        %swap3A_1031 = arith.index_cast %swap3A_1029 : i32 to index
        %swap3A_1032 = arith.index_cast %swap3A_1030 : i32 to index
        %swap3A_1033 = arith.index_cast %scan3A_977 : i32 to index
        %swap3A_1034 = arith.constant 32 : index
        %swap3A_1035 = tpu.vector_load %arg6[%swap3A_1031, %swap3A_1032, %swap3A_1033, %swap3A_1034] {strides = array<i32>} : memref<4x2x128x64xf32, #tpu.memory_space<vmem>>, vector<1x1x1x16xf32>,
        %swap3A_1036 = vector.shape_cast %swap3A_1035 : vector<1x1x1x16xf32> to vector<16xf32>
        %swap3A_1037 = vector.shape_cast %mul3A_1028 : vector<16xf32> to vector<1x1x1x16xf32>
        tpu.vector_store %arg6[%swap3A_1031, %swap3A_1032, %swap3A_1033, %swap3A_1034], %swap3A_1037 {strides = array<i32>} : memref<4x2x128x64xf32, #tpu.memory_space<vmem>>, vector<1x1x1x16xf32>,
        %get3A_1038 = arith.constant 3 : i32
        %get3A_1039 = arith.constant 0 : i32
        %get3A_1040 = arith.index_cast %get3A_1038 : i32 to index
        %get3A_1041 = arith.index_cast %get3A_1039 : i32 to index
        %get3A_1042 = arith.index_cast %scan3A_977 : i32 to index
        %get3A_1043 = arith.constant 48 : index
        %get3A_1044 = tpu.vector_load %arg6[%get3A_1040, %get3A_1041, %get3A_1042, %get3A_1043] {strides = array<i32>} : memref<4x2x128x64xf32, #tpu.memory_space<vmem>>, vector<1x1x1x16xf32>,
        %get3A_1045 = vector.shape_cast %get3A_1044 : vector<1x1x1x16xf32> to vector<16xf32>
        %mul3A_1046 = arith.constant 8.000000e+00 : f32
        %mul3A_1047 = vector.broadcast %mul3A_1046 : f32 to vector<16xf32>
        %mul3A_1048 = arith.mulf %get3A_1045, %mul3A_1047 : vector<16xf32>
        %swap3A_1049 = arith.constant 3 : i32
        %swap3A_1050 = arith.constant 0 : i32
        %swap3A_1051 = arith.index_cast %swap3A_1049 : i32 to index
        %swap3A_1052 = arith.index_cast %swap3A_1050 : i32 to index
        %swap3A_1053 = arith.index_cast %scan3A_977 : i32 to index
        %swap3A_1054 = arith.constant 48 : index
        %swap3A_1055 = tpu.vector_load %arg6[%swap3A_1051, %swap3A_1052, %swap3A_1053, %swap3A_1054] {strides = array<i32>} : memref<4x2x128x64xf32, #tpu.memory_space<vmem>>, vector<1x1x1x16xf32>,
        %swap3A_1056 = vector.shape_cast %swap3A_1055 : vector<1x1x1x16xf32> to vector<16xf32>
        %swap3A_1057 = vector.shape_cast %mul3A_1048 : vector<16xf32> to vector<1x1x1x16xf32>
        tpu.vector_store %arg6[%swap3A_1051, %swap3A_1052, %swap3A_1053, %swap3A_1054], %swap3A_1057 {strides = array<i32>} : memref<4x2x128x64xf32, #tpu.memory_space<vmem>>, vector<1x1x1x16xf32>,
        %get3A_1058 = arith.constant 3 : i32
        %get3A_1059 = arith.constant 1 : i32
        %get3A_1060 = arith.index_cast %get3A_1058 : i32 to index
        %get3A_1061 = arith.index_cast %get3A_1059 : i32 to index
        %get3A_1062 = arith.index_cast %scan3A_977 : i32 to index
        %get3A_1063 = arith.constant 0 : index
        %get3A_1064 = tpu.vector_load %arg6[%get3A_1060, %get3A_1061, %get3A_1062, %get3A_1063] {strides = array<i32>} : memref<4x2x128x64xf32, #tpu.memory_space<vmem>>, vector<1x1x1x16xf32>,
        %get3A_1065 = vector.shape_cast %get3A_1064 : vector<1x1x1x16xf32> to vector<16xf32>
        %mul3A_1066 = arith.constant 8.000000e+00 : f32
        %mul3A_1067 = vector.broadcast %mul3A_1066 : f32 to vector<16xf32>
        %mul3A_1068 = arith.mulf %get3A_1065, %mul3A_1067 : vector<16xf32>
        %swap3A_1069 = arith.constant 3 : i32
        %swap3A_1070 = arith.constant 1 : i32
        %swap3A_1071 = arith.index_cast %swap3A_1069 : i32 to index
        %swap3A_1072 = arith.index_cast %swap3A_1070 : i32 to index
        %swap3A_1073 = arith.index_cast %scan3A_977 : i32 to index
        %swap3A_1074 = arith.constant 0 : index
        %swap3A_1075 = tpu.vector_load %arg6[%swap3A_1071, %swap3A_1072, %swap3A_1073, %swap3A_1074] {strides = array<i32>} : memref<4x2x128x64xf32, #tpu.memory_space<vmem>>, vector<1x1x1x16xf32>,
        %swap3A_1076 = vector.shape_cast %swap3A_1075 : vector<1x1x1x16xf32> to vector<16xf32>
        %swap3A_1077 = vector.shape_cast %mul3A_1068 : vector<16xf32> to vector<1x1x1x16xf32>
        tpu.vector_store %arg6[%swap3A_1071, %swap3A_1072, %swap3A_1073, %swap3A_1074], %swap3A_1077 {strides = array<i32>} : memref<4x2x128x64xf32, #tpu.memory_space<vmem>>, vector<1x1x1x16xf32>,
        %get3A_1078 = arith.constant 3 : i32
        %get3A_1079 = arith.constant 1 : i32
        %get3A_1080 = arith.index_cast %get3A_1078 : i32 to index
        %get3A_1081 = arith.index_cast %get3A_1079 : i32 to index
        %get3A_1082 = arith.index_cast %scan3A_977 : i32 to index
        %get3A_1083 = arith.constant 16 : index
        %get3A_1084 = tpu.vector_load %arg6[%get3A_1080, %get3A_1081, %get3A_1082, %get3A_1083] {strides = array<i32>} : memref<4x2x128x64xf32, #tpu.memory_space<vmem>>, vector<1x1x1x16xf32>,
        %get3A_1085 = vector.shape_cast %get3A_1084 : vector<1x1x1x16xf32> to vector<16xf32>
        %mul3A_1086 = arith.constant 8.000000e+00 : f32
        %mul3A_1087 = vector.broadcast %mul3A_1086 : f32 to vector<16xf32>
        %mul3A_1088 = arith.mulf %get3A_1085, %mul3A_1087 : vector<16xf32>
        %swap3A_1089 = arith.constant 3 : i32
        %swap3A_1090 = arith.constant 1 : i32
        %swap3A_1091 = arith.index_cast %swap3A_1089 : i32 to index
        %swap3A_1092 = arith.index_cast %swap3A_1090 : i32 to index
        %swap3A_1093 = arith.index_cast %scan3A_977 : i32 to index
        %swap3A_1094 = arith.constant 16 : index
        %swap3A_1095 = tpu.vector_load %arg6[%swap3A_1091, %swap3A_1092, %swap3A_1093, %swap3A_1094] {strides = array<i32>} : memref<4x2x128x64xf32, #tpu.memory_space<vmem>>, vector<1x1x1x16xf32>,
        %swap3A_1096 = vector.shape_cast %swap3A_1095 : vector<1x1x1x16xf32> to vector<16xf32>
        %swap3A_1097 = vector.shape_cast %mul3A_1088 : vector<16xf32> to vector<1x1x1x16xf32>
        tpu.vector_store %arg6[%swap3A_1091, %swap3A_1092, %swap3A_1093, %swap3A_1094], %swap3A_1097 {strides = array<i32>} : memref<4x2x128x64xf32, #tpu.memory_space<vmem>>, vector<1x1x1x16xf32>,
        %get3A_1098 = arith.constant 3 : i32
        %get3A_1099 = arith.constant 1 : i32
        %get3A_1100 = arith.index_cast %get3A_1098 : i32 to index
        %get3A_1101 = arith.index_cast %get3A_1099 : i32 to index
        %get3A_1102 = arith.index_cast %scan3A_977 : i32 to index
        %get3A_1103 = arith.constant 32 : index
        %get3A_1104 = tpu.vector_load %arg6[%get3A_1100, %get3A_1101, %get3A_1102, %get3A_1103] {strides = array<i32>} : memref<4x2x128x64xf32, #tpu.memory_space<vmem>>, vector<1x1x1x16xf32>,
        %get3A_1105 = vector.shape_cast %get3A_1104 : vector<1x1x1x16xf32> to vector<16xf32>
        %mul3A_1106 = arith.constant 8.000000e+00 : f32
        %mul3A_1107 = vector.broadcast %mul3A_1106 : f32 to vector<16xf32>
        %mul3A_1108 = arith.mulf %get3A_1105, %mul3A_1107 : vector<16xf32>
        %swap3A_1109 = arith.constant 3 : i32
        %swap3A_1110 = arith.constant 1 : i32
        %swap3A_1111 = arith.index_cast %swap3A_1109 : i32 to index
        %swap3A_1112 = arith.index_cast %swap3A_1110 : i32 to index
        %swap3A_1113 = arith.index_cast %scan3A_977 : i32 to index
        %swap3A_1114 = arith.constant 32 : index
        %swap3A_1115 = tpu.vector_load %arg6[%swap3A_1111, %swap3A_1112, %swap3A_1113, %swap3A_1114] {strides = array<i32>} : memref<4x2x128x64xf32, #tpu.memory_space<vmem>>, vector<1x1x1x16xf32>,
        %swap3A_1116 = vector.shape_cast %swap3A_1115 : vector<1x1x1x16xf32> to vector<16xf32>
        %swap3A_1117 = vector.shape_cast %mul3A_1108 : vector<16xf32> to vector<1x1x1x16xf32>
        tpu.vector_store %arg6[%swap3A_1111, %swap3A_1112, %swap3A_1113, %swap3A_1114], %swap3A_1117 {strides = array<i32>} : memref<4x2x128x64xf32, #tpu.memory_space<vmem>>, vector<1x1x1x16xf32>,
        %get3A_1118 = arith.constant 3 : i32
        %get3A_1119 = arith.constant 1 : i32
        %get3A_1120 = arith.index_cast %get3A_1118 : i32 to index
        %get3A_1121 = arith.index_cast %get3A_1119 : i32 to index
        %get3A_1122 = arith.index_cast %scan3A_977 : i32 to index
        %get3A_1123 = arith.constant 48 : index
        %get3A_1124 = tpu.vector_load %arg6[%get3A_1120, %get3A_1121, %get3A_1122, %get3A_1123] {strides = array<i32>} : memref<4x2x128x64xf32, #tpu.memory_space<vmem>>, vector<1x1x1x16xf32>,
        %get3A_1125 = vector.shape_cast %get3A_1124 : vector<1x1x1x16xf32> to vector<16xf32>
        %mul3A_1126 = arith.constant 8.000000e+00 : f32
        %mul3A_1127 = vector.broadcast %mul3A_1126 : f32 to vector<16xf32>
        %mul3A_1128 = arith.mulf %get3A_1125, %mul3A_1127 : vector<16xf32>
        %swap3A_1129 = arith.constant 3 : i32
        %swap3A_1130 = arith.constant 1 : i32
        %swap3A_1131 = arith.index_cast %swap3A_1129 : i32 to index
        %swap3A_1132 = arith.index_cast %swap3A_1130 : i32 to index
        %swap3A_1133 = arith.index_cast %scan3A_977 : i32 to index
        %swap3A_1134 = arith.constant 48 : index
        %swap3A_1135 = tpu.vector_load %arg6[%swap3A_1131, %swap3A_1132, %swap3A_1133, %swap3A_1134] {strides = array<i32>} : memref<4x2x128x64xf32, #tpu.memory_space<vmem>>, vector<1x1x1x16xf32>,
        %swap3A_1136 = vector.shape_cast %swap3A_1135 : vector<1x1x1x16xf32> to vector<16xf32>
        %swap3A_1137 = vector.shape_cast %mul3A_1128 : vector<16xf32> to vector<1x1x1x16xf32>
        tpu.vector_store %arg6[%swap3A_1131, %swap3A_1132, %swap3A_1133, %swap3A_1134], %swap3A_1137 {strides = array<i32>} : memref<4x2x128x64xf32, #tpu.memory_space<vmem>>, vector<1x1x1x16xf32>,
        %scan3A_1138 = arith.constant 0 : i32
        scf.yield %scan3A_1138 : i32
      }
      %scan3A_465 = arith.constant 128 : i32
      %mul3A_466 = arith.constant 2 : i32
      %mul3A_467 = arith.muli %add3A_416, %mul3A_466 : i32
      %add3A_468 = arith.addi %mul3A_2, %mul3A_467 : i32
      %dma_start3A_469 = arith.constant 3 : i32
      %dma_start3A_470 = arith.constant 3 : i32
      %dma_start3A_471 = arith.constant 0 : i32
      %dma_start3A_472 = arith.constant 0 : i32
      %dma_start3A_473 = arith.constant 0 : i32
      %dma_start3A_474 = tpu.memref_slice %arg6[%dma_start3A_469, %dma_start3A_471, %dma_start3A_472, %dma_start3A_473] : memref<4x2x128x64xf32, #tpu.memory_space<vmem>> -> memref<1x2x128x64xf32, #tpu.memory_space<vmem>>
      %dma_start3A_475 = tpu.memref_squeeze %dma_start3A_474 : memref<1x2x128x64xf32, #tpu.memory_space<vmem>> -> memref<2x128x64xf32, #tpu.memory_space<vmem>>
      %dma_start3A_476 = arith.constant 0 : i32
      %dma_start3A_477 = arith.constant 0 : i32
      %dma_start3A_478 = tpu.memref_slice %arg4[%add3A_468, %dma_start3A_476, %dma_start3A_477] : memref<6400x128x64xf32, #tpu.memory_space<hbm>> -> memref<2x128x64xf32, #tpu.memory_space<hbm>>
      %dma_start3A_479 = tpu.memref_slice %arg8[%dma_start3A_470] : memref<4x!tpu.dma_semaphore, #tpu.memory_space<semaphore_mem>> -> memref<1x!tpu.dma_semaphore, #tpu.memory_space<semaphore_mem>>
      %dma_start3A_480 = tpu.memref_squeeze %dma_start3A_479 : memref<1x!tpu.dma_semaphore, #tpu.memory_space<semaphore_mem>> -> memref<!tpu.dma_semaphore, #tpu.memory_space<semaphore_mem>>
      %dma_start3A_481 = arith.constant 0 : i32
      %dma_start3A_482 = arith.constant 0 : i32
      %dma_start3A_483 = tpu.memref_slice %arg4[%add3A_468, %dma_start3A_481, %dma_start3A_482] : memref<6400x128x64xf32, #tpu.memory_space<hbm>> -> memref<2x128x64xf32, #tpu.memory_space<hbm>>
      %dma_start3A_484 = arith.constant 0 : i32
      %dma_start3A_485 = arith.constant 0 : i32
      %dma_start3A_486 = arith.constant 0 : i32
      %dma_start3A_487 = tpu.memref_slice %arg6[%dma_start3A_469, %dma_start3A_484, %dma_start3A_485, %dma_start3A_486] : memref<4x2x128x64xf32, #tpu.memory_space<vmem>> -> memref<1x2x128x64xf32, #tpu.memory_space<vmem>>
      %dma_start3A_488 = tpu.memref_squeeze %dma_start3A_487 : memref<1x2x128x64xf32, #tpu.memory_space<vmem>> -> memref<2x128x64xf32, #tpu.memory_space<vmem>>
      tpu.enqueue_dma source(%dma_start3A_488 : memref<2x128x64xf32, #tpu.memory_space<vmem>>) target(%dma_start3A_483 : memref<2x128x64xf32, #tpu.memory_space<hbm>>) target_semaphore(%dma_start3A_480 : memref<!tpu.dma_semaphore, #tpu.memory_space<semaphore_mem>>)
    }
    %scan3A_102 = arith.constant 25 : i32
    %dma_wait3A = arith.constant 0 : i32
    %dma_wait3A_103 = arith.constant 0 : i32
    %dma_wait3A_104 = arith.constant 0 : i32
    %dma_wait3A_105 = arith.constant 0 : i32
    %dma_wait3A_106 = arith.constant 0 : i32
    %dma_wait3A_107 = tpu.memref_slice %arg6[%dma_wait3A, %dma_wait3A_104, %dma_wait3A_105, %dma_wait3A_106] : memref<4x2x128x64xf32, #tpu.memory_space<vmem>> -> memref<1x2x128x64xf32, #tpu.memory_space<vmem>>
    %dma_wait3A_108 = tpu.memref_squeeze %dma_wait3A_107 : memref<1x2x128x64xf32, #tpu.memory_space<vmem>> -> memref<2x128x64xf32, #tpu.memory_space<vmem>>
    %dma_wait3A_109 = arith.constant 0 : i32
    %dma_wait3A_110 = arith.constant 0 : i32
    %dma_wait3A_111 = arith.constant 0 : i32
    %dma_wait3A_112 = tpu.memref_slice %arg4[%dma_wait3A_109, %dma_wait3A_110, %dma_wait3A_111] : memref<6400x128x64xf32, #tpu.memory_space<hbm>> -> memref<2x128x64xf32, #tpu.memory_space<hbm>>
    %dma_wait3A_113 = tpu.memref_slice %arg8[%dma_wait3A_103] : memref<4x!tpu.dma_semaphore, #tpu.memory_space<semaphore_mem>> -> memref<1x!tpu.dma_semaphore, #tpu.memory_space<semaphore_mem>>
    %dma_wait3A_114 = tpu.memref_squeeze %dma_wait3A_113 : memref<1x!tpu.dma_semaphore, #tpu.memory_space<semaphore_mem>> -> memref<!tpu.dma_semaphore, #tpu.memory_space<semaphore_mem>>
    %dma_wait3A_115 = arith.constant 0 : i32
    %dma_wait3A_116 = arith.constant 0 : i32
    %dma_wait3A_117 = arith.constant 0 : i32
    %dma_wait3A_118 = tpu.memref_slice %arg4[%dma_wait3A_115, %dma_wait3A_116, %dma_wait3A_117] : memref<6400x128x64xf32, #tpu.memory_space<hbm>> -> memref<2x128x64xf32, #tpu.memory_space<hbm>>
    %dma_wait3A_119 = arith.constant 0 : i32
    %dma_wait3A_120 = arith.constant 0 : i32
    %dma_wait3A_121 = arith.constant 0 : i32
    %dma_wait3A_122 = tpu.memref_slice %arg6[%dma_wait3A, %dma_wait3A_119, %dma_wait3A_120, %dma_wait3A_121] : memref<4x2x128x64xf32, #tpu.memory_space<vmem>> -> memref<1x2x128x64xf32, #tpu.memory_space<vmem>>
    %dma_wait3A_123 = tpu.memref_squeeze %dma_wait3A_122 : memref<1x2x128x64xf32, #tpu.memory_space<vmem>> -> memref<2x128x64xf32, #tpu.memory_space<vmem>>
    tpu.wait_dma2 semaphore(%dma_wait3A_114 : memref<!tpu.dma_semaphore, #tpu.memory_space<semaphore_mem>>) src(%dma_wait3A_123 : memref<2x128x64xf32, #tpu.memory_space<vmem>>) dst(%dma_wait3A_118 : memref<2x128x64xf32, #tpu.memory_space<hbm>>)
    %dma_wait3A_124 = arith.constant 1 : i32
    %dma_wait3A_125 = arith.constant 1 : i32
    %dma_wait3A_126 = arith.constant 0 : i32
    %dma_wait3A_127 = arith.constant 0 : i32
    %dma_wait3A_128 = arith.constant 0 : i32
    %dma_wait3A_129 = tpu.memref_slice %arg6[%dma_wait3A_124, %dma_wait3A_126, %dma_wait3A_127, %dma_wait3A_128] : memref<4x2x128x64xf32, #tpu.memory_space<vmem>> -> memref<1x2x128x64xf32, #tpu.memory_space<vmem>>
    %dma_wait3A_130 = tpu.memref_squeeze %dma_wait3A_129 : memref<1x2x128x64xf32, #tpu.memory_space<vmem>> -> memref<2x128x64xf32, #tpu.memory_space<vmem>>
    %dma_wait3A_131 = arith.constant 0 : i32
    %dma_wait3A_132 = arith.constant 0 : i32
    %dma_wait3A_133 = arith.constant 0 : i32
    %dma_wait3A_134 = tpu.memref_slice %arg4[%dma_wait3A_131, %dma_wait3A_132, %dma_wait3A_133] : memref<6400x128x64xf32, #tpu.memory_space<hbm>> -> memref<2x128x64xf32, #tpu.memory_space<hbm>>
    %dma_wait3A_135 = tpu.memref_slice %arg8[%dma_wait3A_125] : memref<4x!tpu.dma_semaphore, #tpu.memory_space<semaphore_mem>> -> memref<1x!tpu.dma_semaphore, #tpu.memory_space<semaphore_mem>>
    %dma_wait3A_136 = tpu.memref_squeeze %dma_wait3A_135 : memref<1x!tpu.dma_semaphore, #tpu.memory_space<semaphore_mem>> -> memref<!tpu.dma_semaphore, #tpu.memory_space<semaphore_mem>>
    %dma_wait3A_137 = arith.constant 0 : i32
    %dma_wait3A_138 = arith.constant 0 : i32
    %dma_wait3A_139 = arith.constant 0 : i32
    %dma_wait3A_140 = tpu.memref_slice %arg4[%dma_wait3A_137, %dma_wait3A_138, %dma_wait3A_139] : memref<6400x128x64xf32, #tpu.memory_space<hbm>> -> memref<2x128x64xf32, #tpu.memory_space<hbm>>
    %dma_wait3A_141 = arith.constant 0 : i32
    %dma_wait3A_142 = arith.constant 0 : i32
    %dma_wait3A_143 = arith.constant 0 : i32
    %dma_wait3A_144 = tpu.memref_slice %arg6[%dma_wait3A_124, %dma_wait3A_141, %dma_wait3A_142, %dma_wait3A_143] : memref<4x2x128x64xf32, #tpu.memory_space<vmem>> -> memref<1x2x128x64xf32, #tpu.memory_space<vmem>>
    %dma_wait3A_145 = tpu.memref_squeeze %dma_wait3A_144 : memref<1x2x128x64xf32, #tpu.memory_space<vmem>> -> memref<2x128x64xf32, #tpu.memory_space<vmem>>
    tpu.wait_dma2 semaphore(%dma_wait3A_136 : memref<!tpu.dma_semaphore, #tpu.memory_space<semaphore_mem>>) src(%dma_wait3A_145 : memref<2x128x64xf32, #tpu.memory_space<vmem>>) dst(%dma_wait3A_140 : memref<2x128x64xf32, #tpu.memory_space<hbm>>)
    %dma_wait3A_146 = arith.constant 2 : i32
    %dma_wait3A_147 = arith.constant 2 : i32
    %dma_wait3A_148 = arith.constant 0 : i32
    %dma_wait3A_149 = arith.constant 0 : i32
    %dma_wait3A_150 = arith.constant 0 : i32
    %dma_wait3A_151 = tpu.memref_slice %arg6[%dma_wait3A_146, %dma_wait3A_148, %dma_wait3A_149, %dma_wait3A_150] : memref<4x2x128x64xf32, #tpu.memory_space<vmem>> -> memref<1x2x128x64xf32, #tpu.memory_space<vmem>>
    %dma_wait3A_152 = tpu.memref_squeeze %dma_wait3A_151 : memref<1x2x128x64xf32, #tpu.memory_space<vmem>> -> memref<2x128x64xf32, #tpu.memory_space<vmem>>
    %dma_wait3A_153 = arith.constant 0 : i32
    %dma_wait3A_154 = arith.constant 0 : i32
    %dma_wait3A_155 = arith.constant 0 : i32
    %dma_wait3A_156 = tpu.memref_slice %arg4[%dma_wait3A_153, %dma_wait3A_154, %dma_wait3A_155] : memref<6400x128x64xf32, #tpu.memory_space<hbm>> -> memref<2x128x64xf32, #tpu.memory_space<hbm>>
    %dma_wait3A_157 = tpu.memref_slice %arg8[%dma_wait3A_147] : memref<4x!tpu.dma_semaphore, #tpu.memory_space<semaphore_mem>> -> memref<1x!tpu.dma_semaphore, #tpu.memory_space<semaphore_mem>>
    %dma_wait3A_158 = tpu.memref_squeeze %dma_wait3A_157 : memref<1x!tpu.dma_semaphore, #tpu.memory_space<semaphore_mem>> -> memref<!tpu.dma_semaphore, #tpu.memory_space<semaphore_mem>>
    %dma_wait3A_159 = arith.constant 0 : i32
    %dma_wait3A_160 = arith.constant 0 : i32
    %dma_wait3A_161 = arith.constant 0 : i32
    %dma_wait3A_162 = tpu.memref_slice %arg4[%dma_wait3A_159, %dma_wait3A_160, %dma_wait3A_161] : memref<6400x128x64xf32, #tpu.memory_space<hbm>> -> memref<2x128x64xf32, #tpu.memory_space<hbm>>
    %dma_wait3A_163 = arith.constant 0 : i32
    %dma_wait3A_164 = arith.constant 0 : i32
    %dma_wait3A_165 = arith.constant 0 : i32
    %dma_wait3A_166 = tpu.memref_slice %arg6[%dma_wait3A_146, %dma_wait3A_163, %dma_wait3A_164, %dma_wait3A_165] : memref<4x2x128x64xf32, #tpu.memory_space<vmem>> -> memref<1x2x128x64xf32, #tpu.memory_space<vmem>>
    %dma_wait3A_167 = tpu.memref_squeeze %dma_wait3A_166 : memref<1x2x128x64xf32, #tpu.memory_space<vmem>> -> memref<2x128x64xf32, #tpu.memory_space<vmem>>
    tpu.wait_dma2 semaphore(%dma_wait3A_158 : memref<!tpu.dma_semaphore, #tpu.memory_space<semaphore_mem>>) src(%dma_wait3A_167 : memref<2x128x64xf32, #tpu.memory_space<vmem>>) dst(%dma_wait3A_162 : memref<2x128x64xf32, #tpu.memory_space<hbm>>)
    %dma_wait3A_168 = arith.constant 3 : i32
    %dma_wait3A_169 = arith.constant 3 : i32
    %dma_wait3A_170 = arith.constant 0 : i32
    %dma_wait3A_171 = arith.constant 0 : i32
    %dma_wait3A_172 = arith.constant 0 : i32
    %dma_wait3A_173 = tpu.memref_slice %arg6[%dma_wait3A_168, %dma_wait3A_170, %dma_wait3A_171, %dma_wait3A_172] : memref<4x2x128x64xf32, #tpu.memory_space<vmem>> -> memref<1x2x128x64xf32, #tpu.memory_space<vmem>>
    %dma_wait3A_174 = tpu.memref_squeeze %dma_wait3A_173 : memref<1x2x128x64xf32, #tpu.memory_space<vmem>> -> memref<2x128x64xf32, #tpu.memory_space<vmem>>
    %dma_wait3A_175 = arith.constant 0 : i32
    %dma_wait3A_176 = arith.constant 0 : i32
    %dma_wait3A_177 = arith.constant 0 : i32
    %dma_wait3A_178 = tpu.memref_slice %arg4[%dma_wait3A_175, %dma_wait3A_176, %dma_wait3A_177] : memref<6400x128x64xf32, #tpu.memory_space<hbm>> -> memref<2x128x64xf32, #tpu.memory_space<hbm>>
    %dma_wait3A_179 = tpu.memref_slice %arg8[%dma_wait3A_169] : memref<4x!tpu.dma_semaphore, #tpu.memory_space<semaphore_mem>> -> memref<1x!tpu.dma_semaphore, #tpu.memory_space<semaphore_mem>>
    %dma_wait3A_180 = tpu.memref_squeeze %dma_wait3A_179 : memref<1x!tpu.dma_semaphore, #tpu.memory_space<semaphore_mem>> -> memref<!tpu.dma_semaphore, #tpu.memory_space<semaphore_mem>>
    %dma_wait3A_181 = arith.constant 0 : i32
    %dma_wait3A_182 = arith.constant 0 : i32
    %dma_wait3A_183 = arith.constant 0 : i32
    %dma_wait3A_184 = tpu.memref_slice %arg4[%dma_wait3A_181, %dma_wait3A_182, %dma_wait3A_183] : memref<6400x128x64xf32, #tpu.memory_space<hbm>> -> memref<2x128x64xf32, #tpu.memory_space<hbm>>
    %dma_wait3A_185 = arith.constant 0 : i32
    %dma_wait3A_186 = arith.constant 0 : i32
    %dma_wait3A_187 = arith.constant 0 : i32
    %dma_wait3A_188 = tpu.memref_slice %arg6[%dma_wait3A_168, %dma_wait3A_185, %dma_wait3A_186, %dma_wait3A_187] : memref<4x2x128x64xf32, #tpu.memory_space<vmem>> -> memref<1x2x128x64xf32, #tpu.memory_space<vmem>>
    %dma_wait3A_189 = tpu.memref_squeeze %dma_wait3A_188 : memref<1x2x128x64xf32, #tpu.memory_space<vmem>> -> memref<2x128x64xf32, #tpu.memory_space<vmem>>
    tpu.wait_dma2 semaphore(%dma_wait3A_180 : memref<!tpu.dma_semaphore, #tpu.memory_space<semaphore_mem>>) src(%dma_wait3A_189 : memref<2x128x64xf32, #tpu.memory_space<vmem>>) dst(%dma_wait3A_184 : memref<2x128x64xf32, #tpu.memory_space<hbm>>)
    return
  }
}

</mosaic_0001>

<sc_bundles>
// kernel: kernel.3.cloned.1.call-start
scs
__scs_entry_jumppad:
0x0: {  	(pc) =	sbr.rel $0x88, $3  }
0x1: {  	(tag) =	ssettag $0x0;
	lr =	simm.s32 $0x1  }
0x2: {  	[smem:$0x3F9F] =	sst lr;
	_ =	strace $0xD0000000  }
0x3: {  	_ = 	snop  }
0x4: {  	_ = 	snop  }
0x5: {  	_ = 	snop  }
0x6: {  	_ = 	snop  }
0x7: {  	_ = 	snop  }
__scs_overlays_trampoline_lowered:
0x8: {  	[smem:$0x3FAE] =	sst s0  }
0x9: {  	[smem:$0x3FAF] =	sst s1  }
0xa: {  	[smem:$0x3FB0] =	sst s2  }
0xb: {  	[smem:$0x3FB1] =	sst s3  }
0xc: {  	[smem:$0x3FB2] =	sst s4  }
0xd: {  	[smem:$0x3FB3] =	sst s5  }
0xe: {  	[smem:$0x3FB4] =	sst s6  }
0xf: {  	[smem:$0x3FB5] =	sst s7  }
0x10: {  	[smem:$0x3FB6] =	sst s8  }
0x11: {  	[smem:$0x3FB7] =	sst s9;
	s0 =	simm.s32 @!p0 $0x0  }
0x12: {  	s1 =	sld [smem:$0x3F9D];
	s0 =	simm.s32 @p0 $0x1  }
0x13: {  	[smem:$0x3FB8] =	sst s0;
	s0 =	simm.s32 @!p1 $0x0  }
0x14: {  	s2 =	sld [smem:$0x3F9C];
	s0 =	simm.s32 @p1 $0x1  }
0x15: {  	[smem:$0x3FB9] =	sst s0;
	s0 =	simm.s32 @!p2 $0x0  }
0x16: {  	s3 =	sld [smem:$0x3FDB];
	s0 =	simm.s32 @p2 $0x1  }
0x17: {  	s4 =	simm.s32 $0x1BF5;
	[smem:$0x3FBB] =	sst s0  }
0x18: {  	s0 =	sld [smem:$0x3F9E];
	_ =	swait.ge [sflag:s4], $0x0  }
0x19: {  	s7 =	sld [smem:$0x3F9F]  }
0x1a: {  	s8 =	sadd.s32 $0xFFFFE003, lr  }
0x1b: {  	s9 =	sadd.s32 $0xFFFFFEF7, lr;
	s5 =	simm.s32 $0xFFFFFFFF;
	p2 =	slt.u32 s8, $0xFFFFF086  }
0x1c: {  	p1 =	slt.u32 s9, $0xF7A;
	s5 =	simm.s32 @!p2 $0x0  }
0x1d: {  	s5 =	simm.s32 @p1 $0x1;
	p0 =	seq.s32 s7, s2  }
0x1e: {  	s7 =	smul.u32 @!p0 $0xF7A, s2;
	p2 =	seq.s32 @!p0 s5, $0x0  }
0x1f: {  	s9 =	smul.u32 $0xF7A, s1;
	s8 =	simm.s32 @!p0 $0x1BF5;
	p2 =	por !p2, p0  }
0x20: {  	[sflag:s8] =	ssyncset.s32 @!p0 $0xFFFFF086;
	s6 =	sadd.s32 @!p0 s3, s7;
	s7 =	simm.s32 @!p0 $0x108  }
0x21: {  	s3 =	sadd.s32 s3, s9;
	s6 =	sadd.s32 @!p0 $0x88, s6;
	s7 =	simm.s32 @p2 $0x1082  }
0x22: {  	[simem:s7], [sflag:s8] =	dma.local @!p0 [hbm:s6], $0xF7A  }
0x23: {  	s9 =	sor.u32 $0xD0000000, s2;
	s6 =	simm.s32 $0x108;
	_ =	swait.ge @!p0 [sflag:s8], $0x0  }
0x24: {  	s3 =	sadd.s32 $0x88, s3;
	s6 =	simm.s32 @!p1 $0x1082;
	[sflag:s4] =	ssyncset.s32 $0xFFFFF086  }
0x25: {  	[simem:s6], [sflag:s4] =	dma.local [hbm:s3], $0xF7A  }
0x26: {  	[smem:$0x3F9F] =	sst s1;
	(tag) =	ssettag s2;
	_ =	strace s9  }
0x27: {  	s1 =	sld [smem:$0x3FAF]  }
0x28: {  	s2 =	sld [smem:$0x3FB0]  }
0x29: {  	s4 =	sld [smem:$0x3FB2]  }
0x2a: {  	p0 =	seq.s32 s5, $0x0;
	s5 =	sld [smem:$0x3FB3]  }
0x2b: {  	s6 =	sld [smem:$0x3FB4]  }
0x2c: {  	s7 =	sld [smem:$0x3FB5]  }
0x2d: {  	s3 =	simm.s32 $0x108;
	s8 =	sld [smem:$0x3FB6]  }
0x2e: {  	s3 =	simm.s32 @!p0 $0x1082;
	s9 =	sld [smem:$0x3FB7]  }
0x2f: {  	lr =	sadd.s32 s0, s3;
	s0 =	sld [smem:$0x3FAE]  }
0x30: {  	s3 =	sld [smem:$0x3FB1]  }
0x31: {  	[smem:$0x3FBA] =	sst s10  }
0x32: {  	s10 =	sld [smem:$0x3FB8];
	_ =	sdelay $0x3  }
0x33: {  	p0 =	seq.s32 s10, $0x1;
	s10 =	sld [smem:$0x3FBA];
	_ =	sdelay $0x3  }
0x34: {  	[smem:$0x3FBA] =	sst s10  }
0x35: {  	s10 =	sld [smem:$0x3FB9];
	_ =	sdelay $0x3  }
0x36: {  	p1 =	seq.s32 s10, $0x1;
	s10 =	sld [smem:$0x3FBA];
	_ =	sdelay $0x3  }
0x37: {  	[smem:$0x3FBA] =	sst s10  }
0x38: {  	s10 =	sld [smem:$0x3FBB]  }
0x39: {  	_ = 	snop;
	(pc) =	sbr.ind lr, $3  }
0x3a: {  	_ = 	snop  }
0x3b: {  	_ = 	snop  }
0x3c: {  	p2 =	seq.s32 s10, $0x1;
	s10 =	sld [smem:$0x3FBA]  }
0x3d: {  	_ =	shalt  }
0x3e: {  	_ =	shalt  }
0x3f: {  	_ =	shalt  }
0x40: {  	_ =	shalt  }
0x41: {  	_ =	shalt  }
0x42: {  	_ =	shalt  }
0x43: {  	_ =	shalt  }
0x44: {  	_ =	shalt  }
0x45: {  	_ =	shalt  }
0x46: {  	_ =	shalt  }
0x47: {  	_ =	shalt  }
0x48: {  	_ =	shalt  }
0x49: {  	_ =	shalt  }
0x4a: {  	_ =	shalt  }
0x4b: {  	_ =	shalt  }
0x4c: {  	_ =	shalt  }
0x4d: {  	_ =	shalt  }
0x4e: {  	_ =	shalt  }
0x4f: {  	_ =	shalt  }
0x50: {  	_ =	shalt  }
0x51: {  	_ =	shalt  }
0x52: {  	_ =	shalt  }
0x53: {  	_ =	shalt  }
0x54: {  	_ =	shalt  }
0x55: {  	_ =	shalt  }
0x56: {  	_ =	shalt  }
0x57: {  	_ =	shalt  }
0x58: {  	_ =	shalt  }
0x59: {  	_ =	shalt  }
0x5a: {  	_ =	shalt  }
0x5b: {  	_ =	shalt  }
0x5c: {  	_ =	shalt  }
0x5d: {  	_ =	shalt  }
0x5e: {  	_ =	shalt  }
0x5f: {  	_ =	shalt  }
0x60: {  	_ =	shalt  }
0x61: {  	_ =	shalt  }
0x62: {  	_ =	shalt  }
0x63: {  	_ =	shalt  }
0x64: {  	_ =	shalt  }
0x65: {  	_ =	shalt  }
0x66: {  	_ =	shalt  }
0x67: {  	_ =	shalt  }
0x68: {  	_ =	shalt  }
0x69: {  	_ =	shalt  }
0x6a: {  	_ =	shalt  }
0x6b: {  	_ =	shalt  }
0x6c: {  	_ =	shalt  }
0x6d: {  	_ =	shalt  }
0x6e: {  	_ =	shalt  }
0x6f: {  	_ =	shalt  }
0x70: {  	_ =	shalt  }
0x71: {  	_ =	shalt  }
0x72: {  	_ =	shalt  }
0x73: {  	_ =	shalt  }
0x74: {  	_ =	shalt  }
0x75: {  	_ =	shalt  }
0x76: {  	_ =	shalt  }
0x77: {  	_ =	shalt  }
0x78: {  	_ =	shalt  }
0x79: {  	_ =	shalt  }
0x7a: {  	_ =	shalt  }
0x7b: {  	_ =	shalt  }
0x7c: {  	_ =	shalt  }
0x7d: {  	_ =	shalt  }
0x7e: {  	_ =	shalt  }
0x7f: {  	_ =	shalt  }
0x80: {  	_ =	shalt  }
0x81: {  	_ =	shalt  }
0x82: {  	_ =	shalt  }
0x83: {  	_ =	shalt  }
0x84: {  	_ =	shalt  }
0x85: {  	_ =	shalt  }
0x86: {  	_ =	shalt  }
0x87: {  	_ =	shalt  }
.Lfunc_end0:
.L_simem_size_0:
called_computation.1_lowered:
.L_overlay_start_0:
0x88: {  	s2 =	sld [smem:$0x3FD9]  }
0x89: {  	s3 =	sld [smem:$0x3FFE];
	_ =	sdelay $0x1  }
0x8a: {  	s1 =	srdreg.scid  }
0x8b: {  	s0 =	sand.u32 $0x1, s1  }
0x8c: {  	s17 =	sshll.u32 s0, $0xA;
	s2 =	sadd.s32 s3, s2  }
0x8d: {  	s2 =	sadd.s32 s2, s17  }
0x8e: {  	[smem:$0x3FC6] =	sst s2  }
0x8f: {  	_ = 	snop  }
0x90: {  	s2 =	sld [smem:$0x3FD0];
	(tm) =	ssettm $0x1  }
0x91: {  	s18 =	sld [smem:$0x3FFB];
	_ =	sdelay $0x3  }
0x92: {  	_ =	strace s18  }
0x93: {  	s3 =	sld [smem:$0x3FFC];
	_ =	sdelay $0x3  }
0x94: {  	_ =	strace s3  }
0x95: {  	s3 =	sld [smem:$0x3FFD];
	_ =	sdelay $0x3  }
0x96: {  	_ =	strace s3  }
0x97: {  	_ =	strace $0x8FFFFFFF  }
0x98: {  	s19 =	sld [smem:$0x3FDB];
	_ =	sdelay $0x1  }
0x99: {  	s4 =	simm.s32 $_scs_section_size  }
0x9a: {  	s5 =	simm.s32 $_size__tile_overlayer_lowered;
	s6 =	simm.s32 $_tile_overlayer_lowered  }
0x9b: {  	s22 =	simm.s32 $0x1BFF;
	s21 =	sshll.u32 s6, $0x1;
	s3 =	sadd.s32 s4, s19  }
0x9c: {  	s7 =	simm.s32 $0x0;
	s20 =	sshll.u32 s5, $0x1;
	s5 =	sadd.s32 s21, s3  }
0x9d: {  	[timem:s7], [sflag:s22] =	dma.local [hbm:s5], s20  }
0x9e: {  	_ =	swait.ge [sflag:s22], s20  }
0x9f: {  	s4 =	ssub.s32 $0x0, s20;
	[sflag:s22] =	ssyncset.done $0x0  }
0xa0: {  	[sflag:s22] =	ssyncadd.s32 s4;
	_ =	sdelay $0x1  }
0xa1: {  	s23 =	simm.s32 $0x1B8B  }
0xa2: {  	_ =	swait.ge [sflag:s23], $0x1  }
0xa3: {  	[sflag:s23] =	ssyncset.done $0x0  }
0xa4: {  	s25 =	simm.s32 $0x1B8E;
	s24 =	sld [smem:$0x3FFE];
	[sflag:s23] =	ssyncadd.s32 $0xFFFFFFFF  }
0xa5: {  	s26 =	simm.s32 $execute0_lowered;
	[smem:$0x3FD2] =	sst s25  }
0xa6: {  	s5 =	sshll.u32 s26, $0x1;
	_ =	strace $0x80000046;
	[dreg:$0x1] =	wrdreg $0xFFFFFFFF  }
0xa7: {  	s28 =	simm.s32 $_size_execute0_lowered;
	s3 =	sadd.s32 s3, s5;
	[dreg:$0x0] =	wrdreg $0x0  }
0xa8: {  	s5 =	sshll.u32 s28, $0x1;
	[dreg:$0x2] =	wrdreg s3  }
0xa9: {  	[dreg:$0x3] =	wrdreg s5  }
0xaa: {  	[dreg:$0x4] =	wrdreg $0xC0  }
0xab: {  	_ =	task [dreg:s7], $0x5FFFF  }
0xac: {  	[dreg:$0x1] =	wrdreg $0xFFFFFFFF  }
0xad: {  	[dreg:$0x0] =	wrdreg $0x60  }
0xae: {  	[dreg:$0x2] =	wrdreg s24  }
0xaf: {  	[dreg:$0x3] =	wrdreg s2  }
0xb0: {  	[dreg:$0x4] =	wrdreg $0x9  }
0xb1: {  	_ =	task.clear_ibuf [dreg:s7], $0x5FFFF;
	_ =	strace $0x90000046  }
0xb2: {  	s29 =	simm.s32 $0x9;
	_ =	strace $0x80000048  }
0xb3: {  	_ =	swait.ge [sflag:s29], $0x1  }
0xb4: {  	[sflag:s29] =	ssyncadd.s32 $0xFFFFFFFF  }
0xb5: {  	_ =	strace $0x90000048  }
0xb6: {  	_ =	sfence  }
0xb7: {  	s30 =	sld [smem:$0x0];
	_ =	sdelay $0x2  }
0xb8: {  	s31 =	sshll.u32 s1, $0xD;
	s1 =	sshrl.u32 s1, $0x2  }
0xb9: {  	s3 =	sand.u32 $0x4000, s31;
	s1 =	sadd.s32 s1, s30  }
0xba: {  	s0 =	sor.u32 s3, s0;
	s1 =	sshll.u32 s1, $0x11  }
0xbb: {  	s0 =	sor.u32 s1, s0  }
0xbc: {  	s0 =	sadd.s32 $0x8F2B, s0  }
0xbd: {  	[sflag:s0] =	ssyncadd.remote.s32 $0x1  }
0xbe: {  	_ =	sfence.sel $0xFFFF  }
0xbf: {  	[dreg:$0x0] =	wrdreg $0xFFFFFFFF;
	(pc) =	sbr.abs _section_cstart, $3  }
0xc0: {  	[dreg:$0x1] =	wrdreg $0xFFFFFFFF  }
0xc1: {  	_ =	task.clear_ibuf [dreg:s7], $0x2FFFF;
	_ =	strace $0x9FFFFFFF  }
0xc2: {  	(tm) =	ssettm $0x7FFFFFFF  }
0xc3: {  	_ =	shalt  }
tec
execute0_lowered:
.L_overlay_start_1:
0x0: {  	(tag) =	ssettag $0x1  }
0x1: {  	s0 =	rddreg [dreg:$0x0];
	s1 =	srdreg.scid  }
0x2: {  	s3 =	stileid.u32;
	s2 =	rddreg [dreg:$0x1];
	s10 =	simm.s32 $0x9  }
0x3: {  	s11 =	simm.s32 $0x80;
	s12 =	simm.s32 $0x6400;
	s15 =	simm.s32 $0xA400  }
0x4: {  	s19 =	simm.s32 $0xE400;
	s22 =	simm.s32 $0x14400;
	s23 =	simm.s32 $0x1  }
0x5: {  	s24 =	simm.s32 $0x2;
	s25 =	simm.s32 $0x3;
	s28 =	simm.s32 $0x12400  }
0x6: {  	s29 =	simm.s32 $0x5;
	s1 =	sand.u32 $0x1, s1;
	s4 =	sshll.u32 s3, $0x1  }
0x7: {  	s30 =	simm.s32 $0x6;
	s31 =	simm.s32 $0x7;
	s6 =	sor.u32 s1, s4  }
0x8: {  	s3 =	simm.s32 $0x0;
	s1 =	ssub.s32 $0x2, s1;
	s4 =	smul.u32 $0xC80, s6  }
0x9: {  	[smem:$0x7FF] =	sst s3;
	s7 =	sshrl.u32 s1, $0x1;
	s8 =	smul.u32 $0xC8, s6  }
0xa: {  	_ =	strace $0x80000047;
	s6 =	smul.u32 $0x190000, s6;
	s26 =	ssub.s32 s1, s7  }
0xb: {  	s1 =	simm.s32 $0x8;
	s5 =	sadd.s32 s4, s0;
	s4 =	sadd.s32 $0xF42E00, s0  }
0xc: {  	s7 =	sor.u32 $0x2, s8;
	s8 =	sor.u32 $0x4, s8;
	s9 =	smax.u32 s26, $0x1  }
0xd: {  	s26 =	simm.s32 $0x4;
	s0 =	simm.s32 $0x0;
	s5 =	sadd.s32 $0xA00, s5  }
.LBB2_1:
0xe: {  	[tilespmem:s3], [sflag:$0x9] =	stream.linear.gather [hbm4b:s5+s3], $0x6400, $0x38;
	[tilespmem:$0x16400] =	vst v63  }
0xf: {  	_ =	swait.ge [sflag:s10], $0x6400  }
0x10: {  	[sflag:s10] =	ssyncset.done $0x0  }
0x11: {  	[sflag:s10] =	ssyncadd.s32 $0xFFFF9C00  }
0x12: {  	[tilespmem:s12], [sflag:$0x1] =	stream.indirect.gather [hbm4b:s4+s11], $0x40, s3, s11, $0xb8;
	[tilespmem:$0x16400] =	vst v63  }
0x13: {  	s13 =	simm.s32 $0x8400  }
0x14: {  	[tilespmem:s13], [sflag:$0x1] =	stream.indirect.gather [hbm4b:s4+s11], $0x40, s11, s11, $0xb8;
	[tilespmem:$0x16400] =	vst v63  }
0x15: {  	s16 =	simm.s32 $0x100  }
0x16: {  	[tilespmem:s15], [sflag:$0x2] =	stream.indirect.gather [hbm4b:s4+s11], $0x40, s16, s11, $0xb8;
	[tilespmem:$0x16400] =	vst v63  }
0x17: {  	s17 =	simm.s32 $0x180;
	s14 =	simm.s32 $0xC400  }
0x18: {  	[tilespmem:s14], [sflag:$0x2] =	stream.indirect.gather [hbm4b:s4+s11], $0x40, s17, s11, $0xb8;
	[tilespmem:$0x16400] =	vst v63  }
0x19: {  	s18 =	simm.s32 $0x200  }
0x1a: {  	[tilespmem:s19], [sflag:$0x3] =	stream.indirect.gather [hbm4b:s4+s11], $0x40, s18, s11, $0xb8;
	[tilespmem:$0x16400] =	vst v63  }
0x1b: {  	s20 =	simm.s32 $0x280;
	s21 =	simm.s32 $0x10400;
	s13 =	simm.s32 $0x0  }
0x1c: {  	[tilespmem:s21], [sflag:$0x3] =	stream.indirect.gather [hbm4b:s4+s11], $0x40, s20, s11, $0xb8;
	[tilespmem:$0x16400] =	vst v63  }
.LBB2_2:
0x1d: {  	p0 =	seq.s32 s13, $0x0  }
0x1e: {  	s14 =	simm.s32 @p0 $0x80;
	s16 =	simm.s32 @p0 $0x300;
	s17 =	simm.s32 @p0 $0x12400  }
0x1f: {  	[tilespmem:s17], [sflag:$0x4] =	stream.indirect.gather @p0 [hbm4b:s4+s14], $0x40, s16, s14, $0xb8;
	[tilespmem:$0x16400] =	vst v63  }
0x20: {  	s16 =	simm.s32 @!p0 $0x8  }
0x21: {  	_ =	swait.ge @!p0 [sflag:s16], $0x4000  }
0x22: {  	s14 =	sshllo.u32 s13, $0x2;
	[sflag:s16] =	ssyncset.done @!p0 $0x0  }
0x23: {  	[sflag:s16] =	ssyncadd.s32 @!p0 $0xFFFFC000;
	s16 =	sshll.u32 @!p0 s14, $0x8  }
0x24: {  	s18 =	simm.s32 @!p0 $0x12400;
	s17 =	simm.s32 @!p0 $0x80;
	s16 =	sand.u32 @!p0 $0x3FFFFF00, s16  }
0x25: {  	[tilespmem:s18], [sflag:$0x4] =	stream.indirect.gather @!p0 [hbm4b:s4+s17], $0x40, s16, s17, $0xb8;
	[tilespmem:$0x16400] =	vst v63  }
0x26: {  	s16 =	sor.u32 @!p0 $0x80, s16  }
0x27: {  	s16 =	simm.s32 @p0 $0x380  }
0x28: {  	[tilespmem:s22], [sflag:$0x4] =	stream.indirect.gather [hbm4b:s4+s11], $0x40, s16, s11, $0xb8;
	[tilespmem:$0x16400] =	vst v63  }
0x29: {  	_ =	swait.ge [sflag:s23], $0x4000  }
0x2a: {  	[sflag:s23] =	ssyncset.done $0x0  }
0x2b: {  	s16 =	simm.s32 $0x8400;
	[sflag:s23] =	ssyncadd.s32 $0xFFFFC000  }
0x2c: {  	v0 =	vld [tilespmem:s16+$0xFFFFE0E0]  }
0x2d: {  	v1 =	vld [tilespmem:s16+$0xFFFFE060]  }
0x2e: {  	v2 =	vld [tilespmem:s16+$0xFFFFE050]  }
0x2f: {  	v3 =	vld [tilespmem:s16+$0xFFFFE040]  }
0x30: {  	v4 =	vld [tilespmem:s16+$0xFFFFE070]  }
0x31: {  	v5 =	vld [tilespmem:s16+$0x30]  }
0x32: {  	v6 =	vld [tilespmem:s16+$0x40]  }
0x33: {  	v12 =	vld [tilespmem:s16+$0x20]  }
0x34: {  	v7 =	vld [tilespmem:s16+$0x50]  }
0x35: {  	v8 =	vld [tilespmem:s16+$0x60]  }
0x36: {  	v9 =	vld [tilespmem:s16+$0xD0]  }
0x37: {  	v10 =	vld [tilespmem:s16+$0xE0]  }
0x38: {  	v11 =	vld [tilespmem:s16+$0xFFFFE000]  }
0x39: {  	v13 =	vld [tilespmem:s16+$0x70]  }
0x3a: {  	v14 =	vld [tilespmem:s16+$0xFFFFE080];
	v0 =	vmul.f32 $8.000000000e+00, v0  }
0x3b: {  	v15 =	vld [tilespmem:s16+$0xFFFFE090];
	v9 =	vmul.f32 $8.000000000e+00, v9  }
0x3c: {  	v16 =	vld [tilespmem:s16+$0xFFFFE0A0];
	v17 =	vmul.f32 $8.000000000e+00, v8;
	[tilespmem:s16+$0xFFFFE0E0] =	vst v0  }
0x3d: {  	v18 =	vld [tilespmem:s16+$0xFFFFE030];
	v20 =	vmul.f32 $8.000000000e+00, v6;
	[tilespmem:s16+$0xD0] =	vst v9  }
0x3e: {  	v21 =	vld [tilespmem:s16+$0xFFFFE010];
	v0 =	vmul.f32 $8.000000000e+00, v10;
	[tilespmem:s16+$0x60] =	vst v17  }
0x3f: {  	v10 =	vmul.f32 $8.000000000e+00, v11;
	v11 =	vld [tilespmem:s16+$0xFFFFE0B0];
	[tilespmem:s16+$0x40] =	vst v20  }
0x40: {  	v9 =	vmul.f32 $8.000000000e+00, v13;
	v13 =	vld [tilespmem:s16+$0x80];
	[tilespmem:s16+$0xE0] =	vst v0  }
0x41: {  	[tilespmem:s16+$0xFFFFE000] =	vst v10;
	v0 =	vmul.f32 $8.000000000e+00, v14;
	v10 =	vld [tilespmem:s16+$0x90]  }
0x42: {  	[tilespmem:s16+$0x70] =	vst v9;
	v9 =	vmul.f32 $8.000000000e+00, v15;
	v14 =	vld [tilespmem:s16+$0xF0]  }
0x43: {  	v8 =	vmul.f32 $8.000000000e+00, v1;
	v15 =	vld [tilespmem:s16+$0x10];
	[tilespmem:s16+$0xFFFFE080] =	vst v0;
	v0 =	vmul.f32 $8.000000000e+00, v16  }
0x44: {  	v19 =	vld [tilespmem:s16+$0xFFFFE020];
	v6 =	vmul.f32 $8.000000000e+00, v12;
	[tilespmem:s16+$0xFFFFE090] =	vst v9;
	v9 =	vmul.f32 $8.000000000e+00, v11  }
0x45: {  	v22 =	vld [tilespmem:s16+$0xFFFFE0F0];
	v1 =	vmul.f32 $8.000000000e+00, v21;
	[tilespmem:s16+$0xFFFFE0A0] =	vst v0;
	v0 =	vmul.f32 $8.000000000e+00, v13  }
0x46: {  	v16 =	vld [tilespmem:s16+$0x0];
	v13 =	vmul.f32 $8.000000000e+00, v7;
	[tilespmem:s16+$0xFFFFE0B0] =	vst v9;
	v7 =	vmul.f32 $8.000000000e+00, v10  }
0x47: {  	v11 =	vld [tilespmem:s16+$0xFFFFE0D0];
	v9 =	vmul.f32 $8.000000000e+00, v2;
	v10 =	vmul.f32 $8.000000000e+00, v3;
	[tilespmem:s16+$0x80] =	vst v0  }
0x48: {  	v12 =	vld [tilespmem:s16+$0xC0];
	v3 =	vmul.f32 $8.000000000e+00, v15;
	v0 =	vmul.f32 $8.000000000e+00, v14;
	[tilespmem:s16+$0x50] =	vst v13  }
0x49: {  	v2 =	vmul.f32 $8.000000000e+00, v18;
	v14 =	vmul.f32 $8.000000000e+00, v4;
	v13 =	vld [tilespmem:s16+$0xFFFFE0C0];
	[tilespmem:s16+$0x90] =	vst v7  }
0x4a: {  	v15 =	vld [tilespmem:s16+$0xB0];
	v4 =	vmul.f32 $8.000000000e+00, v19;
	v7 =	vmul.f32 $8.000000000e+00, v5;
	[tilespmem:s16+$0xF0] =	vst v0  }
0x4b: {  	s17 =	simm.s32 $0x0;
	s18 =	simm.s32 $0x8500;
	v5 =	vmul.f32 $8.000000000e+00, v22;
	v0 =	vmul.f32 $8.000000000e+00, v16;
	[tilespmem:s16+$0xFFFFE070] =	vst v14;
	v14 =	vld [tilespmem:s16+$0xA0]  }
.LBB2_3:
0x4c: {  	v16 =	vld [tilespmem:s18+$0xFFFFE0E0];
	s17 =	sadd.s32 $0x4, s17;
	[tilespmem:s16+$0xFFFFE060] =	vst v8;
	v8 =	vmul.f32 $8.000000000e+00, v11  }
0x4d: {  	v11 =	vld [tilespmem:s18+$0xFFFFE060];
	p0 =	slt.u32 s17, $0x7C;
	[tilespmem:s16+$0xFFFFE050] =	vst v9;
	v9 =	vmul.f32 $8.000000000e+00, v12  }
0x4e: {  	v12 =	vld [tilespmem:s18+$0xFFFFE050];
	[tilespmem:s16+$0xFFFFE040] =	vst v10;
	v10 =	vmul.f32 $8.000000000e+00, v13  }
0x4f: {  	v13 =	vld [tilespmem:s18+$0xFFFFE040];
	v15 =	vmul.f32 $8.000000000e+00, v15;
	[tilespmem:s16+$0xC0] =	vst v9  }
0x50: {  	v9 =	vld [tilespmem:s18+$0xFFFFE070];
	[tilespmem:s16+$0x30] =	vst v7;
	v7 =	vmul.f32 $8.000000000e+00, v14  }
0x51: {  	v14 =	vld [tilespmem:s18+$0x30];
	v16 =	vmul.f32 $8.000000000e+00, v16;
	[tilespmem:s16+$0xFFFFE0C0] =	vst v10  }
0x52: {  	v10 =	vld [tilespmem:s18+$0x40];
	[tilespmem:s16+$0x20] =	vst v6  }
0x53: {  	v6 =	vld [tilespmem:s18+$0x20];
	[tilespmem:s16+$0xB0] =	vst v15  }
0x54: {  	v15 =	vld [tilespmem:s18+$0x50];
	[tilespmem:s16+$0x10] =	vst v3  }
0x55: {  	v3 =	vld [tilespmem:s18+$0x60];
	[tilespmem:s16+$0xA0] =	vst v7  }
0x56: {  	v7 =	vld [tilespmem:s18+$0xD0];
	[tilespmem:s16+$0x0] =	vst v0  }
0x57: {  	v0 =	vld [tilespmem:s18+$0xE0];
	[tilespmem:s16+$0xFFFFE030] =	vst v2  }
0x58: {  	v2 =	vld [tilespmem:s18+$0xFFFFE000];
	[tilespmem:s16+$0xFFFFE020] =	vst v4  }
0x59: {  	v4 =	vld [tilespmem:s18+$0x70];
	[tilespmem:s16+$0xFFFFE0D0] =	vst v8  }
0x5a: {  	v8 =	vld [tilespmem:s18+$0xFFFFE080];
	[tilespmem:s16+$0xFFFFE010] =	vst v1  }
0x5b: {  	v1 =	vld [tilespmem:s18+$0xFFFFE090];
	v7 =	vmul.f32 $8.000000000e+00, v7;
	[tilespmem:s16+$0xFFFFE0F0] =	vst v5;
	s16 =	smov.u32 s18  }
0x5c: {  	v5 =	vld [tilespmem:s18+$0xFFFFE0A0];
	[tilespmem:s18+$0xFFFFE0E0] =	vst v16;
	v0 =	vmul.f32 $8.000000000e+00, v0  }
0x5d: {  	v16 =	vmul.f32 $8.000000000e+00, v3;
	v2 =	vmul.f32 $8.000000000e+00, v2;
	v3 =	vld [tilespmem:s18+$0xFFFFE0B0];
	[tilespmem:s18+$0xD0] =	vst v7  }
0x5e: {  	v15 =	vmul.f32 $8.000000000e+00, v15;
	v4 =	vmul.f32 $8.000000000e+00, v4;
	v7 =	vld [tilespmem:s18+$0x80];
	[tilespmem:s18+$0xE0] =	vst v0  }
0x5f: {  	v17 =	vmul.f32 $8.000000000e+00, v10;
	[tilespmem:s18+$0xFFFFE000] =	vst v2;
	v0 =	vmul.f32 $8.000000000e+00, v8;
	v2 =	vld [tilespmem:s18+$0x90]  }
0x60: {  	v18 =	vmul.f32 $8.000000000e+00, v9;
	[tilespmem:s18+$0x70] =	vst v4;
	v1 =	vmul.f32 $8.000000000e+00, v1;
	v4 =	vld [tilespmem:s18+$0xF0]  }
0x61: {  	v8 =	vmul.f32 $8.000000000e+00, v11;
	v19 =	vld [tilespmem:s18+$0x10];
	[tilespmem:s18+$0xFFFFE080] =	vst v0;
	v0 =	vmul.f32 $8.000000000e+00, v5  }
0x62: {  	v9 =	vmul.f32 $8.000000000e+00, v12;
	v5 =	vld [tilespmem:s18+$0x0];
	[tilespmem:s18+$0xFFFFE090] =	vst v1;
	v1 =	vmul.f32 $8.000000000e+00, v3  }
0x63: {  	v10 =	vmul.f32 $8.000000000e+00, v13;
	v12 =	vld [tilespmem:s18+$0xFFFFE030];
	[tilespmem:s18+$0xFFFFE0A0] =	vst v0;
	v0 =	vmul.f32 $8.000000000e+00, v7  }
0x64: {  	v7 =	vmul.f32 $8.000000000e+00, v14;
	v13 =	vld [tilespmem:s18+$0xFFFFE020];
	[tilespmem:s18+$0xFFFFE0B0] =	vst v1;
	v1 =	vmul.f32 $8.000000000e+00, v2  }
0x65: {  	v6 =	vmul.f32 $8.000000000e+00, v6;
	v14 =	vld [tilespmem:s18+$0xFFFFE010];
	[tilespmem:s18+$0x80] =	vst v0;
	v2 =	vmul.f32 $8.000000000e+00, v4  }
0x66: {  	v3 =	vmul.f32 $8.000000000e+00, v19;
	[tilespmem:s18+$0x90] =	vst v1;
	v19 =	vld [tilespmem:s18+$0xFFFFE0F0]  }
.Ltmp0:
0x67: {  	v0 =	vmul.f32 $8.000000000e+00, v5;
	v11 =	vld [tilespmem:s18+$0xFFFFE0D0];
	[tilespmem:s18+$0xF0] =	vst v2;
	(pc) =	sbr.rel @p0 .LBB2_3-.Ltmp0, $4  }
0x68: {  	v2 =	vmul.f32 $8.000000000e+00, v12;
	[tilespmem:s18+$0x60] =	vst v16;
	v12 =	vld [tilespmem:s18+$0xC0]  }
0x69: {  	v4 =	vmul.f32 $8.000000000e+00, v13;
	[tilespmem:s18+$0x50] =	vst v15;
	v13 =	vld [tilespmem:s18+$0xFFFFE0C0]  }
0x6a: {  	v1 =	vmul.f32 $8.000000000e+00, v14;
	[tilespmem:s18+$0x40] =	vst v17;
	v15 =	vld [tilespmem:s18+$0xB0]  }
0x6b: {  	s18 =	sadd.s32 $0x100, s18;
	[tilespmem:s16+$0xFFFFE070] =	vst v18;
	v14 =	vld [tilespmem:s16+$0xA0];
	v5 =	vmul.f32 $8.000000000e+00, v19  }
0x6c: {  	[tilespmem:s16+$0xFFFFE060] =	vst v8  }
0x6d: {  	[tilespmem:s16+$0xFFFFE050] =	vst v9  }
0x6e: {  	[tilespmem:s16+$0xFFFFE040] =	vst v10  }
0x6f: {  	[tilespmem:s16+$0x30] =	vst v7  }
0x70: {  	[tilespmem:s16+$0x20] =	vst v6  }
0x71: {  	[tilespmem:s16+$0x10] =	vst v3  }
0x72: {  	[tilespmem:s16+$0x0] =	vst v0  }
0x73: {  	[tilespmem:s16+$0xFFFFE030] =	vst v2  }
0x74: {  	[tilespmem:s16+$0xFFFFE020] =	vst v4  }
0x75: {  	v0 =	vmul.f32 $8.000000000e+00, v11;
	[tilespmem:s16+$0xFFFFE010] =	vst v1  }
0x76: {  	v8 =	vmul.f32 $8.000000000e+00, v12;
	[tilespmem:s16+$0xFFFFE0F0] =	vst v5  }
0x77: {  	v9 =	vmul.f32 $8.000000000e+00, v13;
	[tilespmem:s16+$0xFFFFE0D0] =	vst v0  }
0x78: {  	s17 =	sshll.u32 s13, $0x10;
	[tilespmem:s16+$0xC0] =	vst v8;
	v7 =	vmul.f32 $8.000000000e+00, v15  }
0x79: {  	s17 =	sadd.s32 s6, s17;
	[tilespmem:s16+$0xFFFFE0C0] =	vst v9;
	v6 =	vmul.f32 $8.000000000e+00, v14  }
0x7a: {  	p0 =	seq.s32 s13, $0x18;
	s17 =	sshrl.u32 s17, $0x3;
	[tilespmem:s16+$0xB0] =	vst v7  }
0x7b: {  	s21 =	sadd.s32 s2, s17;
	[tilespmem:s16+$0xA0] =	vst v6;
	s16 =	simm.s32 @!p0 $0x5  }
0x7c: {  	[hbm4b:s21+s3] =	stream.linear.scatter [tilespmem:s12], [sflag:$0x5], $0x4000, $0x38;
	[tilespmem:$0x16400] =	vst v63  }
0x7d: {  	_ =	swait.ge @!p0 [sflag:s16], $0x4000  }
0x7e: {  	s17 =	sshll.u32 @!p0 s13, $0xA;
	[sflag:s16] =	ssyncset.done @!p0 $0x0  }
0x7f: {  	[sflag:s16] =	ssyncadd.s32 @!p0 $0xFFFFC000;
	s16 =	sand.u32 @!p0 $0x3FFFFC00, s17  }
0x80: {  	s18 =	simm.s32 @!p0 $0x80;
	s20 =	simm.s32 @!p0 $0x6400;
	s17 =	sadd.s32 @!p0 $0x400, s16  }
0x81: {  	[tilespmem:s20], [sflag:$0x1] =	stream.indirect.gather @!p0 [hbm4b:s4+s18], $0x40, s17, s18, $0xb8;
	[tilespmem:$0x16400] =	vst v63  }
0x82: {  	s17 =	sadd.s32 @!p0 $0x480, s16;
	s20 =	simm.s32 @!p0 $0x8400  }
0x83: {  	[tilespmem:s20], [sflag:$0x1] =	stream.indirect.gather @!p0 [hbm4b:s4+s18], $0x40, s17, s18, $0xb8;
	[tilespmem:$0x16400] =	vst v63  }
0x84: {  	_ =	swait.ge [sflag:s24], $0x4000  }
0x85: {  	[sflag:s24] =	ssyncset.done $0x0  }
0x86: {  	s18 =	simm.s32 $0xA400;
	[sflag:s24] =	ssyncadd.s32 $0xFFFFC000  }
0x87: {  	v0 =	vld [tilespmem:s18+$0xE0]  }
0x88: {  	v1 =	vld [tilespmem:s18+$0x60]  }
0x89: {  	v2 =	vld [tilespmem:s18+$0x50]  }
0x8a: {  	v3 =	vld [tilespmem:s18+$0x40]  }
0x8b: {  	v4 =	vld [tilespmem:s18+$0x70]  }
0x8c: {  	v5 =	vld [tilespmem:s18+$0x2030]  }
0x8d: {  	v6 =	vld [tilespmem:s18+$0x2040]  }
0x8e: {  	v12 =	vld [tilespmem:s18+$0x2020]  }
0x8f: {  	v7 =	vld [tilespmem:s18+$0x2050]  }
0x90: {  	v8 =	vld [tilespmem:s18+$0x2060]  }
0x91: {  	v9 =	vld [tilespmem:s18+$0x20D0]  }
0x92: {  	v10 =	vld [tilespmem:s18+$0x20E0]  }
0x93: {  	v11 =	vld [tilespmem:s18+$0x0]  }
0x94: {  	v13 =	vld [tilespmem:s18+$0x2070]  }
0x95: {  	v14 =	vld [tilespmem:s18+$0x80];
	v0 =	vmul.f32 $8.000000000e+00, v0  }
0x96: {  	v15 =	vld [tilespmem:s18+$0x90];
	v9 =	vmul.f32 $8.000000000e+00, v9  }
0x97: {  	v16 =	vld [tilespmem:s18+$0xA0];
	v17 =	vmul.f32 $8.000000000e+00, v8;
	[tilespmem:s18+$0xE0] =	vst v0  }
0x98: {  	v18 =	vld [tilespmem:s18+$0x30];
	v20 =	vmul.f32 $8.000000000e+00, v6;
	[tilespmem:s18+$0x20D0] =	vst v9  }
0x99: {  	v21 =	vld [tilespmem:s18+$0x10];
	v0 =	vmul.f32 $8.000000000e+00, v10;
	[tilespmem:s18+$0x2060] =	vst v17  }
0x9a: {  	v10 =	vmul.f32 $8.000000000e+00, v11;
	v11 =	vld [tilespmem:s18+$0xB0];
	[tilespmem:s18+$0x2040] =	vst v20  }
0x9b: {  	v9 =	vmul.f32 $8.000000000e+00, v13;
	v13 =	vld [tilespmem:s18+$0x2080];
	[tilespmem:s18+$0x20E0] =	vst v0  }
0x9c: {  	[tilespmem:s18+$0x0] =	vst v10;
	v0 =	vmul.f32 $8.000000000e+00, v14;
	v10 =	vld [tilespmem:s18+$0x2090]  }
0x9d: {  	v19 =	vld [tilespmem:s18+$0x20];
	[tilespmem:s18+$0x2070] =	vst v9;
	v9 =	vmul.f32 $8.000000000e+00, v15  }
0x9e: {  	v8 =	vmul.f32 $8.000000000e+00, v1;
	v14 =	vld [tilespmem:s18+$0x20F0];
	[tilespmem:s18+$0x80] =	vst v0;
	v0 =	vmul.f32 $8.000000000e+00, v16  }
0x9f: {  	v22 =	vld [tilespmem:s18+$0xF0];
	v6 =	vmul.f32 $8.000000000e+00, v12;
	[tilespmem:s18+$0x90] =	vst v9;
	v9 =	vmul.f32 $8.000000000e+00, v11  }
0xa0: {  	v1 =	vmul.f32 $8.000000000e+00, v21;
	v15 =	vld [tilespmem:s18+$0x2010];
	[tilespmem:s18+$0xA0] =	vst v0;
	v0 =	vmul.f32 $8.000000000e+00, v13  }
0xa1: {  	v16 =	vld [tilespmem:s18+$0x2000];
	v13 =	vmul.f32 $8.000000000e+00, v7;
	[tilespmem:s18+$0xB0] =	vst v9;
	v7 =	vmul.f32 $8.000000000e+00, v10  }
0xa2: {  	v11 =	vld [tilespmem:s18+$0xD0];
	v9 =	vmul.f32 $8.000000000e+00, v2;
	v10 =	vmul.f32 $8.000000000e+00, v3;
	[tilespmem:s18+$0x2080] =	vst v0  }
0xa3: {  	v12 =	vld [tilespmem:s18+$0x20C0];
	v2 =	vmul.f32 $8.000000000e+00, v18;
	v0 =	vmul.f32 $8.000000000e+00, v14;
	[tilespmem:s18+$0x2050] =	vst v13  }
0xa4: {  	v3 =	vmul.f32 $8.000000000e+00, v19;
	v14 =	vmul.f32 $8.000000000e+00, v4;
	v13 =	vld [tilespmem:s18+$0xC0];
	[tilespmem:s18+$0x2090] =	vst v7  }
0xa5: {  	v4 =	vmul.f32 $8.000000000e+00, v15;
	v15 =	vld [tilespmem:s18+$0x20B0];
	v7 =	vmul.f32 $8.000000000e+00, v5;
	[tilespmem:s18+$0x20F0] =	vst v0  }
0xa6: {  	s17 =	simm.s32 $0x0;
	s20 =	simm.s32 $0xA500;
	v5 =	vmul.f32 $8.000000000e+00, v22;
	v0 =	vmul.f32 $8.000000000e+00, v16;
	[tilespmem:s18+$0x70] =	vst v14;
	v14 =	vld [tilespmem:s18+$0x20A0]  }
.LBB2_5:
0xa7: {  	v16 =	vld [tilespmem:s20+$0xE0];
	s17 =	sadd.s32 $0x4, s17;
	[tilespmem:s18+$0x60] =	vst v8;
	v8 =	vmul.f32 $8.000000000e+00, v11  }
0xa8: {  	v11 =	vld [tilespmem:s20+$0x60];
	p1 =	slt.u32 s17, $0x7C;
	[tilespmem:s18+$0x50] =	vst v9;
	v9 =	vmul.f32 $8.000000000e+00, v12  }
0xa9: {  	v12 =	vld [tilespmem:s20+$0x50];
	[tilespmem:s18+$0x40] =	vst v10;
	v10 =	vmul.f32 $8.000000000e+00, v13  }
0xaa: {  	v13 =	vld [tilespmem:s20+$0x40];
	v15 =	vmul.f32 $8.000000000e+00, v15;
	[tilespmem:s18+$0x20C0] =	vst v9  }
0xab: {  	v9 =	vld [tilespmem:s20+$0x70];
	[tilespmem:s18+$0x2030] =	vst v7;
	v7 =	vmul.f32 $8.000000000e+00, v14  }
0xac: {  	v14 =	vld [tilespmem:s20+$0x2030];
	v16 =	vmul.f32 $8.000000000e+00, v16;
	[tilespmem:s18+$0xC0] =	vst v10  }
0xad: {  	v10 =	vld [tilespmem:s20+$0x2040];
	[tilespmem:s18+$0x2020] =	vst v6  }
0xae: {  	v6 =	vld [tilespmem:s20+$0x2020];
	[tilespmem:s18+$0x20B0] =	vst v15  }
0xaf: {  	v15 =	vld [tilespmem:s20+$0x2050];
	[tilespmem:s18+$0x2010] =	vst v4  }
0xb0: {  	v4 =	vld [tilespmem:s20+$0x2060];
	[tilespmem:s18+$0x20A0] =	vst v7  }
0xb1: {  	v7 =	vld [tilespmem:s20+$0x20D0];
	[tilespmem:s18+$0x2000] =	vst v0  }
0xb2: {  	v0 =	vld [tilespmem:s20+$0x20E0];
	[tilespmem:s18+$0x30] =	vst v2  }
0xb3: {  	v2 =	vld [tilespmem:s20+$0x0];
	[tilespmem:s18+$0x20] =	vst v3  }
0xb4: {  	v3 =	vld [tilespmem:s20+$0x2070];
	[tilespmem:s18+$0xD0] =	vst v8  }
0xb5: {  	v8 =	vld [tilespmem:s20+$0x80];
	[tilespmem:s18+$0x10] =	vst v1  }
0xb6: {  	v1 =	vld [tilespmem:s20+$0x90];
	v7 =	vmul.f32 $8.000000000e+00, v7;
	[tilespmem:s18+$0xF0] =	vst v5;
	s18 =	smov.u32 s20  }
0xb7: {  	v5 =	vld [tilespmem:s20+$0xA0];
	[tilespmem:s20+$0xE0] =	vst v16;
	v0 =	vmul.f32 $8.000000000e+00, v0  }
0xb8: {  	v16 =	vmul.f32 $8.000000000e+00, v4;
	v2 =	vmul.f32 $8.000000000e+00, v2;
	v4 =	vld [tilespmem:s20+$0xB0];
	[tilespmem:s20+$0x20D0] =	vst v7  }
0xb9: {  	v15 =	vmul.f32 $8.000000000e+00, v15;
	v3 =	vmul.f32 $8.000000000e+00, v3;
	v7 =	vld [tilespmem:s20+$0x2080];
	[tilespmem:s20+$0x20E0] =	vst v0  }
0xba: {  	v17 =	vmul.f32 $8.000000000e+00, v10;
	[tilespmem:s20+$0x0] =	vst v2;
	v0 =	vmul.f32 $8.000000000e+00, v8;
	v2 =	vld [tilespmem:s20+$0x2090]  }
0xbb: {  	v18 =	vmul.f32 $8.000000000e+00, v9;
	[tilespmem:s20+$0x2070] =	vst v3;
	v1 =	vmul.f32 $8.000000000e+00, v1;
	v3 =	vld [tilespmem:s20+$0x20F0]  }
0xbc: {  	v8 =	vmul.f32 $8.000000000e+00, v11;
	v19 =	vld [tilespmem:s20+$0x2010];
	[tilespmem:s20+$0x80] =	vst v0;
	v0 =	vmul.f32 $8.000000000e+00, v5  }
0xbd: {  	v9 =	vmul.f32 $8.000000000e+00, v12;
	v5 =	vld [tilespmem:s20+$0x2000];
	[tilespmem:s20+$0x90] =	vst v1;
	v1 =	vmul.f32 $8.000000000e+00, v4  }
0xbe: {  	v10 =	vmul.f32 $8.000000000e+00, v13;
	v12 =	vld [tilespmem:s20+$0x30];
	[tilespmem:s20+$0xA0] =	vst v0;
	v0 =	vmul.f32 $8.000000000e+00, v7  }
0xbf: {  	v7 =	vmul.f32 $8.000000000e+00, v14;
	v13 =	vld [tilespmem:s20+$0x20];
	[tilespmem:s20+$0xB0] =	vst v1;
	v1 =	vmul.f32 $8.000000000e+00, v2  }
0xc0: {  	v6 =	vmul.f32 $8.000000000e+00, v6;
	v14 =	vld [tilespmem:s20+$0x10];
	[tilespmem:s20+$0x2080] =	vst v0;
	v2 =	vmul.f32 $8.000000000e+00, v3  }
0xc1: {  	v4 =	vmul.f32 $8.000000000e+00, v19;
	[tilespmem:s20+$0x2090] =	vst v1;
	v19 =	vld [tilespmem:s20+$0xF0]  }
.Ltmp1:
0xc2: {  	v0 =	vmul.f32 $8.000000000e+00, v5;
	v11 =	vld [tilespmem:s20+$0xD0];
	[tilespmem:s20+$0x20F0] =	vst v2;
	(pc) =	sbr.rel @p1 .LBB2_5-.Ltmp1, $4  }
0xc3: {  	v2 =	vmul.f32 $8.000000000e+00, v12;
	[tilespmem:s20+$0x2060] =	vst v16;
	v12 =	vld [tilespmem:s20+$0x20C0]  }
0xc4: {  	v3 =	vmul.f32 $8.000000000e+00, v13;
	[tilespmem:s20+$0x2050] =	vst v15;
	v13 =	vld [tilespmem:s20+$0xC0]  }
0xc5: {  	v1 =	vmul.f32 $8.000000000e+00, v14;
	[tilespmem:s20+$0x2040] =	vst v17;
	v15 =	vld [tilespmem:s20+$0x20B0]  }
0xc6: {  	s20 =	sadd.s32 $0x100, s20;
	[tilespmem:s18+$0x70] =	vst v18;
	v14 =	vld [tilespmem:s18+$0x20A0];
	v5 =	vmul.f32 $8.000000000e+00, v19  }
0xc7: {  	[tilespmem:s18+$0x60] =	vst v8  }
0xc8: {  	[tilespmem:s18+$0x50] =	vst v9  }
0xc9: {  	[tilespmem:s18+$0x40] =	vst v10  }
0xca: {  	[tilespmem:s18+$0x2030] =	vst v7  }
0xcb: {  	[tilespmem:s18+$0x2020] =	vst v6  }
0xcc: {  	[tilespmem:s18+$0x2010] =	vst v4  }
0xcd: {  	[tilespmem:s18+$0x2000] =	vst v0  }
0xce: {  	[tilespmem:s18+$0x30] =	vst v2  }
0xcf: {  	[tilespmem:s18+$0x20] =	vst v3  }
0xd0: {  	v0 =	vmul.f32 $8.000000000e+00, v11;
	[tilespmem:s18+$0x10] =	vst v1  }
0xd1: {  	v8 =	vmul.f32 $8.000000000e+00, v12;
	[tilespmem:s18+$0xF0] =	vst v5  }
0xd2: {  	s17 =	sshll.u32 s13, $0x3;
	v9 =	vmul.f32 $8.000000000e+00, v13;
	[tilespmem:s18+$0xD0] =	vst v0  }
0xd3: {  	s20 =	sadd.s32 s17, s7;
	[tilespmem:s18+$0x20C0] =	vst v8;
	v7 =	vmul.f32 $8.000000000e+00, v15  }
0xd4: {  	s20 =	sshll.u32 s20, $0xA;
	[tilespmem:s18+$0xC0] =	vst v9;
	v6 =	vmul.f32 $8.000000000e+00, v14  }
0xd5: {  	s20 =	sand.u32 $0x1FFFE800, s20;
	[tilespmem:s18+$0x20B0] =	vst v7  }
0xd6: {  	s21 =	sadd.s32 s2, s20;
	[tilespmem:s18+$0x20A0] =	vst v6;
	s18 =	simm.s32 @!p0 $0x6  }
0xd7: {  	[hbm4b:s21+s3] =	stream.linear.scatter [tilespmem:s15], [sflag:$0x6], $0x4000, $0x38;
	[tilespmem:$0x16400] =	vst v63  }
0xd8: {  	_ =	swait.ge @!p0 [sflag:s18], $0x4000  }
0xd9: {  	s20 =	simm.s32 @!p0 $0x80;
	[sflag:s18] =	ssyncset.done @!p0 $0x0  }
0xda: {  	s21 =	simm.s32 @!p0 $0xA400;
	[sflag:s18] =	ssyncadd.s32 @!p0 $0xFFFFC000;
	s18 =	sadd.s32 @!p0 $0x500, s16  }
0xdb: {  	[tilespmem:s21], [sflag:$0x2] =	stream.indirect.gather @!p0 [hbm4b:s4+s20], $0x40, s18, s20, $0xb8;
	[tilespmem:$0x16400] =	vst v63  }
0xdc: {  	s18 =	sadd.s32 @!p0 $0x580, s16;
	s21 =	simm.s32 @!p0 $0xC400  }
0xdd: {  	[tilespmem:s21], [sflag:$0x2] =	stream.indirect.gather @!p0 [hbm4b:s4+s20], $0x40, s18, s20, $0xb8;
	[tilespmem:$0x16400] =	vst v63  }
0xde: {  	_ =	swait.ge [sflag:s25], $0x4000  }
0xdf: {  	[sflag:s25] =	ssyncset.done $0x0  }
0xe0: {  	s18 =	simm.s32 $0xE400;
	[sflag:s25] =	ssyncadd.s32 $0xFFFFC000  }
0xe1: {  	v0 =	vld [tilespmem:s18+$0xE0]  }
0xe2: {  	v1 =	vld [tilespmem:s18+$0x60]  }
0xe3: {  	v2 =	vld [tilespmem:s18+$0x50]  }
0xe4: {  	v3 =	vld [tilespmem:s18+$0x40]  }
0xe5: {  	v4 =	vld [tilespmem:s18+$0x70]  }
0xe6: {  	v5 =	vld [tilespmem:s18+$0x2030]  }
0xe7: {  	v6 =	vld [tilespmem:s18+$0x2040]  }
0xe8: {  	v12 =	vld [tilespmem:s18+$0x2020]  }
0xe9: {  	v7 =	vld [tilespmem:s18+$0x2050]  }
0xea: {  	v8 =	vld [tilespmem:s18+$0x2060]  }
0xeb: {  	v9 =	vld [tilespmem:s18+$0x20D0]  }
0xec: {  	v10 =	vld [tilespmem:s18+$0x20E0]  }
0xed: {  	v11 =	vld [tilespmem:s18+$0x0]  }
0xee: {  	v13 =	vld [tilespmem:s18+$0x2070]  }
0xef: {  	v14 =	vld [tilespmem:s18+$0x80];
	v0 =	vmul.f32 $8.000000000e+00, v0  }
0xf0: {  	v15 =	vld [tilespmem:s18+$0x90];
	v9 =	vmul.f32 $8.000000000e+00, v9  }
0xf1: {  	v16 =	vld [tilespmem:s18+$0xA0];
	v17 =	vmul.f32 $8.000000000e+00, v8;
	[tilespmem:s18+$0xE0] =	vst v0  }
0xf2: {  	v18 =	vld [tilespmem:s18+$0x30];
	v20 =	vmul.f32 $8.000000000e+00, v6;
	[tilespmem:s18+$0x20D0] =	vst v9  }
0xf3: {  	v21 =	vld [tilespmem:s18+$0x10];
	v0 =	vmul.f32 $8.000000000e+00, v10;
	[tilespmem:s18+$0x2060] =	vst v17  }
0xf4: {  	v10 =	vmul.f32 $8.000000000e+00, v11;
	v11 =	vld [tilespmem:s18+$0xB0];
	[tilespmem:s18+$0x2040] =	vst v20  }
0xf5: {  	v9 =	vmul.f32 $8.000000000e+00, v13;
	v13 =	vld [tilespmem:s18+$0x2080];
	[tilespmem:s18+$0x20E0] =	vst v0  }
0xf6: {  	[tilespmem:s18+$0x0] =	vst v10;
	v0 =	vmul.f32 $8.000000000e+00, v14;
	v10 =	vld [tilespmem:s18+$0x2090]  }
0xf7: {  	[tilespmem:s18+$0x2070] =	vst v9;
	v9 =	vmul.f32 $8.000000000e+00, v15;
	v14 =	vld [tilespmem:s18+$0x20F0]  }
0xf8: {  	v8 =	vmul.f32 $8.000000000e+00, v1;
	v15 =	vld [tilespmem:s18+$0x2010];
	[tilespmem:s18+$0x80] =	vst v0;
	v0 =	vmul.f32 $8.000000000e+00, v16  }
0xf9: {  	v19 =	vld [tilespmem:s18+$0x20];
	v6 =	vmul.f32 $8.000000000e+00, v12;
	[tilespmem:s18+$0x90] =	vst v9;
	v9 =	vmul.f32 $8.000000000e+00, v11  }
0xfa: {  	v22 =	vld [tilespmem:s18+$0xF0];
	v1 =	vmul.f32 $8.000000000e+00, v21;
	[tilespmem:s18+$0xA0] =	vst v0;
	v0 =	vmul.f32 $8.000000000e+00, v13  }
0xfb: {  	v16 =	vld [tilespmem:s18+$0x2000];
	v13 =	vmul.f32 $8.000000000e+00, v7;
	[tilespmem:s18+$0xB0] =	vst v9;
	v7 =	vmul.f32 $8.000000000e+00, v10  }
0xfc: {  	v11 =	vld [tilespmem:s18+$0xD0];
	v9 =	vmul.f32 $8.000000000e+00, v2;
	v10 =	vmul.f32 $8.000000000e+00, v3;
	[tilespmem:s18+$0x2080] =	vst v0  }
0xfd: {  	v12 =	vld [tilespmem:s18+$0x20C0];
	v3 =	vmul.f32 $8.000000000e+00, v15;
	v0 =	vmul.f32 $8.000000000e+00, v14;
	[tilespmem:s18+$0x2050] =	vst v13  }
0xfe: {  	v2 =	vmul.f32 $8.000000000e+00, v18;
	v14 =	vmul.f32 $8.000000000e+00, v4;
	v13 =	vld [tilespmem:s18+$0xC0];
	[tilespmem:s18+$0x2090] =	vst v7  }
0xff: {  	v15 =	vld [tilespmem:s18+$0x20B0];
	v4 =	vmul.f32 $8.000000000e+00, v19;
	v7 =	vmul.f32 $8.000000000e+00, v5;
	[tilespmem:s18+$0x20F0] =	vst v0  }
0x100: {  	s20 =	simm.s32 $0x0;
	s21 =	simm.s32 $0xE500;
	v5 =	vmul.f32 $8.000000000e+00, v22;
	v0 =	vmul.f32 $8.000000000e+00, v16;
	[tilespmem:s18+$0x70] =	vst v14;
	v14 =	vld [tilespmem:s18+$0x20A0]  }
.LBB2_7:
0x101: {  	v16 =	vld [tilespmem:s21+$0xE0];
	s20 =	sadd.s32 $0x4, s20;
	[tilespmem:s18+$0x60] =	vst v8;
	v8 =	vmul.f32 $8.000000000e+00, v11  }
0x102: {  	v11 =	vld [tilespmem:s21+$0x60];
	p1 =	slt.u32 s20, $0x7C;
	[tilespmem:s18+$0x50] =	vst v9;
	v9 =	vmul.f32 $8.000000000e+00, v12  }
0x103: {  	v12 =	vld [tilespmem:s21+$0x50];
	[tilespmem:s18+$0x40] =	vst v10;
	v10 =	vmul.f32 $8.000000000e+00, v13  }
0x104: {  	v13 =	vld [tilespmem:s21+$0x40];
	v15 =	vmul.f32 $8.000000000e+00, v15;
	[tilespmem:s18+$0x20C0] =	vst v9  }
0x105: {  	v9 =	vld [tilespmem:s21+$0x70];
	[tilespmem:s18+$0x2030] =	vst v7;
	v7 =	vmul.f32 $8.000000000e+00, v14  }
0x106: {  	v14 =	vld [tilespmem:s21+$0x2030];
	v16 =	vmul.f32 $8.000000000e+00, v16;
	[tilespmem:s18+$0xC0] =	vst v10  }
0x107: {  	v10 =	vld [tilespmem:s21+$0x2040];
	[tilespmem:s18+$0x2020] =	vst v6  }
0x108: {  	v6 =	vld [tilespmem:s21+$0x2020];
	[tilespmem:s18+$0x20B0] =	vst v15  }
0x109: {  	v15 =	vld [tilespmem:s21+$0x2050];
	[tilespmem:s18+$0x2010] =	vst v3  }
0x10a: {  	v3 =	vld [tilespmem:s21+$0x2060];
	[tilespmem:s18+$0x20A0] =	vst v7  }
0x10b: {  	v7 =	vld [tilespmem:s21+$0x20D0];
	[tilespmem:s18+$0x2000] =	vst v0  }
0x10c: {  	v0 =	vld [tilespmem:s21+$0x20E0];
	[tilespmem:s18+$0x30] =	vst v2  }
0x10d: {  	v2 =	vld [tilespmem:s21+$0x0];
	[tilespmem:s18+$0x20] =	vst v4  }
0x10e: {  	v4 =	vld [tilespmem:s21+$0x2070];
	[tilespmem:s18+$0xD0] =	vst v8  }
0x10f: {  	v8 =	vld [tilespmem:s21+$0x80];
	[tilespmem:s18+$0x10] =	vst v1  }
0x110: {  	v1 =	vld [tilespmem:s21+$0x90];
	v7 =	vmul.f32 $8.000000000e+00, v7;
	[tilespmem:s18+$0xF0] =	vst v5;
	s18 =	smov.u32 s21  }
0x111: {  	v5 =	vld [tilespmem:s21+$0xA0];
	[tilespmem:s21+$0xE0] =	vst v16;
	v0 =	vmul.f32 $8.000000000e+00, v0  }
0x112: {  	v16 =	vmul.f32 $8.000000000e+00, v3;
	v2 =	vmul.f32 $8.000000000e+00, v2;
	v3 =	vld [tilespmem:s21+$0xB0];
	[tilespmem:s21+$0x20D0] =	vst v7  }
0x113: {  	v15 =	vmul.f32 $8.000000000e+00, v15;
	v4 =	vmul.f32 $8.000000000e+00, v4;
	v7 =	vld [tilespmem:s21+$0x2080];
	[tilespmem:s21+$0x20E0] =	vst v0  }
0x114: {  	v17 =	vmul.f32 $8.000000000e+00, v10;
	[tilespmem:s21+$0x0] =	vst v2;
	v0 =	vmul.f32 $8.000000000e+00, v8;
	v2 =	vld [tilespmem:s21+$0x2090]  }
0x115: {  	v18 =	vmul.f32 $8.000000000e+00, v9;
	[tilespmem:s21+$0x2070] =	vst v4;
	v1 =	vmul.f32 $8.000000000e+00, v1;
	v4 =	vld [tilespmem:s21+$0x20F0]  }
0x116: {  	v8 =	vmul.f32 $8.000000000e+00, v11;
	v19 =	vld [tilespmem:s21+$0x2010];
	[tilespmem:s21+$0x80] =	vst v0;
	v0 =	vmul.f32 $8.000000000e+00, v5  }
0x117: {  	v9 =	vmul.f32 $8.000000000e+00, v12;
	v5 =	vld [tilespmem:s21+$0x2000];
	[tilespmem:s21+$0x90] =	vst v1;
	v1 =	vmul.f32 $8.000000000e+00, v3  }
0x118: {  	v10 =	vmul.f32 $8.000000000e+00, v13;
	v12 =	vld [tilespmem:s21+$0x30];
	[tilespmem:s21+$0xA0] =	vst v0;
	v0 =	vmul.f32 $8.000000000e+00, v7  }
0x119: {  	v7 =	vmul.f32 $8.000000000e+00, v14;
	v13 =	vld [tilespmem:s21+$0x20];
	[tilespmem:s21+$0xB0] =	vst v1;
	v1 =	vmul.f32 $8.000000000e+00, v2  }
0x11a: {  	v6 =	vmul.f32 $8.000000000e+00, v6;
	v14 =	vld [tilespmem:s21+$0x10];
	[tilespmem:s21+$0x2080] =	vst v0;
	v2 =	vmul.f32 $8.000000000e+00, v4  }
0x11b: {  	v3 =	vmul.f32 $8.000000000e+00, v19;
	[tilespmem:s21+$0x2090] =	vst v1;
	v19 =	vld [tilespmem:s21+$0xF0]  }
.Ltmp2:
0x11c: {  	v0 =	vmul.f32 $8.000000000e+00, v5;
	v11 =	vld [tilespmem:s21+$0xD0];
	[tilespmem:s21+$0x20F0] =	vst v2;
	(pc) =	sbr.rel @p1 .LBB2_7-.Ltmp2, $4  }
0x11d: {  	v2 =	vmul.f32 $8.000000000e+00, v12;
	[tilespmem:s21+$0x2060] =	vst v16;
	v12 =	vld [tilespmem:s21+$0x20C0]  }
0x11e: {  	v4 =	vmul.f32 $8.000000000e+00, v13;
	[tilespmem:s21+$0x2050] =	vst v15;
	v13 =	vld [tilespmem:s21+$0xC0]  }
0x11f: {  	v1 =	vmul.f32 $8.000000000e+00, v14;
	[tilespmem:s21+$0x2040] =	vst v17;
	v15 =	vld [tilespmem:s21+$0x20B0]  }
0x120: {  	s21 =	sadd.s32 $0x100, s21;
	[tilespmem:s18+$0x70] =	vst v18;
	v14 =	vld [tilespmem:s18+$0x20A0];
	v5 =	vmul.f32 $8.000000000e+00, v19  }
0x121: {  	[tilespmem:s18+$0x60] =	vst v8  }
0x122: {  	[tilespmem:s18+$0x50] =	vst v9  }
0x123: {  	[tilespmem:s18+$0x40] =	vst v10  }
0x124: {  	[tilespmem:s18+$0x2030] =	vst v7  }
0x125: {  	[tilespmem:s18+$0x2020] =	vst v6  }
0x126: {  	[tilespmem:s18+$0x2010] =	vst v3  }
0x127: {  	[tilespmem:s18+$0x2000] =	vst v0  }
0x128: {  	[tilespmem:s18+$0x30] =	vst v2  }
0x129: {  	[tilespmem:s18+$0x20] =	vst v4  }
0x12a: {  	v0 =	vmul.f32 $8.000000000e+00, v11;
	[tilespmem:s18+$0x10] =	vst v1  }
0x12b: {  	v8 =	vmul.f32 $8.000000000e+00, v12;
	[tilespmem:s18+$0xF0] =	vst v5  }
0x12c: {  	v9 =	vmul.f32 $8.000000000e+00, v13;
	[tilespmem:s18+$0xD0] =	vst v0  }
0x12d: {  	s17 =	sadd.s32 s17, s8;
	[tilespmem:s18+$0x20C0] =	vst v8;
	v7 =	vmul.f32 $8.000000000e+00, v15  }
0x12e: {  	s17 =	sshll.u32 s17, $0xA;
	[tilespmem:s18+$0xC0] =	vst v9;
	v6 =	vmul.f32 $8.000000000e+00, v14  }
0x12f: {  	s17 =	sand.u32 $0x1FFFF000, s17;
	[tilespmem:s18+$0x20B0] =	vst v7  }
0x130: {  	s17 =	sadd.s32 s2, s17;
	[tilespmem:s18+$0x20A0] =	vst v6  }
0x131: {  	[hbm4b:s17+s3] =	stream.linear.scatter [tilespmem:s19], [sflag:$0x7], $0x4000, $0x38;
	[tilespmem:$0x16400] =	vst v63  }
0x132: {  	s17 =	simm.s32 @!p0 $0x7  }
0x133: {  	_ =	swait.ge @!p0 [sflag:s17], $0x4000  }
0x134: {  	s20 =	simm.s32 @!p0 $0xE400;
	[sflag:s17] =	ssyncset.done @!p0 $0x0  }
0x135: {  	s18 =	simm.s32 @!p0 $0x80;
	[sflag:s17] =	ssyncadd.s32 @!p0 $0xFFFFC000;
	s17 =	sadd.s32 @!p0 $0x600, s16  }
0x136: {  	[tilespmem:s20], [sflag:$0x3] =	stream.indirect.gather @!p0 [hbm4b:s4+s18], $0x40, s17, s18, $0xb8;
	[tilespmem:$0x16400] =	vst v63  }
0x137: {  	s16 =	sadd.s32 @!p0 $0x680, s16;
	s17 =	simm.s32 @!p0 $0x10400  }
0x138: {  	[tilespmem:s17], [sflag:$0x3] =	stream.indirect.gather @!p0 [hbm4b:s4+s18], $0x40, s16, s18, $0xb8;
	[tilespmem:$0x16400] =	vst v63  }
0x139: {  	_ =	swait.ge [sflag:s26], $0x4000  }
0x13a: {  	[sflag:s26] =	ssyncset.done $0x0  }
0x13b: {  	s16 =	simm.s32 $0x12400;
	[sflag:s26] =	ssyncadd.s32 $0xFFFFC000  }
0x13c: {  	v0 =	vld [tilespmem:s16+$0xE0]  }
0x13d: {  	v1 =	vld [tilespmem:s16+$0x60]  }
0x13e: {  	v2 =	vld [tilespmem:s16+$0x50]  }
0x13f: {  	v3 =	vld [tilespmem:s16+$0x40]  }
0x140: {  	v4 =	vld [tilespmem:s16+$0x70]  }
0x141: {  	v5 =	vld [tilespmem:s16+$0x2030]  }
0x142: {  	v6 =	vld [tilespmem:s16+$0x2040]  }
0x143: {  	v12 =	vld [tilespmem:s16+$0x2020]  }
0x144: {  	v7 =	vld [tilespmem:s16+$0x2050]  }
0x145: {  	v8 =	vld [tilespmem:s16+$0x2060]  }
0x146: {  	v9 =	vld [tilespmem:s16+$0x20D0]  }
0x147: {  	v10 =	vld [tilespmem:s16+$0x20E0]  }
0x148: {  	v11 =	vld [tilespmem:s16+$0x0]  }
0x149: {  	v13 =	vld [tilespmem:s16+$0x2070]  }
0x14a: {  	v14 =	vld [tilespmem:s16+$0x80];
	v0 =	vmul.f32 $8.000000000e+00, v0  }
0x14b: {  	v15 =	vld [tilespmem:s16+$0x90];
	v9 =	vmul.f32 $8.000000000e+00, v9  }
0x14c: {  	v16 =	vld [tilespmem:s16+$0xA0];
	v17 =	vmul.f32 $8.000000000e+00, v8;
	[tilespmem:s16+$0xE0] =	vst v0  }
0x14d: {  	v18 =	vld [tilespmem:s16+$0x30];
	v20 =	vmul.f32 $8.000000000e+00, v6;
	[tilespmem:s16+$0x20D0] =	vst v9  }
0x14e: {  	v21 =	vld [tilespmem:s16+$0x10];
	v0 =	vmul.f32 $8.000000000e+00, v10;
	[tilespmem:s16+$0x2060] =	vst v17  }
0x14f: {  	v10 =	vmul.f32 $8.000000000e+00, v11;
	v11 =	vld [tilespmem:s16+$0xB0];
	[tilespmem:s16+$0x2040] =	vst v20  }
0x150: {  	v9 =	vmul.f32 $8.000000000e+00, v13;
	v13 =	vld [tilespmem:s16+$0x2080];
	[tilespmem:s16+$0x20E0] =	vst v0  }
0x151: {  	[tilespmem:s16+$0x0] =	vst v10;
	v0 =	vmul.f32 $8.000000000e+00, v14;
	v10 =	vld [tilespmem:s16+$0x2090]  }
0x152: {  	[tilespmem:s16+$0x2070] =	vst v9;
	v9 =	vmul.f32 $8.000000000e+00, v15;
	v14 =	vld [tilespmem:s16+$0x20F0]  }
0x153: {  	v8 =	vmul.f32 $8.000000000e+00, v1;
	v15 =	vld [tilespmem:s16+$0x2010];
	[tilespmem:s16+$0x80] =	vst v0;
	v0 =	vmul.f32 $8.000000000e+00, v16  }
0x154: {  	v19 =	vld [tilespmem:s16+$0x20];
	v6 =	vmul.f32 $8.000000000e+00, v12;
	[tilespmem:s16+$0x90] =	vst v9;
	v9 =	vmul.f32 $8.000000000e+00, v11  }
0x155: {  	v22 =	vld [tilespmem:s16+$0xF0];
	v1 =	vmul.f32 $8.000000000e+00, v21;
	[tilespmem:s16+$0xA0] =	vst v0;
	v0 =	vmul.f32 $8.000000000e+00, v13  }
0x156: {  	v16 =	vld [tilespmem:s16+$0x2000];
	v13 =	vmul.f32 $8.000000000e+00, v7;
	[tilespmem:s16+$0xB0] =	vst v9;
	v7 =	vmul.f32 $8.000000000e+00, v10  }
0x157: {  	v11 =	vld [tilespmem:s16+$0xD0];
	v9 =	vmul.f32 $8.000000000e+00, v2;
	v10 =	vmul.f32 $8.000000000e+00, v3;
	[tilespmem:s16+$0x2080] =	vst v0  }
0x158: {  	v12 =	vld [tilespmem:s16+$0x20C0];
	v3 =	vmul.f32 $8.000000000e+00, v15;
	v0 =	vmul.f32 $8.000000000e+00, v14;
	[tilespmem:s16+$0x2050] =	vst v13  }
0x159: {  	v2 =	vmul.f32 $8.000000000e+00, v18;
	v14 =	vmul.f32 $8.000000000e+00, v4;
	v13 =	vld [tilespmem:s16+$0xC0];
	[tilespmem:s16+$0x2090] =	vst v7  }
0x15a: {  	v15 =	vld [tilespmem:s16+$0x20B0];
	v4 =	vmul.f32 $8.000000000e+00, v19;
	v7 =	vmul.f32 $8.000000000e+00, v5;
	[tilespmem:s16+$0x20F0] =	vst v0  }
0x15b: {  	s17 =	simm.s32 $0x0;
	s18 =	simm.s32 $0x12500;
	v5 =	vmul.f32 $8.000000000e+00, v22;
	v0 =	vmul.f32 $8.000000000e+00, v16;
	[tilespmem:s16+$0x70] =	vst v14;
	v14 =	vld [tilespmem:s16+$0x20A0]  }
.LBB2_9:
0x15c: {  	v16 =	vld [tilespmem:s18+$0xE0];
	s17 =	sadd.s32 $0x4, s17;
	[tilespmem:s16+$0x60] =	vst v8;
	v8 =	vmul.f32 $8.000000000e+00, v11  }
0x15d: {  	v11 =	vld [tilespmem:s18+$0x60];
	p0 =	slt.u32 s17, $0x7C;
	[tilespmem:s16+$0x50] =	vst v9;
	v9 =	vmul.f32 $8.000000000e+00, v12  }
0x15e: {  	v12 =	vld [tilespmem:s18+$0x50];
	[tilespmem:s16+$0x40] =	vst v10;
	v10 =	vmul.f32 $8.000000000e+00, v13  }
0x15f: {  	v13 =	vld [tilespmem:s18+$0x40];
	v15 =	vmul.f32 $8.000000000e+00, v15;
	[tilespmem:s16+$0x20C0] =	vst v9  }
0x160: {  	v9 =	vld [tilespmem:s18+$0x70];
	[tilespmem:s16+$0x2030] =	vst v7;
	v7 =	vmul.f32 $8.000000000e+00, v14  }
0x161: {  	v14 =	vld [tilespmem:s18+$0x2030];
	v16 =	vmul.f32 $8.000000000e+00, v16;
	[tilespmem:s16+$0xC0] =	vst v10  }
0x162: {  	v10 =	vld [tilespmem:s18+$0x2040];
	[tilespmem:s16+$0x2020] =	vst v6  }
0x163: {  	v6 =	vld [tilespmem:s18+$0x2020];
	[tilespmem:s16+$0x20B0] =	vst v15  }
0x164: {  	v15 =	vld [tilespmem:s18+$0x2050];
	[tilespmem:s16+$0x2010] =	vst v3  }
0x165: {  	v3 =	vld [tilespmem:s18+$0x2060];
	[tilespmem:s16+$0x20A0] =	vst v7  }
0x166: {  	v7 =	vld [tilespmem:s18+$0x20D0];
	[tilespmem:s16+$0x2000] =	vst v0  }
0x167: {  	v0 =	vld [tilespmem:s18+$0x20E0];
	[tilespmem:s16+$0x30] =	vst v2  }
0x168: {  	v2 =	vld [tilespmem:s18+$0x0];
	[tilespmem:s16+$0x20] =	vst v4  }
0x169: {  	v4 =	vld [tilespmem:s18+$0x2070];
	[tilespmem:s16+$0xD0] =	vst v8  }
0x16a: {  	v8 =	vld [tilespmem:s18+$0x80];
	[tilespmem:s16+$0x10] =	vst v1  }
0x16b: {  	v1 =	vld [tilespmem:s18+$0x90];
	v7 =	vmul.f32 $8.000000000e+00, v7;
	[tilespmem:s16+$0xF0] =	vst v5;
	s16 =	smov.u32 s18  }
0x16c: {  	v5 =	vld [tilespmem:s18+$0xA0];
	[tilespmem:s18+$0xE0] =	vst v16;
	v0 =	vmul.f32 $8.000000000e+00, v0  }
0x16d: {  	v16 =	vmul.f32 $8.000000000e+00, v3;
	v2 =	vmul.f32 $8.000000000e+00, v2;
	v3 =	vld [tilespmem:s18+$0xB0];
	[tilespmem:s18+$0x20D0] =	vst v7  }
0x16e: {  	v15 =	vmul.f32 $8.000000000e+00, v15;
	v4 =	vmul.f32 $8.000000000e+00, v4;
	v7 =	vld [tilespmem:s18+$0x2080];
	[tilespmem:s18+$0x20E0] =	vst v0  }
0x16f: {  	v17 =	vmul.f32 $8.000000000e+00, v10;
	[tilespmem:s18+$0x0] =	vst v2;
	v0 =	vmul.f32 $8.000000000e+00, v8;
	v2 =	vld [tilespmem:s18+$0x2090]  }
0x170: {  	v18 =	vmul.f32 $8.000000000e+00, v9;
	[tilespmem:s18+$0x2070] =	vst v4;
	v1 =	vmul.f32 $8.000000000e+00, v1;
	v4 =	vld [tilespmem:s18+$0x20F0]  }
0x171: {  	v8 =	vmul.f32 $8.000000000e+00, v11;
	v19 =	vld [tilespmem:s18+$0x2010];
	[tilespmem:s18+$0x80] =	vst v0;
	v0 =	vmul.f32 $8.000000000e+00, v5  }
0x172: {  	v9 =	vmul.f32 $8.000000000e+00, v12;
	v5 =	vld [tilespmem:s18+$0x2000];
	[tilespmem:s18+$0x90] =	vst v1;
	v1 =	vmul.f32 $8.000000000e+00, v3  }
0x173: {  	v10 =	vmul.f32 $8.000000000e+00, v13;
	v12 =	vld [tilespmem:s18+$0x30];
	[tilespmem:s18+$0xA0] =	vst v0;
	v0 =	vmul.f32 $8.000000000e+00, v7  }
0x174: {  	v7 =	vmul.f32 $8.000000000e+00, v14;
	v13 =	vld [tilespmem:s18+$0x20];
	[tilespmem:s18+$0xB0] =	vst v1;
	v1 =	vmul.f32 $8.000000000e+00, v2  }
0x175: {  	v6 =	vmul.f32 $8.000000000e+00, v6;
	v14 =	vld [tilespmem:s18+$0x10];
	[tilespmem:s18+$0x2080] =	vst v0;
	v2 =	vmul.f32 $8.000000000e+00, v4  }
0x176: {  	v3 =	vmul.f32 $8.000000000e+00, v19;
	[tilespmem:s18+$0x2090] =	vst v1;
	v19 =	vld [tilespmem:s18+$0xF0]  }
.Ltmp3:
0x177: {  	v0 =	vmul.f32 $8.000000000e+00, v5;
	v11 =	vld [tilespmem:s18+$0xD0];
	[tilespmem:s18+$0x20F0] =	vst v2;
	(pc) =	sbr.rel @p0 .LBB2_9-.Ltmp3, $4  }
0x178: {  	v2 =	vmul.f32 $8.000000000e+00, v12;
	[tilespmem:s18+$0x2060] =	vst v16;
	v12 =	vld [tilespmem:s18+$0x20C0]  }
0x179: {  	v4 =	vmul.f32 $8.000000000e+00, v13;
	[tilespmem:s18+$0x2050] =	vst v15;
	v13 =	vld [tilespmem:s18+$0xC0]  }
0x17a: {  	v1 =	vmul.f32 $8.000000000e+00, v14;
	[tilespmem:s18+$0x2040] =	vst v17;
	v15 =	vld [tilespmem:s18+$0x20B0]  }
0x17b: {  	s18 =	sadd.s32 $0x100, s18;
	[tilespmem:s16+$0x70] =	vst v18;
	v14 =	vld [tilespmem:s16+$0x20A0];
	v5 =	vmul.f32 $8.000000000e+00, v19  }
0x17c: {  	[tilespmem:s16+$0x60] =	vst v8  }
0x17d: {  	[tilespmem:s16+$0x50] =	vst v9  }
0x17e: {  	[tilespmem:s16+$0x40] =	vst v10  }
0x17f: {  	[tilespmem:s16+$0x2030] =	vst v7  }
0x180: {  	[tilespmem:s16+$0x2020] =	vst v6  }
0x181: {  	[tilespmem:s16+$0x2010] =	vst v3  }
0x182: {  	[tilespmem:s16+$0x2000] =	vst v0  }
0x183: {  	[tilespmem:s16+$0x30] =	vst v2  }
0x184: {  	[tilespmem:s16+$0x20] =	vst v4  }
0x185: {  	v63 =	vmul.f32 $8.000000000e+00, v11;
	[tilespmem:s16+$0x10] =	vst v1  }
0x186: {  	s13 =	sadd.s32 $0x1, s13;
	v59 =	vmul.f32 $8.000000000e+00, v12;
	[tilespmem:s16+$0xF0] =	vst v5  }
0x187: {  	p0 =	sne.s32 s13, $0x19;
	v60 =	vmul.f32 $8.000000000e+00, v13;
	[tilespmem:s16+$0xD0] =	vst v63  }
.Ltmp4:
0x188: {  	s14 =	sshll.u32 s14, $0xE;
	[tilespmem:s16+$0x20C0] =	vst v59;
	v61 =	vmul.f32 $8.000000000e+00, v15;
	(pc) =	sbr.rel @p0 .LBB2_2-.Ltmp4, $4  }
0x189: {  	s14 =	sadd.s32 s6, s14;
	[tilespmem:s16+$0xC0] =	vst v60;
	v62 =	vmul.f32 $8.000000000e+00, v14  }
0x18a: {  	s14 =	sshrl.u32 s14, $0x3;
	[tilespmem:s16+$0x20B0] =	vst v61  }
0x18b: {  	s14 =	sadd.s32 s2, s14;
	[tilespmem:s16+$0x20A0] =	vst v62  }
0x18c: {  	[hbm4b:s14+s3] =	stream.linear.scatter [tilespmem:s28], [sflag:$0x8], $0x4000, $0x38;
	[tilespmem:$0x16400] =	vst v63  }
0x18d: {  	_ =	swait.ge [sflag:s29], $0x4000  }
0x18e: {  	[sflag:s29] =	ssyncset.done $0x0  }
0x18f: {  	[sflag:s29] =	ssyncadd.s32 $0xFFFFC000  }
0x190: {  	_ =	swait.ge [sflag:s30], $0x4000  }
0x191: {  	[sflag:s30] =	ssyncset.done $0x0  }
0x192: {  	s0 =	sadd.s32 $0x1, s0;
	[sflag:s30] =	ssyncadd.s32 $0xFFFFC000  }
0x193: {  	p0 =	sne.s32 s0, s9;
	_ =	swait.ge [sflag:s31], $0x4000  }
.Ltmp5:
0x194: {  	[sflag:s31] =	ssyncset.done $0x0;
	(pc) =	sbr.rel @p0 .LBB2_1-.Ltmp5, $4  }
0x195: {  	[sflag:s31] =	ssyncadd.s32 $0xFFFFC000  }
0x196: {  	_ =	swait.ge [sflag:s1], $0x4000  }
0x197: {  	[sflag:s1] =	ssyncset.done $0x0  }
0x198: {  	[sflag:s1] =	ssyncadd.s32 $0xFFFFC000  }
0x199: {  	_ =	sfence.sel $0x180000  }
0x19a: {  	[bflag:$0x0] =	sbarrier.arrive $0xFFFF  }
0x19b: {  	_ =	strace $0x90000047  }
0x19c: {  	s0 =	stileid.u32;
	[bflag:$0x2] =	sbarrier.arrive $0xFFFF  }
0x19d: {  	p0 =	sne.s32 s0, $0x0;
	s0 =	rddreg [dreg:$0x2]  }
0x19e: {  	s0 =	sadd.s32 @!p0 $0x100000, s0  }
0x19f: {  	[sflag:s0] =	ssyncadd.tile.s32 @!p0 $0x1;
	_ =	shalt  }
.Lfunc_end2:
_tile_overlayer_lowered:
.L_overlay_start_2:
0x1a0: {  	(tag) =	ssettag $0x2  }
0x1a1: {  	s0 =	rddreg [dreg:$0x0];
	s2 =	stileid.u32  }
0x1a2: {  	s1 =	rddreg [dreg:$0x1];
	p0 =	sne.s32 s2, $0x0  }
0x1a3: {  	s3 =	rddreg [dreg:$0x2];
	[bflag:$0x3] =	sbarrier.arrive $0xFFFF;
	s2 =	simm.s32 @!p0 $0x1C09  }
0x1a4: {  	[timem:s3], [sflag:s2] =	dma.local @!p0 [hbm:s0], s1  }
0x1a5: {  	s0 =	simm.s32 @!p0 $0x9  }
0x1a6: {  	_ =	swait.ge @!p0 [sflag:s0], s1  }
0x1a7: {  	s1 =	ssub.s32 @!p0 $0x0, s1;
	[sflag:s0] =	ssyncset.done @!p0 $0x0  }
0x1a8: {  	[sflag:s0] =	ssyncadd.s32 @!p0 s1  }
0x1a9: {  	[bflag:$0x3] =	sbarrier.arrive $0xFFFF  }
0x1aa: {  	_ =	shalt  }

// kernel: sparse-core-data-format-call.cloned.1.call-start
scs
called_computation_lowered:
.L_overlay_start_0:
0x0: {  	s2 =	sld [smem:$0x3FD9]  }
0x1: {  	s3 =	sld [smem:$0x3FFE];
	_ =	sdelay $0x1  }
0x2: {  	s1 =	srdreg.scid  }
0x3: {  	s0 =	sand.u32 $0x1, s1  }
0x4: {  	s18 =	sshll.u32 s0, $0xA;
	s2 =	sadd.s32 s3, s2  }
0x5: {  	s2 =	sadd.s32 s2, s18  }
0x6: {  	[smem:$0x3FC6] =	sst s2  }
0x7: {  	_ = 	snop  }
0x8: {  	s2 =	sld [smem:$0x3FD0];
	(tm) =	ssettm $0x1  }
0x9: {  	s19 =	sld [smem:$0x3FFB];
	_ =	sdelay $0x3  }
0xa: {  	_ =	strace s19  }
0xb: {  	s3 =	sld [smem:$0x3FFC];
	_ =	sdelay $0x3  }
0xc: {  	_ =	strace s3  }
0xd: {  	s3 =	sld [smem:$0x3FFD];
	_ =	sdelay $0x3  }
0xe: {  	_ =	strace s3  }
0xf: {  	_ =	strace $0x8FFFFFFF  }
0x10: {  	s20 =	sld [smem:$0x3FDB];
	_ =	sdelay $0x1  }
0x11: {  	s4 =	simm.s32 $_scs_section_size  }
0x12: {  	s5 =	simm.s32 $_size__tile_overlayer_lowered;
	s6 =	simm.s32 $_tile_overlayer_lowered  }
0x13: {  	s23 =	simm.s32 $0x1BFF;
	s22 =	sshll.u32 s6, $0x1;
	s3 =	sadd.s32 s4, s20  }
0x14: {  	s7 =	simm.s32 $0x0;
	s21 =	sshll.u32 s5, $0x1;
	s5 =	sadd.s32 s22, s3  }
0x15: {  	[timem:s7], [sflag:s23] =	dma.local [hbm:s5], s21  }
0x16: {  	_ =	swait.ge [sflag:s23], s21  }
0x17: {  	s4 =	ssub.s32 $0x0, s21;
	[sflag:s23] =	ssyncset.done $0x0  }
0x18: {  	[sflag:s23] =	ssyncadd.s32 s4;
	_ =	sdelay $0x1  }
0x19: {  	s24 =	simm.s32 $0x1B8B  }
0x1a: {  	_ =	swait.ge [sflag:s24], $0x1  }
0x1b: {  	[sflag:s24] =	ssyncset.done $0x0  }
0x1c: {  	s26 =	simm.s32 $0x1B8E;
	s25 =	sld [smem:$0x3FFE];
	[sflag:s24] =	ssyncadd.s32 $0xFFFFFFFF  }
0x1d: {  	s27 =	simm.s32 $execute0_lowered;
	[smem:$0x3FD2] =	sst s26  }
0x1e: {  	s5 =	sshll.u32 s27, $0x1;
	_ =	strace $0x80000049;
	[dreg:$0x1] =	wrdreg $0xFFFFFFFF  }
0x1f: {  	s28 =	simm.s32 $_size_execute0_lowered;
	s3 =	sadd.s32 s3, s5;
	[dreg:$0x0] =	wrdreg $0x0  }
0x20: {  	s5 =	sshll.u32 s28, $0x1;
	[dreg:$0x2] =	wrdreg s3  }
0x21: {  	[dreg:$0x3] =	wrdreg s5  }
0x22: {  	[dreg:$0x4] =	wrdreg $0xC0  }
0x23: {  	_ =	task [dreg:s7], $0x5FFFF  }
0x24: {  	[dreg:$0x1] =	wrdreg $0xFFFFFFFF  }
0x25: {  	[dreg:$0x0] =	wrdreg $0x60  }
0x26: {  	[dreg:$0x2] =	wrdreg s25  }
0x27: {  	[dreg:$0x3] =	wrdreg s2  }
0x28: {  	[dreg:$0x4] =	wrdreg $0x9  }
0x29: {  	_ =	task.clear_ibuf [dreg:s7], $0x5FFFF;
	_ =	strace $0x90000049  }
0x2a: {  	s29 =	simm.s32 $0x9;
	_ =	strace $0x8000004B  }
0x2b: {  	_ =	swait.ge [sflag:s29], $0x1  }
0x2c: {  	[sflag:s29] =	ssyncadd.s32 $0xFFFFFFFF  }
0x2d: {  	_ =	strace $0x9000004B  }
0x2e: {  	_ =	sfence  }
0x2f: {  	s30 =	sld [smem:$0x0];
	_ =	sdelay $0x2  }
0x30: {  	s31 =	sshll.u32 s1, $0xD;
	s1 =	sshrl.u32 s1, $0x2  }
0x31: {  	s3 =	sand.u32 $0x4000, s31;
	s1 =	sadd.s32 s1, s30  }
0x32: {  	s0 =	sor.u32 s3, s0;
	s1 =	sshll.u32 s1, $0x11  }
0x33: {  	s0 =	sor.u32 s1, s0  }
0x34: {  	s0 =	sadd.s32 $0x8F2B, s0  }
0x35: {  	[sflag:s0] =	ssyncadd.remote.s32 $0x1  }
0x36: {  	_ =	sfence.sel $0xFFFF  }
0x37: {  	[dreg:$0x0] =	wrdreg $0xFFFFFFFF;
	(pc) =	sbr.abs _section_cstart, $3  }
0x38: {  	[dreg:$0x1] =	wrdreg $0xFFFFFFFF  }
0x39: {  	_ =	task.clear_ibuf [dreg:s7], $0x2FFFF;
	_ =	strace $0x9FFFFFFF  }
0x3a: {  	(tm) =	ssettm $0x7FFFFFFF  }
0x3b: {  	_ =	shalt  }
tec
execute0_lowered:
.L_overlay_start_1:
0x0: {  	(tag) =	ssettag $0x1  }
0x1: {  	s0 =	srdreg.scid  }
0x2: {  	s1 =	sshll.u32 s0, $0x4  }
0x3: {  	s0 =	stileid.u32;
	s1 =	sand.u32 $0x10, s1  }
0x4: {  	s1 =	sor.u32 s0, s1  }
0x5: {  	s6 =	rddreg [dreg:$0x0];
	s4 =	simm.s32 $0x1;
	s2 =	sshll.u32 s1, $0x7  }
0x6: {  	s7 =	simm.s32 $0x2;
	s12 =	simm.s32 $0x0;
	s1 =	ssub.s32 $0x4000, s2  }
0x7: {  	s8 =	simm.s32 $0x20000;
	s13 =	simm.s32 $0x0;
	s3 =	sand.u32 $0xF80, s1  }
0x8: {  	s9 =	simm.s32 $0x0;
	s5 =	sshrl.u32 s1, $0xC;
	p0 =	sne.s32 s3, $0x0  }
.Ltmp0:
0x9: {  	s1 =	rddreg [dreg:$0x2];
	s4 =	simm.s32 @!p0 $0x0;
	(pc) =	sbr.rel .LBB1_1-.Ltmp0, $4  }
0xa: {  	s11 =	simm.s32 $0x0;
	s3 =	rddreg [dreg:$0x1];
	s5 =	sadd.s32 s4, s5  }
0xb: {  	_ =	strace $0x8000004A;
	s4 =	simm.s32 $0x1;
	s5 =	smul.u32 $0x32, s5  }
0xc: {  	s6 =	sadd.s32 $0xA00, s6;
	s10 =	smov.u32 s2;
	[sflag:s4] =	ssyncpa.u1 $0x0  }
0xd: {  	p0 =	por $0x0, $0x0;
	[sflag:s7] =	ssyncpa.u1 $0x0;
	s7 =	sor.u32 $0x1, s5  }
.LBB1_4:
0xe: {  	s16 =	sshll.u32 s13, $0x3;
	s17 =	sand.u32 $0x78, s13  }
0xf: {  	s30 =	sand.u32 $0x1F800, s13;
	s12 =	sshll.u32 s12, $0x11;
	s16 =	sand.u32 $0x3C00, s16  }
0x10: {  	[tilespmem:s15+$0x810 ss:$0x81] =	vst.msk $0xffff, v2;
	s31 =	sand.u32 $0x7, s13;
	s16 =	sor.u32 s17, s16;
	s17 =	sadd.s32 s3, s30  }
0x11: {  	[tilespmem:s15+$0x1020 ss:$0x81] =	vst.msk $0xffff, v0;
	s13 =	sshll.u32 s31, $0x12;
	s12 =	sadd.s32 s12, s17;
	s16 =	sshrl.u32 s16, $0x3  }
0x12: {  	[tilespmem:s15+$0x0 ss:$0x81] =	vst.msk $0xffff, v1;
	s13 =	sor.u32 $0x400, s13;
	s12 =	sadd.s32 s16, s12  }
0x13: {  	[hbm4b:s12+s13] =	stream.strided.scatter [tilespmem:s14], [sflag:$0x2], $0x2000, s8, s13, $0x20;
	[tilespmem:$0x8080] =	vst v63  }
.LBB1_5:
0x14: {  	s14 =	sadd.s32 $0x1, s9  }
0x15: {  	s12 =	sadd.s32 $0x1000, s10;
	s16 =	smov.u32 s10;
	p2 =	sgt.s32 s14, $0x31  }
0x16: {  	s16 =	smov.u32 @p2 s12  }
0x17: {  	s14 =	simm.s32 @p2 $0x0;
	p2 =	sgt.s32 s16, $0x3FFF  }
0x18: {  	s16 =	smov.u32 @p2 s2;
	p2 =	sne.s32 s11, s7  }
.Ltmp1:
0x19: {  	p1 =	slt.u32 s11, $0x2;
	(pc) =	sbr.rel @!p2 .LBB1_6-.Ltmp1, $4  }
0x1a: {  	s15 =	simm.s32 @!p1 $0x2  }
0x1b: {  	s13 =	smov.u32 s10;
	p0 =	por !p0, !p0;
	_ =	swait.ge @!p1 [sflag:s15], $0x2000  }
0x1c: {  	s12 =	smov.u32 s9;
	[sflag:s15] =	ssyncset.done @!p1 $0x0;
	s9 =	smov.u32 s14  }
0x1d: {  	s11 =	sadd.s32 $0x1, s11;
	[sflag:s15] =	ssyncadd.s32 @!p1 $0xFFFFE000;
	s10 =	smov.u32 s16  }
.LBB1_1:
0x1e: {  	p1 =	sge.u32 s11, s5  }
0x1f: {  	s14 =	sand.u32 @!p1 $0x1FFFFFF, s9  }
0x20: {  	s15 =	smulhi.u32 @!p1 $0x4924925, s14;
	_ =	sdelay $0x1  }
0x21: {  	s15 =	smul.u32 @!p1 $0x38, s15  }
0x22: {  	s16 =	sxor.u32 @!p1 $0xFFFFFFFF, s11;
	s17 =	smul.u32 @!p1 $0x380, s10  }
0x23: {  	s31 =	sadd.s32 $0xFFFFFFFF, s11;
	s16 =	sshll.u32 @!p1 s16, $0xD;
	s14 =	ssub.s32 @!p1 s14, s15  }
0x24: {  	s15 =	sand.u32 @!p1 $0x2000, s16;
	s16 =	sadd.s32 @!p1 s6, s17;
	s14 =	sshll.u32 @!p1 s14, $0x4  }
0x25: {  	s17 =	simm.s32 @!p1 $0x1C00;
	s14 =	sadd.s32 @!p1 s14, s16;
	s16 =	simm.s32 @!p1 $0x40  }
0x26: {  	[tilespmem:s15], [sflag:$0x1] =	stream.strided.gather @!p1 [hbm4b:s14+s16], $0x2000, s17, s16, $0x38;
	[tilespmem:$0x8080] =	vst v63  }
0x27: {  	p1 =	sge.u32 s31, s5  }
.Ltmp2:
0x28: {  	_ = 	snop;
	(pc) =	sbr.rel @p1 .LBB1_5-.Ltmp2, $1  }
0x29: {  	_ =	sdelay $0x3  }
0x2a: {  	s14 =	simm.s32 $0x1  }
0x2b: {  	_ =	swait.ge [sflag:s4], $0x2000;
	s14 =	simm.s32 @!p0 $0x0  }
0x2c: {  	[sflag:s4] =	ssyncset.done $0x0;
	s15 =	sshll.u32 s14, $0xD  }
0x2d: {  	[sflag:s4] =	ssyncadd.s32 $0xFFFFE000;
	s18 =	sor.u32 $0x20, s15  }
0x2e: {  	s14 =	smul.u32 $0x8100, s14;
	v3 =	vld [tilespmem:s18+$0x10]  }
0x2f: {  	s30 =	sand.u32 $0x1, s11;
	v2 =	vld [tilespmem:s18+$0xFFFFFFF0]  }
0x30: {  	s15 =	smul.u32 $0x8100, s30;
	s14 =	sshrl.u32 s14, $0x2;
	v0 =	vld [tilespmem:s18+$0x0]  }
0x31: {  	v1 =	vld [tilespmem:s18+$0xFFFFFFE0];
	s16 =	sor.u32 $0x4000, s14  }
0x32: {  	s31 =	sshrl.u32 s15, $0x2;
	s15 =	sadd.s32 $0x0, s16  }
0x33: {  	s17 =	simm.s32 $0x4;
	s18 =	sadd.s32 $0x40, s18;
	s14 =	sor.u32 $0x4000, s31;
	[tilespmem:s15+$0x1830 ss:$0x81] =	vst.msk $0xffff, v3  }
.LBB1_3:
0x34: {  	v3 =	vld [tilespmem:s18+$0x10];
	p1 =	sne.s32 s17, $0x1FC;
	[tilespmem:s15+$0x810 ss:$0x81] =	vst.msk $0xffff, v2;
	s19 =	smov.u32 s17;
	s17 =	sadd.s32 $0x4, s17  }
.Ltmp3:
0x35: {  	v2 =	vld [tilespmem:s18+$0xFFFFFFF0];
	[tilespmem:s15+$0x1020 ss:$0x81] =	vst.msk $0xffff, v0;
	(pc) =	sbr.rel @p1 .LBB1_3-.Ltmp3, $4  }
0x36: {  	v0 =	vld [tilespmem:s18+$0x0];
	[tilespmem:s15+$0x0 ss:$0x81] =	vst.msk $0xffff, v1  }
0x37: {  	s15 =	sshra.s32 s19, $0x2;
	v1 =	vld [tilespmem:s18+$0xFFFFFFE0]  }
0x38: {  	s15 =	sadd.s32 s15, s16  }
0x39: {  	s18 =	sadd.s32 $0x40, s18;
	[tilespmem:s15+$0x1830 ss:$0x81] =	vst.msk $0xffff, v3  }
.Ltmp4:
0x3a: {  	_ = 	snop;
	(pc) =	sbr.rel .LBB1_4-.Ltmp4, $1  }
0x3b: {  	_ =	sdelay $0x3  }
.LBB1_6:
0x3c: {  	_ =	sfence.sel $0x180000  }
0x3d: {  	s2 =	simm.s32 $0x1;
	[bflag:$0x0] =	sbarrier.arrive $0xFFFF  }
0x3e: {  	s31 =	simm.s32 $0x2;
	[sflag:s2] =	ssyncpa.u1 $0x1  }
0x3f: {  	[sflag:s31] =	ssyncpa.u1 $0x1  }
0x40: {  	p0 =	sne.s32 s0, $0x0;
	_ =	strace $0x9000004A  }
0x41: {  	s0 =	sadd.s32 @!p0 $0x100000, s1;
	[bflag:$0x2] =	sbarrier.arrive $0xFFFF  }
0x42: {  	[sflag:s0] =	ssyncadd.tile.s32 @!p0 $0x1;
	_ =	shalt  }
.Lfunc_end1:
_tile_overlayer_lowered:
.L_overlay_start_2:
0x43: {  	(tag) =	ssettag $0x2  }
0x44: {  	s0 =	rddreg [dreg:$0x0];
	s2 =	stileid.u32  }
0x45: {  	s1 =	rddreg [dreg:$0x1];
	p0 =	sne.s32 s2, $0x0  }
0x46: {  	s3 =	rddreg [dreg:$0x2];
	[bflag:$0x3] =	sbarrier.arrive $0xFFFF;
	s2 =	simm.s32 @!p0 $0x1C01  }
0x47: {  	[timem:s3], [sflag:s2] =	dma.local @!p0 [hbm:s0], s1  }
0x48: {  	s0 =	simm.s32 @!p0 $0x1  }
0x49: {  	_ =	swait.ge @!p0 [sflag:s0], s1  }
0x4a: {  	s1 =	ssub.s32 @!p0 $0x0, s1;
	[sflag:s0] =	ssyncset.done @!p0 $0x0  }
0x4b: {  	[sflag:s0] =	ssyncadd.s32 @!p0 s1  }
0x4c: {  	[bflag:$0x3] =	sbarrier.arrive $0xFFFF  }
0x4d: {  	_ =	shalt  }

</sc_bundles>
